<compile_context>
chip_gen: v7x
topology: tpu7x:2x2x1
jax: 0.10.2.dev20260603
libtpu: 0.0.44.dev20260713+nightly
codegen_flags: <defaults>
</compile_context>

<pallas_src>
import functools

import jax
import jax.numpy as jnp
from jax import lax
from jax.experimental import pallas as pl
from jax.experimental.pallas import tpu as pltpu
from jax.experimental.pallas import tpu_sc as plsc

L = 16
NC = 2
NS = 16
NW = NC * NS
GW = 128


def _build_sc_kernel(B, U, F, NI, FPP, D):
    PB = B // NW
    NG = PB // L

    mesh = plsc.VectorSubcoreMesh(core_axis_name="c", subcore_axis_name="s")

    @functools.partial(
        pl.kernel,
        out_type=jax.ShapeDtypeStruct((B,), jnp.float32),
        mesh=mesh,
        compiler_params=pltpu.CompilerParams(
            needs_layout_passes=False, use_tc_tiling_on_sc=False),
        scratch_types=[
            pltpu.VMEM((PB,), jnp.int32),
            pltpu.VMEM((PB,), jnp.int32),
            pltpu.VMEM((FPP, PB), jnp.int32),
            pltpu.VMEM((FPP, PB), jnp.int32),
            pltpu.VMEM((FPP, PB), jnp.int32),
            pltpu.VMEM((FPP, PB), jnp.float32),
            pltpu.VMEM((PB, GW), jnp.float32),
            pltpu.VMEM((FPP, PB, GW), jnp.float32),
            pltpu.VMEM((NI,), jnp.float32),
            pltpu.VMEM((PB,), jnp.float32),
            pltpu.SemaphoreType.DMA,
            pltpu.SemaphoreType.DMA,
        ],
    )
    def sck(user_h, item_h, hp_h, gp_h, k1_h, ib_h, cf_h, out_h,
            user_v, item_v, cidx_v, gidx_v, kidx_v, kval_v,
            hrows, grows, ib_v, out_v, sem, sem_ib):
        wid = lax.axis_index("s") * NC + lax.axis_index("c")
        base = wid * PB
        pltpu.sync_copy(user_h.at[pl.ds(base, PB)], user_v)
        pltpu.sync_copy(item_h.at[pl.ds(base, PB)], item_v)
        ib_desc = pltpu.async_copy(ib_h, ib_v, sem_ib)

        iota = lax.iota(jnp.int32, L)
        for g in range(NG):
            sl = pl.ds(g * L, L)
            u = user_v[sl]
            cbase = item_v[sl] * (FPP * U) + u
            for j in range(FPP):
                cidx_v[j, sl] = cbase + j * U
        cdescs = [pltpu.async_copy(cf_h.at[cidx_v.at[j]], gidx_v.at[j], sem)
                  for j in range(FPP)]
        for dsc in cdescs:
            dsc.wait()

        for g in range(NG):
            sl = pl.ds(g * L, L)
            u = user_v[sl]
            for j in range(FPP):
                kidx_v[j, sl] = gidx_v[j, sl] * U + u

        descs = [pltpu.async_copy(hp_h.at[user_v], hrows, sem)]
        for j in range(FPP):
            descs.append(pltpu.async_copy(gp_h.at[gidx_v.at[j]], grows.at[j], sem))
            descs.append(pltpu.async_copy(k1_h.at[kidx_v.at[j]], kval_v.at[j], sem))
        for dsc in descs:
            dsc.wait()
        ib_desc.wait()

        for g in range(NG):
            sl = pl.ds(g * L, L)
            rows = iota + (g * L)
            hd = [plsc.load_gather(hrows, [rows, jnp.full((L,), d, jnp.int32)])
                  for d in range(D)]
            acc = plsc.load_gather(ib_v, [item_v[sl]])
            for j in range(FPP):
                jc = jnp.full((L,), j, jnp.int32)
                dot = jnp.zeros((L,), jnp.float32)
                for d in range(D):
                    gd = plsc.load_gather(
                        grows, [jc, rows, jnp.full((L,), d, jnp.int32)])
                    dot = dot + hd[d] * gd
                fb = plsc.load_gather(
                    grows, [jc, rows, jnp.full((L,), D, jnp.int32)])
                acc = acc + kval_v[j, sl] * (dot + fb)
            out_v[sl] = acc
        pltpu.sync_copy(out_v, out_h.at[pl.ds(base, PB)])

    return sck


def kernel(user, item, H, G, K, F_B, I_B, C):
    B = user.shape[0]
    U, F = K.shape
    NI = I_B.shape[0]
    FPP = C.shape[2]
    D = H.shape[1]
    Hp = jnp.pad(H, ((0, 0), (0, GW - D)))
    Gp = jnp.concatenate(
        [G, F_B[:, None], jnp.zeros((F, GW - D - 1), jnp.float32)], axis=1)
    K1 = K.T.reshape(U * F)
    Cf = C.transpose(1, 2, 0).reshape(NI * FPP * U)
    K1, Cf = lax.optimization_barrier((K1, Cf))
    sck = _build_sc_kernel(B, U, F, NI, FPP, D)
    return sck(user, item, Hp, Gp, K1, I_B, Cf)

# --- scband reference (transcript-rebuilt; emitter-appended) ---
"""Pipeline reference for scband-kgflex-tfmodel-35158602285715 (READ-ONLY COPY).

The authoritative reference and input builder live on the scoring server;
editing this copy changes nothing except your own understanding.
"""

import jax, jax.numpy as jnp
import numpy as np

NUM_USERS = 10000
NUM_ITEMS = 1000
NUM_FEATURES = 5000
FACTORS = 10
FPP = 4  # feature indices per (user, item) pair
BATCH = 4096


def setup_inputs(seed: int = 0) -> dict:
    key = jax.random.key(seed)
    ks = jax.random.split(key, 8)
    user = jax.random.randint(ks[0], (BATCH,), 0, NUM_USERS, dtype=jnp.int64 if jax.config.jax_enable_x64 else jnp.int32).astype(jnp.int32)
    item = jax.random.randint(ks[1], (BATCH,), 0, NUM_ITEMS).astype(jnp.int32)
    H = jax.random.normal(ks[2], (NUM_USERS, FACTORS), dtype=jnp.float32) * 0.1
    G = jax.random.normal(ks[3], (NUM_FEATURES, FACTORS), dtype=jnp.float32) * 0.1
    K = jax.random.normal(ks[4], (NUM_USERS, NUM_FEATURES), dtype=jnp.float32) * 0.1
    F_B = jax.random.normal(ks[5], (NUM_FEATURES,), dtype=jnp.float32) * 0.1
    I_B = jax.random.normal(ks[6], (NUM_ITEMS,), dtype=jnp.float32) * 0.1
    C = jax.random.randint(ks[7], (NUM_USERS, NUM_ITEMS, FPP), 0, NUM_FEATURES).astype(jnp.int32)
    return {"user": user, "item": item, "H": H, "G": G, "K": K, "F_B": F_B, "I_B": I_B, "C": C}


def reference(user, item, H, G, K, F_B, I_B, C):
    # h_u = embedding_lookup(H, user)
    h_u = jnp.take(H, user, axis=0)                      # [B, factors]
    # z_u = h_u @ G^T
    z_u = h_u @ G.T                                      # [B, num_features]
    # k_u = embedding_lookup(K, user)
    k_u = jnp.take(K, user, axis=0)                      # [B, num_features]
    a_u = k_u * (z_u + F_B)                              # [B, num_features]
    # features = gather_nd(C, stack([user, item], -1))
    features = C[user, item]                             # [B, FPP] int32
    i_b = jnp.take(I_B, item, axis=0)                    # [B]
    # gather(a_u, features, batch_dims=1) -> take_along_axis
    gathered = jnp.take_along_axis(a_u, features, axis=1)  # [B, FPP]
    x_ui = jnp.sum(gathered, axis=-1) + i_b              # [B]
    return x_ui

if __name__ == "__main__":
    import jax
    _d = setup_inputs()
    print(jax.jit(kernel)(*tuple(_d.values())))

</pallas_src>

<mosaic_0001>
#map = affine_map<(d0, d1) -> (0)>
#map1 = affine_map<(d0, d1) -> (0, 0)>
module attributes {stable_mosaic.version = 14 : i64} {
  func.func @sck(%arg0: i32, %arg1: i32, %arg2: memref<4096xi32, #tpu.memory_space<hbm>>, %arg3: memref<4096xi32, #tpu.memory_space<hbm>>, %arg4: memref<10000x128xf32, #tpu.memory_space<hbm>>, %arg5: memref<5000x128xf32, #tpu.memory_space<hbm>>, %arg6: memref<50000000xf32, #tpu.memory_space<hbm>>, %arg7: memref<1000xf32, #tpu.memory_space<hbm>>, %arg8: memref<40000000xi32, #tpu.memory_space<hbm>>, %arg9: memref<4096xf32, #tpu.memory_space<hbm>>, %arg10: memref<128xi32, #tpu.memory_space<vmem>>, %arg11: memref<128xi32, #tpu.memory_space<vmem>>, %arg12: memref<4x128xi32, #tpu.memory_space<vmem>>, %arg13: memref<4x128xi32, #tpu.memory_space<vmem>>, %arg14: memref<4x128xi32, #tpu.memory_space<vmem>>, %arg15: memref<4x128xf32, #tpu.memory_space<vmem>>, %arg16: memref<128x128xf32, #tpu.memory_space<vmem>>, %arg17: memref<4x128x128xf32, #tpu.memory_space<vmem>>, %arg18: memref<1000xf32, #tpu.memory_space<vmem>>, %arg19: memref<128xf32, #tpu.memory_space<vmem>>, %arg20: memref<!tpu.dma_semaphore, #tpu.memory_space<semaphore_mem>>, %arg21: memref<!tpu.dma_semaphore, #tpu.memory_space<semaphore_mem>>) attributes {dimension_semantics = [#tpu.dimension_semantics<core_parallel>, #tpu.dimension_semantics<subcore_parallel>], iteration_bounds = array<i64: 2, 16>, scalar_prefetch = 0 : i64, scratch_operands = 12 : i64, tpu.core_type = #tpu.core_type<sc_vector_subcore>, window_params = [{transform_indices = #map}, {transform_indices = #map}, {transform_indices = #map1}, {transform_indices = #map1}, {transform_indices = #map}, {transform_indices = #map}, {transform_indices = #map}, {transform_indices = #map}]} {
    %mul3A = arith.constant 2 : i32
    %mul3A_0 = arith.muli %arg1, %mul3A : i32
    %add3A = arith.addi %mul3A_0, %arg0 : i32
    %mul3A_1 = arith.constant 128 : i32
    %mul3A_2 = arith.muli %add3A, %mul3A_1 : i32
    "tpu.region"() ({
      %run_scoped3A = tpu.sem_alloc : memref<!tpu.dma_semaphore, #tpu.memory_space<semaphore_mem>>
      %dma_start3A_3299 = tpu.memref_slice %arg2[%mul3A_2] : memref<4096xi32, #tpu.memory_space<hbm>> -> memref<128xi32, #tpu.memory_space<hbm>>
      %dma_start3A_3300 = tpu.memref_slice %arg2[%mul3A_2] : memref<4096xi32, #tpu.memory_space<hbm>> -> memref<128xi32, #tpu.memory_space<hbm>>
      tpu.enqueue_dma source(%dma_start3A_3300 : memref<128xi32, #tpu.memory_space<hbm>>) target(%arg10 : memref<128xi32, #tpu.memory_space<vmem>>) target_semaphore(%run_scoped3A : memref<!tpu.dma_semaphore, #tpu.memory_space<semaphore_mem>>)
      %dma_wait3A_3301 = tpu.memref_slice %arg2[%mul3A_2] : memref<4096xi32, #tpu.memory_space<hbm>> -> memref<128xi32, #tpu.memory_space<hbm>>
      %dma_wait3A_3302 = tpu.memref_slice %arg2[%mul3A_2] : memref<4096xi32, #tpu.memory_space<hbm>> -> memref<128xi32, #tpu.memory_space<hbm>>
      tpu.wait_dma2 semaphore(%run_scoped3A : memref<!tpu.dma_semaphore, #tpu.memory_space<semaphore_mem>>) src(%dma_wait3A_3302 : memref<128xi32, #tpu.memory_space<hbm>>) dst(%arg10 : memref<128xi32, #tpu.memory_space<vmem>>)
      tpu.yield
    }) : () -> ()
    "tpu.region"() ({
      %run_scoped3A = tpu.sem_alloc : memref<!tpu.dma_semaphore, #tpu.memory_space<semaphore_mem>>
      %dma_start3A_3299 = tpu.memref_slice %arg3[%mul3A_2] : memref<4096xi32, #tpu.memory_space<hbm>> -> memref<128xi32, #tpu.memory_space<hbm>>
      %dma_start3A_3300 = tpu.memref_slice %arg3[%mul3A_2] : memref<4096xi32, #tpu.memory_space<hbm>> -> memref<128xi32, #tpu.memory_space<hbm>>
      tpu.enqueue_dma source(%dma_start3A_3300 : memref<128xi32, #tpu.memory_space<hbm>>) target(%arg11 : memref<128xi32, #tpu.memory_space<vmem>>) target_semaphore(%run_scoped3A : memref<!tpu.dma_semaphore, #tpu.memory_space<semaphore_mem>>)
      %dma_wait3A_3301 = tpu.memref_slice %arg3[%mul3A_2] : memref<4096xi32, #tpu.memory_space<hbm>> -> memref<128xi32, #tpu.memory_space<hbm>>
      %dma_wait3A_3302 = tpu.memref_slice %arg3[%mul3A_2] : memref<4096xi32, #tpu.memory_space<hbm>> -> memref<128xi32, #tpu.memory_space<hbm>>
      tpu.wait_dma2 semaphore(%run_scoped3A : memref<!tpu.dma_semaphore, #tpu.memory_space<semaphore_mem>>) src(%dma_wait3A_3302 : memref<128xi32, #tpu.memory_space<hbm>>) dst(%arg11 : memref<128xi32, #tpu.memory_space<vmem>>)
      tpu.yield
    }) : () -> ()
    tpu.enqueue_dma source(%arg7 : memref<1000xf32, #tpu.memory_space<hbm>>) target(%arg18 : memref<1000xf32, #tpu.memory_space<vmem>>) target_semaphore(%arg21 : memref<!tpu.dma_semaphore, #tpu.memory_space<semaphore_mem>>)
    %iota3A = tpu.iota {dimensions = array<i32: 0>} : vector<16xi32>
    %get3A = arith.constant 0 : index
    %get3A_3 = tpu.vector_load %arg10[%get3A] {strides = array<i32>} : memref<128xi32, #tpu.memory_space<vmem>>, vector<16xi32>,
    %get3A_4 = arith.constant 0 : index
    %get3A_5 = tpu.vector_load %arg11[%get3A_4] {strides = array<i32>} : memref<128xi32, #tpu.memory_space<vmem>>, vector<16xi32>,
    %mul3A_6 = arith.constant 40000 : i32
    %mul3A_7 = vector.broadcast %mul3A_6 : i32 to vector<16xi32>
    %mul3A_8 = arith.muli %get3A_5, %mul3A_7 : vector<16xi32>
    %add3A_9 = arith.addi %mul3A_8, %get3A_3 : vector<16xi32>
    %add3A_10 = arith.constant 0 : i32
    %add3A_11 = vector.broadcast %add3A_10 : i32 to vector<16xi32>
    %add3A_12 = arith.addi %add3A_9, %add3A_11 : vector<16xi32>
    %swap3A = arith.constant 0 : i32
    %swap3A_13 = arith.index_cast %swap3A : i32 to index
    %swap3A_14 = arith.constant 0 : index
    %swap3A_15 = tpu.vector_load %arg12[%swap3A_13, %swap3A_14] {strides = array<i32>} : memref<4x128xi32, #tpu.memory_space<vmem>>, vector<16xi32>,
    tpu.vector_store %arg12[%swap3A_13, %swap3A_14], %add3A_12 {strides = array<i32>} : memref<4x128xi32, #tpu.memory_space<vmem>>, vector<16xi32>,
    %add3A_16 = arith.constant 10000 : i32
    %add3A_17 = vector.broadcast %add3A_16 : i32 to vector<16xi32>
    %add3A_18 = arith.addi %add3A_9, %add3A_17 : vector<16xi32>
    %swap3A_19 = arith.constant 1 : i32
    %swap3A_20 = arith.index_cast %swap3A_19 : i32 to index
    %swap3A_21 = arith.constant 0 : index
    %swap3A_22 = tpu.vector_load %arg12[%swap3A_20, %swap3A_21] {strides = array<i32>} : memref<4x128xi32, #tpu.memory_space<vmem>>, vector<16xi32>,
    tpu.vector_store %arg12[%swap3A_20, %swap3A_21], %add3A_18 {strides = array<i32>} : memref<4x128xi32, #tpu.memory_space<vmem>>, vector<16xi32>,
    %add3A_23 = arith.constant 20000 : i32
    %add3A_24 = vector.broadcast %add3A_23 : i32 to vector<16xi32>
    %add3A_25 = arith.addi %add3A_9, %add3A_24 : vector<16xi32>
    %swap3A_26 = arith.constant 2 : i32
    %swap3A_27 = arith.index_cast %swap3A_26 : i32 to index
    %swap3A_28 = arith.constant 0 : index
    %swap3A_29 = tpu.vector_load %arg12[%swap3A_27, %swap3A_28] {strides = array<i32>} : memref<4x128xi32, #tpu.memory_space<vmem>>, vector<16xi32>,
    tpu.vector_store %arg12[%swap3A_27, %swap3A_28], %add3A_25 {strides = array<i32>} : memref<4x128xi32, #tpu.memory_space<vmem>>, vector<16xi32>,
    %add3A_30 = arith.constant 30000 : i32
    %add3A_31 = vector.broadcast %add3A_30 : i32 to vector<16xi32>
    %add3A_32 = arith.addi %add3A_9, %add3A_31 : vector<16xi32>
    %swap3A_33 = arith.constant 3 : i32
    %swap3A_34 = arith.index_cast %swap3A_33 : i32 to index
    %swap3A_35 = arith.constant 0 : index
    %swap3A_36 = tpu.vector_load %arg12[%swap3A_34, %swap3A_35] {strides = array<i32>} : memref<4x128xi32, #tpu.memory_space<vmem>>, vector<16xi32>,
    tpu.vector_store %arg12[%swap3A_34, %swap3A_35], %add3A_32 {strides = array<i32>} : memref<4x128xi32, #tpu.memory_space<vmem>>, vector<16xi32>,
    %get3A_37 = arith.constant 16 : index
    %get3A_38 = tpu.vector_load %arg10[%get3A_37] {strides = array<i32>} : memref<128xi32, #tpu.memory_space<vmem>>, vector<16xi32>,
    %get3A_39 = arith.constant 16 : index
    %get3A_40 = tpu.vector_load %arg11[%get3A_39] {strides = array<i32>} : memref<128xi32, #tpu.memory_space<vmem>>, vector<16xi32>,
    %mul3A_41 = arith.constant 40000 : i32
    %mul3A_42 = vector.broadcast %mul3A_41 : i32 to vector<16xi32>
    %mul3A_43 = arith.muli %get3A_40, %mul3A_42 : vector<16xi32>
    %add3A_44 = arith.addi %mul3A_43, %get3A_38 : vector<16xi32>
    %add3A_45 = arith.constant 0 : i32
    %add3A_46 = vector.broadcast %add3A_45 : i32 to vector<16xi32>
    %add3A_47 = arith.addi %add3A_44, %add3A_46 : vector<16xi32>
    %swap3A_48 = arith.constant 0 : i32
    %swap3A_49 = arith.index_cast %swap3A_48 : i32 to index
    %swap3A_50 = arith.constant 16 : index
    %swap3A_51 = tpu.vector_load %arg12[%swap3A_49, %swap3A_50] {strides = array<i32>} : memref<4x128xi32, #tpu.memory_space<vmem>>, vector<16xi32>,
    tpu.vector_store %arg12[%swap3A_49, %swap3A_50], %add3A_47 {strides = array<i32>} : memref<4x128xi32, #tpu.memory_space<vmem>>, vector<16xi32>,
    %add3A_52 = arith.constant 10000 : i32
    %add3A_53 = vector.broadcast %add3A_52 : i32 to vector<16xi32>
    %add3A_54 = arith.addi %add3A_44, %add3A_53 : vector<16xi32>
    %swap3A_55 = arith.constant 1 : i32
    %swap3A_56 = arith.index_cast %swap3A_55 : i32 to index
    %swap3A_57 = arith.constant 16 : index
    %swap3A_58 = tpu.vector_load %arg12[%swap3A_56, %swap3A_57] {strides = array<i32>} : memref<4x128xi32, #tpu.memory_space<vmem>>, vector<16xi32>,
    tpu.vector_store %arg12[%swap3A_56, %swap3A_57], %add3A_54 {strides = array<i32>} : memref<4x128xi32, #tpu.memory_space<vmem>>, vector<16xi32>,
    %add3A_59 = arith.constant 20000 : i32
    %add3A_60 = vector.broadcast %add3A_59 : i32 to vector<16xi32>
    %add3A_61 = arith.addi %add3A_44, %add3A_60 : vector<16xi32>
    %swap3A_62 = arith.constant 2 : i32
    %swap3A_63 = arith.index_cast %swap3A_62 : i32 to index
    %swap3A_64 = arith.constant 16 : index
    %swap3A_65 = tpu.vector_load %arg12[%swap3A_63, %swap3A_64] {strides = array<i32>} : memref<4x128xi32, #tpu.memory_space<vmem>>, vector<16xi32>,
    tpu.vector_store %arg12[%swap3A_63, %swap3A_64], %add3A_61 {strides = array<i32>} : memref<4x128xi32, #tpu.memory_space<vmem>>, vector<16xi32>,
    %add3A_66 = arith.constant 30000 : i32
    %add3A_67 = vector.broadcast %add3A_66 : i32 to vector<16xi32>
    %add3A_68 = arith.addi %add3A_44, %add3A_67 : vector<16xi32>
    %swap3A_69 = arith.constant 3 : i32
    %swap3A_70 = arith.index_cast %swap3A_69 : i32 to index
    %swap3A_71 = arith.constant 16 : index
    %swap3A_72 = tpu.vector_load %arg12[%swap3A_70, %swap3A_71] {strides = array<i32>} : memref<4x128xi32, #tpu.memory_space<vmem>>, vector<16xi32>,
    tpu.vector_store %arg12[%swap3A_70, %swap3A_71], %add3A_68 {strides = array<i32>} : memref<4x128xi32, #tpu.memory_space<vmem>>, vector<16xi32>,
    %get3A_73 = arith.constant 32 : index
    %get3A_74 = tpu.vector_load %arg10[%get3A_73] {strides = array<i32>} : memref<128xi32, #tpu.memory_space<vmem>>, vector<16xi32>,
    %get3A_75 = arith.constant 32 : index
    %get3A_76 = tpu.vector_load %arg11[%get3A_75] {strides = array<i32>} : memref<128xi32, #tpu.memory_space<vmem>>, vector<16xi32>,
    %mul3A_77 = arith.constant 40000 : i32
    %mul3A_78 = vector.broadcast %mul3A_77 : i32 to vector<16xi32>
    %mul3A_79 = arith.muli %get3A_76, %mul3A_78 : vector<16xi32>
    %add3A_80 = arith.addi %mul3A_79, %get3A_74 : vector<16xi32>
    %add3A_81 = arith.constant 0 : i32
    %add3A_82 = vector.broadcast %add3A_81 : i32 to vector<16xi32>
    %add3A_83 = arith.addi %add3A_80, %add3A_82 : vector<16xi32>
    %swap3A_84 = arith.constant 0 : i32
    %swap3A_85 = arith.index_cast %swap3A_84 : i32 to index
    %swap3A_86 = arith.constant 32 : index
    %swap3A_87 = tpu.vector_load %arg12[%swap3A_85, %swap3A_86] {strides = array<i32>} : memref<4x128xi32, #tpu.memory_space<vmem>>, vector<16xi32>,
    tpu.vector_store %arg12[%swap3A_85, %swap3A_86], %add3A_83 {strides = array<i32>} : memref<4x128xi32, #tpu.memory_space<vmem>>, vector<16xi32>,
    %add3A_88 = arith.constant 10000 : i32
    %add3A_89 = vector.broadcast %add3A_88 : i32 to vector<16xi32>
    %add3A_90 = arith.addi %add3A_80, %add3A_89 : vector<16xi32>
    %swap3A_91 = arith.constant 1 : i32
    %swap3A_92 = arith.index_cast %swap3A_91 : i32 to index
    %swap3A_93 = arith.constant 32 : index
    %swap3A_94 = tpu.vector_load %arg12[%swap3A_92, %swap3A_93] {strides = array<i32>} : memref<4x128xi32, #tpu.memory_space<vmem>>, vector<16xi32>,
    tpu.vector_store %arg12[%swap3A_92, %swap3A_93], %add3A_90 {strides = array<i32>} : memref<4x128xi32, #tpu.memory_space<vmem>>, vector<16xi32>,
    %add3A_95 = arith.constant 20000 : i32
    %add3A_96 = vector.broadcast %add3A_95 : i32 to vector<16xi32>
    %add3A_97 = arith.addi %add3A_80, %add3A_96 : vector<16xi32>
    %swap3A_98 = arith.constant 2 : i32
    %swap3A_99 = arith.index_cast %swap3A_98 : i32 to index
    %swap3A_100 = arith.constant 32 : index
    %swap3A_101 = tpu.vector_load %arg12[%swap3A_99, %swap3A_100] {strides = array<i32>} : memref<4x128xi32, #tpu.memory_space<vmem>>, vector<16xi32>,
    tpu.vector_store %arg12[%swap3A_99, %swap3A_100], %add3A_97 {strides = array<i32>} : memref<4x128xi32, #tpu.memory_space<vmem>>, vector<16xi32>,
    %add3A_102 = arith.constant 30000 : i32
    %add3A_103 = vector.broadcast %add3A_102 : i32 to vector<16xi32>
    %add3A_104 = arith.addi %add3A_80, %add3A_103 : vector<16xi32>
    %swap3A_105 = arith.constant 3 : i32
    %swap3A_106 = arith.index_cast %swap3A_105 : i32 to index
    %swap3A_107 = arith.constant 32 : index
    %swap3A_108 = tpu.vector_load %arg12[%swap3A_106, %swap3A_107] {strides = array<i32>} : memref<4x128xi32, #tpu.memory_space<vmem>>, vector<16xi32>,
    tpu.vector_store %arg12[%swap3A_106, %swap3A_107], %add3A_104 {strides = array<i32>} : memref<4x128xi32, #tpu.memory_space<vmem>>, vector<16xi32>,
    %get3A_109 = arith.constant 48 : index
    %get3A_110 = tpu.vector_load %arg10[%get3A_109] {strides = array<i32>} : memref<128xi32, #tpu.memory_space<vmem>>, vector<16xi32>,
    %get3A_111 = arith.constant 48 : index
    %get3A_112 = tpu.vector_load %arg11[%get3A_111] {strides = array<i32>} : memref<128xi32, #tpu.memory_space<vmem>>, vector<16xi32>,
    %mul3A_113 = arith.constant 40000 : i32
    %mul3A_114 = vector.broadcast %mul3A_113 : i32 to vector<16xi32>
    %mul3A_115 = arith.muli %get3A_112, %mul3A_114 : vector<16xi32>
    %add3A_116 = arith.addi %mul3A_115, %get3A_110 : vector<16xi32>
    %add3A_117 = arith.constant 0 : i32
    %add3A_118 = vector.broadcast %add3A_117 : i32 to vector<16xi32>
    %add3A_119 = arith.addi %add3A_116, %add3A_118 : vector<16xi32>
    %swap3A_120 = arith.constant 0 : i32
    %swap3A_121 = arith.index_cast %swap3A_120 : i32 to index
    %swap3A_122 = arith.constant 48 : index
    %swap3A_123 = tpu.vector_load %arg12[%swap3A_121, %swap3A_122] {strides = array<i32>} : memref<4x128xi32, #tpu.memory_space<vmem>>, vector<16xi32>,
    tpu.vector_store %arg12[%swap3A_121, %swap3A_122], %add3A_119 {strides = array<i32>} : memref<4x128xi32, #tpu.memory_space<vmem>>, vector<16xi32>,
    %add3A_124 = arith.constant 10000 : i32
    %add3A_125 = vector.broadcast %add3A_124 : i32 to vector<16xi32>
    %add3A_126 = arith.addi %add3A_116, %add3A_125 : vector<16xi32>
    %swap3A_127 = arith.constant 1 : i32
    %swap3A_128 = arith.index_cast %swap3A_127 : i32 to index
    %swap3A_129 = arith.constant 48 : index
    %swap3A_130 = tpu.vector_load %arg12[%swap3A_128, %swap3A_129] {strides = array<i32>} : memref<4x128xi32, #tpu.memory_space<vmem>>, vector<16xi32>,
    tpu.vector_store %arg12[%swap3A_128, %swap3A_129], %add3A_126 {strides = array<i32>} : memref<4x128xi32, #tpu.memory_space<vmem>>, vector<16xi32>,
    %add3A_131 = arith.constant 20000 : i32
    %add3A_132 = vector.broadcast %add3A_131 : i32 to vector<16xi32>
    %add3A_133 = arith.addi %add3A_116, %add3A_132 : vector<16xi32>
    %swap3A_134 = arith.constant 2 : i32
    %swap3A_135 = arith.index_cast %swap3A_134 : i32 to index
    %swap3A_136 = arith.constant 48 : index
    %swap3A_137 = tpu.vector_load %arg12[%swap3A_135, %swap3A_136] {strides = array<i32>} : memref<4x128xi32, #tpu.memory_space<vmem>>, vector<16xi32>,
    tpu.vector_store %arg12[%swap3A_135, %swap3A_136], %add3A_133 {strides = array<i32>} : memref<4x128xi32, #tpu.memory_space<vmem>>, vector<16xi32>,
    %add3A_138 = arith.constant 30000 : i32
    %add3A_139 = vector.broadcast %add3A_138 : i32 to vector<16xi32>
    %add3A_140 = arith.addi %add3A_116, %add3A_139 : vector<16xi32>
    %swap3A_141 = arith.constant 3 : i32
    %swap3A_142 = arith.index_cast %swap3A_141 : i32 to index
    %swap3A_143 = arith.constant 48 : index
    %swap3A_144 = tpu.vector_load %arg12[%swap3A_142, %swap3A_143] {strides = array<i32>} : memref<4x128xi32, #tpu.memory_space<vmem>>, vector<16xi32>,
    tpu.vector_store %arg12[%swap3A_142, %swap3A_143], %add3A_140 {strides = array<i32>} : memref<4x128xi32, #tpu.memory_space<vmem>>, vector<16xi32>,
    %get3A_145 = arith.constant 64 : index
    %get3A_146 = tpu.vector_load %arg10[%get3A_145] {strides = array<i32>} : memref<128xi32, #tpu.memory_space<vmem>>, vector<16xi32>,
    %get3A_147 = arith.constant 64 : index
    %get3A_148 = tpu.vector_load %arg11[%get3A_147] {strides = array<i32>} : memref<128xi32, #tpu.memory_space<vmem>>, vector<16xi32>,
    %mul3A_149 = arith.constant 40000 : i32
    %mul3A_150 = vector.broadcast %mul3A_149 : i32 to vector<16xi32>
    %mul3A_151 = arith.muli %get3A_148, %mul3A_150 : vector<16xi32>
    %add3A_152 = arith.addi %mul3A_151, %get3A_146 : vector<16xi32>
    %add3A_153 = arith.constant 0 : i32
    %add3A_154 = vector.broadcast %add3A_153 : i32 to vector<16xi32>
    %add3A_155 = arith.addi %add3A_152, %add3A_154 : vector<16xi32>
    %swap3A_156 = arith.constant 0 : i32
    %swap3A_157 = arith.index_cast %swap3A_156 : i32 to index
    %swap3A_158 = arith.constant 64 : index
    %swap3A_159 = tpu.vector_load %arg12[%swap3A_157, %swap3A_158] {strides = array<i32>} : memref<4x128xi32, #tpu.memory_space<vmem>>, vector<16xi32>,
    tpu.vector_store %arg12[%swap3A_157, %swap3A_158], %add3A_155 {strides = array<i32>} : memref<4x128xi32, #tpu.memory_space<vmem>>, vector<16xi32>,
    %add3A_160 = arith.constant 10000 : i32
    %add3A_161 = vector.broadcast %add3A_160 : i32 to vector<16xi32>
    %add3A_162 = arith.addi %add3A_152, %add3A_161 : vector<16xi32>
    %swap3A_163 = arith.constant 1 : i32
    %swap3A_164 = arith.index_cast %swap3A_163 : i32 to index
    %swap3A_165 = arith.constant 64 : index
    %swap3A_166 = tpu.vector_load %arg12[%swap3A_164, %swap3A_165] {strides = array<i32>} : memref<4x128xi32, #tpu.memory_space<vmem>>, vector<16xi32>,
    tpu.vector_store %arg12[%swap3A_164, %swap3A_165], %add3A_162 {strides = array<i32>} : memref<4x128xi32, #tpu.memory_space<vmem>>, vector<16xi32>,
    %add3A_167 = arith.constant 20000 : i32
    %add3A_168 = vector.broadcast %add3A_167 : i32 to vector<16xi32>
    %add3A_169 = arith.addi %add3A_152, %add3A_168 : vector<16xi32>
    %swap3A_170 = arith.constant 2 : i32
    %swap3A_171 = arith.index_cast %swap3A_170 : i32 to index
    %swap3A_172 = arith.constant 64 : index
    %swap3A_173 = tpu.vector_load %arg12[%swap3A_171, %swap3A_172] {strides = array<i32>} : memref<4x128xi32, #tpu.memory_space<vmem>>, vector<16xi32>,
    tpu.vector_store %arg12[%swap3A_171, %swap3A_172], %add3A_169 {strides = array<i32>} : memref<4x128xi32, #tpu.memory_space<vmem>>, vector<16xi32>,
    %add3A_174 = arith.constant 30000 : i32
    %add3A_175 = vector.broadcast %add3A_174 : i32 to vector<16xi32>
    %add3A_176 = arith.addi %add3A_152, %add3A_175 : vector<16xi32>
    %swap3A_177 = arith.constant 3 : i32
    %swap3A_178 = arith.index_cast %swap3A_177 : i32 to index
    %swap3A_179 = arith.constant 64 : index
    %swap3A_180 = tpu.vector_load %arg12[%swap3A_178, %swap3A_179] {strides = array<i32>} : memref<4x128xi32, #tpu.memory_space<vmem>>, vector<16xi32>,
    tpu.vector_store %arg12[%swap3A_178, %swap3A_179], %add3A_176 {strides = array<i32>} : memref<4x128xi32, #tpu.memory_space<vmem>>, vector<16xi32>,
    %get3A_181 = arith.constant 80 : index
    %get3A_182 = tpu.vector_load %arg10[%get3A_181] {strides = array<i32>} : memref<128xi32, #tpu.memory_space<vmem>>, vector<16xi32>,
    %get3A_183 = arith.constant 80 : index
    %get3A_184 = tpu.vector_load %arg11[%get3A_183] {strides = array<i32>} : memref<128xi32, #tpu.memory_space<vmem>>, vector<16xi32>,
    %mul3A_185 = arith.constant 40000 : i32
    %mul3A_186 = vector.broadcast %mul3A_185 : i32 to vector<16xi32>
    %mul3A_187 = arith.muli %get3A_184, %mul3A_186 : vector<16xi32>
    %add3A_188 = arith.addi %mul3A_187, %get3A_182 : vector<16xi32>
    %add3A_189 = arith.constant 0 : i32
    %add3A_190 = vector.broadcast %add3A_189 : i32 to vector<16xi32>
    %add3A_191 = arith.addi %add3A_188, %add3A_190 : vector<16xi32>
    %swap3A_192 = arith.constant 0 : i32
    %swap3A_193 = arith.index_cast %swap3A_192 : i32 to index
    %swap3A_194 = arith.constant 80 : index
    %swap3A_195 = tpu.vector_load %arg12[%swap3A_193, %swap3A_194] {strides = array<i32>} : memref<4x128xi32, #tpu.memory_space<vmem>>, vector<16xi32>,
    tpu.vector_store %arg12[%swap3A_193, %swap3A_194], %add3A_191 {strides = array<i32>} : memref<4x128xi32, #tpu.memory_space<vmem>>, vector<16xi32>,
    %add3A_196 = arith.constant 10000 : i32
    %add3A_197 = vector.broadcast %add3A_196 : i32 to vector<16xi32>
    %add3A_198 = arith.addi %add3A_188, %add3A_197 : vector<16xi32>
    %swap3A_199 = arith.constant 1 : i32
    %swap3A_200 = arith.index_cast %swap3A_199 : i32 to index
    %swap3A_201 = arith.constant 80 : index
    %swap3A_202 = tpu.vector_load %arg12[%swap3A_200, %swap3A_201] {strides = array<i32>} : memref<4x128xi32, #tpu.memory_space<vmem>>, vector<16xi32>,
    tpu.vector_store %arg12[%swap3A_200, %swap3A_201], %add3A_198 {strides = array<i32>} : memref<4x128xi32, #tpu.memory_space<vmem>>, vector<16xi32>,
    %add3A_203 = arith.constant 20000 : i32
    %add3A_204 = vector.broadcast %add3A_203 : i32 to vector<16xi32>
    %add3A_205 = arith.addi %add3A_188, %add3A_204 : vector<16xi32>
    %swap3A_206 = arith.constant 2 : i32
    %swap3A_207 = arith.index_cast %swap3A_206 : i32 to index
    %swap3A_208 = arith.constant 80 : index
    %swap3A_209 = tpu.vector_load %arg12[%swap3A_207, %swap3A_208] {strides = array<i32>} : memref<4x128xi32, #tpu.memory_space<vmem>>, vector<16xi32>,
    tpu.vector_store %arg12[%swap3A_207, %swap3A_208], %add3A_205 {strides = array<i32>} : memref<4x128xi32, #tpu.memory_space<vmem>>, vector<16xi32>,
    %add3A_210 = arith.constant 30000 : i32
    %add3A_211 = vector.broadcast %add3A_210 : i32 to vector<16xi32>
    %add3A_212 = arith.addi %add3A_188, %add3A_211 : vector<16xi32>
    %swap3A_213 = arith.constant 3 : i32
    %swap3A_214 = arith.index_cast %swap3A_213 : i32 to index
    %swap3A_215 = arith.constant 80 : index
    %swap3A_216 = tpu.vector_load %arg12[%swap3A_214, %swap3A_215] {strides = array<i32>} : memref<4x128xi32, #tpu.memory_space<vmem>>, vector<16xi32>,
    tpu.vector_store %arg12[%swap3A_214, %swap3A_215], %add3A_212 {strides = array<i32>} : memref<4x128xi32, #tpu.memory_space<vmem>>, vector<16xi32>,
    %get3A_217 = arith.constant 96 : index
    %get3A_218 = tpu.vector_load %arg10[%get3A_217] {strides = array<i32>} : memref<128xi32, #tpu.memory_space<vmem>>, vector<16xi32>,
    %get3A_219 = arith.constant 96 : index
    %get3A_220 = tpu.vector_load %arg11[%get3A_219] {strides = array<i32>} : memref<128xi32, #tpu.memory_space<vmem>>, vector<16xi32>,
    %mul3A_221 = arith.constant 40000 : i32
    %mul3A_222 = vector.broadcast %mul3A_221 : i32 to vector<16xi32>
    %mul3A_223 = arith.muli %get3A_220, %mul3A_222 : vector<16xi32>
    %add3A_224 = arith.addi %mul3A_223, %get3A_218 : vector<16xi32>
    %add3A_225 = arith.constant 0 : i32
    %add3A_226 = vector.broadcast %add3A_225 : i32 to vector<16xi32>
    %add3A_227 = arith.addi %add3A_224, %add3A_226 : vector<16xi32>
    %swap3A_228 = arith.constant 0 : i32
    %swap3A_229 = arith.index_cast %swap3A_228 : i32 to index
    %swap3A_230 = arith.constant 96 : index
    %swap3A_231 = tpu.vector_load %arg12[%swap3A_229, %swap3A_230] {strides = array<i32>} : memref<4x128xi32, #tpu.memory_space<vmem>>, vector<16xi32>,
    tpu.vector_store %arg12[%swap3A_229, %swap3A_230], %add3A_227 {strides = array<i32>} : memref<4x128xi32, #tpu.memory_space<vmem>>, vector<16xi32>,
    %add3A_232 = arith.constant 10000 : i32
    %add3A_233 = vector.broadcast %add3A_232 : i32 to vector<16xi32>
    %add3A_234 = arith.addi %add3A_224, %add3A_233 : vector<16xi32>
    %swap3A_235 = arith.constant 1 : i32
    %swap3A_236 = arith.index_cast %swap3A_235 : i32 to index
    %swap3A_237 = arith.constant 96 : index
    %swap3A_238 = tpu.vector_load %arg12[%swap3A_236, %swap3A_237] {strides = array<i32>} : memref<4x128xi32, #tpu.memory_space<vmem>>, vector<16xi32>,
    tpu.vector_store %arg12[%swap3A_236, %swap3A_237], %add3A_234 {strides = array<i32>} : memref<4x128xi32, #tpu.memory_space<vmem>>, vector<16xi32>,
    %add3A_239 = arith.constant 20000 : i32
    %add3A_240 = vector.broadcast %add3A_239 : i32 to vector<16xi32>
    %add3A_241 = arith.addi %add3A_224, %add3A_240 : vector<16xi32>
    %swap3A_242 = arith.constant 2 : i32
    %swap3A_243 = arith.index_cast %swap3A_242 : i32 to index
    %swap3A_244 = arith.constant 96 : index
    %swap3A_245 = tpu.vector_load %arg12[%swap3A_243, %swap3A_244] {strides = array<i32>} : memref<4x128xi32, #tpu.memory_space<vmem>>, vector<16xi32>,
    tpu.vector_store %arg12[%swap3A_243, %swap3A_244], %add3A_241 {strides = array<i32>} : memref<4x128xi32, #tpu.memory_space<vmem>>, vector<16xi32>,
    %add3A_246 = arith.constant 30000 : i32
    %add3A_247 = vector.broadcast %add3A_246 : i32 to vector<16xi32>
    %add3A_248 = arith.addi %add3A_224, %add3A_247 : vector<16xi32>
    %swap3A_249 = arith.constant 3 : i32
    %swap3A_250 = arith.index_cast %swap3A_249 : i32 to index
    %swap3A_251 = arith.constant 96 : index
    %swap3A_252 = tpu.vector_load %arg12[%swap3A_250, %swap3A_251] {strides = array<i32>} : memref<4x128xi32, #tpu.memory_space<vmem>>, vector<16xi32>,
    tpu.vector_store %arg12[%swap3A_250, %swap3A_251], %add3A_248 {strides = array<i32>} : memref<4x128xi32, #tpu.memory_space<vmem>>, vector<16xi32>,
    %get3A_253 = arith.constant 112 : index
    %get3A_254 = tpu.vector_load %arg10[%get3A_253] {strides = array<i32>} : memref<128xi32, #tpu.memory_space<vmem>>, vector<16xi32>,
    %get3A_255 = arith.constant 112 : index
    %get3A_256 = tpu.vector_load %arg11[%get3A_255] {strides = array<i32>} : memref<128xi32, #tpu.memory_space<vmem>>, vector<16xi32>,
    %mul3A_257 = arith.constant 40000 : i32
    %mul3A_258 = vector.broadcast %mul3A_257 : i32 to vector<16xi32>
    %mul3A_259 = arith.muli %get3A_256, %mul3A_258 : vector<16xi32>
    %add3A_260 = arith.addi %mul3A_259, %get3A_254 : vector<16xi32>
    %add3A_261 = arith.constant 0 : i32
    %add3A_262 = vector.broadcast %add3A_261 : i32 to vector<16xi32>
    %add3A_263 = arith.addi %add3A_260, %add3A_262 : vector<16xi32>
    %swap3A_264 = arith.constant 0 : i32
    %swap3A_265 = arith.index_cast %swap3A_264 : i32 to index
    %swap3A_266 = arith.constant 112 : index
    %swap3A_267 = tpu.vector_load %arg12[%swap3A_265, %swap3A_266] {strides = array<i32>} : memref<4x128xi32, #tpu.memory_space<vmem>>, vector<16xi32>,
    tpu.vector_store %arg12[%swap3A_265, %swap3A_266], %add3A_263 {strides = array<i32>} : memref<4x128xi32, #tpu.memory_space<vmem>>, vector<16xi32>,
    %add3A_268 = arith.constant 10000 : i32
    %add3A_269 = vector.broadcast %add3A_268 : i32 to vector<16xi32>
    %add3A_270 = arith.addi %add3A_260, %add3A_269 : vector<16xi32>
    %swap3A_271 = arith.constant 1 : i32
    %swap3A_272 = arith.index_cast %swap3A_271 : i32 to index
    %swap3A_273 = arith.constant 112 : index
    %swap3A_274 = tpu.vector_load %arg12[%swap3A_272, %swap3A_273] {strides = array<i32>} : memref<4x128xi32, #tpu.memory_space<vmem>>, vector<16xi32>,
    tpu.vector_store %arg12[%swap3A_272, %swap3A_273], %add3A_270 {strides = array<i32>} : memref<4x128xi32, #tpu.memory_space<vmem>>, vector<16xi32>,
    %add3A_275 = arith.constant 20000 : i32
    %add3A_276 = vector.broadcast %add3A_275 : i32 to vector<16xi32>
    %add3A_277 = arith.addi %add3A_260, %add3A_276 : vector<16xi32>
    %swap3A_278 = arith.constant 2 : i32
    %swap3A_279 = arith.index_cast %swap3A_278 : i32 to index
    %swap3A_280 = arith.constant 112 : index
    %swap3A_281 = tpu.vector_load %arg12[%swap3A_279, %swap3A_280] {strides = array<i32>} : memref<4x128xi32, #tpu.memory_space<vmem>>, vector<16xi32>,
    tpu.vector_store %arg12[%swap3A_279, %swap3A_280], %add3A_277 {strides = array<i32>} : memref<4x128xi32, #tpu.memory_space<vmem>>, vector<16xi32>,
    %add3A_282 = arith.constant 30000 : i32
    %add3A_283 = vector.broadcast %add3A_282 : i32 to vector<16xi32>
    %add3A_284 = arith.addi %add3A_260, %add3A_283 : vector<16xi32>
    %swap3A_285 = arith.constant 3 : i32
    %swap3A_286 = arith.index_cast %swap3A_285 : i32 to index
    %swap3A_287 = arith.constant 112 : index
    %swap3A_288 = tpu.vector_load %arg12[%swap3A_286, %swap3A_287] {strides = array<i32>} : memref<4x128xi32, #tpu.memory_space<vmem>>, vector<16xi32>,
    tpu.vector_store %arg12[%swap3A_286, %swap3A_287], %add3A_284 {strides = array<i32>} : memref<4x128xi32, #tpu.memory_space<vmem>>, vector<16xi32>,
    %dma_start3A = arith.constant 0 : i32
    %dma_start3A_289 = arith.constant 0 : i32
    %dma_start3A_290 = arith.constant 0 : i32
    %dma_start3A_291 = tpu.memref_slice %arg13[%dma_start3A_289, %dma_start3A_290] : memref<4x128xi32, #tpu.memory_space<vmem>> -> memref<1x128xi32, #tpu.memory_space<vmem>>
    %dma_start3A_292 = tpu.memref_squeeze %dma_start3A_291 : memref<1x128xi32, #tpu.memory_space<vmem>> -> memref<128xi32, #tpu.memory_space<vmem>>
    %dma_start3A_293 = arith.constant 0 : i32
    %dma_start3A_294 = tpu.memref_slice %arg12[%dma_start3A, %dma_start3A_293] : memref<4x128xi32, #tpu.memory_space<vmem>> -> memref<1x128xi32, #tpu.memory_space<vmem>>
    %dma_start3A_295 = tpu.memref_squeeze %dma_start3A_294 : memref<1x128xi32, #tpu.memory_space<vmem>> -> memref<128xi32, #tpu.memory_space<vmem>>
    %dma_start3A_296 = arith.constant 0 : i32
    %dma_start3A_297 = tpu.memref_slice %arg8[%dma_start3A_296] : memref<40000000xi32, #tpu.memory_space<hbm>> -> memref<40000000xi32, #tpu.memory_space<hbm>>
    tpu.enqueue_indirect_dma source(%dma_start3A_297 : memref<40000000xi32, #tpu.memory_space<hbm>>) target(%dma_start3A_292 : memref<128xi32, #tpu.memory_space<vmem>>) offsets(%dma_start3A_295 : memref<128xi32, #tpu.memory_space<vmem>>) semaphore(%arg20 : memref<!tpu.dma_semaphore, #tpu.memory_space<semaphore_mem>>)
    %dma_start3A_298 = arith.constant 1 : i32
    %dma_start3A_299 = arith.constant 1 : i32
    %dma_start3A_300 = arith.constant 0 : i32
    %dma_start3A_301 = tpu.memref_slice %arg13[%dma_start3A_299, %dma_start3A_300] : memref<4x128xi32, #tpu.memory_space<vmem>> -> memref<1x128xi32, #tpu.memory_space<vmem>>
    %dma_start3A_302 = tpu.memref_squeeze %dma_start3A_301 : memref<1x128xi32, #tpu.memory_space<vmem>> -> memref<128xi32, #tpu.memory_space<vmem>>
    %dma_start3A_303 = arith.constant 0 : i32
    %dma_start3A_304 = tpu.memref_slice %arg12[%dma_start3A_298, %dma_start3A_303] : memref<4x128xi32, #tpu.memory_space<vmem>> -> memref<1x128xi32, #tpu.memory_space<vmem>>
    %dma_start3A_305 = tpu.memref_squeeze %dma_start3A_304 : memref<1x128xi32, #tpu.memory_space<vmem>> -> memref<128xi32, #tpu.memory_space<vmem>>
    %dma_start3A_306 = arith.constant 0 : i32
    %dma_start3A_307 = tpu.memref_slice %arg8[%dma_start3A_306] : memref<40000000xi32, #tpu.memory_space<hbm>> -> memref<40000000xi32, #tpu.memory_space<hbm>>
    tpu.enqueue_indirect_dma source(%dma_start3A_307 : memref<40000000xi32, #tpu.memory_space<hbm>>) target(%dma_start3A_302 : memref<128xi32, #tpu.memory_space<vmem>>) offsets(%dma_start3A_305 : memref<128xi32, #tpu.memory_space<vmem>>) semaphore(%arg20 : memref<!tpu.dma_semaphore, #tpu.memory_space<semaphore_mem>>)
    %dma_start3A_308 = arith.constant 2 : i32
    %dma_start3A_309 = arith.constant 2 : i32
    %dma_start3A_310 = arith.constant 0 : i32
    %dma_start3A_311 = tpu.memref_slice %arg13[%dma_start3A_309, %dma_start3A_310] : memref<4x128xi32, #tpu.memory_space<vmem>> -> memref<1x128xi32, #tpu.memory_space<vmem>>
    %dma_start3A_312 = tpu.memref_squeeze %dma_start3A_311 : memref<1x128xi32, #tpu.memory_space<vmem>> -> memref<128xi32, #tpu.memory_space<vmem>>
    %dma_start3A_313 = arith.constant 0 : i32
    %dma_start3A_314 = tpu.memref_slice %arg12[%dma_start3A_308, %dma_start3A_313] : memref<4x128xi32, #tpu.memory_space<vmem>> -> memref<1x128xi32, #tpu.memory_space<vmem>>
    %dma_start3A_315 = tpu.memref_squeeze %dma_start3A_314 : memref<1x128xi32, #tpu.memory_space<vmem>> -> memref<128xi32, #tpu.memory_space<vmem>>
    %dma_start3A_316 = arith.constant 0 : i32
    %dma_start3A_317 = tpu.memref_slice %arg8[%dma_start3A_316] : memref<40000000xi32, #tpu.memory_space<hbm>> -> memref<40000000xi32, #tpu.memory_space<hbm>>
    tpu.enqueue_indirect_dma source(%dma_start3A_317 : memref<40000000xi32, #tpu.memory_space<hbm>>) target(%dma_start3A_312 : memref<128xi32, #tpu.memory_space<vmem>>) offsets(%dma_start3A_315 : memref<128xi32, #tpu.memory_space<vmem>>) semaphore(%arg20 : memref<!tpu.dma_semaphore, #tpu.memory_space<semaphore_mem>>)
    %dma_start3A_318 = arith.constant 3 : i32
    %dma_start3A_319 = arith.constant 3 : i32
    %dma_start3A_320 = arith.constant 0 : i32
    %dma_start3A_321 = tpu.memref_slice %arg13[%dma_start3A_319, %dma_start3A_320] : memref<4x128xi32, #tpu.memory_space<vmem>> -> memref<1x128xi32, #tpu.memory_space<vmem>>
    %dma_start3A_322 = tpu.memref_squeeze %dma_start3A_321 : memref<1x128xi32, #tpu.memory_space<vmem>> -> memref<128xi32, #tpu.memory_space<vmem>>
    %dma_start3A_323 = arith.constant 0 : i32
    %dma_start3A_324 = tpu.memref_slice %arg12[%dma_start3A_318, %dma_start3A_323] : memref<4x128xi32, #tpu.memory_space<vmem>> -> memref<1x128xi32, #tpu.memory_space<vmem>>
    %dma_start3A_325 = tpu.memref_squeeze %dma_start3A_324 : memref<1x128xi32, #tpu.memory_space<vmem>> -> memref<128xi32, #tpu.memory_space<vmem>>
    %dma_start3A_326 = arith.constant 0 : i32
    %dma_start3A_327 = tpu.memref_slice %arg8[%dma_start3A_326] : memref<40000000xi32, #tpu.memory_space<hbm>> -> memref<40000000xi32, #tpu.memory_space<hbm>>
    tpu.enqueue_indirect_dma source(%dma_start3A_327 : memref<40000000xi32, #tpu.memory_space<hbm>>) target(%dma_start3A_322 : memref<128xi32, #tpu.memory_space<vmem>>) offsets(%dma_start3A_325 : memref<128xi32, #tpu.memory_space<vmem>>) semaphore(%arg20 : memref<!tpu.dma_semaphore, #tpu.memory_space<semaphore_mem>>)
    %dma_wait3A = arith.constant 0 : i32
    %dma_wait3A_328 = arith.constant 0 : i32
    %dma_wait3A_329 = arith.constant 0 : i32
    %dma_wait3A_330 = tpu.memref_slice %arg13[%dma_wait3A_328, %dma_wait3A_329] : memref<4x128xi32, #tpu.memory_space<vmem>> -> memref<1x128xi32, #tpu.memory_space<vmem>>
    %dma_wait3A_331 = tpu.memref_squeeze %dma_wait3A_330 : memref<1x128xi32, #tpu.memory_space<vmem>> -> memref<128xi32, #tpu.memory_space<vmem>>
    %dma_wait3A_332 = arith.constant 0 : i32
    %dma_wait3A_333 = tpu.memref_slice %arg12[%dma_wait3A, %dma_wait3A_332] : memref<4x128xi32, #tpu.memory_space<vmem>> -> memref<1x128xi32, #tpu.memory_space<vmem>>
    %dma_wait3A_334 = tpu.memref_squeeze %dma_wait3A_333 : memref<1x128xi32, #tpu.memory_space<vmem>> -> memref<128xi32, #tpu.memory_space<vmem>>
    %dma_wait3A_335 = arith.constant 0 : i32
    %dma_wait3A_336 = tpu.memref_slice %arg8[%dma_wait3A_335] : memref<40000000xi32, #tpu.memory_space<hbm>> -> memref<40000000xi32, #tpu.memory_space<hbm>>
    tpu.wait_indirect_dma semaphore(%arg20 : memref<!tpu.dma_semaphore, #tpu.memory_space<semaphore_mem>>) src(%dma_wait3A_336 : memref<40000000xi32, #tpu.memory_space<hbm>>) dst(%dma_wait3A_331 : memref<128xi32, #tpu.memory_space<vmem>>)
    %dma_wait3A_337 = arith.constant 1 : i32
    %dma_wait3A_338 = arith.constant 1 : i32
    %dma_wait3A_339 = arith.constant 0 : i32
    %dma_wait3A_340 = tpu.memref_slice %arg13[%dma_wait3A_338, %dma_wait3A_339] : memref<4x128xi32, #tpu.memory_space<vmem>> -> memref<1x128xi32, #tpu.memory_space<vmem>>
    %dma_wait3A_341 = tpu.memref_squeeze %dma_wait3A_340 : memref<1x128xi32, #tpu.memory_space<vmem>> -> memref<128xi32, #tpu.memory_space<vmem>>
    %dma_wait3A_342 = arith.constant 0 : i32
    %dma_wait3A_343 = tpu.memref_slice %arg12[%dma_wait3A_337, %dma_wait3A_342] : memref<4x128xi32, #tpu.memory_space<vmem>> -> memref<1x128xi32, #tpu.memory_space<vmem>>
    %dma_wait3A_344 = tpu.memref_squeeze %dma_wait3A_343 : memref<1x128xi32, #tpu.memory_space<vmem>> -> memref<128xi32, #tpu.memory_space<vmem>>
    %dma_wait3A_345 = arith.constant 0 : i32
    %dma_wait3A_346 = tpu.memref_slice %arg8[%dma_wait3A_345] : memref<40000000xi32, #tpu.memory_space<hbm>> -> memref<40000000xi32, #tpu.memory_space<hbm>>
    tpu.wait_indirect_dma semaphore(%arg20 : memref<!tpu.dma_semaphore, #tpu.memory_space<semaphore_mem>>) src(%dma_wait3A_346 : memref<40000000xi32, #tpu.memory_space<hbm>>) dst(%dma_wait3A_341 : memref<128xi32, #tpu.memory_space<vmem>>)
    %dma_wait3A_347 = arith.constant 2 : i32
    %dma_wait3A_348 = arith.constant 2 : i32
    %dma_wait3A_349 = arith.constant 0 : i32
    %dma_wait3A_350 = tpu.memref_slice %arg13[%dma_wait3A_348, %dma_wait3A_349] : memref<4x128xi32, #tpu.memory_space<vmem>> -> memref<1x128xi32, #tpu.memory_space<vmem>>
    %dma_wait3A_351 = tpu.memref_squeeze %dma_wait3A_350 : memref<1x128xi32, #tpu.memory_space<vmem>> -> memref<128xi32, #tpu.memory_space<vmem>>
    %dma_wait3A_352 = arith.constant 0 : i32
    %dma_wait3A_353 = tpu.memref_slice %arg12[%dma_wait3A_347, %dma_wait3A_352] : memref<4x128xi32, #tpu.memory_space<vmem>> -> memref<1x128xi32, #tpu.memory_space<vmem>>
    %dma_wait3A_354 = tpu.memref_squeeze %dma_wait3A_353 : memref<1x128xi32, #tpu.memory_space<vmem>> -> memref<128xi32, #tpu.memory_space<vmem>>
    %dma_wait3A_355 = arith.constant 0 : i32
    %dma_wait3A_356 = tpu.memref_slice %arg8[%dma_wait3A_355] : memref<40000000xi32, #tpu.memory_space<hbm>> -> memref<40000000xi32, #tpu.memory_space<hbm>>
    tpu.wait_indirect_dma semaphore(%arg20 : memref<!tpu.dma_semaphore, #tpu.memory_space<semaphore_mem>>) src(%dma_wait3A_356 : memref<40000000xi32, #tpu.memory_space<hbm>>) dst(%dma_wait3A_351 : memref<128xi32, #tpu.memory_space<vmem>>)
    %dma_wait3A_357 = arith.constant 3 : i32
    %dma_wait3A_358 = arith.constant 3 : i32
    %dma_wait3A_359 = arith.constant 0 : i32
    %dma_wait3A_360 = tpu.memref_slice %arg13[%dma_wait3A_358, %dma_wait3A_359] : memref<4x128xi32, #tpu.memory_space<vmem>> -> memref<1x128xi32, #tpu.memory_space<vmem>>
    %dma_wait3A_361 = tpu.memref_squeeze %dma_wait3A_360 : memref<1x128xi32, #tpu.memory_space<vmem>> -> memref<128xi32, #tpu.memory_space<vmem>>
    %dma_wait3A_362 = arith.constant 0 : i32
    %dma_wait3A_363 = tpu.memref_slice %arg12[%dma_wait3A_357, %dma_wait3A_362] : memref<4x128xi32, #tpu.memory_space<vmem>> -> memref<1x128xi32, #tpu.memory_space<vmem>>
    %dma_wait3A_364 = tpu.memref_squeeze %dma_wait3A_363 : memref<1x128xi32, #tpu.memory_space<vmem>> -> memref<128xi32, #tpu.memory_space<vmem>>
    %dma_wait3A_365 = arith.constant 0 : i32
    %dma_wait3A_366 = tpu.memref_slice %arg8[%dma_wait3A_365] : memref<40000000xi32, #tpu.memory_space<hbm>> -> memref<40000000xi32, #tpu.memory_space<hbm>>
    tpu.wait_indirect_dma semaphore(%arg20 : memref<!tpu.dma_semaphore, #tpu.memory_space<semaphore_mem>>) src(%dma_wait3A_366 : memref<40000000xi32, #tpu.memory_space<hbm>>) dst(%dma_wait3A_361 : memref<128xi32, #tpu.memory_space<vmem>>)
    %get3A_367 = arith.constant 0 : index
    %get3A_368 = tpu.vector_load %arg10[%get3A_367] {strides = array<i32>} : memref<128xi32, #tpu.memory_space<vmem>>, vector<16xi32>,
    %get3A_369 = arith.constant 0 : i32
    %get3A_370 = arith.index_cast %get3A_369 : i32 to index
    %get3A_371 = arith.constant 0 : index
    %get3A_372 = tpu.vector_load %arg13[%get3A_370, %get3A_371] {strides = array<i32>} : memref<4x128xi32, #tpu.memory_space<vmem>>, vector<16xi32>,
    %mul3A_373 = arith.constant 10000 : i32
    %mul3A_374 = vector.broadcast %mul3A_373 : i32 to vector<16xi32>
    %mul3A_375 = arith.muli %get3A_372, %mul3A_374 : vector<16xi32>
    %add3A_376 = arith.addi %mul3A_375, %get3A_368 : vector<16xi32>
    %swap3A_377 = arith.constant 0 : i32
    %swap3A_378 = arith.index_cast %swap3A_377 : i32 to index
    %swap3A_379 = arith.constant 0 : index
    %swap3A_380 = tpu.vector_load %arg14[%swap3A_378, %swap3A_379] {strides = array<i32>} : memref<4x128xi32, #tpu.memory_space<vmem>>, vector<16xi32>,
    tpu.vector_store %arg14[%swap3A_378, %swap3A_379], %add3A_376 {strides = array<i32>} : memref<4x128xi32, #tpu.memory_space<vmem>>, vector<16xi32>,
    %get3A_381 = arith.constant 1 : i32
    %get3A_382 = arith.index_cast %get3A_381 : i32 to index
    %get3A_383 = arith.constant 0 : index
    %get3A_384 = tpu.vector_load %arg13[%get3A_382, %get3A_383] {strides = array<i32>} : memref<4x128xi32, #tpu.memory_space<vmem>>, vector<16xi32>,
    %mul3A_385 = arith.constant 10000 : i32
    %mul3A_386 = vector.broadcast %mul3A_385 : i32 to vector<16xi32>
    %mul3A_387 = arith.muli %get3A_384, %mul3A_386 : vector<16xi32>
    %add3A_388 = arith.addi %mul3A_387, %get3A_368 : vector<16xi32>
    %swap3A_389 = arith.constant 1 : i32
    %swap3A_390 = arith.index_cast %swap3A_389 : i32 to index
    %swap3A_391 = arith.constant 0 : index
    %swap3A_392 = tpu.vector_load %arg14[%swap3A_390, %swap3A_391] {strides = array<i32>} : memref<4x128xi32, #tpu.memory_space<vmem>>, vector<16xi32>,
    tpu.vector_store %arg14[%swap3A_390, %swap3A_391], %add3A_388 {strides = array<i32>} : memref<4x128xi32, #tpu.memory_space<vmem>>, vector<16xi32>,
    %get3A_393 = arith.constant 2 : i32
    %get3A_394 = arith.index_cast %get3A_393 : i32 to index
    %get3A_395 = arith.constant 0 : index
    %get3A_396 = tpu.vector_load %arg13[%get3A_394, %get3A_395] {strides = array<i32>} : memref<4x128xi32, #tpu.memory_space<vmem>>, vector<16xi32>,
    %mul3A_397 = arith.constant 10000 : i32
    %mul3A_398 = vector.broadcast %mul3A_397 : i32 to vector<16xi32>
    %mul3A_399 = arith.muli %get3A_396, %mul3A_398 : vector<16xi32>
    %add3A_400 = arith.addi %mul3A_399, %get3A_368 : vector<16xi32>
    %swap3A_401 = arith.constant 2 : i32
    %swap3A_402 = arith.index_cast %swap3A_401 : i32 to index
    %swap3A_403 = arith.constant 0 : index
    %swap3A_404 = tpu.vector_load %arg14[%swap3A_402, %swap3A_403] {strides = array<i32>} : memref<4x128xi32, #tpu.memory_space<vmem>>, vector<16xi32>,
    tpu.vector_store %arg14[%swap3A_402, %swap3A_403], %add3A_400 {strides = array<i32>} : memref<4x128xi32, #tpu.memory_space<vmem>>, vector<16xi32>,
    %get3A_405 = arith.constant 3 : i32
    %get3A_406 = arith.index_cast %get3A_405 : i32 to index
    %get3A_407 = arith.constant 0 : index
    %get3A_408 = tpu.vector_load %arg13[%get3A_406, %get3A_407] {strides = array<i32>} : memref<4x128xi32, #tpu.memory_space<vmem>>, vector<16xi32>,
    %mul3A_409 = arith.constant 10000 : i32
    %mul3A_410 = vector.broadcast %mul3A_409 : i32 to vector<16xi32>
    %mul3A_411 = arith.muli %get3A_408, %mul3A_410 : vector<16xi32>
    %add3A_412 = arith.addi %mul3A_411, %get3A_368 : vector<16xi32>
    %swap3A_413 = arith.constant 3 : i32
    %swap3A_414 = arith.index_cast %swap3A_413 : i32 to index
    %swap3A_415 = arith.constant 0 : index
    %swap3A_416 = tpu.vector_load %arg14[%swap3A_414, %swap3A_415] {strides = array<i32>} : memref<4x128xi32, #tpu.memory_space<vmem>>, vector<16xi32>,
    tpu.vector_store %arg14[%swap3A_414, %swap3A_415], %add3A_412 {strides = array<i32>} : memref<4x128xi32, #tpu.memory_space<vmem>>, vector<16xi32>,
    %get3A_417 = arith.constant 16 : index
    %get3A_418 = tpu.vector_load %arg10[%get3A_417] {strides = array<i32>} : memref<128xi32, #tpu.memory_space<vmem>>, vector<16xi32>,
    %get3A_419 = arith.constant 0 : i32
    %get3A_420 = arith.index_cast %get3A_419 : i32 to index
    %get3A_421 = arith.constant 16 : index
    %get3A_422 = tpu.vector_load %arg13[%get3A_420, %get3A_421] {strides = array<i32>} : memref<4x128xi32, #tpu.memory_space<vmem>>, vector<16xi32>,
    %mul3A_423 = arith.constant 10000 : i32
    %mul3A_424 = vector.broadcast %mul3A_423 : i32 to vector<16xi32>
    %mul3A_425 = arith.muli %get3A_422, %mul3A_424 : vector<16xi32>
    %add3A_426 = arith.addi %mul3A_425, %get3A_418 : vector<16xi32>
    %swap3A_427 = arith.constant 0 : i32
    %swap3A_428 = arith.index_cast %swap3A_427 : i32 to index
    %swap3A_429 = arith.constant 16 : index
    %swap3A_430 = tpu.vector_load %arg14[%swap3A_428, %swap3A_429] {strides = array<i32>} : memref<4x128xi32, #tpu.memory_space<vmem>>, vector<16xi32>,
    tpu.vector_store %arg14[%swap3A_428, %swap3A_429], %add3A_426 {strides = array<i32>} : memref<4x128xi32, #tpu.memory_space<vmem>>, vector<16xi32>,
    %get3A_431 = arith.constant 1 : i32
    %get3A_432 = arith.index_cast %get3A_431 : i32 to index
    %get3A_433 = arith.constant 16 : index
    %get3A_434 = tpu.vector_load %arg13[%get3A_432, %get3A_433] {strides = array<i32>} : memref<4x128xi32, #tpu.memory_space<vmem>>, vector<16xi32>,
    %mul3A_435 = arith.constant 10000 : i32
    %mul3A_436 = vector.broadcast %mul3A_435 : i32 to vector<16xi32>
    %mul3A_437 = arith.muli %get3A_434, %mul3A_436 : vector<16xi32>
    %add3A_438 = arith.addi %mul3A_437, %get3A_418 : vector<16xi32>
    %swap3A_439 = arith.constant 1 : i32
    %swap3A_440 = arith.index_cast %swap3A_439 : i32 to index
    %swap3A_441 = arith.constant 16 : index
    %swap3A_442 = tpu.vector_load %arg14[%swap3A_440, %swap3A_441] {strides = array<i32>} : memref<4x128xi32, #tpu.memory_space<vmem>>, vector<16xi32>,
    tpu.vector_store %arg14[%swap3A_440, %swap3A_441], %add3A_438 {strides = array<i32>} : memref<4x128xi32, #tpu.memory_space<vmem>>, vector<16xi32>,
    %get3A_443 = arith.constant 2 : i32
    %get3A_444 = arith.index_cast %get3A_443 : i32 to index
    %get3A_445 = arith.constant 16 : index
    %get3A_446 = tpu.vector_load %arg13[%get3A_444, %get3A_445] {strides = array<i32>} : memref<4x128xi32, #tpu.memory_space<vmem>>, vector<16xi32>,
    %mul3A_447 = arith.constant 10000 : i32
    %mul3A_448 = vector.broadcast %mul3A_447 : i32 to vector<16xi32>
    %mul3A_449 = arith.muli %get3A_446, %mul3A_448 : vector<16xi32>
    %add3A_450 = arith.addi %mul3A_449, %get3A_418 : vector<16xi32>
    %swap3A_451 = arith.constant 2 : i32
    %swap3A_452 = arith.index_cast %swap3A_451 : i32 to index
    %swap3A_453 = arith.constant 16 : index
    %swap3A_454 = tpu.vector_load %arg14[%swap3A_452, %swap3A_453] {strides = array<i32>} : memref<4x128xi32, #tpu.memory_space<vmem>>, vector<16xi32>,
    tpu.vector_store %arg14[%swap3A_452, %swap3A_453], %add3A_450 {strides = array<i32>} : memref<4x128xi32, #tpu.memory_space<vmem>>, vector<16xi32>,
    %get3A_455 = arith.constant 3 : i32
    %get3A_456 = arith.index_cast %get3A_455 : i32 to index
    %get3A_457 = arith.constant 16 : index
    %get3A_458 = tpu.vector_load %arg13[%get3A_456, %get3A_457] {strides = array<i32>} : memref<4x128xi32, #tpu.memory_space<vmem>>, vector<16xi32>,
    %mul3A_459 = arith.constant 10000 : i32
    %mul3A_460 = vector.broadcast %mul3A_459 : i32 to vector<16xi32>
    %mul3A_461 = arith.muli %get3A_458, %mul3A_460 : vector<16xi32>
    %add3A_462 = arith.addi %mul3A_461, %get3A_418 : vector<16xi32>
    %swap3A_463 = arith.constant 3 : i32
    %swap3A_464 = arith.index_cast %swap3A_463 : i32 to index
    %swap3A_465 = arith.constant 16 : index
    %swap3A_466 = tpu.vector_load %arg14[%swap3A_464, %swap3A_465] {strides = array<i32>} : memref<4x128xi32, #tpu.memory_space<vmem>>, vector<16xi32>,
    tpu.vector_store %arg14[%swap3A_464, %swap3A_465], %add3A_462 {strides = array<i32>} : memref<4x128xi32, #tpu.memory_space<vmem>>, vector<16xi32>,
    %get3A_467 = arith.constant 32 : index
    %get3A_468 = tpu.vector_load %arg10[%get3A_467] {strides = array<i32>} : memref<128xi32, #tpu.memory_space<vmem>>, vector<16xi32>,
    %get3A_469 = arith.constant 0 : i32
    %get3A_470 = arith.index_cast %get3A_469 : i32 to index
    %get3A_471 = arith.constant 32 : index
    %get3A_472 = tpu.vector_load %arg13[%get3A_470, %get3A_471] {strides = array<i32>} : memref<4x128xi32, #tpu.memory_space<vmem>>, vector<16xi32>,
    %mul3A_473 = arith.constant 10000 : i32
    %mul3A_474 = vector.broadcast %mul3A_473 : i32 to vector<16xi32>
    %mul3A_475 = arith.muli %get3A_472, %mul3A_474 : vector<16xi32>
    %add3A_476 = arith.addi %mul3A_475, %get3A_468 : vector<16xi32>
    %swap3A_477 = arith.constant 0 : i32
    %swap3A_478 = arith.index_cast %swap3A_477 : i32 to index
    %swap3A_479 = arith.constant 32 : index
    %swap3A_480 = tpu.vector_load %arg14[%swap3A_478, %swap3A_479] {strides = array<i32>} : memref<4x128xi32, #tpu.memory_space<vmem>>, vector<16xi32>,
    tpu.vector_store %arg14[%swap3A_478, %swap3A_479], %add3A_476 {strides = array<i32>} : memref<4x128xi32, #tpu.memory_space<vmem>>, vector<16xi32>,
    %get3A_481 = arith.constant 1 : i32
    %get3A_482 = arith.index_cast %get3A_481 : i32 to index
    %get3A_483 = arith.constant 32 : index
    %get3A_484 = tpu.vector_load %arg13[%get3A_482, %get3A_483] {strides = array<i32>} : memref<4x128xi32, #tpu.memory_space<vmem>>, vector<16xi32>,
    %mul3A_485 = arith.constant 10000 : i32
    %mul3A_486 = vector.broadcast %mul3A_485 : i32 to vector<16xi32>
    %mul3A_487 = arith.muli %get3A_484, %mul3A_486 : vector<16xi32>
    %add3A_488 = arith.addi %mul3A_487, %get3A_468 : vector<16xi32>
    %swap3A_489 = arith.constant 1 : i32
    %swap3A_490 = arith.index_cast %swap3A_489 : i32 to index
    %swap3A_491 = arith.constant 32 : index
    %swap3A_492 = tpu.vector_load %arg14[%swap3A_490, %swap3A_491] {strides = array<i32>} : memref<4x128xi32, #tpu.memory_space<vmem>>, vector<16xi32>,
    tpu.vector_store %arg14[%swap3A_490, %swap3A_491], %add3A_488 {strides = array<i32>} : memref<4x128xi32, #tpu.memory_space<vmem>>, vector<16xi32>,
    %get3A_493 = arith.constant 2 : i32
    %get3A_494 = arith.index_cast %get3A_493 : i32 to index
    %get3A_495 = arith.constant 32 : index
    %get3A_496 = tpu.vector_load %arg13[%get3A_494, %get3A_495] {strides = array<i32>} : memref<4x128xi32, #tpu.memory_space<vmem>>, vector<16xi32>,
    %mul3A_497 = arith.constant 10000 : i32
    %mul3A_498 = vector.broadcast %mul3A_497 : i32 to vector<16xi32>
    %mul3A_499 = arith.muli %get3A_496, %mul3A_498 : vector<16xi32>
    %add3A_500 = arith.addi %mul3A_499, %get3A_468 : vector<16xi32>
    %swap3A_501 = arith.constant 2 : i32
    %swap3A_502 = arith.index_cast %swap3A_501 : i32 to index
    %swap3A_503 = arith.constant 32 : index
    %swap3A_504 = tpu.vector_load %arg14[%swap3A_502, %swap3A_503] {strides = array<i32>} : memref<4x128xi32, #tpu.memory_space<vmem>>, vector<16xi32>,
    tpu.vector_store %arg14[%swap3A_502, %swap3A_503], %add3A_500 {strides = array<i32>} : memref<4x128xi32, #tpu.memory_space<vmem>>, vector<16xi32>,
    %get3A_505 = arith.constant 3 : i32
    %get3A_506 = arith.index_cast %get3A_505 : i32 to index
    %get3A_507 = arith.constant 32 : index
    %get3A_508 = tpu.vector_load %arg13[%get3A_506, %get3A_507] {strides = array<i32>} : memref<4x128xi32, #tpu.memory_space<vmem>>, vector<16xi32>,
    %mul3A_509 = arith.constant 10000 : i32
    %mul3A_510 = vector.broadcast %mul3A_509 : i32 to vector<16xi32>
    %mul3A_511 = arith.muli %get3A_508, %mul3A_510 : vector<16xi32>
    %add3A_512 = arith.addi %mul3A_511, %get3A_468 : vector<16xi32>
    %swap3A_513 = arith.constant 3 : i32
    %swap3A_514 = arith.index_cast %swap3A_513 : i32 to index
    %swap3A_515 = arith.constant 32 : index
    %swap3A_516 = tpu.vector_load %arg14[%swap3A_514, %swap3A_515] {strides = array<i32>} : memref<4x128xi32, #tpu.memory_space<vmem>>, vector<16xi32>,
    tpu.vector_store %arg14[%swap3A_514, %swap3A_515], %add3A_512 {strides = array<i32>} : memref<4x128xi32, #tpu.memory_space<vmem>>, vector<16xi32>,
    %get3A_517 = arith.constant 48 : index
    %get3A_518 = tpu.vector_load %arg10[%get3A_517] {strides = array<i32>} : memref<128xi32, #tpu.memory_space<vmem>>, vector<16xi32>,
    %get3A_519 = arith.constant 0 : i32
    %get3A_520 = arith.index_cast %get3A_519 : i32 to index
    %get3A_521 = arith.constant 48 : index
    %get3A_522 = tpu.vector_load %arg13[%get3A_520, %get3A_521] {strides = array<i32>} : memref<4x128xi32, #tpu.memory_space<vmem>>, vector<16xi32>,
    %mul3A_523 = arith.constant 10000 : i32
    %mul3A_524 = vector.broadcast %mul3A_523 : i32 to vector<16xi32>
    %mul3A_525 = arith.muli %get3A_522, %mul3A_524 : vector<16xi32>
    %add3A_526 = arith.addi %mul3A_525, %get3A_518 : vector<16xi32>
    %swap3A_527 = arith.constant 0 : i32
    %swap3A_528 = arith.index_cast %swap3A_527 : i32 to index
    %swap3A_529 = arith.constant 48 : index
    %swap3A_530 = tpu.vector_load %arg14[%swap3A_528, %swap3A_529] {strides = array<i32>} : memref<4x128xi32, #tpu.memory_space<vmem>>, vector<16xi32>,
    tpu.vector_store %arg14[%swap3A_528, %swap3A_529], %add3A_526 {strides = array<i32>} : memref<4x128xi32, #tpu.memory_space<vmem>>, vector<16xi32>,
    %get3A_531 = arith.constant 1 : i32
    %get3A_532 = arith.index_cast %get3A_531 : i32 to index
    %get3A_533 = arith.constant 48 : index
    %get3A_534 = tpu.vector_load %arg13[%get3A_532, %get3A_533] {strides = array<i32>} : memref<4x128xi32, #tpu.memory_space<vmem>>, vector<16xi32>,
    %mul3A_535 = arith.constant 10000 : i32
    %mul3A_536 = vector.broadcast %mul3A_535 : i32 to vector<16xi32>
    %mul3A_537 = arith.muli %get3A_534, %mul3A_536 : vector<16xi32>
    %add3A_538 = arith.addi %mul3A_537, %get3A_518 : vector<16xi32>
    %swap3A_539 = arith.constant 1 : i32
    %swap3A_540 = arith.index_cast %swap3A_539 : i32 to index
    %swap3A_541 = arith.constant 48 : index
    %swap3A_542 = tpu.vector_load %arg14[%swap3A_540, %swap3A_541] {strides = array<i32>} : memref<4x128xi32, #tpu.memory_space<vmem>>, vector<16xi32>,
    tpu.vector_store %arg14[%swap3A_540, %swap3A_541], %add3A_538 {strides = array<i32>} : memref<4x128xi32, #tpu.memory_space<vmem>>, vector<16xi32>,
    %get3A_543 = arith.constant 2 : i32
    %get3A_544 = arith.index_cast %get3A_543 : i32 to index
    %get3A_545 = arith.constant 48 : index
    %get3A_546 = tpu.vector_load %arg13[%get3A_544, %get3A_545] {strides = array<i32>} : memref<4x128xi32, #tpu.memory_space<vmem>>, vector<16xi32>,
    %mul3A_547 = arith.constant 10000 : i32
    %mul3A_548 = vector.broadcast %mul3A_547 : i32 to vector<16xi32>
    %mul3A_549 = arith.muli %get3A_546, %mul3A_548 : vector<16xi32>
    %add3A_550 = arith.addi %mul3A_549, %get3A_518 : vector<16xi32>
    %swap3A_551 = arith.constant 2 : i32
    %swap3A_552 = arith.index_cast %swap3A_551 : i32 to index
    %swap3A_553 = arith.constant 48 : index
    %swap3A_554 = tpu.vector_load %arg14[%swap3A_552, %swap3A_553] {strides = array<i32>} : memref<4x128xi32, #tpu.memory_space<vmem>>, vector<16xi32>,
    tpu.vector_store %arg14[%swap3A_552, %swap3A_553], %add3A_550 {strides = array<i32>} : memref<4x128xi32, #tpu.memory_space<vmem>>, vector<16xi32>,
    %get3A_555 = arith.constant 3 : i32
    %get3A_556 = arith.index_cast %get3A_555 : i32 to index
    %get3A_557 = arith.constant 48 : index
    %get3A_558 = tpu.vector_load %arg13[%get3A_556, %get3A_557] {strides = array<i32>} : memref<4x128xi32, #tpu.memory_space<vmem>>, vector<16xi32>,
    %mul3A_559 = arith.constant 10000 : i32
    %mul3A_560 = vector.broadcast %mul3A_559 : i32 to vector<16xi32>
    %mul3A_561 = arith.muli %get3A_558, %mul3A_560 : vector<16xi32>
    %add3A_562 = arith.addi %mul3A_561, %get3A_518 : vector<16xi32>
    %swap3A_563 = arith.constant 3 : i32
    %swap3A_564 = arith.index_cast %swap3A_563 : i32 to index
    %swap3A_565 = arith.constant 48 : index
    %swap3A_566 = tpu.vector_load %arg14[%swap3A_564, %swap3A_565] {strides = array<i32>} : memref<4x128xi32, #tpu.memory_space<vmem>>, vector<16xi32>,
    tpu.vector_store %arg14[%swap3A_564, %swap3A_565], %add3A_562 {strides = array<i32>} : memref<4x128xi32, #tpu.memory_space<vmem>>, vector<16xi32>,
    %get3A_567 = arith.constant 64 : index
    %get3A_568 = tpu.vector_load %arg10[%get3A_567] {strides = array<i32>} : memref<128xi32, #tpu.memory_space<vmem>>, vector<16xi32>,
    %get3A_569 = arith.constant 0 : i32
    %get3A_570 = arith.index_cast %get3A_569 : i32 to index
    %get3A_571 = arith.constant 64 : index
    %get3A_572 = tpu.vector_load %arg13[%get3A_570, %get3A_571] {strides = array<i32>} : memref<4x128xi32, #tpu.memory_space<vmem>>, vector<16xi32>,
    %mul3A_573 = arith.constant 10000 : i32
    %mul3A_574 = vector.broadcast %mul3A_573 : i32 to vector<16xi32>
    %mul3A_575 = arith.muli %get3A_572, %mul3A_574 : vector<16xi32>
    %add3A_576 = arith.addi %mul3A_575, %get3A_568 : vector<16xi32>
    %swap3A_577 = arith.constant 0 : i32
    %swap3A_578 = arith.index_cast %swap3A_577 : i32 to index
    %swap3A_579 = arith.constant 64 : index
    %swap3A_580 = tpu.vector_load %arg14[%swap3A_578, %swap3A_579] {strides = array<i32>} : memref<4x128xi32, #tpu.memory_space<vmem>>, vector<16xi32>,
    tpu.vector_store %arg14[%swap3A_578, %swap3A_579], %add3A_576 {strides = array<i32>} : memref<4x128xi32, #tpu.memory_space<vmem>>, vector<16xi32>,
    %get3A_581 = arith.constant 1 : i32
    %get3A_582 = arith.index_cast %get3A_581 : i32 to index
    %get3A_583 = arith.constant 64 : index
    %get3A_584 = tpu.vector_load %arg13[%get3A_582, %get3A_583] {strides = array<i32>} : memref<4x128xi32, #tpu.memory_space<vmem>>, vector<16xi32>,
    %mul3A_585 = arith.constant 10000 : i32
    %mul3A_586 = vector.broadcast %mul3A_585 : i32 to vector<16xi32>
    %mul3A_587 = arith.muli %get3A_584, %mul3A_586 : vector<16xi32>
    %add3A_588 = arith.addi %mul3A_587, %get3A_568 : vector<16xi32>
    %swap3A_589 = arith.constant 1 : i32
    %swap3A_590 = arith.index_cast %swap3A_589 : i32 to index
    %swap3A_591 = arith.constant 64 : index
    %swap3A_592 = tpu.vector_load %arg14[%swap3A_590, %swap3A_591] {strides = array<i32>} : memref<4x128xi32, #tpu.memory_space<vmem>>, vector<16xi32>,
    tpu.vector_store %arg14[%swap3A_590, %swap3A_591], %add3A_588 {strides = array<i32>} : memref<4x128xi32, #tpu.memory_space<vmem>>, vector<16xi32>,
    %get3A_593 = arith.constant 2 : i32
    %get3A_594 = arith.index_cast %get3A_593 : i32 to index
    %get3A_595 = arith.constant 64 : index
    %get3A_596 = tpu.vector_load %arg13[%get3A_594, %get3A_595] {strides = array<i32>} : memref<4x128xi32, #tpu.memory_space<vmem>>, vector<16xi32>,
    %mul3A_597 = arith.constant 10000 : i32
    %mul3A_598 = vector.broadcast %mul3A_597 : i32 to vector<16xi32>
    %mul3A_599 = arith.muli %get3A_596, %mul3A_598 : vector<16xi32>
    %add3A_600 = arith.addi %mul3A_599, %get3A_568 : vector<16xi32>
    %swap3A_601 = arith.constant 2 : i32
    %swap3A_602 = arith.index_cast %swap3A_601 : i32 to index
    %swap3A_603 = arith.constant 64 : index
    %swap3A_604 = tpu.vector_load %arg14[%swap3A_602, %swap3A_603] {strides = array<i32>} : memref<4x128xi32, #tpu.memory_space<vmem>>, vector<16xi32>,
    tpu.vector_store %arg14[%swap3A_602, %swap3A_603], %add3A_600 {strides = array<i32>} : memref<4x128xi32, #tpu.memory_space<vmem>>, vector<16xi32>,
    %get3A_605 = arith.constant 3 : i32
    %get3A_606 = arith.index_cast %get3A_605 : i32 to index
    %get3A_607 = arith.constant 64 : index
    %get3A_608 = tpu.vector_load %arg13[%get3A_606, %get3A_607] {strides = array<i32>} : memref<4x128xi32, #tpu.memory_space<vmem>>, vector<16xi32>,
    %mul3A_609 = arith.constant 10000 : i32
    %mul3A_610 = vector.broadcast %mul3A_609 : i32 to vector<16xi32>
    %mul3A_611 = arith.muli %get3A_608, %mul3A_610 : vector<16xi32>
    %add3A_612 = arith.addi %mul3A_611, %get3A_568 : vector<16xi32>
    %swap3A_613 = arith.constant 3 : i32
    %swap3A_614 = arith.index_cast %swap3A_613 : i32 to index
    %swap3A_615 = arith.constant 64 : index
    %swap3A_616 = tpu.vector_load %arg14[%swap3A_614, %swap3A_615] {strides = array<i32>} : memref<4x128xi32, #tpu.memory_space<vmem>>, vector<16xi32>,
    tpu.vector_store %arg14[%swap3A_614, %swap3A_615], %add3A_612 {strides = array<i32>} : memref<4x128xi32, #tpu.memory_space<vmem>>, vector<16xi32>,
    %get3A_617 = arith.constant 80 : index
    %get3A_618 = tpu.vector_load %arg10[%get3A_617] {strides = array<i32>} : memref<128xi32, #tpu.memory_space<vmem>>, vector<16xi32>,
    %get3A_619 = arith.constant 0 : i32
    %get3A_620 = arith.index_cast %get3A_619 : i32 to index
    %get3A_621 = arith.constant 80 : index
    %get3A_622 = tpu.vector_load %arg13[%get3A_620, %get3A_621] {strides = array<i32>} : memref<4x128xi32, #tpu.memory_space<vmem>>, vector<16xi32>,
    %mul3A_623 = arith.constant 10000 : i32
    %mul3A_624 = vector.broadcast %mul3A_623 : i32 to vector<16xi32>
    %mul3A_625 = arith.muli %get3A_622, %mul3A_624 : vector<16xi32>
    %add3A_626 = arith.addi %mul3A_625, %get3A_618 : vector<16xi32>
    %swap3A_627 = arith.constant 0 : i32
    %swap3A_628 = arith.index_cast %swap3A_627 : i32 to index
    %swap3A_629 = arith.constant 80 : index
    %swap3A_630 = tpu.vector_load %arg14[%swap3A_628, %swap3A_629] {strides = array<i32>} : memref<4x128xi32, #tpu.memory_space<vmem>>, vector<16xi32>,
    tpu.vector_store %arg14[%swap3A_628, %swap3A_629], %add3A_626 {strides = array<i32>} : memref<4x128xi32, #tpu.memory_space<vmem>>, vector<16xi32>,
    %get3A_631 = arith.constant 1 : i32
    %get3A_632 = arith.index_cast %get3A_631 : i32 to index
    %get3A_633 = arith.constant 80 : index
    %get3A_634 = tpu.vector_load %arg13[%get3A_632, %get3A_633] {strides = array<i32>} : memref<4x128xi32, #tpu.memory_space<vmem>>, vector<16xi32>,
    %mul3A_635 = arith.constant 10000 : i32
    %mul3A_636 = vector.broadcast %mul3A_635 : i32 to vector<16xi32>
    %mul3A_637 = arith.muli %get3A_634, %mul3A_636 : vector<16xi32>
    %add3A_638 = arith.addi %mul3A_637, %get3A_618 : vector<16xi32>
    %swap3A_639 = arith.constant 1 : i32
    %swap3A_640 = arith.index_cast %swap3A_639 : i32 to index
    %swap3A_641 = arith.constant 80 : index
    %swap3A_642 = tpu.vector_load %arg14[%swap3A_640, %swap3A_641] {strides = array<i32>} : memref<4x128xi32, #tpu.memory_space<vmem>>, vector<16xi32>,
    tpu.vector_store %arg14[%swap3A_640, %swap3A_641], %add3A_638 {strides = array<i32>} : memref<4x128xi32, #tpu.memory_space<vmem>>, vector<16xi32>,
    %get3A_643 = arith.constant 2 : i32
    %get3A_644 = arith.index_cast %get3A_643 : i32 to index
    %get3A_645 = arith.constant 80 : index
    %get3A_646 = tpu.vector_load %arg13[%get3A_644, %get3A_645] {strides = array<i32>} : memref<4x128xi32, #tpu.memory_space<vmem>>, vector<16xi32>,
    %mul3A_647 = arith.constant 10000 : i32
    %mul3A_648 = vector.broadcast %mul3A_647 : i32 to vector<16xi32>
    %mul3A_649 = arith.muli %get3A_646, %mul3A_648 : vector<16xi32>
    %add3A_650 = arith.addi %mul3A_649, %get3A_618 : vector<16xi32>
    %swap3A_651 = arith.constant 2 : i32
    %swap3A_652 = arith.index_cast %swap3A_651 : i32 to index
    %swap3A_653 = arith.constant 80 : index
    %swap3A_654 = tpu.vector_load %arg14[%swap3A_652, %swap3A_653] {strides = array<i32>} : memref<4x128xi32, #tpu.memory_space<vmem>>, vector<16xi32>,
    tpu.vector_store %arg14[%swap3A_652, %swap3A_653], %add3A_650 {strides = array<i32>} : memref<4x128xi32, #tpu.memory_space<vmem>>, vector<16xi32>,
    %get3A_655 = arith.constant 3 : i32
    %get3A_656 = arith.index_cast %get3A_655 : i32 to index
    %get3A_657 = arith.constant 80 : index
    %get3A_658 = tpu.vector_load %arg13[%get3A_656, %get3A_657] {strides = array<i32>} : memref<4x128xi32, #tpu.memory_space<vmem>>, vector<16xi32>,
    %mul3A_659 = arith.constant 10000 : i32
    %mul3A_660 = vector.broadcast %mul3A_659 : i32 to vector<16xi32>
    %mul3A_661 = arith.muli %get3A_658, %mul3A_660 : vector<16xi32>
    %add3A_662 = arith.addi %mul3A_661, %get3A_618 : vector<16xi32>
    %swap3A_663 = arith.constant 3 : i32
    %swap3A_664 = arith.index_cast %swap3A_663 : i32 to index
    %swap3A_665 = arith.constant 80 : index
    %swap3A_666 = tpu.vector_load %arg14[%swap3A_664, %swap3A_665] {strides = array<i32>} : memref<4x128xi32, #tpu.memory_space<vmem>>, vector<16xi32>,
    tpu.vector_store %arg14[%swap3A_664, %swap3A_665], %add3A_662 {strides = array<i32>} : memref<4x128xi32, #tpu.memory_space<vmem>>, vector<16xi32>,
    %get3A_667 = arith.constant 96 : index
    %get3A_668 = tpu.vector_load %arg10[%get3A_667] {strides = array<i32>} : memref<128xi32, #tpu.memory_space<vmem>>, vector<16xi32>,
    %get3A_669 = arith.constant 0 : i32
    %get3A_670 = arith.index_cast %get3A_669 : i32 to index
    %get3A_671 = arith.constant 96 : index
    %get3A_672 = tpu.vector_load %arg13[%get3A_670, %get3A_671] {strides = array<i32>} : memref<4x128xi32, #tpu.memory_space<vmem>>, vector<16xi32>,
    %mul3A_673 = arith.constant 10000 : i32
    %mul3A_674 = vector.broadcast %mul3A_673 : i32 to vector<16xi32>
    %mul3A_675 = arith.muli %get3A_672, %mul3A_674 : vector<16xi32>
    %add3A_676 = arith.addi %mul3A_675, %get3A_668 : vector<16xi32>
    %swap3A_677 = arith.constant 0 : i32
    %swap3A_678 = arith.index_cast %swap3A_677 : i32 to index
    %swap3A_679 = arith.constant 96 : index
    %swap3A_680 = tpu.vector_load %arg14[%swap3A_678, %swap3A_679] {strides = array<i32>} : memref<4x128xi32, #tpu.memory_space<vmem>>, vector<16xi32>,
    tpu.vector_store %arg14[%swap3A_678, %swap3A_679], %add3A_676 {strides = array<i32>} : memref<4x128xi32, #tpu.memory_space<vmem>>, vector<16xi32>,
    %get3A_681 = arith.constant 1 : i32
    %get3A_682 = arith.index_cast %get3A_681 : i32 to index
    %get3A_683 = arith.constant 96 : index
    %get3A_684 = tpu.vector_load %arg13[%get3A_682, %get3A_683] {strides = array<i32>} : memref<4x128xi32, #tpu.memory_space<vmem>>, vector<16xi32>,
    %mul3A_685 = arith.constant 10000 : i32
    %mul3A_686 = vector.broadcast %mul3A_685 : i32 to vector<16xi32>
    %mul3A_687 = arith.muli %get3A_684, %mul3A_686 : vector<16xi32>
    %add3A_688 = arith.addi %mul3A_687, %get3A_668 : vector<16xi32>
    %swap3A_689 = arith.constant 1 : i32
    %swap3A_690 = arith.index_cast %swap3A_689 : i32 to index
    %swap3A_691 = arith.constant 96 : index
    %swap3A_692 = tpu.vector_load %arg14[%swap3A_690, %swap3A_691] {strides = array<i32>} : memref<4x128xi32, #tpu.memory_space<vmem>>, vector<16xi32>,
    tpu.vector_store %arg14[%swap3A_690, %swap3A_691], %add3A_688 {strides = array<i32>} : memref<4x128xi32, #tpu.memory_space<vmem>>, vector<16xi32>,
    %get3A_693 = arith.constant 2 : i32
    %get3A_694 = arith.index_cast %get3A_693 : i32 to index
    %get3A_695 = arith.constant 96 : index
    %get3A_696 = tpu.vector_load %arg13[%get3A_694, %get3A_695] {strides = array<i32>} : memref<4x128xi32, #tpu.memory_space<vmem>>, vector<16xi32>,
    %mul3A_697 = arith.constant 10000 : i32
    %mul3A_698 = vector.broadcast %mul3A_697 : i32 to vector<16xi32>
    %mul3A_699 = arith.muli %get3A_696, %mul3A_698 : vector<16xi32>
    %add3A_700 = arith.addi %mul3A_699, %get3A_668 : vector<16xi32>
    %swap3A_701 = arith.constant 2 : i32
    %swap3A_702 = arith.index_cast %swap3A_701 : i32 to index
    %swap3A_703 = arith.constant 96 : index
    %swap3A_704 = tpu.vector_load %arg14[%swap3A_702, %swap3A_703] {strides = array<i32>} : memref<4x128xi32, #tpu.memory_space<vmem>>, vector<16xi32>,
    tpu.vector_store %arg14[%swap3A_702, %swap3A_703], %add3A_700 {strides = array<i32>} : memref<4x128xi32, #tpu.memory_space<vmem>>, vector<16xi32>,
    %get3A_705 = arith.constant 3 : i32
    %get3A_706 = arith.index_cast %get3A_705 : i32 to index
    %get3A_707 = arith.constant 96 : index
    %get3A_708 = tpu.vector_load %arg13[%get3A_706, %get3A_707] {strides = array<i32>} : memref<4x128xi32, #tpu.memory_space<vmem>>, vector<16xi32>,
    %mul3A_709 = arith.constant 10000 : i32
    %mul3A_710 = vector.broadcast %mul3A_709 : i32 to vector<16xi32>
    %mul3A_711 = arith.muli %get3A_708, %mul3A_710 : vector<16xi32>
    %add3A_712 = arith.addi %mul3A_711, %get3A_668 : vector<16xi32>
    %swap3A_713 = arith.constant 3 : i32
    %swap3A_714 = arith.index_cast %swap3A_713 : i32 to index
    %swap3A_715 = arith.constant 96 : index
    %swap3A_716 = tpu.vector_load %arg14[%swap3A_714, %swap3A_715] {strides = array<i32>} : memref<4x128xi32, #tpu.memory_space<vmem>>, vector<16xi32>,
    tpu.vector_store %arg14[%swap3A_714, %swap3A_715], %add3A_712 {strides = array<i32>} : memref<4x128xi32, #tpu.memory_space<vmem>>, vector<16xi32>,
    %get3A_717 = arith.constant 112 : index
    %get3A_718 = tpu.vector_load %arg10[%get3A_717] {strides = array<i32>} : memref<128xi32, #tpu.memory_space<vmem>>, vector<16xi32>,
    %get3A_719 = arith.constant 0 : i32
    %get3A_720 = arith.index_cast %get3A_719 : i32 to index
    %get3A_721 = arith.constant 112 : index
    %get3A_722 = tpu.vector_load %arg13[%get3A_720, %get3A_721] {strides = array<i32>} : memref<4x128xi32, #tpu.memory_space<vmem>>, vector<16xi32>,
    %mul3A_723 = arith.constant 10000 : i32
    %mul3A_724 = vector.broadcast %mul3A_723 : i32 to vector<16xi32>
    %mul3A_725 = arith.muli %get3A_722, %mul3A_724 : vector<16xi32>
    %add3A_726 = arith.addi %mul3A_725, %get3A_718 : vector<16xi32>
    %swap3A_727 = arith.constant 0 : i32
    %swap3A_728 = arith.index_cast %swap3A_727 : i32 to index
    %swap3A_729 = arith.constant 112 : index
    %swap3A_730 = tpu.vector_load %arg14[%swap3A_728, %swap3A_729] {strides = array<i32>} : memref<4x128xi32, #tpu.memory_space<vmem>>, vector<16xi32>,
    tpu.vector_store %arg14[%swap3A_728, %swap3A_729], %add3A_726 {strides = array<i32>} : memref<4x128xi32, #tpu.memory_space<vmem>>, vector<16xi32>,
    %get3A_731 = arith.constant 1 : i32
    %get3A_732 = arith.index_cast %get3A_731 : i32 to index
    %get3A_733 = arith.constant 112 : index
    %get3A_734 = tpu.vector_load %arg13[%get3A_732, %get3A_733] {strides = array<i32>} : memref<4x128xi32, #tpu.memory_space<vmem>>, vector<16xi32>,
    %mul3A_735 = arith.constant 10000 : i32
    %mul3A_736 = vector.broadcast %mul3A_735 : i32 to vector<16xi32>
    %mul3A_737 = arith.muli %get3A_734, %mul3A_736 : vector<16xi32>
    %add3A_738 = arith.addi %mul3A_737, %get3A_718 : vector<16xi32>
    %swap3A_739 = arith.constant 1 : i32
    %swap3A_740 = arith.index_cast %swap3A_739 : i32 to index
    %swap3A_741 = arith.constant 112 : index
    %swap3A_742 = tpu.vector_load %arg14[%swap3A_740, %swap3A_741] {strides = array<i32>} : memref<4x128xi32, #tpu.memory_space<vmem>>, vector<16xi32>,
    tpu.vector_store %arg14[%swap3A_740, %swap3A_741], %add3A_738 {strides = array<i32>} : memref<4x128xi32, #tpu.memory_space<vmem>>, vector<16xi32>,
    %get3A_743 = arith.constant 2 : i32
    %get3A_744 = arith.index_cast %get3A_743 : i32 to index
    %get3A_745 = arith.constant 112 : index
    %get3A_746 = tpu.vector_load %arg13[%get3A_744, %get3A_745] {strides = array<i32>} : memref<4x128xi32, #tpu.memory_space<vmem>>, vector<16xi32>,
    %mul3A_747 = arith.constant 10000 : i32
    %mul3A_748 = vector.broadcast %mul3A_747 : i32 to vector<16xi32>
    %mul3A_749 = arith.muli %get3A_746, %mul3A_748 : vector<16xi32>
    %add3A_750 = arith.addi %mul3A_749, %get3A_718 : vector<16xi32>
    %swap3A_751 = arith.constant 2 : i32
    %swap3A_752 = arith.index_cast %swap3A_751 : i32 to index
    %swap3A_753 = arith.constant 112 : index
    %swap3A_754 = tpu.vector_load %arg14[%swap3A_752, %swap3A_753] {strides = array<i32>} : memref<4x128xi32, #tpu.memory_space<vmem>>, vector<16xi32>,
    tpu.vector_store %arg14[%swap3A_752, %swap3A_753], %add3A_750 {strides = array<i32>} : memref<4x128xi32, #tpu.memory_space<vmem>>, vector<16xi32>,
    %get3A_755 = arith.constant 3 : i32
    %get3A_756 = arith.index_cast %get3A_755 : i32 to index
    %get3A_757 = arith.constant 112 : index
    %get3A_758 = tpu.vector_load %arg13[%get3A_756, %get3A_757] {strides = array<i32>} : memref<4x128xi32, #tpu.memory_space<vmem>>, vector<16xi32>,
    %mul3A_759 = arith.constant 10000 : i32
    %mul3A_760 = vector.broadcast %mul3A_759 : i32 to vector<16xi32>
    %mul3A_761 = arith.muli %get3A_758, %mul3A_760 : vector<16xi32>
    %add3A_762 = arith.addi %mul3A_761, %get3A_718 : vector<16xi32>
    %swap3A_763 = arith.constant 3 : i32
    %swap3A_764 = arith.index_cast %swap3A_763 : i32 to index
    %swap3A_765 = arith.constant 112 : index
    %swap3A_766 = tpu.vector_load %arg14[%swap3A_764, %swap3A_765] {strides = array<i32>} : memref<4x128xi32, #tpu.memory_space<vmem>>, vector<16xi32>,
    tpu.vector_store %arg14[%swap3A_764, %swap3A_765], %add3A_762 {strides = array<i32>} : memref<4x128xi32, #tpu.memory_space<vmem>>, vector<16xi32>,
    %dma_start3A_767 = arith.constant 0 : i32
    %dma_start3A_768 = arith.constant 0 : i32
    %dma_start3A_769 = tpu.memref_slice %arg4[%dma_start3A_767, %dma_start3A_768] : memref<10000x128xf32, #tpu.memory_space<hbm>> -> memref<10000x128xf32, #tpu.memory_space<hbm>>
    tpu.enqueue_indirect_dma source(%dma_start3A_769 : memref<10000x128xf32, #tpu.memory_space<hbm>>) target(%arg16 : memref<128x128xf32, #tpu.memory_space<vmem>>) offsets(%arg10 : memref<128xi32, #tpu.memory_space<vmem>>) semaphore(%arg20 : memref<!tpu.dma_semaphore, #tpu.memory_space<semaphore_mem>>)
    %dma_start3A_770 = arith.constant 0 : i32
    %dma_start3A_771 = arith.constant 0 : i32
    %dma_start3A_772 = arith.constant 0 : i32
    %dma_start3A_773 = arith.constant 0 : i32
    %dma_start3A_774 = tpu.memref_slice %arg17[%dma_start3A_771, %dma_start3A_772, %dma_start3A_773] : memref<4x128x128xf32, #tpu.memory_space<vmem>> -> memref<1x128x128xf32, #tpu.memory_space<vmem>>
    %dma_start3A_775 = tpu.memref_squeeze %dma_start3A_774 : memref<1x128x128xf32, #tpu.memory_space<vmem>> -> memref<128x128xf32, #tpu.memory_space<vmem>>
    %dma_start3A_776 = arith.constant 0 : i32
    %dma_start3A_777 = tpu.memref_slice %arg13[%dma_start3A_770, %dma_start3A_776] : memref<4x128xi32, #tpu.memory_space<vmem>> -> memref<1x128xi32, #tpu.memory_space<vmem>>
    %dma_start3A_778 = tpu.memref_squeeze %dma_start3A_777 : memref<1x128xi32, #tpu.memory_space<vmem>> -> memref<128xi32, #tpu.memory_space<vmem>>
    %dma_start3A_779 = arith.constant 0 : i32
    %dma_start3A_780 = arith.constant 0 : i32
    %dma_start3A_781 = tpu.memref_slice %arg5[%dma_start3A_779, %dma_start3A_780] : memref<5000x128xf32, #tpu.memory_space<hbm>> -> memref<5000x128xf32, #tpu.memory_space<hbm>>
    tpu.enqueue_indirect_dma source(%dma_start3A_781 : memref<5000x128xf32, #tpu.memory_space<hbm>>) target(%dma_start3A_775 : memref<128x128xf32, #tpu.memory_space<vmem>>) offsets(%dma_start3A_778 : memref<128xi32, #tpu.memory_space<vmem>>) semaphore(%arg20 : memref<!tpu.dma_semaphore, #tpu.memory_space<semaphore_mem>>)
    %dma_start3A_782 = arith.constant 0 : i32
    %dma_start3A_783 = arith.constant 0 : i32
    %dma_start3A_784 = arith.constant 0 : i32
    %dma_start3A_785 = tpu.memref_slice %arg15[%dma_start3A_783, %dma_start3A_784] : memref<4x128xf32, #tpu.memory_space<vmem>> -> memref<1x128xf32, #tpu.memory_space<vmem>>
    %dma_start3A_786 = tpu.memref_squeeze %dma_start3A_785 : memref<1x128xf32, #tpu.memory_space<vmem>> -> memref<128xf32, #tpu.memory_space<vmem>>
    %dma_start3A_787 = arith.constant 0 : i32
    %dma_start3A_788 = tpu.memref_slice %arg14[%dma_start3A_782, %dma_start3A_787] : memref<4x128xi32, #tpu.memory_space<vmem>> -> memref<1x128xi32, #tpu.memory_space<vmem>>
    %dma_start3A_789 = tpu.memref_squeeze %dma_start3A_788 : memref<1x128xi32, #tpu.memory_space<vmem>> -> memref<128xi32, #tpu.memory_space<vmem>>
    %dma_start3A_790 = arith.constant 0 : i32
    %dma_start3A_791 = tpu.memref_slice %arg6[%dma_start3A_790] : memref<50000000xf32, #tpu.memory_space<hbm>> -> memref<50000000xf32, #tpu.memory_space<hbm>>
    tpu.enqueue_indirect_dma source(%dma_start3A_791 : memref<50000000xf32, #tpu.memory_space<hbm>>) target(%dma_start3A_786 : memref<128xf32, #tpu.memory_space<vmem>>) offsets(%dma_start3A_789 : memref<128xi32, #tpu.memory_space<vmem>>) semaphore(%arg20 : memref<!tpu.dma_semaphore, #tpu.memory_space<semaphore_mem>>)
    %dma_start3A_792 = arith.constant 1 : i32
    %dma_start3A_793 = arith.constant 1 : i32
    %dma_start3A_794 = arith.constant 0 : i32
    %dma_start3A_795 = arith.constant 0 : i32
    %dma_start3A_796 = tpu.memref_slice %arg17[%dma_start3A_793, %dma_start3A_794, %dma_start3A_795] : memref<4x128x128xf32, #tpu.memory_space<vmem>> -> memref<1x128x128xf32, #tpu.memory_space<vmem>>
    %dma_start3A_797 = tpu.memref_squeeze %dma_start3A_796 : memref<1x128x128xf32, #tpu.memory_space<vmem>> -> memref<128x128xf32, #tpu.memory_space<vmem>>
    %dma_start3A_798 = arith.constant 0 : i32
    %dma_start3A_799 = tpu.memref_slice %arg13[%dma_start3A_792, %dma_start3A_798] : memref<4x128xi32, #tpu.memory_space<vmem>> -> memref<1x128xi32, #tpu.memory_space<vmem>>
    %dma_start3A_800 = tpu.memref_squeeze %dma_start3A_799 : memref<1x128xi32, #tpu.memory_space<vmem>> -> memref<128xi32, #tpu.memory_space<vmem>>
    %dma_start3A_801 = arith.constant 0 : i32
    %dma_start3A_802 = arith.constant 0 : i32
    %dma_start3A_803 = tpu.memref_slice %arg5[%dma_start3A_801, %dma_start3A_802] : memref<5000x128xf32, #tpu.memory_space<hbm>> -> memref<5000x128xf32, #tpu.memory_space<hbm>>
    tpu.enqueue_indirect_dma source(%dma_start3A_803 : memref<5000x128xf32, #tpu.memory_space<hbm>>) target(%dma_start3A_797 : memref<128x128xf32, #tpu.memory_space<vmem>>) offsets(%dma_start3A_800 : memref<128xi32, #tpu.memory_space<vmem>>) semaphore(%arg20 : memref<!tpu.dma_semaphore, #tpu.memory_space<semaphore_mem>>)
    %dma_start3A_804 = arith.constant 1 : i32
    %dma_start3A_805 = arith.constant 1 : i32
    %dma_start3A_806 = arith.constant 0 : i32
    %dma_start3A_807 = tpu.memref_slice %arg15[%dma_start3A_805, %dma_start3A_806] : memref<4x128xf32, #tpu.memory_space<vmem>> -> memref<1x128xf32, #tpu.memory_space<vmem>>
    %dma_start3A_808 = tpu.memref_squeeze %dma_start3A_807 : memref<1x128xf32, #tpu.memory_space<vmem>> -> memref<128xf32, #tpu.memory_space<vmem>>
    %dma_start3A_809 = arith.constant 0 : i32
    %dma_start3A_810 = tpu.memref_slice %arg14[%dma_start3A_804, %dma_start3A_809] : memref<4x128xi32, #tpu.memory_space<vmem>> -> memref<1x128xi32, #tpu.memory_space<vmem>>
    %dma_start3A_811 = tpu.memref_squeeze %dma_start3A_810 : memref<1x128xi32, #tpu.memory_space<vmem>> -> memref<128xi32, #tpu.memory_space<vmem>>
    %dma_start3A_812 = arith.constant 0 : i32
    %dma_start3A_813 = tpu.memref_slice %arg6[%dma_start3A_812] : memref<50000000xf32, #tpu.memory_space<hbm>> -> memref<50000000xf32, #tpu.memory_space<hbm>>
    tpu.enqueue_indirect_dma source(%dma_start3A_813 : memref<50000000xf32, #tpu.memory_space<hbm>>) target(%dma_start3A_808 : memref<128xf32, #tpu.memory_space<vmem>>) offsets(%dma_start3A_811 : memref<128xi32, #tpu.memory_space<vmem>>) semaphore(%arg20 : memref<!tpu.dma_semaphore, #tpu.memory_space<semaphore_mem>>)
    %dma_start3A_814 = arith.constant 2 : i32
    %dma_start3A_815 = arith.constant 2 : i32
    %dma_start3A_816 = arith.constant 0 : i32
    %dma_start3A_817 = arith.constant 0 : i32
    %dma_start3A_818 = tpu.memref_slice %arg17[%dma_start3A_815, %dma_start3A_816, %dma_start3A_817] : memref<4x128x128xf32, #tpu.memory_space<vmem>> -> memref<1x128x128xf32, #tpu.memory_space<vmem>>
    %dma_start3A_819 = tpu.memref_squeeze %dma_start3A_818 : memref<1x128x128xf32, #tpu.memory_space<vmem>> -> memref<128x128xf32, #tpu.memory_space<vmem>>
    %dma_start3A_820 = arith.constant 0 : i32
    %dma_start3A_821 = tpu.memref_slice %arg13[%dma_start3A_814, %dma_start3A_820] : memref<4x128xi32, #tpu.memory_space<vmem>> -> memref<1x128xi32, #tpu.memory_space<vmem>>
    %dma_start3A_822 = tpu.memref_squeeze %dma_start3A_821 : memref<1x128xi32, #tpu.memory_space<vmem>> -> memref<128xi32, #tpu.memory_space<vmem>>
    %dma_start3A_823 = arith.constant 0 : i32
    %dma_start3A_824 = arith.constant 0 : i32
    %dma_start3A_825 = tpu.memref_slice %arg5[%dma_start3A_823, %dma_start3A_824] : memref<5000x128xf32, #tpu.memory_space<hbm>> -> memref<5000x128xf32, #tpu.memory_space<hbm>>
    tpu.enqueue_indirect_dma source(%dma_start3A_825 : memref<5000x128xf32, #tpu.memory_space<hbm>>) target(%dma_start3A_819 : memref<128x128xf32, #tpu.memory_space<vmem>>) offsets(%dma_start3A_822 : memref<128xi32, #tpu.memory_space<vmem>>) semaphore(%arg20 : memref<!tpu.dma_semaphore, #tpu.memory_space<semaphore_mem>>)
    %dma_start3A_826 = arith.constant 2 : i32
    %dma_start3A_827 = arith.constant 2 : i32
    %dma_start3A_828 = arith.constant 0 : i32
    %dma_start3A_829 = tpu.memref_slice %arg15[%dma_start3A_827, %dma_start3A_828] : memref<4x128xf32, #tpu.memory_space<vmem>> -> memref<1x128xf32, #tpu.memory_space<vmem>>
    %dma_start3A_830 = tpu.memref_squeeze %dma_start3A_829 : memref<1x128xf32, #tpu.memory_space<vmem>> -> memref<128xf32, #tpu.memory_space<vmem>>
    %dma_start3A_831 = arith.constant 0 : i32
    %dma_start3A_832 = tpu.memref_slice %arg14[%dma_start3A_826, %dma_start3A_831] : memref<4x128xi32, #tpu.memory_space<vmem>> -> memref<1x128xi32, #tpu.memory_space<vmem>>
    %dma_start3A_833 = tpu.memref_squeeze %dma_start3A_832 : memref<1x128xi32, #tpu.memory_space<vmem>> -> memref<128xi32, #tpu.memory_space<vmem>>
    %dma_start3A_834 = arith.constant 0 : i32
    %dma_start3A_835 = tpu.memref_slice %arg6[%dma_start3A_834] : memref<50000000xf32, #tpu.memory_space<hbm>> -> memref<50000000xf32, #tpu.memory_space<hbm>>
    tpu.enqueue_indirect_dma source(%dma_start3A_835 : memref<50000000xf32, #tpu.memory_space<hbm>>) target(%dma_start3A_830 : memref<128xf32, #tpu.memory_space<vmem>>) offsets(%dma_start3A_833 : memref<128xi32, #tpu.memory_space<vmem>>) semaphore(%arg20 : memref<!tpu.dma_semaphore, #tpu.memory_space<semaphore_mem>>)
    %dma_start3A_836 = arith.constant 3 : i32
    %dma_start3A_837 = arith.constant 3 : i32
    %dma_start3A_838 = arith.constant 0 : i32
    %dma_start3A_839 = arith.constant 0 : i32
    %dma_start3A_840 = tpu.memref_slice %arg17[%dma_start3A_837, %dma_start3A_838, %dma_start3A_839] : memref<4x128x128xf32, #tpu.memory_space<vmem>> -> memref<1x128x128xf32, #tpu.memory_space<vmem>>
    %dma_start3A_841 = tpu.memref_squeeze %dma_start3A_840 : memref<1x128x128xf32, #tpu.memory_space<vmem>> -> memref<128x128xf32, #tpu.memory_space<vmem>>
    %dma_start3A_842 = arith.constant 0 : i32
    %dma_start3A_843 = tpu.memref_slice %arg13[%dma_start3A_836, %dma_start3A_842] : memref<4x128xi32, #tpu.memory_space<vmem>> -> memref<1x128xi32, #tpu.memory_space<vmem>>
    %dma_start3A_844 = tpu.memref_squeeze %dma_start3A_843 : memref<1x128xi32, #tpu.memory_space<vmem>> -> memref<128xi32, #tpu.memory_space<vmem>>
    %dma_start3A_845 = arith.constant 0 : i32
    %dma_start3A_846 = arith.constant 0 : i32
    %dma_start3A_847 = tpu.memref_slice %arg5[%dma_start3A_845, %dma_start3A_846] : memref<5000x128xf32, #tpu.memory_space<hbm>> -> memref<5000x128xf32, #tpu.memory_space<hbm>>
    tpu.enqueue_indirect_dma source(%dma_start3A_847 : memref<5000x128xf32, #tpu.memory_space<hbm>>) target(%dma_start3A_841 : memref<128x128xf32, #tpu.memory_space<vmem>>) offsets(%dma_start3A_844 : memref<128xi32, #tpu.memory_space<vmem>>) semaphore(%arg20 : memref<!tpu.dma_semaphore, #tpu.memory_space<semaphore_mem>>)
    %dma_start3A_848 = arith.constant 3 : i32
    %dma_start3A_849 = arith.constant 3 : i32
    %dma_start3A_850 = arith.constant 0 : i32
    %dma_start3A_851 = tpu.memref_slice %arg15[%dma_start3A_849, %dma_start3A_850] : memref<4x128xf32, #tpu.memory_space<vmem>> -> memref<1x128xf32, #tpu.memory_space<vmem>>
    %dma_start3A_852 = tpu.memref_squeeze %dma_start3A_851 : memref<1x128xf32, #tpu.memory_space<vmem>> -> memref<128xf32, #tpu.memory_space<vmem>>
    %dma_start3A_853 = arith.constant 0 : i32
    %dma_start3A_854 = tpu.memref_slice %arg14[%dma_start3A_848, %dma_start3A_853] : memref<4x128xi32, #tpu.memory_space<vmem>> -> memref<1x128xi32, #tpu.memory_space<vmem>>
    %dma_start3A_855 = tpu.memref_squeeze %dma_start3A_854 : memref<1x128xi32, #tpu.memory_space<vmem>> -> memref<128xi32, #tpu.memory_space<vmem>>
    %dma_start3A_856 = arith.constant 0 : i32
    %dma_start3A_857 = tpu.memref_slice %arg6[%dma_start3A_856] : memref<50000000xf32, #tpu.memory_space<hbm>> -> memref<50000000xf32, #tpu.memory_space<hbm>>
    tpu.enqueue_indirect_dma source(%dma_start3A_857 : memref<50000000xf32, #tpu.memory_space<hbm>>) target(%dma_start3A_852 : memref<128xf32, #tpu.memory_space<vmem>>) offsets(%dma_start3A_855 : memref<128xi32, #tpu.memory_space<vmem>>) semaphore(%arg20 : memref<!tpu.dma_semaphore, #tpu.memory_space<semaphore_mem>>)
    %dma_wait3A_858 = arith.constant 0 : i32
    %dma_wait3A_859 = arith.constant 0 : i32
    %dma_wait3A_860 = tpu.memref_slice %arg4[%dma_wait3A_858, %dma_wait3A_859] : memref<10000x128xf32, #tpu.memory_space<hbm>> -> memref<10000x128xf32, #tpu.memory_space<hbm>>
    tpu.wait_indirect_dma semaphore(%arg20 : memref<!tpu.dma_semaphore, #tpu.memory_space<semaphore_mem>>) src(%dma_wait3A_860 : memref<10000x128xf32, #tpu.memory_space<hbm>>) dst(%arg16 : memref<128x128xf32, #tpu.memory_space<vmem>>)
    %dma_wait3A_861 = arith.constant 0 : i32
    %dma_wait3A_862 = arith.constant 0 : i32
    %dma_wait3A_863 = arith.constant 0 : i32
    %dma_wait3A_864 = arith.constant 0 : i32
    %dma_wait3A_865 = tpu.memref_slice %arg17[%dma_wait3A_862, %dma_wait3A_863, %dma_wait3A_864] : memref<4x128x128xf32, #tpu.memory_space<vmem>> -> memref<1x128x128xf32, #tpu.memory_space<vmem>>
    %dma_wait3A_866 = tpu.memref_squeeze %dma_wait3A_865 : memref<1x128x128xf32, #tpu.memory_space<vmem>> -> memref<128x128xf32, #tpu.memory_space<vmem>>
    %dma_wait3A_867 = arith.constant 0 : i32
    %dma_wait3A_868 = tpu.memref_slice %arg13[%dma_wait3A_861, %dma_wait3A_867] : memref<4x128xi32, #tpu.memory_space<vmem>> -> memref<1x128xi32, #tpu.memory_space<vmem>>
    %dma_wait3A_869 = tpu.memref_squeeze %dma_wait3A_868 : memref<1x128xi32, #tpu.memory_space<vmem>> -> memref<128xi32, #tpu.memory_space<vmem>>
    %dma_wait3A_870 = arith.constant 0 : i32
    %dma_wait3A_871 = arith.constant 0 : i32
    %dma_wait3A_872 = tpu.memref_slice %arg5[%dma_wait3A_870, %dma_wait3A_871] : memref<5000x128xf32, #tpu.memory_space<hbm>> -> memref<5000x128xf32, #tpu.memory_space<hbm>>
    tpu.wait_indirect_dma semaphore(%arg20 : memref<!tpu.dma_semaphore, #tpu.memory_space<semaphore_mem>>) src(%dma_wait3A_872 : memref<5000x128xf32, #tpu.memory_space<hbm>>) dst(%dma_wait3A_866 : memref<128x128xf32, #tpu.memory_space<vmem>>)
    %dma_wait3A_873 = arith.constant 0 : i32
    %dma_wait3A_874 = arith.constant 0 : i32
    %dma_wait3A_875 = arith.constant 0 : i32
    %dma_wait3A_876 = tpu.memref_slice %arg15[%dma_wait3A_874, %dma_wait3A_875] : memref<4x128xf32, #tpu.memory_space<vmem>> -> memref<1x128xf32, #tpu.memory_space<vmem>>
    %dma_wait3A_877 = tpu.memref_squeeze %dma_wait3A_876 : memref<1x128xf32, #tpu.memory_space<vmem>> -> memref<128xf32, #tpu.memory_space<vmem>>
    %dma_wait3A_878 = arith.constant 0 : i32
    %dma_wait3A_879 = tpu.memref_slice %arg14[%dma_wait3A_873, %dma_wait3A_878] : memref<4x128xi32, #tpu.memory_space<vmem>> -> memref<1x128xi32, #tpu.memory_space<vmem>>
    %dma_wait3A_880 = tpu.memref_squeeze %dma_wait3A_879 : memref<1x128xi32, #tpu.memory_space<vmem>> -> memref<128xi32, #tpu.memory_space<vmem>>
    %dma_wait3A_881 = arith.constant 0 : i32
    %dma_wait3A_882 = tpu.memref_slice %arg6[%dma_wait3A_881] : memref<50000000xf32, #tpu.memory_space<hbm>> -> memref<50000000xf32, #tpu.memory_space<hbm>>
    tpu.wait_indirect_dma semaphore(%arg20 : memref<!tpu.dma_semaphore, #tpu.memory_space<semaphore_mem>>) src(%dma_wait3A_882 : memref<50000000xf32, #tpu.memory_space<hbm>>) dst(%dma_wait3A_877 : memref<128xf32, #tpu.memory_space<vmem>>)
    %dma_wait3A_883 = arith.constant 1 : i32
    %dma_wait3A_884 = arith.constant 1 : i32
    %dma_wait3A_885 = arith.constant 0 : i32
    %dma_wait3A_886 = arith.constant 0 : i32
    %dma_wait3A_887 = tpu.memref_slice %arg17[%dma_wait3A_884, %dma_wait3A_885, %dma_wait3A_886] : memref<4x128x128xf32, #tpu.memory_space<vmem>> -> memref<1x128x128xf32, #tpu.memory_space<vmem>>
    %dma_wait3A_888 = tpu.memref_squeeze %dma_wait3A_887 : memref<1x128x128xf32, #tpu.memory_space<vmem>> -> memref<128x128xf32, #tpu.memory_space<vmem>>
    %dma_wait3A_889 = arith.constant 0 : i32
    %dma_wait3A_890 = tpu.memref_slice %arg13[%dma_wait3A_883, %dma_wait3A_889] : memref<4x128xi32, #tpu.memory_space<vmem>> -> memref<1x128xi32, #tpu.memory_space<vmem>>
    %dma_wait3A_891 = tpu.memref_squeeze %dma_wait3A_890 : memref<1x128xi32, #tpu.memory_space<vmem>> -> memref<128xi32, #tpu.memory_space<vmem>>
    %dma_wait3A_892 = arith.constant 0 : i32
    %dma_wait3A_893 = arith.constant 0 : i32
    %dma_wait3A_894 = tpu.memref_slice %arg5[%dma_wait3A_892, %dma_wait3A_893] : memref<5000x128xf32, #tpu.memory_space<hbm>> -> memref<5000x128xf32, #tpu.memory_space<hbm>>
    tpu.wait_indirect_dma semaphore(%arg20 : memref<!tpu.dma_semaphore, #tpu.memory_space<semaphore_mem>>) src(%dma_wait3A_894 : memref<5000x128xf32, #tpu.memory_space<hbm>>) dst(%dma_wait3A_888 : memref<128x128xf32, #tpu.memory_space<vmem>>)
    %dma_wait3A_895 = arith.constant 1 : i32
    %dma_wait3A_896 = arith.constant 1 : i32
    %dma_wait3A_897 = arith.constant 0 : i32
    %dma_wait3A_898 = tpu.memref_slice %arg15[%dma_wait3A_896, %dma_wait3A_897] : memref<4x128xf32, #tpu.memory_space<vmem>> -> memref<1x128xf32, #tpu.memory_space<vmem>>
    %dma_wait3A_899 = tpu.memref_squeeze %dma_wait3A_898 : memref<1x128xf32, #tpu.memory_space<vmem>> -> memref<128xf32, #tpu.memory_space<vmem>>
    %dma_wait3A_900 = arith.constant 0 : i32
    %dma_wait3A_901 = tpu.memref_slice %arg14[%dma_wait3A_895, %dma_wait3A_900] : memref<4x128xi32, #tpu.memory_space<vmem>> -> memref<1x128xi32, #tpu.memory_space<vmem>>
    %dma_wait3A_902 = tpu.memref_squeeze %dma_wait3A_901 : memref<1x128xi32, #tpu.memory_space<vmem>> -> memref<128xi32, #tpu.memory_space<vmem>>
    %dma_wait3A_903 = arith.constant 0 : i32
    %dma_wait3A_904 = tpu.memref_slice %arg6[%dma_wait3A_903] : memref<50000000xf32, #tpu.memory_space<hbm>> -> memref<50000000xf32, #tpu.memory_space<hbm>>
    tpu.wait_indirect_dma semaphore(%arg20 : memref<!tpu.dma_semaphore, #tpu.memory_space<semaphore_mem>>) src(%dma_wait3A_904 : memref<50000000xf32, #tpu.memory_space<hbm>>) dst(%dma_wait3A_899 : memref<128xf32, #tpu.memory_space<vmem>>)
    %dma_wait3A_905 = arith.constant 2 : i32
    %dma_wait3A_906 = arith.constant 2 : i32
    %dma_wait3A_907 = arith.constant 0 : i32
    %dma_wait3A_908 = arith.constant 0 : i32
    %dma_wait3A_909 = tpu.memref_slice %arg17[%dma_wait3A_906, %dma_wait3A_907, %dma_wait3A_908] : memref<4x128x128xf32, #tpu.memory_space<vmem>> -> memref<1x128x128xf32, #tpu.memory_space<vmem>>
    %dma_wait3A_910 = tpu.memref_squeeze %dma_wait3A_909 : memref<1x128x128xf32, #tpu.memory_space<vmem>> -> memref<128x128xf32, #tpu.memory_space<vmem>>
    %dma_wait3A_911 = arith.constant 0 : i32
    %dma_wait3A_912 = tpu.memref_slice %arg13[%dma_wait3A_905, %dma_wait3A_911] : memref<4x128xi32, #tpu.memory_space<vmem>> -> memref<1x128xi32, #tpu.memory_space<vmem>>
    %dma_wait3A_913 = tpu.memref_squeeze %dma_wait3A_912 : memref<1x128xi32, #tpu.memory_space<vmem>> -> memref<128xi32, #tpu.memory_space<vmem>>
    %dma_wait3A_914 = arith.constant 0 : i32
    %dma_wait3A_915 = arith.constant 0 : i32
    %dma_wait3A_916 = tpu.memref_slice %arg5[%dma_wait3A_914, %dma_wait3A_915] : memref<5000x128xf32, #tpu.memory_space<hbm>> -> memref<5000x128xf32, #tpu.memory_space<hbm>>
    tpu.wait_indirect_dma semaphore(%arg20 : memref<!tpu.dma_semaphore, #tpu.memory_space<semaphore_mem>>) src(%dma_wait3A_916 : memref<5000x128xf32, #tpu.memory_space<hbm>>) dst(%dma_wait3A_910 : memref<128x128xf32, #tpu.memory_space<vmem>>)
    %dma_wait3A_917 = arith.constant 2 : i32
    %dma_wait3A_918 = arith.constant 2 : i32
    %dma_wait3A_919 = arith.constant 0 : i32
    %dma_wait3A_920 = tpu.memref_slice %arg15[%dma_wait3A_918, %dma_wait3A_919] : memref<4x128xf32, #tpu.memory_space<vmem>> -> memref<1x128xf32, #tpu.memory_space<vmem>>
    %dma_wait3A_921 = tpu.memref_squeeze %dma_wait3A_920 : memref<1x128xf32, #tpu.memory_space<vmem>> -> memref<128xf32, #tpu.memory_space<vmem>>
    %dma_wait3A_922 = arith.constant 0 : i32
    %dma_wait3A_923 = tpu.memref_slice %arg14[%dma_wait3A_917, %dma_wait3A_922] : memref<4x128xi32, #tpu.memory_space<vmem>> -> memref<1x128xi32, #tpu.memory_space<vmem>>
    %dma_wait3A_924 = tpu.memref_squeeze %dma_wait3A_923 : memref<1x128xi32, #tpu.memory_space<vmem>> -> memref<128xi32, #tpu.memory_space<vmem>>
    %dma_wait3A_925 = arith.constant 0 : i32
    %dma_wait3A_926 = tpu.memref_slice %arg6[%dma_wait3A_925] : memref<50000000xf32, #tpu.memory_space<hbm>> -> memref<50000000xf32, #tpu.memory_space<hbm>>
    tpu.wait_indirect_dma semaphore(%arg20 : memref<!tpu.dma_semaphore, #tpu.memory_space<semaphore_mem>>) src(%dma_wait3A_926 : memref<50000000xf32, #tpu.memory_space<hbm>>) dst(%dma_wait3A_921 : memref<128xf32, #tpu.memory_space<vmem>>)
    %dma_wait3A_927 = arith.constant 3 : i32
    %dma_wait3A_928 = arith.constant 3 : i32
    %dma_wait3A_929 = arith.constant 0 : i32
    %dma_wait3A_930 = arith.constant 0 : i32
    %dma_wait3A_931 = tpu.memref_slice %arg17[%dma_wait3A_928, %dma_wait3A_929, %dma_wait3A_930] : memref<4x128x128xf32, #tpu.memory_space<vmem>> -> memref<1x128x128xf32, #tpu.memory_space<vmem>>
    %dma_wait3A_932 = tpu.memref_squeeze %dma_wait3A_931 : memref<1x128x128xf32, #tpu.memory_space<vmem>> -> memref<128x128xf32, #tpu.memory_space<vmem>>
    %dma_wait3A_933 = arith.constant 0 : i32
    %dma_wait3A_934 = tpu.memref_slice %arg13[%dma_wait3A_927, %dma_wait3A_933] : memref<4x128xi32, #tpu.memory_space<vmem>> -> memref<1x128xi32, #tpu.memory_space<vmem>>
    %dma_wait3A_935 = tpu.memref_squeeze %dma_wait3A_934 : memref<1x128xi32, #tpu.memory_space<vmem>> -> memref<128xi32, #tpu.memory_space<vmem>>
    %dma_wait3A_936 = arith.constant 0 : i32
    %dma_wait3A_937 = arith.constant 0 : i32
    %dma_wait3A_938 = tpu.memref_slice %arg5[%dma_wait3A_936, %dma_wait3A_937] : memref<5000x128xf32, #tpu.memory_space<hbm>> -> memref<5000x128xf32, #tpu.memory_space<hbm>>
    tpu.wait_indirect_dma semaphore(%arg20 : memref<!tpu.dma_semaphore, #tpu.memory_space<semaphore_mem>>) src(%dma_wait3A_938 : memref<5000x128xf32, #tpu.memory_space<hbm>>) dst(%dma_wait3A_932 : memref<128x128xf32, #tpu.memory_space<vmem>>)
    %dma_wait3A_939 = arith.constant 3 : i32
    %dma_wait3A_940 = arith.constant 3 : i32
    %dma_wait3A_941 = arith.constant 0 : i32
    %dma_wait3A_942 = tpu.memref_slice %arg15[%dma_wait3A_940, %dma_wait3A_941] : memref<4x128xf32, #tpu.memory_space<vmem>> -> memref<1x128xf32, #tpu.memory_space<vmem>>
    %dma_wait3A_943 = tpu.memref_squeeze %dma_wait3A_942 : memref<1x128xf32, #tpu.memory_space<vmem>> -> memref<128xf32, #tpu.memory_space<vmem>>
    %dma_wait3A_944 = arith.constant 0 : i32
    %dma_wait3A_945 = tpu.memref_slice %arg14[%dma_wait3A_939, %dma_wait3A_944] : memref<4x128xi32, #tpu.memory_space<vmem>> -> memref<1x128xi32, #tpu.memory_space<vmem>>
    %dma_wait3A_946 = tpu.memref_squeeze %dma_wait3A_945 : memref<1x128xi32, #tpu.memory_space<vmem>> -> memref<128xi32, #tpu.memory_space<vmem>>
    %dma_wait3A_947 = arith.constant 0 : i32
    %dma_wait3A_948 = tpu.memref_slice %arg6[%dma_wait3A_947] : memref<50000000xf32, #tpu.memory_space<hbm>> -> memref<50000000xf32, #tpu.memory_space<hbm>>
    tpu.wait_indirect_dma semaphore(%arg20 : memref<!tpu.dma_semaphore, #tpu.memory_space<semaphore_mem>>) src(%dma_wait3A_948 : memref<50000000xf32, #tpu.memory_space<hbm>>) dst(%dma_wait3A_943 : memref<128xf32, #tpu.memory_space<vmem>>)
    tpu.wait_dma2 semaphore(%arg21 : memref<!tpu.dma_semaphore, #tpu.memory_space<semaphore_mem>>) src(%arg7 : memref<1000xf32, #tpu.memory_space<hbm>>) dst(%arg18 : memref<1000xf32, #tpu.memory_space<vmem>>)
    %add3A_949 = arith.constant 0 : i32
    %add3A_950 = vector.broadcast %add3A_949 : i32 to vector<16xi32>
    %add3A_951 = arith.addi %iota3A, %add3A_950 : vector<16xi32>
    %broadcast_in_dim3A = arith.constant 0 : i32
    %broadcast_in_dim3A_952 = vector.broadcast %broadcast_in_dim3A : i32 to vector<16xi32>
    %gather3A = tpu.vector_load_idx %arg16[%add3A_951, %broadcast_in_dim3A_952] : memref<128x128xf32, #tpu.memory_space<vmem>>[vector<16xi32>, vector<16xi32>], vector<16xf32>,
    %broadcast_in_dim3A_953 = arith.constant 1 : i32
    %broadcast_in_dim3A_954 = vector.broadcast %broadcast_in_dim3A_953 : i32 to vector<16xi32>
    %gather3A_955 = tpu.vector_load_idx %arg16[%add3A_951, %broadcast_in_dim3A_954] : memref<128x128xf32, #tpu.memory_space<vmem>>[vector<16xi32>, vector<16xi32>], vector<16xf32>,
    %broadcast_in_dim3A_956 = arith.constant 2 : i32
    %broadcast_in_dim3A_957 = vector.broadcast %broadcast_in_dim3A_956 : i32 to vector<16xi32>
    %gather3A_958 = tpu.vector_load_idx %arg16[%add3A_951, %broadcast_in_dim3A_957] : memref<128x128xf32, #tpu.memory_space<vmem>>[vector<16xi32>, vector<16xi32>], vector<16xf32>,
    %broadcast_in_dim3A_959 = arith.constant 3 : i32
    %broadcast_in_dim3A_960 = vector.broadcast %broadcast_in_dim3A_959 : i32 to vector<16xi32>
    %gather3A_961 = tpu.vector_load_idx %arg16[%add3A_951, %broadcast_in_dim3A_960] : memref<128x128xf32, #tpu.memory_space<vmem>>[vector<16xi32>, vector<16xi32>], vector<16xf32>,
    %broadcast_in_dim3A_962 = arith.constant 4 : i32
    %broadcast_in_dim3A_963 = vector.broadcast %broadcast_in_dim3A_962 : i32 to vector<16xi32>
    %gather3A_964 = tpu.vector_load_idx %arg16[%add3A_951, %broadcast_in_dim3A_963] : memref<128x128xf32, #tpu.memory_space<vmem>>[vector<16xi32>, vector<16xi32>], vector<16xf32>,
    %broadcast_in_dim3A_965 = arith.constant 5 : i32
    %broadcast_in_dim3A_966 = vector.broadcast %broadcast_in_dim3A_965 : i32 to vector<16xi32>
    %gather3A_967 = tpu.vector_load_idx %arg16[%add3A_951, %broadcast_in_dim3A_966] : memref<128x128xf32, #tpu.memory_space<vmem>>[vector<16xi32>, vector<16xi32>], vector<16xf32>,
    %broadcast_in_dim3A_968 = arith.constant 6 : i32
    %broadcast_in_dim3A_969 = vector.broadcast %broadcast_in_dim3A_968 : i32 to vector<16xi32>
    %gather3A_970 = tpu.vector_load_idx %arg16[%add3A_951, %broadcast_in_dim3A_969] : memref<128x128xf32, #tpu.memory_space<vmem>>[vector<16xi32>, vector<16xi32>], vector<16xf32>,
    %broadcast_in_dim3A_971 = arith.constant 7 : i32
    %broadcast_in_dim3A_972 = vector.broadcast %broadcast_in_dim3A_971 : i32 to vector<16xi32>
    %gather3A_973 = tpu.vector_load_idx %arg16[%add3A_951, %broadcast_in_dim3A_972] : memref<128x128xf32, #tpu.memory_space<vmem>>[vector<16xi32>, vector<16xi32>], vector<16xf32>,
    %broadcast_in_dim3A_974 = arith.constant 8 : i32
    %broadcast_in_dim3A_975 = vector.broadcast %broadcast_in_dim3A_974 : i32 to vector<16xi32>
    %gather3A_976 = tpu.vector_load_idx %arg16[%add3A_951, %broadcast_in_dim3A_975] : memref<128x128xf32, #tpu.memory_space<vmem>>[vector<16xi32>, vector<16xi32>], vector<16xf32>,
    %broadcast_in_dim3A_977 = arith.constant 9 : i32
    %broadcast_in_dim3A_978 = vector.broadcast %broadcast_in_dim3A_977 : i32 to vector<16xi32>
    %gather3A_979 = tpu.vector_load_idx %arg16[%add3A_951, %broadcast_in_dim3A_978] : memref<128x128xf32, #tpu.memory_space<vmem>>[vector<16xi32>, vector<16xi32>], vector<16xf32>,
    %get3A_980 = arith.constant 0 : index
    %get3A_981 = tpu.vector_load %arg11[%get3A_980] {strides = array<i32>} : memref<128xi32, #tpu.memory_space<vmem>>, vector<16xi32>,
    %gather3A_982 = tpu.vector_load_idx %arg18[%get3A_981] : memref<1000xf32, #tpu.memory_space<vmem>>[vector<16xi32>], vector<16xf32>,
    %broadcast_in_dim3A_983 = arith.constant 0 : i32
    %broadcast_in_dim3A_984 = vector.broadcast %broadcast_in_dim3A_983 : i32 to vector<16xi32>
    %broadcast_in_dim3A_985 = arith.constant 0.000000e+00 : f32
    %broadcast_in_dim3A_986 = vector.broadcast %broadcast_in_dim3A_985 : f32 to vector<16xf32>
    %broadcast_in_dim3A_987 = arith.constant 0 : i32
    %broadcast_in_dim3A_988 = vector.broadcast %broadcast_in_dim3A_987 : i32 to vector<16xi32>
    %gather3A_989 = tpu.vector_load_idx %arg17[%broadcast_in_dim3A_984, %add3A_951, %broadcast_in_dim3A_988] : memref<4x128x128xf32, #tpu.memory_space<vmem>>[vector<16xi32>, vector<16xi32>, vector<16xi32>], vector<16xf32>,
    %mul3A_990 = arith.mulf %gather3A, %gather3A_989 : vector<16xf32>
    %add3A_991 = arith.addf %broadcast_in_dim3A_986, %mul3A_990 : vector<16xf32>
    %broadcast_in_dim3A_992 = arith.constant 1 : i32
    %broadcast_in_dim3A_993 = vector.broadcast %broadcast_in_dim3A_992 : i32 to vector<16xi32>
    %gather3A_994 = tpu.vector_load_idx %arg17[%broadcast_in_dim3A_984, %add3A_951, %broadcast_in_dim3A_993] : memref<4x128x128xf32, #tpu.memory_space<vmem>>[vector<16xi32>, vector<16xi32>, vector<16xi32>], vector<16xf32>,
    %mul3A_995 = arith.mulf %gather3A_955, %gather3A_994 : vector<16xf32>
    %add3A_996 = arith.addf %add3A_991, %mul3A_995 : vector<16xf32>
    %broadcast_in_dim3A_997 = arith.constant 2 : i32
    %broadcast_in_dim3A_998 = vector.broadcast %broadcast_in_dim3A_997 : i32 to vector<16xi32>
    %gather3A_999 = tpu.vector_load_idx %arg17[%broadcast_in_dim3A_984, %add3A_951, %broadcast_in_dim3A_998] : memref<4x128x128xf32, #tpu.memory_space<vmem>>[vector<16xi32>, vector<16xi32>, vector<16xi32>], vector<16xf32>,
    %mul3A_1000 = arith.mulf %gather3A_958, %gather3A_999 : vector<16xf32>
    %add3A_1001 = arith.addf %add3A_996, %mul3A_1000 : vector<16xf32>
    %broadcast_in_dim3A_1002 = arith.constant 3 : i32
    %broadcast_in_dim3A_1003 = vector.broadcast %broadcast_in_dim3A_1002 : i32 to vector<16xi32>
    %gather3A_1004 = tpu.vector_load_idx %arg17[%broadcast_in_dim3A_984, %add3A_951, %broadcast_in_dim3A_1003] : memref<4x128x128xf32, #tpu.memory_space<vmem>>[vector<16xi32>, vector<16xi32>, vector<16xi32>], vector<16xf32>,
    %mul3A_1005 = arith.mulf %gather3A_961, %gather3A_1004 : vector<16xf32>
    %add3A_1006 = arith.addf %add3A_1001, %mul3A_1005 : vector<16xf32>
    %broadcast_in_dim3A_1007 = arith.constant 4 : i32
    %broadcast_in_dim3A_1008 = vector.broadcast %broadcast_in_dim3A_1007 : i32 to vector<16xi32>
    %gather3A_1009 = tpu.vector_load_idx %arg17[%broadcast_in_dim3A_984, %add3A_951, %broadcast_in_dim3A_1008] : memref<4x128x128xf32, #tpu.memory_space<vmem>>[vector<16xi32>, vector<16xi32>, vector<16xi32>], vector<16xf32>,
    %mul3A_1010 = arith.mulf %gather3A_964, %gather3A_1009 : vector<16xf32>
    %add3A_1011 = arith.addf %add3A_1006, %mul3A_1010 : vector<16xf32>
    %broadcast_in_dim3A_1012 = arith.constant 5 : i32
    %broadcast_in_dim3A_1013 = vector.broadcast %broadcast_in_dim3A_1012 : i32 to vector<16xi32>
    %gather3A_1014 = tpu.vector_load_idx %arg17[%broadcast_in_dim3A_984, %add3A_951, %broadcast_in_dim3A_1013] : memref<4x128x128xf32, #tpu.memory_space<vmem>>[vector<16xi32>, vector<16xi32>, vector<16xi32>], vector<16xf32>,
    %mul3A_1015 = arith.mulf %gather3A_967, %gather3A_1014 : vector<16xf32>
    %add3A_1016 = arith.addf %add3A_1011, %mul3A_1015 : vector<16xf32>
    %broadcast_in_dim3A_1017 = arith.constant 6 : i32
    %broadcast_in_dim3A_1018 = vector.broadcast %broadcast_in_dim3A_1017 : i32 to vector<16xi32>
    %gather3A_1019 = tpu.vector_load_idx %arg17[%broadcast_in_dim3A_984, %add3A_951, %broadcast_in_dim3A_1018] : memref<4x128x128xf32, #tpu.memory_space<vmem>>[vector<16xi32>, vector<16xi32>, vector<16xi32>], vector<16xf32>,
    %mul3A_1020 = arith.mulf %gather3A_970, %gather3A_1019 : vector<16xf32>
    %add3A_1021 = arith.addf %add3A_1016, %mul3A_1020 : vector<16xf32>
    %broadcast_in_dim3A_1022 = arith.constant 7 : i32
    %broadcast_in_dim3A_1023 = vector.broadcast %broadcast_in_dim3A_1022 : i32 to vector<16xi32>
    %gather3A_1024 = tpu.vector_load_idx %arg17[%broadcast_in_dim3A_984, %add3A_951, %broadcast_in_dim3A_1023] : memref<4x128x128xf32, #tpu.memory_space<vmem>>[vector<16xi32>, vector<16xi32>, vector<16xi32>], vector<16xf32>,
    %mul3A_1025 = arith.mulf %gather3A_973, %gather3A_1024 : vector<16xf32>
    %add3A_1026 = arith.addf %add3A_1021, %mul3A_1025 : vector<16xf32>
    %broadcast_in_dim3A_1027 = arith.constant 8 : i32
    %broadcast_in_dim3A_1028 = vector.broadcast %broadcast_in_dim3A_1027 : i32 to vector<16xi32>
    %gather3A_1029 = tpu.vector_load_idx %arg17[%broadcast_in_dim3A_984, %add3A_951, %broadcast_in_dim3A_1028] : memref<4x128x128xf32, #tpu.memory_space<vmem>>[vector<16xi32>, vector<16xi32>, vector<16xi32>], vector<16xf32>,
    %mul3A_1030 = arith.mulf %gather3A_976, %gather3A_1029 : vector<16xf32>
    %add3A_1031 = arith.addf %add3A_1026, %mul3A_1030 : vector<16xf32>
    %broadcast_in_dim3A_1032 = arith.constant 9 : i32
    %broadcast_in_dim3A_1033 = vector.broadcast %broadcast_in_dim3A_1032 : i32 to vector<16xi32>
    %gather3A_1034 = tpu.vector_load_idx %arg17[%broadcast_in_dim3A_984, %add3A_951, %broadcast_in_dim3A_1033] : memref<4x128x128xf32, #tpu.memory_space<vmem>>[vector<16xi32>, vector<16xi32>, vector<16xi32>], vector<16xf32>,
    %mul3A_1035 = arith.mulf %gather3A_979, %gather3A_1034 : vector<16xf32>
    %add3A_1036 = arith.addf %add3A_1031, %mul3A_1035 : vector<16xf32>
    %broadcast_in_dim3A_1037 = arith.constant 10 : i32
    %broadcast_in_dim3A_1038 = vector.broadcast %broadcast_in_dim3A_1037 : i32 to vector<16xi32>
    %gather3A_1039 = tpu.vector_load_idx %arg17[%broadcast_in_dim3A_984, %add3A_951, %broadcast_in_dim3A_1038] : memref<4x128x128xf32, #tpu.memory_space<vmem>>[vector<16xi32>, vector<16xi32>, vector<16xi32>], vector<16xf32>,
    %get3A_1040 = arith.constant 0 : i32
    %get3A_1041 = arith.index_cast %get3A_1040 : i32 to index
    %get3A_1042 = arith.constant 0 : index
    %get3A_1043 = tpu.vector_load %arg15[%get3A_1041, %get3A_1042] {strides = array<i32>} : memref<4x128xf32, #tpu.memory_space<vmem>>, vector<16xf32>,
    %add3A_1044 = arith.addf %add3A_1036, %gather3A_1039 : vector<16xf32>
    %mul3A_1045 = arith.mulf %get3A_1043, %add3A_1044 : vector<16xf32>
    %add3A_1046 = arith.addf %gather3A_982, %mul3A_1045 : vector<16xf32>
    %broadcast_in_dim3A_1047 = arith.constant 1 : i32
    %broadcast_in_dim3A_1048 = vector.broadcast %broadcast_in_dim3A_1047 : i32 to vector<16xi32>
    %broadcast_in_dim3A_1049 = arith.constant 0.000000e+00 : f32
    %broadcast_in_dim3A_1050 = vector.broadcast %broadcast_in_dim3A_1049 : f32 to vector<16xf32>
    %broadcast_in_dim3A_1051 = arith.constant 0 : i32
    %broadcast_in_dim3A_1052 = vector.broadcast %broadcast_in_dim3A_1051 : i32 to vector<16xi32>
    %gather3A_1053 = tpu.vector_load_idx %arg17[%broadcast_in_dim3A_1048, %add3A_951, %broadcast_in_dim3A_1052] : memref<4x128x128xf32, #tpu.memory_space<vmem>>[vector<16xi32>, vector<16xi32>, vector<16xi32>], vector<16xf32>,
    %mul3A_1054 = arith.mulf %gather3A, %gather3A_1053 : vector<16xf32>
    %add3A_1055 = arith.addf %broadcast_in_dim3A_1050, %mul3A_1054 : vector<16xf32>
    %broadcast_in_dim3A_1056 = arith.constant 1 : i32
    %broadcast_in_dim3A_1057 = vector.broadcast %broadcast_in_dim3A_1056 : i32 to vector<16xi32>
    %gather3A_1058 = tpu.vector_load_idx %arg17[%broadcast_in_dim3A_1048, %add3A_951, %broadcast_in_dim3A_1057] : memref<4x128x128xf32, #tpu.memory_space<vmem>>[vector<16xi32>, vector<16xi32>, vector<16xi32>], vector<16xf32>,
    %mul3A_1059 = arith.mulf %gather3A_955, %gather3A_1058 : vector<16xf32>
    %add3A_1060 = arith.addf %add3A_1055, %mul3A_1059 : vector<16xf32>
    %broadcast_in_dim3A_1061 = arith.constant 2 : i32
    %broadcast_in_dim3A_1062 = vector.broadcast %broadcast_in_dim3A_1061 : i32 to vector<16xi32>
    %gather3A_1063 = tpu.vector_load_idx %arg17[%broadcast_in_dim3A_1048, %add3A_951, %broadcast_in_dim3A_1062] : memref<4x128x128xf32, #tpu.memory_space<vmem>>[vector<16xi32>, vector<16xi32>, vector<16xi32>], vector<16xf32>,
    %mul3A_1064 = arith.mulf %gather3A_958, %gather3A_1063 : vector<16xf32>
    %add3A_1065 = arith.addf %add3A_1060, %mul3A_1064 : vector<16xf32>
    %broadcast_in_dim3A_1066 = arith.constant 3 : i32
    %broadcast_in_dim3A_1067 = vector.broadcast %broadcast_in_dim3A_1066 : i32 to vector<16xi32>
    %gather3A_1068 = tpu.vector_load_idx %arg17[%broadcast_in_dim3A_1048, %add3A_951, %broadcast_in_dim3A_1067] : memref<4x128x128xf32, #tpu.memory_space<vmem>>[vector<16xi32>, vector<16xi32>, vector<16xi32>], vector<16xf32>,
    %mul3A_1069 = arith.mulf %gather3A_961, %gather3A_1068 : vector<16xf32>
    %add3A_1070 = arith.addf %add3A_1065, %mul3A_1069 : vector<16xf32>
    %broadcast_in_dim3A_1071 = arith.constant 4 : i32
    %broadcast_in_dim3A_1072 = vector.broadcast %broadcast_in_dim3A_1071 : i32 to vector<16xi32>
    %gather3A_1073 = tpu.vector_load_idx %arg17[%broadcast_in_dim3A_1048, %add3A_951, %broadcast_in_dim3A_1072] : memref<4x128x128xf32, #tpu.memory_space<vmem>>[vector<16xi32>, vector<16xi32>, vector<16xi32>], vector<16xf32>,
    %mul3A_1074 = arith.mulf %gather3A_964, %gather3A_1073 : vector<16xf32>
    %add3A_1075 = arith.addf %add3A_1070, %mul3A_1074 : vector<16xf32>
    %broadcast_in_dim3A_1076 = arith.constant 5 : i32
    %broadcast_in_dim3A_1077 = vector.broadcast %broadcast_in_dim3A_1076 : i32 to vector<16xi32>
    %gather3A_1078 = tpu.vector_load_idx %arg17[%broadcast_in_dim3A_1048, %add3A_951, %broadcast_in_dim3A_1077] : memref<4x128x128xf32, #tpu.memory_space<vmem>>[vector<16xi32>, vector<16xi32>, vector<16xi32>], vector<16xf32>,
    %mul3A_1079 = arith.mulf %gather3A_967, %gather3A_1078 : vector<16xf32>
    %add3A_1080 = arith.addf %add3A_1075, %mul3A_1079 : vector<16xf32>
    %broadcast_in_dim3A_1081 = arith.constant 6 : i32
    %broadcast_in_dim3A_1082 = vector.broadcast %broadcast_in_dim3A_1081 : i32 to vector<16xi32>
    %gather3A_1083 = tpu.vector_load_idx %arg17[%broadcast_in_dim3A_1048, %add3A_951, %broadcast_in_dim3A_1082] : memref<4x128x128xf32, #tpu.memory_space<vmem>>[vector<16xi32>, vector<16xi32>, vector<16xi32>], vector<16xf32>,
    %mul3A_1084 = arith.mulf %gather3A_970, %gather3A_1083 : vector<16xf32>
    %add3A_1085 = arith.addf %add3A_1080, %mul3A_1084 : vector<16xf32>
    %broadcast_in_dim3A_1086 = arith.constant 7 : i32
    %broadcast_in_dim3A_1087 = vector.broadcast %broadcast_in_dim3A_1086 : i32 to vector<16xi32>
    %gather3A_1088 = tpu.vector_load_idx %arg17[%broadcast_in_dim3A_1048, %add3A_951, %broadcast_in_dim3A_1087] : memref<4x128x128xf32, #tpu.memory_space<vmem>>[vector<16xi32>, vector<16xi32>, vector<16xi32>], vector<16xf32>,
    %mul3A_1089 = arith.mulf %gather3A_973, %gather3A_1088 : vector<16xf32>
    %add3A_1090 = arith.addf %add3A_1085, %mul3A_1089 : vector<16xf32>
    %broadcast_in_dim3A_1091 = arith.constant 8 : i32
    %broadcast_in_dim3A_1092 = vector.broadcast %broadcast_in_dim3A_1091 : i32 to vector<16xi32>
    %gather3A_1093 = tpu.vector_load_idx %arg17[%broadcast_in_dim3A_1048, %add3A_951, %broadcast_in_dim3A_1092] : memref<4x128x128xf32, #tpu.memory_space<vmem>>[vector<16xi32>, vector<16xi32>, vector<16xi32>], vector<16xf32>,
    %mul3A_1094 = arith.mulf %gather3A_976, %gather3A_1093 : vector<16xf32>
    %add3A_1095 = arith.addf %add3A_1090, %mul3A_1094 : vector<16xf32>
    %broadcast_in_dim3A_1096 = arith.constant 9 : i32
    %broadcast_in_dim3A_1097 = vector.broadcast %broadcast_in_dim3A_1096 : i32 to vector<16xi32>
    %gather3A_1098 = tpu.vector_load_idx %arg17[%broadcast_in_dim3A_1048, %add3A_951, %broadcast_in_dim3A_1097] : memref<4x128x128xf32, #tpu.memory_space<vmem>>[vector<16xi32>, vector<16xi32>, vector<16xi32>], vector<16xf32>,
    %mul3A_1099 = arith.mulf %gather3A_979, %gather3A_1098 : vector<16xf32>
    %add3A_1100 = arith.addf %add3A_1095, %mul3A_1099 : vector<16xf32>
    %broadcast_in_dim3A_1101 = arith.constant 10 : i32
    %broadcast_in_dim3A_1102 = vector.broadcast %broadcast_in_dim3A_1101 : i32 to vector<16xi32>
    %gather3A_1103 = tpu.vector_load_idx %arg17[%broadcast_in_dim3A_1048, %add3A_951, %broadcast_in_dim3A_1102] : memref<4x128x128xf32, #tpu.memory_space<vmem>>[vector<16xi32>, vector<16xi32>, vector<16xi32>], vector<16xf32>,
    %get3A_1104 = arith.constant 1 : i32
    %get3A_1105 = arith.index_cast %get3A_1104 : i32 to index
    %get3A_1106 = arith.constant 0 : index
    %get3A_1107 = tpu.vector_load %arg15[%get3A_1105, %get3A_1106] {strides = array<i32>} : memref<4x128xf32, #tpu.memory_space<vmem>>, vector<16xf32>,
    %add3A_1108 = arith.addf %add3A_1100, %gather3A_1103 : vector<16xf32>
    %mul3A_1109 = arith.mulf %get3A_1107, %add3A_1108 : vector<16xf32>
    %add3A_1110 = arith.addf %add3A_1046, %mul3A_1109 : vector<16xf32>
    %broadcast_in_dim3A_1111 = arith.constant 2 : i32
    %broadcast_in_dim3A_1112 = vector.broadcast %broadcast_in_dim3A_1111 : i32 to vector<16xi32>
    %broadcast_in_dim3A_1113 = arith.constant 0.000000e+00 : f32
    %broadcast_in_dim3A_1114 = vector.broadcast %broadcast_in_dim3A_1113 : f32 to vector<16xf32>
    %broadcast_in_dim3A_1115 = arith.constant 0 : i32
    %broadcast_in_dim3A_1116 = vector.broadcast %broadcast_in_dim3A_1115 : i32 to vector<16xi32>
    %gather3A_1117 = tpu.vector_load_idx %arg17[%broadcast_in_dim3A_1112, %add3A_951, %broadcast_in_dim3A_1116] : memref<4x128x128xf32, #tpu.memory_space<vmem>>[vector<16xi32>, vector<16xi32>, vector<16xi32>], vector<16xf32>,
    %mul3A_1118 = arith.mulf %gather3A, %gather3A_1117 : vector<16xf32>
    %add3A_1119 = arith.addf %broadcast_in_dim3A_1114, %mul3A_1118 : vector<16xf32>
    %broadcast_in_dim3A_1120 = arith.constant 1 : i32
    %broadcast_in_dim3A_1121 = vector.broadcast %broadcast_in_dim3A_1120 : i32 to vector<16xi32>
    %gather3A_1122 = tpu.vector_load_idx %arg17[%broadcast_in_dim3A_1112, %add3A_951, %broadcast_in_dim3A_1121] : memref<4x128x128xf32, #tpu.memory_space<vmem>>[vector<16xi32>, vector<16xi32>, vector<16xi32>], vector<16xf32>,
    %mul3A_1123 = arith.mulf %gather3A_955, %gather3A_1122 : vector<16xf32>
    %add3A_1124 = arith.addf %add3A_1119, %mul3A_1123 : vector<16xf32>
    %broadcast_in_dim3A_1125 = arith.constant 2 : i32
    %broadcast_in_dim3A_1126 = vector.broadcast %broadcast_in_dim3A_1125 : i32 to vector<16xi32>
    %gather3A_1127 = tpu.vector_load_idx %arg17[%broadcast_in_dim3A_1112, %add3A_951, %broadcast_in_dim3A_1126] : memref<4x128x128xf32, #tpu.memory_space<vmem>>[vector<16xi32>, vector<16xi32>, vector<16xi32>], vector<16xf32>,
    %mul3A_1128 = arith.mulf %gather3A_958, %gather3A_1127 : vector<16xf32>
    %add3A_1129 = arith.addf %add3A_1124, %mul3A_1128 : vector<16xf32>
    %broadcast_in_dim3A_1130 = arith.constant 3 : i32
    %broadcast_in_dim3A_1131 = vector.broadcast %broadcast_in_dim3A_1130 : i32 to vector<16xi32>
    %gather3A_1132 = tpu.vector_load_idx %arg17[%broadcast_in_dim3A_1112, %add3A_951, %broadcast_in_dim3A_1131] : memref<4x128x128xf32, #tpu.memory_space<vmem>>[vector<16xi32>, vector<16xi32>, vector<16xi32>], vector<16xf32>,
    %mul3A_1133 = arith.mulf %gather3A_961, %gather3A_1132 : vector<16xf32>
    %add3A_1134 = arith.addf %add3A_1129, %mul3A_1133 : vector<16xf32>
    %broadcast_in_dim3A_1135 = arith.constant 4 : i32
    %broadcast_in_dim3A_1136 = vector.broadcast %broadcast_in_dim3A_1135 : i32 to vector<16xi32>
    %gather3A_1137 = tpu.vector_load_idx %arg17[%broadcast_in_dim3A_1112, %add3A_951, %broadcast_in_dim3A_1136] : memref<4x128x128xf32, #tpu.memory_space<vmem>>[vector<16xi32>, vector<16xi32>, vector<16xi32>], vector<16xf32>,
    %mul3A_1138 = arith.mulf %gather3A_964, %gather3A_1137 : vector<16xf32>
    %add3A_1139 = arith.addf %add3A_1134, %mul3A_1138 : vector<16xf32>
    %broadcast_in_dim3A_1140 = arith.constant 5 : i32
    %broadcast_in_dim3A_1141 = vector.broadcast %broadcast_in_dim3A_1140 : i32 to vector<16xi32>
    %gather3A_1142 = tpu.vector_load_idx %arg17[%broadcast_in_dim3A_1112, %add3A_951, %broadcast_in_dim3A_1141] : memref<4x128x128xf32, #tpu.memory_space<vmem>>[vector<16xi32>, vector<16xi32>, vector<16xi32>], vector<16xf32>,
    %mul3A_1143 = arith.mulf %gather3A_967, %gather3A_1142 : vector<16xf32>
    %add3A_1144 = arith.addf %add3A_1139, %mul3A_1143 : vector<16xf32>
    %broadcast_in_dim3A_1145 = arith.constant 6 : i32
    %broadcast_in_dim3A_1146 = vector.broadcast %broadcast_in_dim3A_1145 : i32 to vector<16xi32>
    %gather3A_1147 = tpu.vector_load_idx %arg17[%broadcast_in_dim3A_1112, %add3A_951, %broadcast_in_dim3A_1146] : memref<4x128x128xf32, #tpu.memory_space<vmem>>[vector<16xi32>, vector<16xi32>, vector<16xi32>], vector<16xf32>,
    %mul3A_1148 = arith.mulf %gather3A_970, %gather3A_1147 : vector<16xf32>
    %add3A_1149 = arith.addf %add3A_1144, %mul3A_1148 : vector<16xf32>
    %broadcast_in_dim3A_1150 = arith.constant 7 : i32
    %broadcast_in_dim3A_1151 = vector.broadcast %broadcast_in_dim3A_1150 : i32 to vector<16xi32>
    %gather3A_1152 = tpu.vector_load_idx %arg17[%broadcast_in_dim3A_1112, %add3A_951, %broadcast_in_dim3A_1151] : memref<4x128x128xf32, #tpu.memory_space<vmem>>[vector<16xi32>, vector<16xi32>, vector<16xi32>], vector<16xf32>,
    %mul3A_1153 = arith.mulf %gather3A_973, %gather3A_1152 : vector<16xf32>
    %add3A_1154 = arith.addf %add3A_1149, %mul3A_1153 : vector<16xf32>
    %broadcast_in_dim3A_1155 = arith.constant 8 : i32
    %broadcast_in_dim3A_1156 = vector.broadcast %broadcast_in_dim3A_1155 : i32 to vector<16xi32>
    %gather3A_1157 = tpu.vector_load_idx %arg17[%broadcast_in_dim3A_1112, %add3A_951, %broadcast_in_dim3A_1156] : memref<4x128x128xf32, #tpu.memory_space<vmem>>[vector<16xi32>, vector<16xi32>, vector<16xi32>], vector<16xf32>,
    %mul3A_1158 = arith.mulf %gather3A_976, %gather3A_1157 : vector<16xf32>
    %add3A_1159 = arith.addf %add3A_1154, %mul3A_1158 : vector<16xf32>
    %broadcast_in_dim3A_1160 = arith.constant 9 : i32
    %broadcast_in_dim3A_1161 = vector.broadcast %broadcast_in_dim3A_1160 : i32 to vector<16xi32>
    %gather3A_1162 = tpu.vector_load_idx %arg17[%broadcast_in_dim3A_1112, %add3A_951, %broadcast_in_dim3A_1161] : memref<4x128x128xf32, #tpu.memory_space<vmem>>[vector<16xi32>, vector<16xi32>, vector<16xi32>], vector<16xf32>,
    %mul3A_1163 = arith.mulf %gather3A_979, %gather3A_1162 : vector<16xf32>
    %add3A_1164 = arith.addf %add3A_1159, %mul3A_1163 : vector<16xf32>
    %broadcast_in_dim3A_1165 = arith.constant 10 : i32
    %broadcast_in_dim3A_1166 = vector.broadcast %broadcast_in_dim3A_1165 : i32 to vector<16xi32>
    %gather3A_1167 = tpu.vector_load_idx %arg17[%broadcast_in_dim3A_1112, %add3A_951, %broadcast_in_dim3A_1166] : memref<4x128x128xf32, #tpu.memory_space<vmem>>[vector<16xi32>, vector<16xi32>, vector<16xi32>], vector<16xf32>,
    %get3A_1168 = arith.constant 2 : i32
    %get3A_1169 = arith.index_cast %get3A_1168 : i32 to index
    %get3A_1170 = arith.constant 0 : index
    %get3A_1171 = tpu.vector_load %arg15[%get3A_1169, %get3A_1170] {strides = array<i32>} : memref<4x128xf32, #tpu.memory_space<vmem>>, vector<16xf32>,
    %add3A_1172 = arith.addf %add3A_1164, %gather3A_1167 : vector<16xf32>
    %mul3A_1173 = arith.mulf %get3A_1171, %add3A_1172 : vector<16xf32>
    %add3A_1174 = arith.addf %add3A_1110, %mul3A_1173 : vector<16xf32>
    %broadcast_in_dim3A_1175 = arith.constant 3 : i32
    %broadcast_in_dim3A_1176 = vector.broadcast %broadcast_in_dim3A_1175 : i32 to vector<16xi32>
    %broadcast_in_dim3A_1177 = arith.constant 0.000000e+00 : f32
    %broadcast_in_dim3A_1178 = vector.broadcast %broadcast_in_dim3A_1177 : f32 to vector<16xf32>
    %broadcast_in_dim3A_1179 = arith.constant 0 : i32
    %broadcast_in_dim3A_1180 = vector.broadcast %broadcast_in_dim3A_1179 : i32 to vector<16xi32>
    %gather3A_1181 = tpu.vector_load_idx %arg17[%broadcast_in_dim3A_1176, %add3A_951, %broadcast_in_dim3A_1180] : memref<4x128x128xf32, #tpu.memory_space<vmem>>[vector<16xi32>, vector<16xi32>, vector<16xi32>], vector<16xf32>,
    %mul3A_1182 = arith.mulf %gather3A, %gather3A_1181 : vector<16xf32>
    %add3A_1183 = arith.addf %broadcast_in_dim3A_1178, %mul3A_1182 : vector<16xf32>
    %broadcast_in_dim3A_1184 = arith.constant 1 : i32
    %broadcast_in_dim3A_1185 = vector.broadcast %broadcast_in_dim3A_1184 : i32 to vector<16xi32>
    %gather3A_1186 = tpu.vector_load_idx %arg17[%broadcast_in_dim3A_1176, %add3A_951, %broadcast_in_dim3A_1185] : memref<4x128x128xf32, #tpu.memory_space<vmem>>[vector<16xi32>, vector<16xi32>, vector<16xi32>], vector<16xf32>,
    %mul3A_1187 = arith.mulf %gather3A_955, %gather3A_1186 : vector<16xf32>
    %add3A_1188 = arith.addf %add3A_1183, %mul3A_1187 : vector<16xf32>
    %broadcast_in_dim3A_1189 = arith.constant 2 : i32
    %broadcast_in_dim3A_1190 = vector.broadcast %broadcast_in_dim3A_1189 : i32 to vector<16xi32>
    %gather3A_1191 = tpu.vector_load_idx %arg17[%broadcast_in_dim3A_1176, %add3A_951, %broadcast_in_dim3A_1190] : memref<4x128x128xf32, #tpu.memory_space<vmem>>[vector<16xi32>, vector<16xi32>, vector<16xi32>], vector<16xf32>,
    %mul3A_1192 = arith.mulf %gather3A_958, %gather3A_1191 : vector<16xf32>
    %add3A_1193 = arith.addf %add3A_1188, %mul3A_1192 : vector<16xf32>
    %broadcast_in_dim3A_1194 = arith.constant 3 : i32
    %broadcast_in_dim3A_1195 = vector.broadcast %broadcast_in_dim3A_1194 : i32 to vector<16xi32>
    %gather3A_1196 = tpu.vector_load_idx %arg17[%broadcast_in_dim3A_1176, %add3A_951, %broadcast_in_dim3A_1195] : memref<4x128x128xf32, #tpu.memory_space<vmem>>[vector<16xi32>, vector<16xi32>, vector<16xi32>], vector<16xf32>,
    %mul3A_1197 = arith.mulf %gather3A_961, %gather3A_1196 : vector<16xf32>
    %add3A_1198 = arith.addf %add3A_1193, %mul3A_1197 : vector<16xf32>
    %broadcast_in_dim3A_1199 = arith.constant 4 : i32
    %broadcast_in_dim3A_1200 = vector.broadcast %broadcast_in_dim3A_1199 : i32 to vector<16xi32>
    %gather3A_1201 = tpu.vector_load_idx %arg17[%broadcast_in_dim3A_1176, %add3A_951, %broadcast_in_dim3A_1200] : memref<4x128x128xf32, #tpu.memory_space<vmem>>[vector<16xi32>, vector<16xi32>, vector<16xi32>], vector<16xf32>,
    %mul3A_1202 = arith.mulf %gather3A_964, %gather3A_1201 : vector<16xf32>
    %add3A_1203 = arith.addf %add3A_1198, %mul3A_1202 : vector<16xf32>
    %broadcast_in_dim3A_1204 = arith.constant 5 : i32
    %broadcast_in_dim3A_1205 = vector.broadcast %broadcast_in_dim3A_1204 : i32 to vector<16xi32>
    %gather3A_1206 = tpu.vector_load_idx %arg17[%broadcast_in_dim3A_1176, %add3A_951, %broadcast_in_dim3A_1205] : memref<4x128x128xf32, #tpu.memory_space<vmem>>[vector<16xi32>, vector<16xi32>, vector<16xi32>], vector<16xf32>,
    %mul3A_1207 = arith.mulf %gather3A_967, %gather3A_1206 : vector<16xf32>
    %add3A_1208 = arith.addf %add3A_1203, %mul3A_1207 : vector<16xf32>
    %broadcast_in_dim3A_1209 = arith.constant 6 : i32
    %broadcast_in_dim3A_1210 = vector.broadcast %broadcast_in_dim3A_1209 : i32 to vector<16xi32>
    %gather3A_1211 = tpu.vector_load_idx %arg17[%broadcast_in_dim3A_1176, %add3A_951, %broadcast_in_dim3A_1210] : memref<4x128x128xf32, #tpu.memory_space<vmem>>[vector<16xi32>, vector<16xi32>, vector<16xi32>], vector<16xf32>,
    %mul3A_1212 = arith.mulf %gather3A_970, %gather3A_1211 : vector<16xf32>
    %add3A_1213 = arith.addf %add3A_1208, %mul3A_1212 : vector<16xf32>
    %broadcast_in_dim3A_1214 = arith.constant 7 : i32
    %broadcast_in_dim3A_1215 = vector.broadcast %broadcast_in_dim3A_1214 : i32 to vector<16xi32>
    %gather3A_1216 = tpu.vector_load_idx %arg17[%broadcast_in_dim3A_1176, %add3A_951, %broadcast_in_dim3A_1215] : memref<4x128x128xf32, #tpu.memory_space<vmem>>[vector<16xi32>, vector<16xi32>, vector<16xi32>], vector<16xf32>,
    %mul3A_1217 = arith.mulf %gather3A_973, %gather3A_1216 : vector<16xf32>
    %add3A_1218 = arith.addf %add3A_1213, %mul3A_1217 : vector<16xf32>
    %broadcast_in_dim3A_1219 = arith.constant 8 : i32
    %broadcast_in_dim3A_1220 = vector.broadcast %broadcast_in_dim3A_1219 : i32 to vector<16xi32>
    %gather3A_1221 = tpu.vector_load_idx %arg17[%broadcast_in_dim3A_1176, %add3A_951, %broadcast_in_dim3A_1220] : memref<4x128x128xf32, #tpu.memory_space<vmem>>[vector<16xi32>, vector<16xi32>, vector<16xi32>], vector<16xf32>,
    %mul3A_1222 = arith.mulf %gather3A_976, %gather3A_1221 : vector<16xf32>
    %add3A_1223 = arith.addf %add3A_1218, %mul3A_1222 : vector<16xf32>
    %broadcast_in_dim3A_1224 = arith.constant 9 : i32
    %broadcast_in_dim3A_1225 = vector.broadcast %broadcast_in_dim3A_1224 : i32 to vector<16xi32>
    %gather3A_1226 = tpu.vector_load_idx %arg17[%broadcast_in_dim3A_1176, %add3A_951, %broadcast_in_dim3A_1225] : memref<4x128x128xf32, #tpu.memory_space<vmem>>[vector<16xi32>, vector<16xi32>, vector<16xi32>], vector<16xf32>,
    %mul3A_1227 = arith.mulf %gather3A_979, %gather3A_1226 : vector<16xf32>
    %add3A_1228 = arith.addf %add3A_1223, %mul3A_1227 : vector<16xf32>
    %broadcast_in_dim3A_1229 = arith.constant 10 : i32
    %broadcast_in_dim3A_1230 = vector.broadcast %broadcast_in_dim3A_1229 : i32 to vector<16xi32>
    %gather3A_1231 = tpu.vector_load_idx %arg17[%broadcast_in_dim3A_1176, %add3A_951, %broadcast_in_dim3A_1230] : memref<4x128x128xf32, #tpu.memory_space<vmem>>[vector<16xi32>, vector<16xi32>, vector<16xi32>], vector<16xf32>,
    %get3A_1232 = arith.constant 3 : i32
    %get3A_1233 = arith.index_cast %get3A_1232 : i32 to index
    %get3A_1234 = arith.constant 0 : index
    %get3A_1235 = tpu.vector_load %arg15[%get3A_1233, %get3A_1234] {strides = array<i32>} : memref<4x128xf32, #tpu.memory_space<vmem>>, vector<16xf32>,
    %add3A_1236 = arith.addf %add3A_1228, %gather3A_1231 : vector<16xf32>
    %mul3A_1237 = arith.mulf %get3A_1235, %add3A_1236 : vector<16xf32>
    %add3A_1238 = arith.addf %add3A_1174, %mul3A_1237 : vector<16xf32>
    %swap3A_1239 = arith.constant 0 : index
    %swap3A_1240 = tpu.vector_load %arg19[%swap3A_1239] {strides = array<i32>} : memref<128xf32, #tpu.memory_space<vmem>>, vector<16xf32>,
    tpu.vector_store %arg19[%swap3A_1239], %add3A_1238 {strides = array<i32>} : memref<128xf32, #tpu.memory_space<vmem>>, vector<16xf32>,
    %add3A_1241 = arith.constant 16 : i32
    %add3A_1242 = vector.broadcast %add3A_1241 : i32 to vector<16xi32>
    %add3A_1243 = arith.addi %iota3A, %add3A_1242 : vector<16xi32>
    %broadcast_in_dim3A_1244 = arith.constant 0 : i32
    %broadcast_in_dim3A_1245 = vector.broadcast %broadcast_in_dim3A_1244 : i32 to vector<16xi32>
    %gather3A_1246 = tpu.vector_load_idx %arg16[%add3A_1243, %broadcast_in_dim3A_1245] : memref<128x128xf32, #tpu.memory_space<vmem>>[vector<16xi32>, vector<16xi32>], vector<16xf32>,
    %broadcast_in_dim3A_1247 = arith.constant 1 : i32
    %broadcast_in_dim3A_1248 = vector.broadcast %broadcast_in_dim3A_1247 : i32 to vector<16xi32>
    %gather3A_1249 = tpu.vector_load_idx %arg16[%add3A_1243, %broadcast_in_dim3A_1248] : memref<128x128xf32, #tpu.memory_space<vmem>>[vector<16xi32>, vector<16xi32>], vector<16xf32>,
    %broadcast_in_dim3A_1250 = arith.constant 2 : i32
    %broadcast_in_dim3A_1251 = vector.broadcast %broadcast_in_dim3A_1250 : i32 to vector<16xi32>
    %gather3A_1252 = tpu.vector_load_idx %arg16[%add3A_1243, %broadcast_in_dim3A_1251] : memref<128x128xf32, #tpu.memory_space<vmem>>[vector<16xi32>, vector<16xi32>], vector<16xf32>,
    %broadcast_in_dim3A_1253 = arith.constant 3 : i32
    %broadcast_in_dim3A_1254 = vector.broadcast %broadcast_in_dim3A_1253 : i32 to vector<16xi32>
    %gather3A_1255 = tpu.vector_load_idx %arg16[%add3A_1243, %broadcast_in_dim3A_1254] : memref<128x128xf32, #tpu.memory_space<vmem>>[vector<16xi32>, vector<16xi32>], vector<16xf32>,
    %broadcast_in_dim3A_1256 = arith.constant 4 : i32
    %broadcast_in_dim3A_1257 = vector.broadcast %broadcast_in_dim3A_1256 : i32 to vector<16xi32>
    %gather3A_1258 = tpu.vector_load_idx %arg16[%add3A_1243, %broadcast_in_dim3A_1257] : memref<128x128xf32, #tpu.memory_space<vmem>>[vector<16xi32>, vector<16xi32>], vector<16xf32>,
    %broadcast_in_dim3A_1259 = arith.constant 5 : i32
    %broadcast_in_dim3A_1260 = vector.broadcast %broadcast_in_dim3A_1259 : i32 to vector<16xi32>
    %gather3A_1261 = tpu.vector_load_idx %arg16[%add3A_1243, %broadcast_in_dim3A_1260] : memref<128x128xf32, #tpu.memory_space<vmem>>[vector<16xi32>, vector<16xi32>], vector<16xf32>,
    %broadcast_in_dim3A_1262 = arith.constant 6 : i32
    %broadcast_in_dim3A_1263 = vector.broadcast %broadcast_in_dim3A_1262 : i32 to vector<16xi32>
    %gather3A_1264 = tpu.vector_load_idx %arg16[%add3A_1243, %broadcast_in_dim3A_1263] : memref<128x128xf32, #tpu.memory_space<vmem>>[vector<16xi32>, vector<16xi32>], vector<16xf32>,
    %broadcast_in_dim3A_1265 = arith.constant 7 : i32
    %broadcast_in_dim3A_1266 = vector.broadcast %broadcast_in_dim3A_1265 : i32 to vector<16xi32>
    %gather3A_1267 = tpu.vector_load_idx %arg16[%add3A_1243, %broadcast_in_dim3A_1266] : memref<128x128xf32, #tpu.memory_space<vmem>>[vector<16xi32>, vector<16xi32>], vector<16xf32>,
    %broadcast_in_dim3A_1268 = arith.constant 8 : i32
    %broadcast_in_dim3A_1269 = vector.broadcast %broadcast_in_dim3A_1268 : i32 to vector<16xi32>
    %gather3A_1270 = tpu.vector_load_idx %arg16[%add3A_1243, %broadcast_in_dim3A_1269] : memref<128x128xf32, #tpu.memory_space<vmem>>[vector<16xi32>, vector<16xi32>], vector<16xf32>,
    %broadcast_in_dim3A_1271 = arith.constant 9 : i32
    %broadcast_in_dim3A_1272 = vector.broadcast %broadcast_in_dim3A_1271 : i32 to vector<16xi32>
    %gather3A_1273 = tpu.vector_load_idx %arg16[%add3A_1243, %broadcast_in_dim3A_1272] : memref<128x128xf32, #tpu.memory_space<vmem>>[vector<16xi32>, vector<16xi32>], vector<16xf32>,
    %get3A_1274 = arith.constant 16 : index
    %get3A_1275 = tpu.vector_load %arg11[%get3A_1274] {strides = array<i32>} : memref<128xi32, #tpu.memory_space<vmem>>, vector<16xi32>,
    %gather3A_1276 = tpu.vector_load_idx %arg18[%get3A_1275] : memref<1000xf32, #tpu.memory_space<vmem>>[vector<16xi32>], vector<16xf32>,
    %broadcast_in_dim3A_1277 = arith.constant 0 : i32
    %broadcast_in_dim3A_1278 = vector.broadcast %broadcast_in_dim3A_1277 : i32 to vector<16xi32>
    %broadcast_in_dim3A_1279 = arith.constant 0.000000e+00 : f32
    %broadcast_in_dim3A_1280 = vector.broadcast %broadcast_in_dim3A_1279 : f32 to vector<16xf32>
    %broadcast_in_dim3A_1281 = arith.constant 0 : i32
    %broadcast_in_dim3A_1282 = vector.broadcast %broadcast_in_dim3A_1281 : i32 to vector<16xi32>
    %gather3A_1283 = tpu.vector_load_idx %arg17[%broadcast_in_dim3A_1278, %add3A_1243, %broadcast_in_dim3A_1282] : memref<4x128x128xf32, #tpu.memory_space<vmem>>[vector<16xi32>, vector<16xi32>, vector<16xi32>], vector<16xf32>,
    %mul3A_1284 = arith.mulf %gather3A_1246, %gather3A_1283 : vector<16xf32>
    %add3A_1285 = arith.addf %broadcast_in_dim3A_1280, %mul3A_1284 : vector<16xf32>
    %broadcast_in_dim3A_1286 = arith.constant 1 : i32
    %broadcast_in_dim3A_1287 = vector.broadcast %broadcast_in_dim3A_1286 : i32 to vector<16xi32>
    %gather3A_1288 = tpu.vector_load_idx %arg17[%broadcast_in_dim3A_1278, %add3A_1243, %broadcast_in_dim3A_1287] : memref<4x128x128xf32, #tpu.memory_space<vmem>>[vector<16xi32>, vector<16xi32>, vector<16xi32>], vector<16xf32>,
    %mul3A_1289 = arith.mulf %gather3A_1249, %gather3A_1288 : vector<16xf32>
    %add3A_1290 = arith.addf %add3A_1285, %mul3A_1289 : vector<16xf32>
    %broadcast_in_dim3A_1291 = arith.constant 2 : i32
    %broadcast_in_dim3A_1292 = vector.broadcast %broadcast_in_dim3A_1291 : i32 to vector<16xi32>
    %gather3A_1293 = tpu.vector_load_idx %arg17[%broadcast_in_dim3A_1278, %add3A_1243, %broadcast_in_dim3A_1292] : memref<4x128x128xf32, #tpu.memory_space<vmem>>[vector<16xi32>, vector<16xi32>, vector<16xi32>], vector<16xf32>,
    %mul3A_1294 = arith.mulf %gather3A_1252, %gather3A_1293 : vector<16xf32>
    %add3A_1295 = arith.addf %add3A_1290, %mul3A_1294 : vector<16xf32>
    %broadcast_in_dim3A_1296 = arith.constant 3 : i32
    %broadcast_in_dim3A_1297 = vector.broadcast %broadcast_in_dim3A_1296 : i32 to vector<16xi32>
    %gather3A_1298 = tpu.vector_load_idx %arg17[%broadcast_in_dim3A_1278, %add3A_1243, %broadcast_in_dim3A_1297] : memref<4x128x128xf32, #tpu.memory_space<vmem>>[vector<16xi32>, vector<16xi32>, vector<16xi32>], vector<16xf32>,
    %mul3A_1299 = arith.mulf %gather3A_1255, %gather3A_1298 : vector<16xf32>
    %add3A_1300 = arith.addf %add3A_1295, %mul3A_1299 : vector<16xf32>
    %broadcast_in_dim3A_1301 = arith.constant 4 : i32
    %broadcast_in_dim3A_1302 = vector.broadcast %broadcast_in_dim3A_1301 : i32 to vector<16xi32>
    %gather3A_1303 = tpu.vector_load_idx %arg17[%broadcast_in_dim3A_1278, %add3A_1243, %broadcast_in_dim3A_1302] : memref<4x128x128xf32, #tpu.memory_space<vmem>>[vector<16xi32>, vector<16xi32>, vector<16xi32>], vector<16xf32>,
    %mul3A_1304 = arith.mulf %gather3A_1258, %gather3A_1303 : vector<16xf32>
    %add3A_1305 = arith.addf %add3A_1300, %mul3A_1304 : vector<16xf32>
    %broadcast_in_dim3A_1306 = arith.constant 5 : i32
    %broadcast_in_dim3A_1307 = vector.broadcast %broadcast_in_dim3A_1306 : i32 to vector<16xi32>
    %gather3A_1308 = tpu.vector_load_idx %arg17[%broadcast_in_dim3A_1278, %add3A_1243, %broadcast_in_dim3A_1307] : memref<4x128x128xf32, #tpu.memory_space<vmem>>[vector<16xi32>, vector<16xi32>, vector<16xi32>], vector<16xf32>,
    %mul3A_1309 = arith.mulf %gather3A_1261, %gather3A_1308 : vector<16xf32>
    %add3A_1310 = arith.addf %add3A_1305, %mul3A_1309 : vector<16xf32>
    %broadcast_in_dim3A_1311 = arith.constant 6 : i32
    %broadcast_in_dim3A_1312 = vector.broadcast %broadcast_in_dim3A_1311 : i32 to vector<16xi32>
    %gather3A_1313 = tpu.vector_load_idx %arg17[%broadcast_in_dim3A_1278, %add3A_1243, %broadcast_in_dim3A_1312] : memref<4x128x128xf32, #tpu.memory_space<vmem>>[vector<16xi32>, vector<16xi32>, vector<16xi32>], vector<16xf32>,
    %mul3A_1314 = arith.mulf %gather3A_1264, %gather3A_1313 : vector<16xf32>
    %add3A_1315 = arith.addf %add3A_1310, %mul3A_1314 : vector<16xf32>
    %broadcast_in_dim3A_1316 = arith.constant 7 : i32
    %broadcast_in_dim3A_1317 = vector.broadcast %broadcast_in_dim3A_1316 : i32 to vector<16xi32>
    %gather3A_1318 = tpu.vector_load_idx %arg17[%broadcast_in_dim3A_1278, %add3A_1243, %broadcast_in_dim3A_1317] : memref<4x128x128xf32, #tpu.memory_space<vmem>>[vector<16xi32>, vector<16xi32>, vector<16xi32>], vector<16xf32>,
    %mul3A_1319 = arith.mulf %gather3A_1267, %gather3A_1318 : vector<16xf32>
    %add3A_1320 = arith.addf %add3A_1315, %mul3A_1319 : vector<16xf32>
    %broadcast_in_dim3A_1321 = arith.constant 8 : i32
    %broadcast_in_dim3A_1322 = vector.broadcast %broadcast_in_dim3A_1321 : i32 to vector<16xi32>
    %gather3A_1323 = tpu.vector_load_idx %arg17[%broadcast_in_dim3A_1278, %add3A_1243, %broadcast_in_dim3A_1322] : memref<4x128x128xf32, #tpu.memory_space<vmem>>[vector<16xi32>, vector<16xi32>, vector<16xi32>], vector<16xf32>,
    %mul3A_1324 = arith.mulf %gather3A_1270, %gather3A_1323 : vector<16xf32>
    %add3A_1325 = arith.addf %add3A_1320, %mul3A_1324 : vector<16xf32>
    %broadcast_in_dim3A_1326 = arith.constant 9 : i32
    %broadcast_in_dim3A_1327 = vector.broadcast %broadcast_in_dim3A_1326 : i32 to vector<16xi32>
    %gather3A_1328 = tpu.vector_load_idx %arg17[%broadcast_in_dim3A_1278, %add3A_1243, %broadcast_in_dim3A_1327] : memref<4x128x128xf32, #tpu.memory_space<vmem>>[vector<16xi32>, vector<16xi32>, vector<16xi32>], vector<16xf32>,
    %mul3A_1329 = arith.mulf %gather3A_1273, %gather3A_1328 : vector<16xf32>
    %add3A_1330 = arith.addf %add3A_1325, %mul3A_1329 : vector<16xf32>
    %broadcast_in_dim3A_1331 = arith.constant 10 : i32
    %broadcast_in_dim3A_1332 = vector.broadcast %broadcast_in_dim3A_1331 : i32 to vector<16xi32>
    %gather3A_1333 = tpu.vector_load_idx %arg17[%broadcast_in_dim3A_1278, %add3A_1243, %broadcast_in_dim3A_1332] : memref<4x128x128xf32, #tpu.memory_space<vmem>>[vector<16xi32>, vector<16xi32>, vector<16xi32>], vector<16xf32>,
    %get3A_1334 = arith.constant 0 : i32
    %get3A_1335 = arith.index_cast %get3A_1334 : i32 to index
    %get3A_1336 = arith.constant 16 : index
    %get3A_1337 = tpu.vector_load %arg15[%get3A_1335, %get3A_1336] {strides = array<i32>} : memref<4x128xf32, #tpu.memory_space<vmem>>, vector<16xf32>,
    %add3A_1338 = arith.addf %add3A_1330, %gather3A_1333 : vector<16xf32>
    %mul3A_1339 = arith.mulf %get3A_1337, %add3A_1338 : vector<16xf32>
    %add3A_1340 = arith.addf %gather3A_1276, %mul3A_1339 : vector<16xf32>
    %broadcast_in_dim3A_1341 = arith.constant 1 : i32
    %broadcast_in_dim3A_1342 = vector.broadcast %broadcast_in_dim3A_1341 : i32 to vector<16xi32>
    %broadcast_in_dim3A_1343 = arith.constant 0.000000e+00 : f32
    %broadcast_in_dim3A_1344 = vector.broadcast %broadcast_in_dim3A_1343 : f32 to vector<16xf32>
    %broadcast_in_dim3A_1345 = arith.constant 0 : i32
    %broadcast_in_dim3A_1346 = vector.broadcast %broadcast_in_dim3A_1345 : i32 to vector<16xi32>
    %gather3A_1347 = tpu.vector_load_idx %arg17[%broadcast_in_dim3A_1342, %add3A_1243, %broadcast_in_dim3A_1346] : memref<4x128x128xf32, #tpu.memory_space<vmem>>[vector<16xi32>, vector<16xi32>, vector<16xi32>], vector<16xf32>,
    %mul3A_1348 = arith.mulf %gather3A_1246, %gather3A_1347 : vector<16xf32>
    %add3A_1349 = arith.addf %broadcast_in_dim3A_1344, %mul3A_1348 : vector<16xf32>
    %broadcast_in_dim3A_1350 = arith.constant 1 : i32
    %broadcast_in_dim3A_1351 = vector.broadcast %broadcast_in_dim3A_1350 : i32 to vector<16xi32>
    %gather3A_1352 = tpu.vector_load_idx %arg17[%broadcast_in_dim3A_1342, %add3A_1243, %broadcast_in_dim3A_1351] : memref<4x128x128xf32, #tpu.memory_space<vmem>>[vector<16xi32>, vector<16xi32>, vector<16xi32>], vector<16xf32>,
    %mul3A_1353 = arith.mulf %gather3A_1249, %gather3A_1352 : vector<16xf32>
    %add3A_1354 = arith.addf %add3A_1349, %mul3A_1353 : vector<16xf32>
    %broadcast_in_dim3A_1355 = arith.constant 2 : i32
    %broadcast_in_dim3A_1356 = vector.broadcast %broadcast_in_dim3A_1355 : i32 to vector<16xi32>
    %gather3A_1357 = tpu.vector_load_idx %arg17[%broadcast_in_dim3A_1342, %add3A_1243, %broadcast_in_dim3A_1356] : memref<4x128x128xf32, #tpu.memory_space<vmem>>[vector<16xi32>, vector<16xi32>, vector<16xi32>], vector<16xf32>,
    %mul3A_1358 = arith.mulf %gather3A_1252, %gather3A_1357 : vector<16xf32>
    %add3A_1359 = arith.addf %add3A_1354, %mul3A_1358 : vector<16xf32>
    %broadcast_in_dim3A_1360 = arith.constant 3 : i32
    %broadcast_in_dim3A_1361 = vector.broadcast %broadcast_in_dim3A_1360 : i32 to vector<16xi32>
    %gather3A_1362 = tpu.vector_load_idx %arg17[%broadcast_in_dim3A_1342, %add3A_1243, %broadcast_in_dim3A_1361] : memref<4x128x128xf32, #tpu.memory_space<vmem>>[vector<16xi32>, vector<16xi32>, vector<16xi32>], vector<16xf32>,
    %mul3A_1363 = arith.mulf %gather3A_1255, %gather3A_1362 : vector<16xf32>
    %add3A_1364 = arith.addf %add3A_1359, %mul3A_1363 : vector<16xf32>
    %broadcast_in_dim3A_1365 = arith.constant 4 : i32
    %broadcast_in_dim3A_1366 = vector.broadcast %broadcast_in_dim3A_1365 : i32 to vector<16xi32>
    %gather3A_1367 = tpu.vector_load_idx %arg17[%broadcast_in_dim3A_1342, %add3A_1243, %broadcast_in_dim3A_1366] : memref<4x128x128xf32, #tpu.memory_space<vmem>>[vector<16xi32>, vector<16xi32>, vector<16xi32>], vector<16xf32>,
    %mul3A_1368 = arith.mulf %gather3A_1258, %gather3A_1367 : vector<16xf32>
    %add3A_1369 = arith.addf %add3A_1364, %mul3A_1368 : vector<16xf32>
    %broadcast_in_dim3A_1370 = arith.constant 5 : i32
    %broadcast_in_dim3A_1371 = vector.broadcast %broadcast_in_dim3A_1370 : i32 to vector<16xi32>
    %gather3A_1372 = tpu.vector_load_idx %arg17[%broadcast_in_dim3A_1342, %add3A_1243, %broadcast_in_dim3A_1371] : memref<4x128x128xf32, #tpu.memory_space<vmem>>[vector<16xi32>, vector<16xi32>, vector<16xi32>], vector<16xf32>,
    %mul3A_1373 = arith.mulf %gather3A_1261, %gather3A_1372 : vector<16xf32>
    %add3A_1374 = arith.addf %add3A_1369, %mul3A_1373 : vector<16xf32>
    %broadcast_in_dim3A_1375 = arith.constant 6 : i32
    %broadcast_in_dim3A_1376 = vector.broadcast %broadcast_in_dim3A_1375 : i32 to vector<16xi32>
    %gather3A_1377 = tpu.vector_load_idx %arg17[%broadcast_in_dim3A_1342, %add3A_1243, %broadcast_in_dim3A_1376] : memref<4x128x128xf32, #tpu.memory_space<vmem>>[vector<16xi32>, vector<16xi32>, vector<16xi32>], vector<16xf32>,
    %mul3A_1378 = arith.mulf %gather3A_1264, %gather3A_1377 : vector<16xf32>
    %add3A_1379 = arith.addf %add3A_1374, %mul3A_1378 : vector<16xf32>
    %broadcast_in_dim3A_1380 = arith.constant 7 : i32
    %broadcast_in_dim3A_1381 = vector.broadcast %broadcast_in_dim3A_1380 : i32 to vector<16xi32>
    %gather3A_1382 = tpu.vector_load_idx %arg17[%broadcast_in_dim3A_1342, %add3A_1243, %broadcast_in_dim3A_1381] : memref<4x128x128xf32, #tpu.memory_space<vmem>>[vector<16xi32>, vector<16xi32>, vector<16xi32>], vector<16xf32>,
    %mul3A_1383 = arith.mulf %gather3A_1267, %gather3A_1382 : vector<16xf32>
    %add3A_1384 = arith.addf %add3A_1379, %mul3A_1383 : vector<16xf32>
    %broadcast_in_dim3A_1385 = arith.constant 8 : i32
    %broadcast_in_dim3A_1386 = vector.broadcast %broadcast_in_dim3A_1385 : i32 to vector<16xi32>
    %gather3A_1387 = tpu.vector_load_idx %arg17[%broadcast_in_dim3A_1342, %add3A_1243, %broadcast_in_dim3A_1386] : memref<4x128x128xf32, #tpu.memory_space<vmem>>[vector<16xi32>, vector<16xi32>, vector<16xi32>], vector<16xf32>,
    %mul3A_1388 = arith.mulf %gather3A_1270, %gather3A_1387 : vector<16xf32>
    %add3A_1389 = arith.addf %add3A_1384, %mul3A_1388 : vector<16xf32>
    %broadcast_in_dim3A_1390 = arith.constant 9 : i32
    %broadcast_in_dim3A_1391 = vector.broadcast %broadcast_in_dim3A_1390 : i32 to vector<16xi32>
    %gather3A_1392 = tpu.vector_load_idx %arg17[%broadcast_in_dim3A_1342, %add3A_1243, %broadcast_in_dim3A_1391] : memref<4x128x128xf32, #tpu.memory_space<vmem>>[vector<16xi32>, vector<16xi32>, vector<16xi32>], vector<16xf32>,
    %mul3A_1393 = arith.mulf %gather3A_1273, %gather3A_1392 : vector<16xf32>
    %add3A_1394 = arith.addf %add3A_1389, %mul3A_1393 : vector<16xf32>
    %broadcast_in_dim3A_1395 = arith.constant 10 : i32
    %broadcast_in_dim3A_1396 = vector.broadcast %broadcast_in_dim3A_1395 : i32 to vector<16xi32>
    %gather3A_1397 = tpu.vector_load_idx %arg17[%broadcast_in_dim3A_1342, %add3A_1243, %broadcast_in_dim3A_1396] : memref<4x128x128xf32, #tpu.memory_space<vmem>>[vector<16xi32>, vector<16xi32>, vector<16xi32>], vector<16xf32>,
    %get3A_1398 = arith.constant 1 : i32
    %get3A_1399 = arith.index_cast %get3A_1398 : i32 to index
    %get3A_1400 = arith.constant 16 : index
    %get3A_1401 = tpu.vector_load %arg15[%get3A_1399, %get3A_1400] {strides = array<i32>} : memref<4x128xf32, #tpu.memory_space<vmem>>, vector<16xf32>,
    %add3A_1402 = arith.addf %add3A_1394, %gather3A_1397 : vector<16xf32>
    %mul3A_1403 = arith.mulf %get3A_1401, %add3A_1402 : vector<16xf32>
    %add3A_1404 = arith.addf %add3A_1340, %mul3A_1403 : vector<16xf32>
    %broadcast_in_dim3A_1405 = arith.constant 2 : i32
    %broadcast_in_dim3A_1406 = vector.broadcast %broadcast_in_dim3A_1405 : i32 to vector<16xi32>
    %broadcast_in_dim3A_1407 = arith.constant 0.000000e+00 : f32
    %broadcast_in_dim3A_1408 = vector.broadcast %broadcast_in_dim3A_1407 : f32 to vector<16xf32>
    %broadcast_in_dim3A_1409 = arith.constant 0 : i32
    %broadcast_in_dim3A_1410 = vector.broadcast %broadcast_in_dim3A_1409 : i32 to vector<16xi32>
    %gather3A_1411 = tpu.vector_load_idx %arg17[%broadcast_in_dim3A_1406, %add3A_1243, %broadcast_in_dim3A_1410] : memref<4x128x128xf32, #tpu.memory_space<vmem>>[vector<16xi32>, vector<16xi32>, vector<16xi32>], vector<16xf32>,
    %mul3A_1412 = arith.mulf %gather3A_1246, %gather3A_1411 : vector<16xf32>
    %add3A_1413 = arith.addf %broadcast_in_dim3A_1408, %mul3A_1412 : vector<16xf32>
    %broadcast_in_dim3A_1414 = arith.constant 1 : i32
    %broadcast_in_dim3A_1415 = vector.broadcast %broadcast_in_dim3A_1414 : i32 to vector<16xi32>
    %gather3A_1416 = tpu.vector_load_idx %arg17[%broadcast_in_dim3A_1406, %add3A_1243, %broadcast_in_dim3A_1415] : memref<4x128x128xf32, #tpu.memory_space<vmem>>[vector<16xi32>, vector<16xi32>, vector<16xi32>], vector<16xf32>,
    %mul3A_1417 = arith.mulf %gather3A_1249, %gather3A_1416 : vector<16xf32>
    %add3A_1418 = arith.addf %add3A_1413, %mul3A_1417 : vector<16xf32>
    %broadcast_in_dim3A_1419 = arith.constant 2 : i32
    %broadcast_in_dim3A_1420 = vector.broadcast %broadcast_in_dim3A_1419 : i32 to vector<16xi32>
    %gather3A_1421 = tpu.vector_load_idx %arg17[%broadcast_in_dim3A_1406, %add3A_1243, %broadcast_in_dim3A_1420] : memref<4x128x128xf32, #tpu.memory_space<vmem>>[vector<16xi32>, vector<16xi32>, vector<16xi32>], vector<16xf32>,
    %mul3A_1422 = arith.mulf %gather3A_1252, %gather3A_1421 : vector<16xf32>
    %add3A_1423 = arith.addf %add3A_1418, %mul3A_1422 : vector<16xf32>
    %broadcast_in_dim3A_1424 = arith.constant 3 : i32
    %broadcast_in_dim3A_1425 = vector.broadcast %broadcast_in_dim3A_1424 : i32 to vector<16xi32>
    %gather3A_1426 = tpu.vector_load_idx %arg17[%broadcast_in_dim3A_1406, %add3A_1243, %broadcast_in_dim3A_1425] : memref<4x128x128xf32, #tpu.memory_space<vmem>>[vector<16xi32>, vector<16xi32>, vector<16xi32>], vector<16xf32>,
    %mul3A_1427 = arith.mulf %gather3A_1255, %gather3A_1426 : vector<16xf32>
    %add3A_1428 = arith.addf %add3A_1423, %mul3A_1427 : vector<16xf32>
    %broadcast_in_dim3A_1429 = arith.constant 4 : i32
    %broadcast_in_dim3A_1430 = vector.broadcast %broadcast_in_dim3A_1429 : i32 to vector<16xi32>
    %gather3A_1431 = tpu.vector_load_idx %arg17[%broadcast_in_dim3A_1406, %add3A_1243, %broadcast_in_dim3A_1430] : memref<4x128x128xf32, #tpu.memory_space<vmem>>[vector<16xi32>, vector<16xi32>, vector<16xi32>], vector<16xf32>,
    %mul3A_1432 = arith.mulf %gather3A_1258, %gather3A_1431 : vector<16xf32>
    %add3A_1433 = arith.addf %add3A_1428, %mul3A_1432 : vector<16xf32>
    %broadcast_in_dim3A_1434 = arith.constant 5 : i32
    %broadcast_in_dim3A_1435 = vector.broadcast %broadcast_in_dim3A_1434 : i32 to vector<16xi32>
    %gather3A_1436 = tpu.vector_load_idx %arg17[%broadcast_in_dim3A_1406, %add3A_1243, %broadcast_in_dim3A_1435] : memref<4x128x128xf32, #tpu.memory_space<vmem>>[vector<16xi32>, vector<16xi32>, vector<16xi32>], vector<16xf32>,
    %mul3A_1437 = arith.mulf %gather3A_1261, %gather3A_1436 : vector<16xf32>
    %add3A_1438 = arith.addf %add3A_1433, %mul3A_1437 : vector<16xf32>
    %broadcast_in_dim3A_1439 = arith.constant 6 : i32
    %broadcast_in_dim3A_1440 = vector.broadcast %broadcast_in_dim3A_1439 : i32 to vector<16xi32>
    %gather3A_1441 = tpu.vector_load_idx %arg17[%broadcast_in_dim3A_1406, %add3A_1243, %broadcast_in_dim3A_1440] : memref<4x128x128xf32, #tpu.memory_space<vmem>>[vector<16xi32>, vector<16xi32>, vector<16xi32>], vector<16xf32>,
    %mul3A_1442 = arith.mulf %gather3A_1264, %gather3A_1441 : vector<16xf32>
    %add3A_1443 = arith.addf %add3A_1438, %mul3A_1442 : vector<16xf32>
    %broadcast_in_dim3A_1444 = arith.constant 7 : i32
    %broadcast_in_dim3A_1445 = vector.broadcast %broadcast_in_dim3A_1444 : i32 to vector<16xi32>
    %gather3A_1446 = tpu.vector_load_idx %arg17[%broadcast_in_dim3A_1406, %add3A_1243, %broadcast_in_dim3A_1445] : memref<4x128x128xf32, #tpu.memory_space<vmem>>[vector<16xi32>, vector<16xi32>, vector<16xi32>], vector<16xf32>,
    %mul3A_1447 = arith.mulf %gather3A_1267, %gather3A_1446 : vector<16xf32>
    %add3A_1448 = arith.addf %add3A_1443, %mul3A_1447 : vector<16xf32>
    %broadcast_in_dim3A_1449 = arith.constant 8 : i32
    %broadcast_in_dim3A_1450 = vector.broadcast %broadcast_in_dim3A_1449 : i32 to vector<16xi32>
    %gather3A_1451 = tpu.vector_load_idx %arg17[%broadcast_in_dim3A_1406, %add3A_1243, %broadcast_in_dim3A_1450] : memref<4x128x128xf32, #tpu.memory_space<vmem>>[vector<16xi32>, vector<16xi32>, vector<16xi32>], vector<16xf32>,
    %mul3A_1452 = arith.mulf %gather3A_1270, %gather3A_1451 : vector<16xf32>
    %add3A_1453 = arith.addf %add3A_1448, %mul3A_1452 : vector<16xf32>
    %broadcast_in_dim3A_1454 = arith.constant 9 : i32
    %broadcast_in_dim3A_1455 = vector.broadcast %broadcast_in_dim3A_1454 : i32 to vector<16xi32>
    %gather3A_1456 = tpu.vector_load_idx %arg17[%broadcast_in_dim3A_1406, %add3A_1243, %broadcast_in_dim3A_1455] : memref<4x128x128xf32, #tpu.memory_space<vmem>>[vector<16xi32>, vector<16xi32>, vector<16xi32>], vector<16xf32>,
    %mul3A_1457 = arith.mulf %gather3A_1273, %gather3A_1456 : vector<16xf32>
    %add3A_1458 = arith.addf %add3A_1453, %mul3A_1457 : vector<16xf32>
    %broadcast_in_dim3A_1459 = arith.constant 10 : i32
    %broadcast_in_dim3A_1460 = vector.broadcast %broadcast_in_dim3A_1459 : i32 to vector<16xi32>
    %gather3A_1461 = tpu.vector_load_idx %arg17[%broadcast_in_dim3A_1406, %add3A_1243, %broadcast_in_dim3A_1460] : memref<4x128x128xf32, #tpu.memory_space<vmem>>[vector<16xi32>, vector<16xi32>, vector<16xi32>], vector<16xf32>,
    %get3A_1462 = arith.constant 2 : i32
    %get3A_1463 = arith.index_cast %get3A_1462 : i32 to index
    %get3A_1464 = arith.constant 16 : index
    %get3A_1465 = tpu.vector_load %arg15[%get3A_1463, %get3A_1464] {strides = array<i32>} : memref<4x128xf32, #tpu.memory_space<vmem>>, vector<16xf32>,
    %add3A_1466 = arith.addf %add3A_1458, %gather3A_1461 : vector<16xf32>
    %mul3A_1467 = arith.mulf %get3A_1465, %add3A_1466 : vector<16xf32>
    %add3A_1468 = arith.addf %add3A_1404, %mul3A_1467 : vector<16xf32>
    %broadcast_in_dim3A_1469 = arith.constant 3 : i32
    %broadcast_in_dim3A_1470 = vector.broadcast %broadcast_in_dim3A_1469 : i32 to vector<16xi32>
    %broadcast_in_dim3A_1471 = arith.constant 0.000000e+00 : f32
    %broadcast_in_dim3A_1472 = vector.broadcast %broadcast_in_dim3A_1471 : f32 to vector<16xf32>
    %broadcast_in_dim3A_1473 = arith.constant 0 : i32
    %broadcast_in_dim3A_1474 = vector.broadcast %broadcast_in_dim3A_1473 : i32 to vector<16xi32>
    %gather3A_1475 = tpu.vector_load_idx %arg17[%broadcast_in_dim3A_1470, %add3A_1243, %broadcast_in_dim3A_1474] : memref<4x128x128xf32, #tpu.memory_space<vmem>>[vector<16xi32>, vector<16xi32>, vector<16xi32>], vector<16xf32>,
    %mul3A_1476 = arith.mulf %gather3A_1246, %gather3A_1475 : vector<16xf32>
    %add3A_1477 = arith.addf %broadcast_in_dim3A_1472, %mul3A_1476 : vector<16xf32>
    %broadcast_in_dim3A_1478 = arith.constant 1 : i32
    %broadcast_in_dim3A_1479 = vector.broadcast %broadcast_in_dim3A_1478 : i32 to vector<16xi32>
    %gather3A_1480 = tpu.vector_load_idx %arg17[%broadcast_in_dim3A_1470, %add3A_1243, %broadcast_in_dim3A_1479] : memref<4x128x128xf32, #tpu.memory_space<vmem>>[vector<16xi32>, vector<16xi32>, vector<16xi32>], vector<16xf32>,
    %mul3A_1481 = arith.mulf %gather3A_1249, %gather3A_1480 : vector<16xf32>
    %add3A_1482 = arith.addf %add3A_1477, %mul3A_1481 : vector<16xf32>
    %broadcast_in_dim3A_1483 = arith.constant 2 : i32
    %broadcast_in_dim3A_1484 = vector.broadcast %broadcast_in_dim3A_1483 : i32 to vector<16xi32>
    %gather3A_1485 = tpu.vector_load_idx %arg17[%broadcast_in_dim3A_1470, %add3A_1243, %broadcast_in_dim3A_1484] : memref<4x128x128xf32, #tpu.memory_space<vmem>>[vector<16xi32>, vector<16xi32>, vector<16xi32>], vector<16xf32>,
    %mul3A_1486 = arith.mulf %gather3A_1252, %gather3A_1485 : vector<16xf32>
    %add3A_1487 = arith.addf %add3A_1482, %mul3A_1486 : vector<16xf32>
    %broadcast_in_dim3A_1488 = arith.constant 3 : i32
    %broadcast_in_dim3A_1489 = vector.broadcast %broadcast_in_dim3A_1488 : i32 to vector<16xi32>
    %gather3A_1490 = tpu.vector_load_idx %arg17[%broadcast_in_dim3A_1470, %add3A_1243, %broadcast_in_dim3A_1489] : memref<4x128x128xf32, #tpu.memory_space<vmem>>[vector<16xi32>, vector<16xi32>, vector<16xi32>], vector<16xf32>,
    %mul3A_1491 = arith.mulf %gather3A_1255, %gather3A_1490 : vector<16xf32>
    %add3A_1492 = arith.addf %add3A_1487, %mul3A_1491 : vector<16xf32>
    %broadcast_in_dim3A_1493 = arith.constant 4 : i32
    %broadcast_in_dim3A_1494 = vector.broadcast %broadcast_in_dim3A_1493 : i32 to vector<16xi32>
    %gather3A_1495 = tpu.vector_load_idx %arg17[%broadcast_in_dim3A_1470, %add3A_1243, %broadcast_in_dim3A_1494] : memref<4x128x128xf32, #tpu.memory_space<vmem>>[vector<16xi32>, vector<16xi32>, vector<16xi32>], vector<16xf32>,
    %mul3A_1496 = arith.mulf %gather3A_1258, %gather3A_1495 : vector<16xf32>
    %add3A_1497 = arith.addf %add3A_1492, %mul3A_1496 : vector<16xf32>
    %broadcast_in_dim3A_1498 = arith.constant 5 : i32
    %broadcast_in_dim3A_1499 = vector.broadcast %broadcast_in_dim3A_1498 : i32 to vector<16xi32>
    %gather3A_1500 = tpu.vector_load_idx %arg17[%broadcast_in_dim3A_1470, %add3A_1243, %broadcast_in_dim3A_1499] : memref<4x128x128xf32, #tpu.memory_space<vmem>>[vector<16xi32>, vector<16xi32>, vector<16xi32>], vector<16xf32>,
    %mul3A_1501 = arith.mulf %gather3A_1261, %gather3A_1500 : vector<16xf32>
    %add3A_1502 = arith.addf %add3A_1497, %mul3A_1501 : vector<16xf32>
    %broadcast_in_dim3A_1503 = arith.constant 6 : i32
    %broadcast_in_dim3A_1504 = vector.broadcast %broadcast_in_dim3A_1503 : i32 to vector<16xi32>
    %gather3A_1505 = tpu.vector_load_idx %arg17[%broadcast_in_dim3A_1470, %add3A_1243, %broadcast_in_dim3A_1504] : memref<4x128x128xf32, #tpu.memory_space<vmem>>[vector<16xi32>, vector<16xi32>, vector<16xi32>], vector<16xf32>,
    %mul3A_1506 = arith.mulf %gather3A_1264, %gather3A_1505 : vector<16xf32>
    %add3A_1507 = arith.addf %add3A_1502, %mul3A_1506 : vector<16xf32>
    %broadcast_in_dim3A_1508 = arith.constant 7 : i32
    %broadcast_in_dim3A_1509 = vector.broadcast %broadcast_in_dim3A_1508 : i32 to vector<16xi32>
    %gather3A_1510 = tpu.vector_load_idx %arg17[%broadcast_in_dim3A_1470, %add3A_1243, %broadcast_in_dim3A_1509] : memref<4x128x128xf32, #tpu.memory_space<vmem>>[vector<16xi32>, vector<16xi32>, vector<16xi32>], vector<16xf32>,
    %mul3A_1511 = arith.mulf %gather3A_1267, %gather3A_1510 : vector<16xf32>
    %add3A_1512 = arith.addf %add3A_1507, %mul3A_1511 : vector<16xf32>
    %broadcast_in_dim3A_1513 = arith.constant 8 : i32
    %broadcast_in_dim3A_1514 = vector.broadcast %broadcast_in_dim3A_1513 : i32 to vector<16xi32>
    %gather3A_1515 = tpu.vector_load_idx %arg17[%broadcast_in_dim3A_1470, %add3A_1243, %broadcast_in_dim3A_1514] : memref<4x128x128xf32, #tpu.memory_space<vmem>>[vector<16xi32>, vector<16xi32>, vector<16xi32>], vector<16xf32>,
    %mul3A_1516 = arith.mulf %gather3A_1270, %gather3A_1515 : vector<16xf32>
    %add3A_1517 = arith.addf %add3A_1512, %mul3A_1516 : vector<16xf32>
    %broadcast_in_dim3A_1518 = arith.constant 9 : i32
    %broadcast_in_dim3A_1519 = vector.broadcast %broadcast_in_dim3A_1518 : i32 to vector<16xi32>
    %gather3A_1520 = tpu.vector_load_idx %arg17[%broadcast_in_dim3A_1470, %add3A_1243, %broadcast_in_dim3A_1519] : memref<4x128x128xf32, #tpu.memory_space<vmem>>[vector<16xi32>, vector<16xi32>, vector<16xi32>], vector<16xf32>,
    %mul3A_1521 = arith.mulf %gather3A_1273, %gather3A_1520 : vector<16xf32>
    %add3A_1522 = arith.addf %add3A_1517, %mul3A_1521 : vector<16xf32>
    %broadcast_in_dim3A_1523 = arith.constant 10 : i32
    %broadcast_in_dim3A_1524 = vector.broadcast %broadcast_in_dim3A_1523 : i32 to vector<16xi32>
    %gather3A_1525 = tpu.vector_load_idx %arg17[%broadcast_in_dim3A_1470, %add3A_1243, %broadcast_in_dim3A_1524] : memref<4x128x128xf32, #tpu.memory_space<vmem>>[vector<16xi32>, vector<16xi32>, vector<16xi32>], vector<16xf32>,
    %get3A_1526 = arith.constant 3 : i32
    %get3A_1527 = arith.index_cast %get3A_1526 : i32 to index
    %get3A_1528 = arith.constant 16 : index
    %get3A_1529 = tpu.vector_load %arg15[%get3A_1527, %get3A_1528] {strides = array<i32>} : memref<4x128xf32, #tpu.memory_space<vmem>>, vector<16xf32>,
    %add3A_1530 = arith.addf %add3A_1522, %gather3A_1525 : vector<16xf32>
    %mul3A_1531 = arith.mulf %get3A_1529, %add3A_1530 : vector<16xf32>
    %add3A_1532 = arith.addf %add3A_1468, %mul3A_1531 : vector<16xf32>
    %swap3A_1533 = arith.constant 16 : index
    %swap3A_1534 = tpu.vector_load %arg19[%swap3A_1533] {strides = array<i32>} : memref<128xf32, #tpu.memory_space<vmem>>, vector<16xf32>,
    tpu.vector_store %arg19[%swap3A_1533], %add3A_1532 {strides = array<i32>} : memref<128xf32, #tpu.memory_space<vmem>>, vector<16xf32>,
    %add3A_1535 = arith.constant 32 : i32
    %add3A_1536 = vector.broadcast %add3A_1535 : i32 to vector<16xi32>
    %add3A_1537 = arith.addi %iota3A, %add3A_1536 : vector<16xi32>
    %broadcast_in_dim3A_1538 = arith.constant 0 : i32
    %broadcast_in_dim3A_1539 = vector.broadcast %broadcast_in_dim3A_1538 : i32 to vector<16xi32>
    %gather3A_1540 = tpu.vector_load_idx %arg16[%add3A_1537, %broadcast_in_dim3A_1539] : memref<128x128xf32, #tpu.memory_space<vmem>>[vector<16xi32>, vector<16xi32>], vector<16xf32>,
    %broadcast_in_dim3A_1541 = arith.constant 1 : i32
    %broadcast_in_dim3A_1542 = vector.broadcast %broadcast_in_dim3A_1541 : i32 to vector<16xi32>
    %gather3A_1543 = tpu.vector_load_idx %arg16[%add3A_1537, %broadcast_in_dim3A_1542] : memref<128x128xf32, #tpu.memory_space<vmem>>[vector<16xi32>, vector<16xi32>], vector<16xf32>,
    %broadcast_in_dim3A_1544 = arith.constant 2 : i32
    %broadcast_in_dim3A_1545 = vector.broadcast %broadcast_in_dim3A_1544 : i32 to vector<16xi32>
    %gather3A_1546 = tpu.vector_load_idx %arg16[%add3A_1537, %broadcast_in_dim3A_1545] : memref<128x128xf32, #tpu.memory_space<vmem>>[vector<16xi32>, vector<16xi32>], vector<16xf32>,
    %broadcast_in_dim3A_1547 = arith.constant 3 : i32
    %broadcast_in_dim3A_1548 = vector.broadcast %broadcast_in_dim3A_1547 : i32 to vector<16xi32>
    %gather3A_1549 = tpu.vector_load_idx %arg16[%add3A_1537, %broadcast_in_dim3A_1548] : memref<128x128xf32, #tpu.memory_space<vmem>>[vector<16xi32>, vector<16xi32>], vector<16xf32>,
    %broadcast_in_dim3A_1550 = arith.constant 4 : i32
    %broadcast_in_dim3A_1551 = vector.broadcast %broadcast_in_dim3A_1550 : i32 to vector<16xi32>
    %gather3A_1552 = tpu.vector_load_idx %arg16[%add3A_1537, %broadcast_in_dim3A_1551] : memref<128x128xf32, #tpu.memory_space<vmem>>[vector<16xi32>, vector<16xi32>], vector<16xf32>,
    %broadcast_in_dim3A_1553 = arith.constant 5 : i32
    %broadcast_in_dim3A_1554 = vector.broadcast %broadcast_in_dim3A_1553 : i32 to vector<16xi32>
    %gather3A_1555 = tpu.vector_load_idx %arg16[%add3A_1537, %broadcast_in_dim3A_1554] : memref<128x128xf32, #tpu.memory_space<vmem>>[vector<16xi32>, vector<16xi32>], vector<16xf32>,
    %broadcast_in_dim3A_1556 = arith.constant 6 : i32
    %broadcast_in_dim3A_1557 = vector.broadcast %broadcast_in_dim3A_1556 : i32 to vector<16xi32>
    %gather3A_1558 = tpu.vector_load_idx %arg16[%add3A_1537, %broadcast_in_dim3A_1557] : memref<128x128xf32, #tpu.memory_space<vmem>>[vector<16xi32>, vector<16xi32>], vector<16xf32>,
    %broadcast_in_dim3A_1559 = arith.constant 7 : i32
    %broadcast_in_dim3A_1560 = vector.broadcast %broadcast_in_dim3A_1559 : i32 to vector<16xi32>
    %gather3A_1561 = tpu.vector_load_idx %arg16[%add3A_1537, %broadcast_in_dim3A_1560] : memref<128x128xf32, #tpu.memory_space<vmem>>[vector<16xi32>, vector<16xi32>], vector<16xf32>,
    %broadcast_in_dim3A_1562 = arith.constant 8 : i32
    %broadcast_in_dim3A_1563 = vector.broadcast %broadcast_in_dim3A_1562 : i32 to vector<16xi32>
    %gather3A_1564 = tpu.vector_load_idx %arg16[%add3A_1537, %broadcast_in_dim3A_1563] : memref<128x128xf32, #tpu.memory_space<vmem>>[vector<16xi32>, vector<16xi32>], vector<16xf32>,
    %broadcast_in_dim3A_1565 = arith.constant 9 : i32
    %broadcast_in_dim3A_1566 = vector.broadcast %broadcast_in_dim3A_1565 : i32 to vector<16xi32>
    %gather3A_1567 = tpu.vector_load_idx %arg16[%add3A_1537, %broadcast_in_dim3A_1566] : memref<128x128xf32, #tpu.memory_space<vmem>>[vector<16xi32>, vector<16xi32>], vector<16xf32>,
    %get3A_1568 = arith.constant 32 : index
    %get3A_1569 = tpu.vector_load %arg11[%get3A_1568] {strides = array<i32>} : memref<128xi32, #tpu.memory_space<vmem>>, vector<16xi32>,
    %gather3A_1570 = tpu.vector_load_idx %arg18[%get3A_1569] : memref<1000xf32, #tpu.memory_space<vmem>>[vector<16xi32>], vector<16xf32>,
    %broadcast_in_dim3A_1571 = arith.constant 0 : i32
    %broadcast_in_dim3A_1572 = vector.broadcast %broadcast_in_dim3A_1571 : i32 to vector<16xi32>
    %broadcast_in_dim3A_1573 = arith.constant 0.000000e+00 : f32
    %broadcast_in_dim3A_1574 = vector.broadcast %broadcast_in_dim3A_1573 : f32 to vector<16xf32>
    %broadcast_in_dim3A_1575 = arith.constant 0 : i32
    %broadcast_in_dim3A_1576 = vector.broadcast %broadcast_in_dim3A_1575 : i32 to vector<16xi32>
    %gather3A_1577 = tpu.vector_load_idx %arg17[%broadcast_in_dim3A_1572, %add3A_1537, %broadcast_in_dim3A_1576] : memref<4x128x128xf32, #tpu.memory_space<vmem>>[vector<16xi32>, vector<16xi32>, vector<16xi32>], vector<16xf32>,
    %mul3A_1578 = arith.mulf %gather3A_1540, %gather3A_1577 : vector<16xf32>
    %add3A_1579 = arith.addf %broadcast_in_dim3A_1574, %mul3A_1578 : vector<16xf32>
    %broadcast_in_dim3A_1580 = arith.constant 1 : i32
    %broadcast_in_dim3A_1581 = vector.broadcast %broadcast_in_dim3A_1580 : i32 to vector<16xi32>
    %gather3A_1582 = tpu.vector_load_idx %arg17[%broadcast_in_dim3A_1572, %add3A_1537, %broadcast_in_dim3A_1581] : memref<4x128x128xf32, #tpu.memory_space<vmem>>[vector<16xi32>, vector<16xi32>, vector<16xi32>], vector<16xf32>,
    %mul3A_1583 = arith.mulf %gather3A_1543, %gather3A_1582 : vector<16xf32>
    %add3A_1584 = arith.addf %add3A_1579, %mul3A_1583 : vector<16xf32>
    %broadcast_in_dim3A_1585 = arith.constant 2 : i32
    %broadcast_in_dim3A_1586 = vector.broadcast %broadcast_in_dim3A_1585 : i32 to vector<16xi32>
    %gather3A_1587 = tpu.vector_load_idx %arg17[%broadcast_in_dim3A_1572, %add3A_1537, %broadcast_in_dim3A_1586] : memref<4x128x128xf32, #tpu.memory_space<vmem>>[vector<16xi32>, vector<16xi32>, vector<16xi32>], vector<16xf32>,
    %mul3A_1588 = arith.mulf %gather3A_1546, %gather3A_1587 : vector<16xf32>
    %add3A_1589 = arith.addf %add3A_1584, %mul3A_1588 : vector<16xf32>
    %broadcast_in_dim3A_1590 = arith.constant 3 : i32
    %broadcast_in_dim3A_1591 = vector.broadcast %broadcast_in_dim3A_1590 : i32 to vector<16xi32>
    %gather3A_1592 = tpu.vector_load_idx %arg17[%broadcast_in_dim3A_1572, %add3A_1537, %broadcast_in_dim3A_1591] : memref<4x128x128xf32, #tpu.memory_space<vmem>>[vector<16xi32>, vector<16xi32>, vector<16xi32>], vector<16xf32>,
    %mul3A_1593 = arith.mulf %gather3A_1549, %gather3A_1592 : vector<16xf32>
    %add3A_1594 = arith.addf %add3A_1589, %mul3A_1593 : vector<16xf32>
    %broadcast_in_dim3A_1595 = arith.constant 4 : i32
    %broadcast_in_dim3A_1596 = vector.broadcast %broadcast_in_dim3A_1595 : i32 to vector<16xi32>
    %gather3A_1597 = tpu.vector_load_idx %arg17[%broadcast_in_dim3A_1572, %add3A_1537, %broadcast_in_dim3A_1596] : memref<4x128x128xf32, #tpu.memory_space<vmem>>[vector<16xi32>, vector<16xi32>, vector<16xi32>], vector<16xf32>,
    %mul3A_1598 = arith.mulf %gather3A_1552, %gather3A_1597 : vector<16xf32>
    %add3A_1599 = arith.addf %add3A_1594, %mul3A_1598 : vector<16xf32>
    %broadcast_in_dim3A_1600 = arith.constant 5 : i32
    %broadcast_in_dim3A_1601 = vector.broadcast %broadcast_in_dim3A_1600 : i32 to vector<16xi32>
    %gather3A_1602 = tpu.vector_load_idx %arg17[%broadcast_in_dim3A_1572, %add3A_1537, %broadcast_in_dim3A_1601] : memref<4x128x128xf32, #tpu.memory_space<vmem>>[vector<16xi32>, vector<16xi32>, vector<16xi32>], vector<16xf32>,
    %mul3A_1603 = arith.mulf %gather3A_1555, %gather3A_1602 : vector<16xf32>
    %add3A_1604 = arith.addf %add3A_1599, %mul3A_1603 : vector<16xf32>
    %broadcast_in_dim3A_1605 = arith.constant 6 : i32
    %broadcast_in_dim3A_1606 = vector.broadcast %broadcast_in_dim3A_1605 : i32 to vector<16xi32>
    %gather3A_1607 = tpu.vector_load_idx %arg17[%broadcast_in_dim3A_1572, %add3A_1537, %broadcast_in_dim3A_1606] : memref<4x128x128xf32, #tpu.memory_space<vmem>>[vector<16xi32>, vector<16xi32>, vector<16xi32>], vector<16xf32>,
    %mul3A_1608 = arith.mulf %gather3A_1558, %gather3A_1607 : vector<16xf32>
    %add3A_1609 = arith.addf %add3A_1604, %mul3A_1608 : vector<16xf32>
    %broadcast_in_dim3A_1610 = arith.constant 7 : i32
    %broadcast_in_dim3A_1611 = vector.broadcast %broadcast_in_dim3A_1610 : i32 to vector<16xi32>
    %gather3A_1612 = tpu.vector_load_idx %arg17[%broadcast_in_dim3A_1572, %add3A_1537, %broadcast_in_dim3A_1611] : memref<4x128x128xf32, #tpu.memory_space<vmem>>[vector<16xi32>, vector<16xi32>, vector<16xi32>], vector<16xf32>,
    %mul3A_1613 = arith.mulf %gather3A_1561, %gather3A_1612 : vector<16xf32>
    %add3A_1614 = arith.addf %add3A_1609, %mul3A_1613 : vector<16xf32>
    %broadcast_in_dim3A_1615 = arith.constant 8 : i32
    %broadcast_in_dim3A_1616 = vector.broadcast %broadcast_in_dim3A_1615 : i32 to vector<16xi32>
    %gather3A_1617 = tpu.vector_load_idx %arg17[%broadcast_in_dim3A_1572, %add3A_1537, %broadcast_in_dim3A_1616] : memref<4x128x128xf32, #tpu.memory_space<vmem>>[vector<16xi32>, vector<16xi32>, vector<16xi32>], vector<16xf32>,
    %mul3A_1618 = arith.mulf %gather3A_1564, %gather3A_1617 : vector<16xf32>
    %add3A_1619 = arith.addf %add3A_1614, %mul3A_1618 : vector<16xf32>
    %broadcast_in_dim3A_1620 = arith.constant 9 : i32
    %broadcast_in_dim3A_1621 = vector.broadcast %broadcast_in_dim3A_1620 : i32 to vector<16xi32>
    %gather3A_1622 = tpu.vector_load_idx %arg17[%broadcast_in_dim3A_1572, %add3A_1537, %broadcast_in_dim3A_1621] : memref<4x128x128xf32, #tpu.memory_space<vmem>>[vector<16xi32>, vector<16xi32>, vector<16xi32>], vector<16xf32>,
    %mul3A_1623 = arith.mulf %gather3A_1567, %gather3A_1622 : vector<16xf32>
    %add3A_1624 = arith.addf %add3A_1619, %mul3A_1623 : vector<16xf32>
    %broadcast_in_dim3A_1625 = arith.constant 10 : i32
    %broadcast_in_dim3A_1626 = vector.broadcast %broadcast_in_dim3A_1625 : i32 to vector<16xi32>
    %gather3A_1627 = tpu.vector_load_idx %arg17[%broadcast_in_dim3A_1572, %add3A_1537, %broadcast_in_dim3A_1626] : memref<4x128x128xf32, #tpu.memory_space<vmem>>[vector<16xi32>, vector<16xi32>, vector<16xi32>], vector<16xf32>,
    %get3A_1628 = arith.constant 0 : i32
    %get3A_1629 = arith.index_cast %get3A_1628 : i32 to index
    %get3A_1630 = arith.constant 32 : index
    %get3A_1631 = tpu.vector_load %arg15[%get3A_1629, %get3A_1630] {strides = array<i32>} : memref<4x128xf32, #tpu.memory_space<vmem>>, vector<16xf32>,
    %add3A_1632 = arith.addf %add3A_1624, %gather3A_1627 : vector<16xf32>
    %mul3A_1633 = arith.mulf %get3A_1631, %add3A_1632 : vector<16xf32>
    %add3A_1634 = arith.addf %gather3A_1570, %mul3A_1633 : vector<16xf32>
    %broadcast_in_dim3A_1635 = arith.constant 1 : i32
    %broadcast_in_dim3A_1636 = vector.broadcast %broadcast_in_dim3A_1635 : i32 to vector<16xi32>
    %broadcast_in_dim3A_1637 = arith.constant 0.000000e+00 : f32
    %broadcast_in_dim3A_1638 = vector.broadcast %broadcast_in_dim3A_1637 : f32 to vector<16xf32>
    %broadcast_in_dim3A_1639 = arith.constant 0 : i32
    %broadcast_in_dim3A_1640 = vector.broadcast %broadcast_in_dim3A_1639 : i32 to vector<16xi32>
    %gather3A_1641 = tpu.vector_load_idx %arg17[%broadcast_in_dim3A_1636, %add3A_1537, %broadcast_in_dim3A_1640] : memref<4x128x128xf32, #tpu.memory_space<vmem>>[vector<16xi32>, vector<16xi32>, vector<16xi32>], vector<16xf32>,
    %mul3A_1642 = arith.mulf %gather3A_1540, %gather3A_1641 : vector<16xf32>
    %add3A_1643 = arith.addf %broadcast_in_dim3A_1638, %mul3A_1642 : vector<16xf32>
    %broadcast_in_dim3A_1644 = arith.constant 1 : i32
    %broadcast_in_dim3A_1645 = vector.broadcast %broadcast_in_dim3A_1644 : i32 to vector<16xi32>
    %gather3A_1646 = tpu.vector_load_idx %arg17[%broadcast_in_dim3A_1636, %add3A_1537, %broadcast_in_dim3A_1645] : memref<4x128x128xf32, #tpu.memory_space<vmem>>[vector<16xi32>, vector<16xi32>, vector<16xi32>], vector<16xf32>,
    %mul3A_1647 = arith.mulf %gather3A_1543, %gather3A_1646 : vector<16xf32>
    %add3A_1648 = arith.addf %add3A_1643, %mul3A_1647 : vector<16xf32>
    %broadcast_in_dim3A_1649 = arith.constant 2 : i32
    %broadcast_in_dim3A_1650 = vector.broadcast %broadcast_in_dim3A_1649 : i32 to vector<16xi32>
    %gather3A_1651 = tpu.vector_load_idx %arg17[%broadcast_in_dim3A_1636, %add3A_1537, %broadcast_in_dim3A_1650] : memref<4x128x128xf32, #tpu.memory_space<vmem>>[vector<16xi32>, vector<16xi32>, vector<16xi32>], vector<16xf32>,
    %mul3A_1652 = arith.mulf %gather3A_1546, %gather3A_1651 : vector<16xf32>
    %add3A_1653 = arith.addf %add3A_1648, %mul3A_1652 : vector<16xf32>
    %broadcast_in_dim3A_1654 = arith.constant 3 : i32
    %broadcast_in_dim3A_1655 = vector.broadcast %broadcast_in_dim3A_1654 : i32 to vector<16xi32>
    %gather3A_1656 = tpu.vector_load_idx %arg17[%broadcast_in_dim3A_1636, %add3A_1537, %broadcast_in_dim3A_1655] : memref<4x128x128xf32, #tpu.memory_space<vmem>>[vector<16xi32>, vector<16xi32>, vector<16xi32>], vector<16xf32>,
    %mul3A_1657 = arith.mulf %gather3A_1549, %gather3A_1656 : vector<16xf32>
    %add3A_1658 = arith.addf %add3A_1653, %mul3A_1657 : vector<16xf32>
    %broadcast_in_dim3A_1659 = arith.constant 4 : i32
    %broadcast_in_dim3A_1660 = vector.broadcast %broadcast_in_dim3A_1659 : i32 to vector<16xi32>
    %gather3A_1661 = tpu.vector_load_idx %arg17[%broadcast_in_dim3A_1636, %add3A_1537, %broadcast_in_dim3A_1660] : memref<4x128x128xf32, #tpu.memory_space<vmem>>[vector<16xi32>, vector<16xi32>, vector<16xi32>], vector<16xf32>,
    %mul3A_1662 = arith.mulf %gather3A_1552, %gather3A_1661 : vector<16xf32>
    %add3A_1663 = arith.addf %add3A_1658, %mul3A_1662 : vector<16xf32>
    %broadcast_in_dim3A_1664 = arith.constant 5 : i32
    %broadcast_in_dim3A_1665 = vector.broadcast %broadcast_in_dim3A_1664 : i32 to vector<16xi32>
    %gather3A_1666 = tpu.vector_load_idx %arg17[%broadcast_in_dim3A_1636, %add3A_1537, %broadcast_in_dim3A_1665] : memref<4x128x128xf32, #tpu.memory_space<vmem>>[vector<16xi32>, vector<16xi32>, vector<16xi32>], vector<16xf32>,
    %mul3A_1667 = arith.mulf %gather3A_1555, %gather3A_1666 : vector<16xf32>
    %add3A_1668 = arith.addf %add3A_1663, %mul3A_1667 : vector<16xf32>
    %broadcast_in_dim3A_1669 = arith.constant 6 : i32
    %broadcast_in_dim3A_1670 = vector.broadcast %broadcast_in_dim3A_1669 : i32 to vector<16xi32>
    %gather3A_1671 = tpu.vector_load_idx %arg17[%broadcast_in_dim3A_1636, %add3A_1537, %broadcast_in_dim3A_1670] : memref<4x128x128xf32, #tpu.memory_space<vmem>>[vector<16xi32>, vector<16xi32>, vector<16xi32>], vector<16xf32>,
    %mul3A_1672 = arith.mulf %gather3A_1558, %gather3A_1671 : vector<16xf32>
    %add3A_1673 = arith.addf %add3A_1668, %mul3A_1672 : vector<16xf32>
    %broadcast_in_dim3A_1674 = arith.constant 7 : i32
    %broadcast_in_dim3A_1675 = vector.broadcast %broadcast_in_dim3A_1674 : i32 to vector<16xi32>
    %gather3A_1676 = tpu.vector_load_idx %arg17[%broadcast_in_dim3A_1636, %add3A_1537, %broadcast_in_dim3A_1675] : memref<4x128x128xf32, #tpu.memory_space<vmem>>[vector<16xi32>, vector<16xi32>, vector<16xi32>], vector<16xf32>,
    %mul3A_1677 = arith.mulf %gather3A_1561, %gather3A_1676 : vector<16xf32>
    %add3A_1678 = arith.addf %add3A_1673, %mul3A_1677 : vector<16xf32>
    %broadcast_in_dim3A_1679 = arith.constant 8 : i32
    %broadcast_in_dim3A_1680 = vector.broadcast %broadcast_in_dim3A_1679 : i32 to vector<16xi32>
    %gather3A_1681 = tpu.vector_load_idx %arg17[%broadcast_in_dim3A_1636, %add3A_1537, %broadcast_in_dim3A_1680] : memref<4x128x128xf32, #tpu.memory_space<vmem>>[vector<16xi32>, vector<16xi32>, vector<16xi32>], vector<16xf32>,
    %mul3A_1682 = arith.mulf %gather3A_1564, %gather3A_1681 : vector<16xf32>
    %add3A_1683 = arith.addf %add3A_1678, %mul3A_1682 : vector<16xf32>
    %broadcast_in_dim3A_1684 = arith.constant 9 : i32
    %broadcast_in_dim3A_1685 = vector.broadcast %broadcast_in_dim3A_1684 : i32 to vector<16xi32>
    %gather3A_1686 = tpu.vector_load_idx %arg17[%broadcast_in_dim3A_1636, %add3A_1537, %broadcast_in_dim3A_1685] : memref<4x128x128xf32, #tpu.memory_space<vmem>>[vector<16xi32>, vector<16xi32>, vector<16xi32>], vector<16xf32>,
    %mul3A_1687 = arith.mulf %gather3A_1567, %gather3A_1686 : vector<16xf32>
    %add3A_1688 = arith.addf %add3A_1683, %mul3A_1687 : vector<16xf32>
    %broadcast_in_dim3A_1689 = arith.constant 10 : i32
    %broadcast_in_dim3A_1690 = vector.broadcast %broadcast_in_dim3A_1689 : i32 to vector<16xi32>
    %gather3A_1691 = tpu.vector_load_idx %arg17[%broadcast_in_dim3A_1636, %add3A_1537, %broadcast_in_dim3A_1690] : memref<4x128x128xf32, #tpu.memory_space<vmem>>[vector<16xi32>, vector<16xi32>, vector<16xi32>], vector<16xf32>,
    %get3A_1692 = arith.constant 1 : i32
    %get3A_1693 = arith.index_cast %get3A_1692 : i32 to index
    %get3A_1694 = arith.constant 32 : index
    %get3A_1695 = tpu.vector_load %arg15[%get3A_1693, %get3A_1694] {strides = array<i32>} : memref<4x128xf32, #tpu.memory_space<vmem>>, vector<16xf32>,
    %add3A_1696 = arith.addf %add3A_1688, %gather3A_1691 : vector<16xf32>
    %mul3A_1697 = arith.mulf %get3A_1695, %add3A_1696 : vector<16xf32>
    %add3A_1698 = arith.addf %add3A_1634, %mul3A_1697 : vector<16xf32>
    %broadcast_in_dim3A_1699 = arith.constant 2 : i32
    %broadcast_in_dim3A_1700 = vector.broadcast %broadcast_in_dim3A_1699 : i32 to vector<16xi32>
    %broadcast_in_dim3A_1701 = arith.constant 0.000000e+00 : f32
    %broadcast_in_dim3A_1702 = vector.broadcast %broadcast_in_dim3A_1701 : f32 to vector<16xf32>
    %broadcast_in_dim3A_1703 = arith.constant 0 : i32
    %broadcast_in_dim3A_1704 = vector.broadcast %broadcast_in_dim3A_1703 : i32 to vector<16xi32>
    %gather3A_1705 = tpu.vector_load_idx %arg17[%broadcast_in_dim3A_1700, %add3A_1537, %broadcast_in_dim3A_1704] : memref<4x128x128xf32, #tpu.memory_space<vmem>>[vector<16xi32>, vector<16xi32>, vector<16xi32>], vector<16xf32>,
    %mul3A_1706 = arith.mulf %gather3A_1540, %gather3A_1705 : vector<16xf32>
    %add3A_1707 = arith.addf %broadcast_in_dim3A_1702, %mul3A_1706 : vector<16xf32>
    %broadcast_in_dim3A_1708 = arith.constant 1 : i32
    %broadcast_in_dim3A_1709 = vector.broadcast %broadcast_in_dim3A_1708 : i32 to vector<16xi32>
    %gather3A_1710 = tpu.vector_load_idx %arg17[%broadcast_in_dim3A_1700, %add3A_1537, %broadcast_in_dim3A_1709] : memref<4x128x128xf32, #tpu.memory_space<vmem>>[vector<16xi32>, vector<16xi32>, vector<16xi32>], vector<16xf32>,
    %mul3A_1711 = arith.mulf %gather3A_1543, %gather3A_1710 : vector<16xf32>
    %add3A_1712 = arith.addf %add3A_1707, %mul3A_1711 : vector<16xf32>
    %broadcast_in_dim3A_1713 = arith.constant 2 : i32
    %broadcast_in_dim3A_1714 = vector.broadcast %broadcast_in_dim3A_1713 : i32 to vector<16xi32>
    %gather3A_1715 = tpu.vector_load_idx %arg17[%broadcast_in_dim3A_1700, %add3A_1537, %broadcast_in_dim3A_1714] : memref<4x128x128xf32, #tpu.memory_space<vmem>>[vector<16xi32>, vector<16xi32>, vector<16xi32>], vector<16xf32>,
    %mul3A_1716 = arith.mulf %gather3A_1546, %gather3A_1715 : vector<16xf32>
    %add3A_1717 = arith.addf %add3A_1712, %mul3A_1716 : vector<16xf32>
    %broadcast_in_dim3A_1718 = arith.constant 3 : i32
    %broadcast_in_dim3A_1719 = vector.broadcast %broadcast_in_dim3A_1718 : i32 to vector<16xi32>
    %gather3A_1720 = tpu.vector_load_idx %arg17[%broadcast_in_dim3A_1700, %add3A_1537, %broadcast_in_dim3A_1719] : memref<4x128x128xf32, #tpu.memory_space<vmem>>[vector<16xi32>, vector<16xi32>, vector<16xi32>], vector<16xf32>,
    %mul3A_1721 = arith.mulf %gather3A_1549, %gather3A_1720 : vector<16xf32>
    %add3A_1722 = arith.addf %add3A_1717, %mul3A_1721 : vector<16xf32>
    %broadcast_in_dim3A_1723 = arith.constant 4 : i32
    %broadcast_in_dim3A_1724 = vector.broadcast %broadcast_in_dim3A_1723 : i32 to vector<16xi32>
    %gather3A_1725 = tpu.vector_load_idx %arg17[%broadcast_in_dim3A_1700, %add3A_1537, %broadcast_in_dim3A_1724] : memref<4x128x128xf32, #tpu.memory_space<vmem>>[vector<16xi32>, vector<16xi32>, vector<16xi32>], vector<16xf32>,
    %mul3A_1726 = arith.mulf %gather3A_1552, %gather3A_1725 : vector<16xf32>
    %add3A_1727 = arith.addf %add3A_1722, %mul3A_1726 : vector<16xf32>
    %broadcast_in_dim3A_1728 = arith.constant 5 : i32
    %broadcast_in_dim3A_1729 = vector.broadcast %broadcast_in_dim3A_1728 : i32 to vector<16xi32>
    %gather3A_1730 = tpu.vector_load_idx %arg17[%broadcast_in_dim3A_1700, %add3A_1537, %broadcast_in_dim3A_1729] : memref<4x128x128xf32, #tpu.memory_space<vmem>>[vector<16xi32>, vector<16xi32>, vector<16xi32>], vector<16xf32>,
    %mul3A_1731 = arith.mulf %gather3A_1555, %gather3A_1730 : vector<16xf32>
    %add3A_1732 = arith.addf %add3A_1727, %mul3A_1731 : vector<16xf32>
    %broadcast_in_dim3A_1733 = arith.constant 6 : i32
    %broadcast_in_dim3A_1734 = vector.broadcast %broadcast_in_dim3A_1733 : i32 to vector<16xi32>
    %gather3A_1735 = tpu.vector_load_idx %arg17[%broadcast_in_dim3A_1700, %add3A_1537, %broadcast_in_dim3A_1734] : memref<4x128x128xf32, #tpu.memory_space<vmem>>[vector<16xi32>, vector<16xi32>, vector<16xi32>], vector<16xf32>,
    %mul3A_1736 = arith.mulf %gather3A_1558, %gather3A_1735 : vector<16xf32>
    %add3A_1737 = arith.addf %add3A_1732, %mul3A_1736 : vector<16xf32>
    %broadcast_in_dim3A_1738 = arith.constant 7 : i32
    %broadcast_in_dim3A_1739 = vector.broadcast %broadcast_in_dim3A_1738 : i32 to vector<16xi32>
    %gather3A_1740 = tpu.vector_load_idx %arg17[%broadcast_in_dim3A_1700, %add3A_1537, %broadcast_in_dim3A_1739] : memref<4x128x128xf32, #tpu.memory_space<vmem>>[vector<16xi32>, vector<16xi32>, vector<16xi32>], vector<16xf32>,
    %mul3A_1741 = arith.mulf %gather3A_1561, %gather3A_1740 : vector<16xf32>
    %add3A_1742 = arith.addf %add3A_1737, %mul3A_1741 : vector<16xf32>
    %broadcast_in_dim3A_1743 = arith.constant 8 : i32
    %broadcast_in_dim3A_1744 = vector.broadcast %broadcast_in_dim3A_1743 : i32 to vector<16xi32>
    %gather3A_1745 = tpu.vector_load_idx %arg17[%broadcast_in_dim3A_1700, %add3A_1537, %broadcast_in_dim3A_1744] : memref<4x128x128xf32, #tpu.memory_space<vmem>>[vector<16xi32>, vector<16xi32>, vector<16xi32>], vector<16xf32>,
    %mul3A_1746 = arith.mulf %gather3A_1564, %gather3A_1745 : vector<16xf32>
    %add3A_1747 = arith.addf %add3A_1742, %mul3A_1746 : vector<16xf32>
    %broadcast_in_dim3A_1748 = arith.constant 9 : i32
    %broadcast_in_dim3A_1749 = vector.broadcast %broadcast_in_dim3A_1748 : i32 to vector<16xi32>
    %gather3A_1750 = tpu.vector_load_idx %arg17[%broadcast_in_dim3A_1700, %add3A_1537, %broadcast_in_dim3A_1749] : memref<4x128x128xf32, #tpu.memory_space<vmem>>[vector<16xi32>, vector<16xi32>, vector<16xi32>], vector<16xf32>,
    %mul3A_1751 = arith.mulf %gather3A_1567, %gather3A_1750 : vector<16xf32>
    %add3A_1752 = arith.addf %add3A_1747, %mul3A_1751 : vector<16xf32>
    %broadcast_in_dim3A_1753 = arith.constant 10 : i32
    %broadcast_in_dim3A_1754 = vector.broadcast %broadcast_in_dim3A_1753 : i32 to vector<16xi32>
    %gather3A_1755 = tpu.vector_load_idx %arg17[%broadcast_in_dim3A_1700, %add3A_1537, %broadcast_in_dim3A_1754] : memref<4x128x128xf32, #tpu.memory_space<vmem>>[vector<16xi32>, vector<16xi32>, vector<16xi32>], vector<16xf32>,
    %get3A_1756 = arith.constant 2 : i32
    %get3A_1757 = arith.index_cast %get3A_1756 : i32 to index
    %get3A_1758 = arith.constant 32 : index
    %get3A_1759 = tpu.vector_load %arg15[%get3A_1757, %get3A_1758] {strides = array<i32>} : memref<4x128xf32, #tpu.memory_space<vmem>>, vector<16xf32>,
    %add3A_1760 = arith.addf %add3A_1752, %gather3A_1755 : vector<16xf32>
    %mul3A_1761 = arith.mulf %get3A_1759, %add3A_1760 : vector<16xf32>
    %add3A_1762 = arith.addf %add3A_1698, %mul3A_1761 : vector<16xf32>
    %broadcast_in_dim3A_1763 = arith.constant 3 : i32
    %broadcast_in_dim3A_1764 = vector.broadcast %broadcast_in_dim3A_1763 : i32 to vector<16xi32>
    %broadcast_in_dim3A_1765 = arith.constant 0.000000e+00 : f32
    %broadcast_in_dim3A_1766 = vector.broadcast %broadcast_in_dim3A_1765 : f32 to vector<16xf32>
    %broadcast_in_dim3A_1767 = arith.constant 0 : i32
    %broadcast_in_dim3A_1768 = vector.broadcast %broadcast_in_dim3A_1767 : i32 to vector<16xi32>
    %gather3A_1769 = tpu.vector_load_idx %arg17[%broadcast_in_dim3A_1764, %add3A_1537, %broadcast_in_dim3A_1768] : memref<4x128x128xf32, #tpu.memory_space<vmem>>[vector<16xi32>, vector<16xi32>, vector<16xi32>], vector<16xf32>,
    %mul3A_1770 = arith.mulf %gather3A_1540, %gather3A_1769 : vector<16xf32>
    %add3A_1771 = arith.addf %broadcast_in_dim3A_1766, %mul3A_1770 : vector<16xf32>
    %broadcast_in_dim3A_1772 = arith.constant 1 : i32
    %broadcast_in_dim3A_1773 = vector.broadcast %broadcast_in_dim3A_1772 : i32 to vector<16xi32>
    %gather3A_1774 = tpu.vector_load_idx %arg17[%broadcast_in_dim3A_1764, %add3A_1537, %broadcast_in_dim3A_1773] : memref<4x128x128xf32, #tpu.memory_space<vmem>>[vector<16xi32>, vector<16xi32>, vector<16xi32>], vector<16xf32>,
    %mul3A_1775 = arith.mulf %gather3A_1543, %gather3A_1774 : vector<16xf32>
    %add3A_1776 = arith.addf %add3A_1771, %mul3A_1775 : vector<16xf32>
    %broadcast_in_dim3A_1777 = arith.constant 2 : i32
    %broadcast_in_dim3A_1778 = vector.broadcast %broadcast_in_dim3A_1777 : i32 to vector<16xi32>
    %gather3A_1779 = tpu.vector_load_idx %arg17[%broadcast_in_dim3A_1764, %add3A_1537, %broadcast_in_dim3A_1778] : memref<4x128x128xf32, #tpu.memory_space<vmem>>[vector<16xi32>, vector<16xi32>, vector<16xi32>], vector<16xf32>,
    %mul3A_1780 = arith.mulf %gather3A_1546, %gather3A_1779 : vector<16xf32>
    %add3A_1781 = arith.addf %add3A_1776, %mul3A_1780 : vector<16xf32>
    %broadcast_in_dim3A_1782 = arith.constant 3 : i32
    %broadcast_in_dim3A_1783 = vector.broadcast %broadcast_in_dim3A_1782 : i32 to vector<16xi32>
    %gather3A_1784 = tpu.vector_load_idx %arg17[%broadcast_in_dim3A_1764, %add3A_1537, %broadcast_in_dim3A_1783] : memref<4x128x128xf32, #tpu.memory_space<vmem>>[vector<16xi32>, vector<16xi32>, vector<16xi32>], vector<16xf32>,
    %mul3A_1785 = arith.mulf %gather3A_1549, %gather3A_1784 : vector<16xf32>
    %add3A_1786 = arith.addf %add3A_1781, %mul3A_1785 : vector<16xf32>
    %broadcast_in_dim3A_1787 = arith.constant 4 : i32
    %broadcast_in_dim3A_1788 = vector.broadcast %broadcast_in_dim3A_1787 : i32 to vector<16xi32>
    %gather3A_1789 = tpu.vector_load_idx %arg17[%broadcast_in_dim3A_1764, %add3A_1537, %broadcast_in_dim3A_1788] : memref<4x128x128xf32, #tpu.memory_space<vmem>>[vector<16xi32>, vector<16xi32>, vector<16xi32>], vector<16xf32>,
    %mul3A_1790 = arith.mulf %gather3A_1552, %gather3A_1789 : vector<16xf32>
    %add3A_1791 = arith.addf %add3A_1786, %mul3A_1790 : vector<16xf32>
    %broadcast_in_dim3A_1792 = arith.constant 5 : i32
    %broadcast_in_dim3A_1793 = vector.broadcast %broadcast_in_dim3A_1792 : i32 to vector<16xi32>
    %gather3A_1794 = tpu.vector_load_idx %arg17[%broadcast_in_dim3A_1764, %add3A_1537, %broadcast_in_dim3A_1793] : memref<4x128x128xf32, #tpu.memory_space<vmem>>[vector<16xi32>, vector<16xi32>, vector<16xi32>], vector<16xf32>,
    %mul3A_1795 = arith.mulf %gather3A_1555, %gather3A_1794 : vector<16xf32>
    %add3A_1796 = arith.addf %add3A_1791, %mul3A_1795 : vector<16xf32>
    %broadcast_in_dim3A_1797 = arith.constant 6 : i32
    %broadcast_in_dim3A_1798 = vector.broadcast %broadcast_in_dim3A_1797 : i32 to vector<16xi32>
    %gather3A_1799 = tpu.vector_load_idx %arg17[%broadcast_in_dim3A_1764, %add3A_1537, %broadcast_in_dim3A_1798] : memref<4x128x128xf32, #tpu.memory_space<vmem>>[vector<16xi32>, vector<16xi32>, vector<16xi32>], vector<16xf32>,
    %mul3A_1800 = arith.mulf %gather3A_1558, %gather3A_1799 : vector<16xf32>
    %add3A_1801 = arith.addf %add3A_1796, %mul3A_1800 : vector<16xf32>
    %broadcast_in_dim3A_1802 = arith.constant 7 : i32
    %broadcast_in_dim3A_1803 = vector.broadcast %broadcast_in_dim3A_1802 : i32 to vector<16xi32>
    %gather3A_1804 = tpu.vector_load_idx %arg17[%broadcast_in_dim3A_1764, %add3A_1537, %broadcast_in_dim3A_1803] : memref<4x128x128xf32, #tpu.memory_space<vmem>>[vector<16xi32>, vector<16xi32>, vector<16xi32>], vector<16xf32>,
    %mul3A_1805 = arith.mulf %gather3A_1561, %gather3A_1804 : vector<16xf32>
    %add3A_1806 = arith.addf %add3A_1801, %mul3A_1805 : vector<16xf32>
    %broadcast_in_dim3A_1807 = arith.constant 8 : i32
    %broadcast_in_dim3A_1808 = vector.broadcast %broadcast_in_dim3A_1807 : i32 to vector<16xi32>
    %gather3A_1809 = tpu.vector_load_idx %arg17[%broadcast_in_dim3A_1764, %add3A_1537, %broadcast_in_dim3A_1808] : memref<4x128x128xf32, #tpu.memory_space<vmem>>[vector<16xi32>, vector<16xi32>, vector<16xi32>], vector<16xf32>,
    %mul3A_1810 = arith.mulf %gather3A_1564, %gather3A_1809 : vector<16xf32>
    %add3A_1811 = arith.addf %add3A_1806, %mul3A_1810 : vector<16xf32>
    %broadcast_in_dim3A_1812 = arith.constant 9 : i32
    %broadcast_in_dim3A_1813 = vector.broadcast %broadcast_in_dim3A_1812 : i32 to vector<16xi32>
    %gather3A_1814 = tpu.vector_load_idx %arg17[%broadcast_in_dim3A_1764, %add3A_1537, %broadcast_in_dim3A_1813] : memref<4x128x128xf32, #tpu.memory_space<vmem>>[vector<16xi32>, vector<16xi32>, vector<16xi32>], vector<16xf32>,
    %mul3A_1815 = arith.mulf %gather3A_1567, %gather3A_1814 : vector<16xf32>
    %add3A_1816 = arith.addf %add3A_1811, %mul3A_1815 : vector<16xf32>
    %broadcast_in_dim3A_1817 = arith.constant 10 : i32
    %broadcast_in_dim3A_1818 = vector.broadcast %broadcast_in_dim3A_1817 : i32 to vector<16xi32>
    %gather3A_1819 = tpu.vector_load_idx %arg17[%broadcast_in_dim3A_1764, %add3A_1537, %broadcast_in_dim3A_1818] : memref<4x128x128xf32, #tpu.memory_space<vmem>>[vector<16xi32>, vector<16xi32>, vector<16xi32>], vector<16xf32>,
    %get3A_1820 = arith.constant 3 : i32
    %get3A_1821 = arith.index_cast %get3A_1820 : i32 to index
    %get3A_1822 = arith.constant 32 : index
    %get3A_1823 = tpu.vector_load %arg15[%get3A_1821, %get3A_1822] {strides = array<i32>} : memref<4x128xf32, #tpu.memory_space<vmem>>, vector<16xf32>,
    %add3A_1824 = arith.addf %add3A_1816, %gather3A_1819 : vector<16xf32>
    %mul3A_1825 = arith.mulf %get3A_1823, %add3A_1824 : vector<16xf32>
    %add3A_1826 = arith.addf %add3A_1762, %mul3A_1825 : vector<16xf32>
    %swap3A_1827 = arith.constant 32 : index
    %swap3A_1828 = tpu.vector_load %arg19[%swap3A_1827] {strides = array<i32>} : memref<128xf32, #tpu.memory_space<vmem>>, vector<16xf32>,
    tpu.vector_store %arg19[%swap3A_1827], %add3A_1826 {strides = array<i32>} : memref<128xf32, #tpu.memory_space<vmem>>, vector<16xf32>,
    %add3A_1829 = arith.constant 48 : i32
    %add3A_1830 = vector.broadcast %add3A_1829 : i32 to vector<16xi32>
    %add3A_1831 = arith.addi %iota3A, %add3A_1830 : vector<16xi32>
    %broadcast_in_dim3A_1832 = arith.constant 0 : i32
    %broadcast_in_dim3A_1833 = vector.broadcast %broadcast_in_dim3A_1832 : i32 to vector<16xi32>
    %gather3A_1834 = tpu.vector_load_idx %arg16[%add3A_1831, %broadcast_in_dim3A_1833] : memref<128x128xf32, #tpu.memory_space<vmem>>[vector<16xi32>, vector<16xi32>], vector<16xf32>,
    %broadcast_in_dim3A_1835 = arith.constant 1 : i32
    %broadcast_in_dim3A_1836 = vector.broadcast %broadcast_in_dim3A_1835 : i32 to vector<16xi32>
    %gather3A_1837 = tpu.vector_load_idx %arg16[%add3A_1831, %broadcast_in_dim3A_1836] : memref<128x128xf32, #tpu.memory_space<vmem>>[vector<16xi32>, vector<16xi32>], vector<16xf32>,
    %broadcast_in_dim3A_1838 = arith.constant 2 : i32
    %broadcast_in_dim3A_1839 = vector.broadcast %broadcast_in_dim3A_1838 : i32 to vector<16xi32>
    %gather3A_1840 = tpu.vector_load_idx %arg16[%add3A_1831, %broadcast_in_dim3A_1839] : memref<128x128xf32, #tpu.memory_space<vmem>>[vector<16xi32>, vector<16xi32>], vector<16xf32>,
    %broadcast_in_dim3A_1841 = arith.constant 3 : i32
    %broadcast_in_dim3A_1842 = vector.broadcast %broadcast_in_dim3A_1841 : i32 to vector<16xi32>
    %gather3A_1843 = tpu.vector_load_idx %arg16[%add3A_1831, %broadcast_in_dim3A_1842] : memref<128x128xf32, #tpu.memory_space<vmem>>[vector<16xi32>, vector<16xi32>], vector<16xf32>,
    %broadcast_in_dim3A_1844 = arith.constant 4 : i32
    %broadcast_in_dim3A_1845 = vector.broadcast %broadcast_in_dim3A_1844 : i32 to vector<16xi32>
    %gather3A_1846 = tpu.vector_load_idx %arg16[%add3A_1831, %broadcast_in_dim3A_1845] : memref<128x128xf32, #tpu.memory_space<vmem>>[vector<16xi32>, vector<16xi32>], vector<16xf32>,
    %broadcast_in_dim3A_1847 = arith.constant 5 : i32
    %broadcast_in_dim3A_1848 = vector.broadcast %broadcast_in_dim3A_1847 : i32 to vector<16xi32>
    %gather3A_1849 = tpu.vector_load_idx %arg16[%add3A_1831, %broadcast_in_dim3A_1848] : memref<128x128xf32, #tpu.memory_space<vmem>>[vector<16xi32>, vector<16xi32>], vector<16xf32>,
    %broadcast_in_dim3A_1850 = arith.constant 6 : i32
    %broadcast_in_dim3A_1851 = vector.broadcast %broadcast_in_dim3A_1850 : i32 to vector<16xi32>
    %gather3A_1852 = tpu.vector_load_idx %arg16[%add3A_1831, %broadcast_in_dim3A_1851] : memref<128x128xf32, #tpu.memory_space<vmem>>[vector<16xi32>, vector<16xi32>], vector<16xf32>,
    %broadcast_in_dim3A_1853 = arith.constant 7 : i32
    %broadcast_in_dim3A_1854 = vector.broadcast %broadcast_in_dim3A_1853 : i32 to vector<16xi32>
    %gather3A_1855 = tpu.vector_load_idx %arg16[%add3A_1831, %broadcast_in_dim3A_1854] : memref<128x128xf32, #tpu.memory_space<vmem>>[vector<16xi32>, vector<16xi32>], vector<16xf32>,
    %broadcast_in_dim3A_1856 = arith.constant 8 : i32
    %broadcast_in_dim3A_1857 = vector.broadcast %broadcast_in_dim3A_1856 : i32 to vector<16xi32>
    %gather3A_1858 = tpu.vector_load_idx %arg16[%add3A_1831, %broadcast_in_dim3A_1857] : memref<128x128xf32, #tpu.memory_space<vmem>>[vector<16xi32>, vector<16xi32>], vector<16xf32>,
    %broadcast_in_dim3A_1859 = arith.constant 9 : i32
    %broadcast_in_dim3A_1860 = vector.broadcast %broadcast_in_dim3A_1859 : i32 to vector<16xi32>
    %gather3A_1861 = tpu.vector_load_idx %arg16[%add3A_1831, %broadcast_in_dim3A_1860] : memref<128x128xf32, #tpu.memory_space<vmem>>[vector<16xi32>, vector<16xi32>], vector<16xf32>,
    %get3A_1862 = arith.constant 48 : index
    %get3A_1863 = tpu.vector_load %arg11[%get3A_1862] {strides = array<i32>} : memref<128xi32, #tpu.memory_space<vmem>>, vector<16xi32>,
    %gather3A_1864 = tpu.vector_load_idx %arg18[%get3A_1863] : memref<1000xf32, #tpu.memory_space<vmem>>[vector<16xi32>], vector<16xf32>,
    %broadcast_in_dim3A_1865 = arith.constant 0 : i32
    %broadcast_in_dim3A_1866 = vector.broadcast %broadcast_in_dim3A_1865 : i32 to vector<16xi32>
    %broadcast_in_dim3A_1867 = arith.constant 0.000000e+00 : f32
    %broadcast_in_dim3A_1868 = vector.broadcast %broadcast_in_dim3A_1867 : f32 to vector<16xf32>
    %broadcast_in_dim3A_1869 = arith.constant 0 : i32
    %broadcast_in_dim3A_1870 = vector.broadcast %broadcast_in_dim3A_1869 : i32 to vector<16xi32>
    %gather3A_1871 = tpu.vector_load_idx %arg17[%broadcast_in_dim3A_1866, %add3A_1831, %broadcast_in_dim3A_1870] : memref<4x128x128xf32, #tpu.memory_space<vmem>>[vector<16xi32>, vector<16xi32>, vector<16xi32>], vector<16xf32>,
    %mul3A_1872 = arith.mulf %gather3A_1834, %gather3A_1871 : vector<16xf32>
    %add3A_1873 = arith.addf %broadcast_in_dim3A_1868, %mul3A_1872 : vector<16xf32>
    %broadcast_in_dim3A_1874 = arith.constant 1 : i32
    %broadcast_in_dim3A_1875 = vector.broadcast %broadcast_in_dim3A_1874 : i32 to vector<16xi32>
    %gather3A_1876 = tpu.vector_load_idx %arg17[%broadcast_in_dim3A_1866, %add3A_1831, %broadcast_in_dim3A_1875] : memref<4x128x128xf32, #tpu.memory_space<vmem>>[vector<16xi32>, vector<16xi32>, vector<16xi32>], vector<16xf32>,
    %mul3A_1877 = arith.mulf %gather3A_1837, %gather3A_1876 : vector<16xf32>
    %add3A_1878 = arith.addf %add3A_1873, %mul3A_1877 : vector<16xf32>
    %broadcast_in_dim3A_1879 = arith.constant 2 : i32
    %broadcast_in_dim3A_1880 = vector.broadcast %broadcast_in_dim3A_1879 : i32 to vector<16xi32>
    %gather3A_1881 = tpu.vector_load_idx %arg17[%broadcast_in_dim3A_1866, %add3A_1831, %broadcast_in_dim3A_1880] : memref<4x128x128xf32, #tpu.memory_space<vmem>>[vector<16xi32>, vector<16xi32>, vector<16xi32>], vector<16xf32>,
    %mul3A_1882 = arith.mulf %gather3A_1840, %gather3A_1881 : vector<16xf32>
    %add3A_1883 = arith.addf %add3A_1878, %mul3A_1882 : vector<16xf32>
    %broadcast_in_dim3A_1884 = arith.constant 3 : i32
    %broadcast_in_dim3A_1885 = vector.broadcast %broadcast_in_dim3A_1884 : i32 to vector<16xi32>
    %gather3A_1886 = tpu.vector_load_idx %arg17[%broadcast_in_dim3A_1866, %add3A_1831, %broadcast_in_dim3A_1885] : memref<4x128x128xf32, #tpu.memory_space<vmem>>[vector<16xi32>, vector<16xi32>, vector<16xi32>], vector<16xf32>,
    %mul3A_1887 = arith.mulf %gather3A_1843, %gather3A_1886 : vector<16xf32>
    %add3A_1888 = arith.addf %add3A_1883, %mul3A_1887 : vector<16xf32>
    %broadcast_in_dim3A_1889 = arith.constant 4 : i32
    %broadcast_in_dim3A_1890 = vector.broadcast %broadcast_in_dim3A_1889 : i32 to vector<16xi32>
    %gather3A_1891 = tpu.vector_load_idx %arg17[%broadcast_in_dim3A_1866, %add3A_1831, %broadcast_in_dim3A_1890] : memref<4x128x128xf32, #tpu.memory_space<vmem>>[vector<16xi32>, vector<16xi32>, vector<16xi32>], vector<16xf32>,
    %mul3A_1892 = arith.mulf %gather3A_1846, %gather3A_1891 : vector<16xf32>
    %add3A_1893 = arith.addf %add3A_1888, %mul3A_1892 : vector<16xf32>
    %broadcast_in_dim3A_1894 = arith.constant 5 : i32
    %broadcast_in_dim3A_1895 = vector.broadcast %broadcast_in_dim3A_1894 : i32 to vector<16xi32>
    %gather3A_1896 = tpu.vector_load_idx %arg17[%broadcast_in_dim3A_1866, %add3A_1831, %broadcast_in_dim3A_1895] : memref<4x128x128xf32, #tpu.memory_space<vmem>>[vector<16xi32>, vector<16xi32>, vector<16xi32>], vector<16xf32>,
    %mul3A_1897 = arith.mulf %gather3A_1849, %gather3A_1896 : vector<16xf32>
    %add3A_1898 = arith.addf %add3A_1893, %mul3A_1897 : vector<16xf32>
    %broadcast_in_dim3A_1899 = arith.constant 6 : i32
    %broadcast_in_dim3A_1900 = vector.broadcast %broadcast_in_dim3A_1899 : i32 to vector<16xi32>
    %gather3A_1901 = tpu.vector_load_idx %arg17[%broadcast_in_dim3A_1866, %add3A_1831, %broadcast_in_dim3A_1900] : memref<4x128x128xf32, #tpu.memory_space<vmem>>[vector<16xi32>, vector<16xi32>, vector<16xi32>], vector<16xf32>,
    %mul3A_1902 = arith.mulf %gather3A_1852, %gather3A_1901 : vector<16xf32>
    %add3A_1903 = arith.addf %add3A_1898, %mul3A_1902 : vector<16xf32>
    %broadcast_in_dim3A_1904 = arith.constant 7 : i32
    %broadcast_in_dim3A_1905 = vector.broadcast %broadcast_in_dim3A_1904 : i32 to vector<16xi32>
    %gather3A_1906 = tpu.vector_load_idx %arg17[%broadcast_in_dim3A_1866, %add3A_1831, %broadcast_in_dim3A_1905] : memref<4x128x128xf32, #tpu.memory_space<vmem>>[vector<16xi32>, vector<16xi32>, vector<16xi32>], vector<16xf32>,
    %mul3A_1907 = arith.mulf %gather3A_1855, %gather3A_1906 : vector<16xf32>
    %add3A_1908 = arith.addf %add3A_1903, %mul3A_1907 : vector<16xf32>
    %broadcast_in_dim3A_1909 = arith.constant 8 : i32
    %broadcast_in_dim3A_1910 = vector.broadcast %broadcast_in_dim3A_1909 : i32 to vector<16xi32>
    %gather3A_1911 = tpu.vector_load_idx %arg17[%broadcast_in_dim3A_1866, %add3A_1831, %broadcast_in_dim3A_1910] : memref<4x128x128xf32, #tpu.memory_space<vmem>>[vector<16xi32>, vector<16xi32>, vector<16xi32>], vector<16xf32>,
    %mul3A_1912 = arith.mulf %gather3A_1858, %gather3A_1911 : vector<16xf32>
    %add3A_1913 = arith.addf %add3A_1908, %mul3A_1912 : vector<16xf32>
    %broadcast_in_dim3A_1914 = arith.constant 9 : i32
    %broadcast_in_dim3A_1915 = vector.broadcast %broadcast_in_dim3A_1914 : i32 to vector<16xi32>
    %gather3A_1916 = tpu.vector_load_idx %arg17[%broadcast_in_dim3A_1866, %add3A_1831, %broadcast_in_dim3A_1915] : memref<4x128x128xf32, #tpu.memory_space<vmem>>[vector<16xi32>, vector<16xi32>, vector<16xi32>], vector<16xf32>,
    %mul3A_1917 = arith.mulf %gather3A_1861, %gather3A_1916 : vector<16xf32>
    %add3A_1918 = arith.addf %add3A_1913, %mul3A_1917 : vector<16xf32>
    %broadcast_in_dim3A_1919 = arith.constant 10 : i32
    %broadcast_in_dim3A_1920 = vector.broadcast %broadcast_in_dim3A_1919 : i32 to vector<16xi32>
    %gather3A_1921 = tpu.vector_load_idx %arg17[%broadcast_in_dim3A_1866, %add3A_1831, %broadcast_in_dim3A_1920] : memref<4x128x128xf32, #tpu.memory_space<vmem>>[vector<16xi32>, vector<16xi32>, vector<16xi32>], vector<16xf32>,
    %get3A_1922 = arith.constant 0 : i32
    %get3A_1923 = arith.index_cast %get3A_1922 : i32 to index
    %get3A_1924 = arith.constant 48 : index
    %get3A_1925 = tpu.vector_load %arg15[%get3A_1923, %get3A_1924] {strides = array<i32>} : memref<4x128xf32, #tpu.memory_space<vmem>>, vector<16xf32>,
    %add3A_1926 = arith.addf %add3A_1918, %gather3A_1921 : vector<16xf32>
    %mul3A_1927 = arith.mulf %get3A_1925, %add3A_1926 : vector<16xf32>
    %add3A_1928 = arith.addf %gather3A_1864, %mul3A_1927 : vector<16xf32>
    %broadcast_in_dim3A_1929 = arith.constant 1 : i32
    %broadcast_in_dim3A_1930 = vector.broadcast %broadcast_in_dim3A_1929 : i32 to vector<16xi32>
    %broadcast_in_dim3A_1931 = arith.constant 0.000000e+00 : f32
    %broadcast_in_dim3A_1932 = vector.broadcast %broadcast_in_dim3A_1931 : f32 to vector<16xf32>
    %broadcast_in_dim3A_1933 = arith.constant 0 : i32
    %broadcast_in_dim3A_1934 = vector.broadcast %broadcast_in_dim3A_1933 : i32 to vector<16xi32>
    %gather3A_1935 = tpu.vector_load_idx %arg17[%broadcast_in_dim3A_1930, %add3A_1831, %broadcast_in_dim3A_1934] : memref<4x128x128xf32, #tpu.memory_space<vmem>>[vector<16xi32>, vector<16xi32>, vector<16xi32>], vector<16xf32>,
    %mul3A_1936 = arith.mulf %gather3A_1834, %gather3A_1935 : vector<16xf32>
    %add3A_1937 = arith.addf %broadcast_in_dim3A_1932, %mul3A_1936 : vector<16xf32>
    %broadcast_in_dim3A_1938 = arith.constant 1 : i32
    %broadcast_in_dim3A_1939 = vector.broadcast %broadcast_in_dim3A_1938 : i32 to vector<16xi32>
    %gather3A_1940 = tpu.vector_load_idx %arg17[%broadcast_in_dim3A_1930, %add3A_1831, %broadcast_in_dim3A_1939] : memref<4x128x128xf32, #tpu.memory_space<vmem>>[vector<16xi32>, vector<16xi32>, vector<16xi32>], vector<16xf32>,
    %mul3A_1941 = arith.mulf %gather3A_1837, %gather3A_1940 : vector<16xf32>
    %add3A_1942 = arith.addf %add3A_1937, %mul3A_1941 : vector<16xf32>
    %broadcast_in_dim3A_1943 = arith.constant 2 : i32
    %broadcast_in_dim3A_1944 = vector.broadcast %broadcast_in_dim3A_1943 : i32 to vector<16xi32>
    %gather3A_1945 = tpu.vector_load_idx %arg17[%broadcast_in_dim3A_1930, %add3A_1831, %broadcast_in_dim3A_1944] : memref<4x128x128xf32, #tpu.memory_space<vmem>>[vector<16xi32>, vector<16xi32>, vector<16xi32>], vector<16xf32>,
    %mul3A_1946 = arith.mulf %gather3A_1840, %gather3A_1945 : vector<16xf32>
    %add3A_1947 = arith.addf %add3A_1942, %mul3A_1946 : vector<16xf32>
    %broadcast_in_dim3A_1948 = arith.constant 3 : i32
    %broadcast_in_dim3A_1949 = vector.broadcast %broadcast_in_dim3A_1948 : i32 to vector<16xi32>
    %gather3A_1950 = tpu.vector_load_idx %arg17[%broadcast_in_dim3A_1930, %add3A_1831, %broadcast_in_dim3A_1949] : memref<4x128x128xf32, #tpu.memory_space<vmem>>[vector<16xi32>, vector<16xi32>, vector<16xi32>], vector<16xf32>,
    %mul3A_1951 = arith.mulf %gather3A_1843, %gather3A_1950 : vector<16xf32>
    %add3A_1952 = arith.addf %add3A_1947, %mul3A_1951 : vector<16xf32>
    %broadcast_in_dim3A_1953 = arith.constant 4 : i32
    %broadcast_in_dim3A_1954 = vector.broadcast %broadcast_in_dim3A_1953 : i32 to vector<16xi32>
    %gather3A_1955 = tpu.vector_load_idx %arg17[%broadcast_in_dim3A_1930, %add3A_1831, %broadcast_in_dim3A_1954] : memref<4x128x128xf32, #tpu.memory_space<vmem>>[vector<16xi32>, vector<16xi32>, vector<16xi32>], vector<16xf32>,
    %mul3A_1956 = arith.mulf %gather3A_1846, %gather3A_1955 : vector<16xf32>
    %add3A_1957 = arith.addf %add3A_1952, %mul3A_1956 : vector<16xf32>
    %broadcast_in_dim3A_1958 = arith.constant 5 : i32
    %broadcast_in_dim3A_1959 = vector.broadcast %broadcast_in_dim3A_1958 : i32 to vector<16xi32>
    %gather3A_1960 = tpu.vector_load_idx %arg17[%broadcast_in_dim3A_1930, %add3A_1831, %broadcast_in_dim3A_1959] : memref<4x128x128xf32, #tpu.memory_space<vmem>>[vector<16xi32>, vector<16xi32>, vector<16xi32>], vector<16xf32>,
    %mul3A_1961 = arith.mulf %gather3A_1849, %gather3A_1960 : vector<16xf32>
    %add3A_1962 = arith.addf %add3A_1957, %mul3A_1961 : vector<16xf32>
    %broadcast_in_dim3A_1963 = arith.constant 6 : i32
    %broadcast_in_dim3A_1964 = vector.broadcast %broadcast_in_dim3A_1963 : i32 to vector<16xi32>
    %gather3A_1965 = tpu.vector_load_idx %arg17[%broadcast_in_dim3A_1930, %add3A_1831, %broadcast_in_dim3A_1964] : memref<4x128x128xf32, #tpu.memory_space<vmem>>[vector<16xi32>, vector<16xi32>, vector<16xi32>], vector<16xf32>,
    %mul3A_1966 = arith.mulf %gather3A_1852, %gather3A_1965 : vector<16xf32>
    %add3A_1967 = arith.addf %add3A_1962, %mul3A_1966 : vector<16xf32>
    %broadcast_in_dim3A_1968 = arith.constant 7 : i32
    %broadcast_in_dim3A_1969 = vector.broadcast %broadcast_in_dim3A_1968 : i32 to vector<16xi32>
    %gather3A_1970 = tpu.vector_load_idx %arg17[%broadcast_in_dim3A_1930, %add3A_1831, %broadcast_in_dim3A_1969] : memref<4x128x128xf32, #tpu.memory_space<vmem>>[vector<16xi32>, vector<16xi32>, vector<16xi32>], vector<16xf32>,
    %mul3A_1971 = arith.mulf %gather3A_1855, %gather3A_1970 : vector<16xf32>
    %add3A_1972 = arith.addf %add3A_1967, %mul3A_1971 : vector<16xf32>
    %broadcast_in_dim3A_1973 = arith.constant 8 : i32
    %broadcast_in_dim3A_1974 = vector.broadcast %broadcast_in_dim3A_1973 : i32 to vector<16xi32>
    %gather3A_1975 = tpu.vector_load_idx %arg17[%broadcast_in_dim3A_1930, %add3A_1831, %broadcast_in_dim3A_1974] : memref<4x128x128xf32, #tpu.memory_space<vmem>>[vector<16xi32>, vector<16xi32>, vector<16xi32>], vector<16xf32>,
    %mul3A_1976 = arith.mulf %gather3A_1858, %gather3A_1975 : vector<16xf32>
    %add3A_1977 = arith.addf %add3A_1972, %mul3A_1976 : vector<16xf32>
    %broadcast_in_dim3A_1978 = arith.constant 9 : i32
    %broadcast_in_dim3A_1979 = vector.broadcast %broadcast_in_dim3A_1978 : i32 to vector<16xi32>
    %gather3A_1980 = tpu.vector_load_idx %arg17[%broadcast_in_dim3A_1930, %add3A_1831, %broadcast_in_dim3A_1979] : memref<4x128x128xf32, #tpu.memory_space<vmem>>[vector<16xi32>, vector<16xi32>, vector<16xi32>], vector<16xf32>,
    %mul3A_1981 = arith.mulf %gather3A_1861, %gather3A_1980 : vector<16xf32>
    %add3A_1982 = arith.addf %add3A_1977, %mul3A_1981 : vector<16xf32>
    %broadcast_in_dim3A_1983 = arith.constant 10 : i32
    %broadcast_in_dim3A_1984 = vector.broadcast %broadcast_in_dim3A_1983 : i32 to vector<16xi32>
    %gather3A_1985 = tpu.vector_load_idx %arg17[%broadcast_in_dim3A_1930, %add3A_1831, %broadcast_in_dim3A_1984] : memref<4x128x128xf32, #tpu.memory_space<vmem>>[vector<16xi32>, vector<16xi32>, vector<16xi32>], vector<16xf32>,
    %get3A_1986 = arith.constant 1 : i32
    %get3A_1987 = arith.index_cast %get3A_1986 : i32 to index
    %get3A_1988 = arith.constant 48 : index
    %get3A_1989 = tpu.vector_load %arg15[%get3A_1987, %get3A_1988] {strides = array<i32>} : memref<4x128xf32, #tpu.memory_space<vmem>>, vector<16xf32>,
    %add3A_1990 = arith.addf %add3A_1982, %gather3A_1985 : vector<16xf32>
    %mul3A_1991 = arith.mulf %get3A_1989, %add3A_1990 : vector<16xf32>
    %add3A_1992 = arith.addf %add3A_1928, %mul3A_1991 : vector<16xf32>
    %broadcast_in_dim3A_1993 = arith.constant 2 : i32
    %broadcast_in_dim3A_1994 = vector.broadcast %broadcast_in_dim3A_1993 : i32 to vector<16xi32>
    %broadcast_in_dim3A_1995 = arith.constant 0.000000e+00 : f32
    %broadcast_in_dim3A_1996 = vector.broadcast %broadcast_in_dim3A_1995 : f32 to vector<16xf32>
    %broadcast_in_dim3A_1997 = arith.constant 0 : i32
    %broadcast_in_dim3A_1998 = vector.broadcast %broadcast_in_dim3A_1997 : i32 to vector<16xi32>
    %gather3A_1999 = tpu.vector_load_idx %arg17[%broadcast_in_dim3A_1994, %add3A_1831, %broadcast_in_dim3A_1998] : memref<4x128x128xf32, #tpu.memory_space<vmem>>[vector<16xi32>, vector<16xi32>, vector<16xi32>], vector<16xf32>,
    %mul3A_2000 = arith.mulf %gather3A_1834, %gather3A_1999 : vector<16xf32>
    %add3A_2001 = arith.addf %broadcast_in_dim3A_1996, %mul3A_2000 : vector<16xf32>
    %broadcast_in_dim3A_2002 = arith.constant 1 : i32
    %broadcast_in_dim3A_2003 = vector.broadcast %broadcast_in_dim3A_2002 : i32 to vector<16xi32>
    %gather3A_2004 = tpu.vector_load_idx %arg17[%broadcast_in_dim3A_1994, %add3A_1831, %broadcast_in_dim3A_2003] : memref<4x128x128xf32, #tpu.memory_space<vmem>>[vector<16xi32>, vector<16xi32>, vector<16xi32>], vector<16xf32>,
    %mul3A_2005 = arith.mulf %gather3A_1837, %gather3A_2004 : vector<16xf32>
    %add3A_2006 = arith.addf %add3A_2001, %mul3A_2005 : vector<16xf32>
    %broadcast_in_dim3A_2007 = arith.constant 2 : i32
    %broadcast_in_dim3A_2008 = vector.broadcast %broadcast_in_dim3A_2007 : i32 to vector<16xi32>
    %gather3A_2009 = tpu.vector_load_idx %arg17[%broadcast_in_dim3A_1994, %add3A_1831, %broadcast_in_dim3A_2008] : memref<4x128x128xf32, #tpu.memory_space<vmem>>[vector<16xi32>, vector<16xi32>, vector<16xi32>], vector<16xf32>,
    %mul3A_2010 = arith.mulf %gather3A_1840, %gather3A_2009 : vector<16xf32>
    %add3A_2011 = arith.addf %add3A_2006, %mul3A_2010 : vector<16xf32>
    %broadcast_in_dim3A_2012 = arith.constant 3 : i32
    %broadcast_in_dim3A_2013 = vector.broadcast %broadcast_in_dim3A_2012 : i32 to vector<16xi32>
    %gather3A_2014 = tpu.vector_load_idx %arg17[%broadcast_in_dim3A_1994, %add3A_1831, %broadcast_in_dim3A_2013] : memref<4x128x128xf32, #tpu.memory_space<vmem>>[vector<16xi32>, vector<16xi32>, vector<16xi32>], vector<16xf32>,
    %mul3A_2015 = arith.mulf %gather3A_1843, %gather3A_2014 : vector<16xf32>
    %add3A_2016 = arith.addf %add3A_2011, %mul3A_2015 : vector<16xf32>
    %broadcast_in_dim3A_2017 = arith.constant 4 : i32
    %broadcast_in_dim3A_2018 = vector.broadcast %broadcast_in_dim3A_2017 : i32 to vector<16xi32>
    %gather3A_2019 = tpu.vector_load_idx %arg17[%broadcast_in_dim3A_1994, %add3A_1831, %broadcast_in_dim3A_2018] : memref<4x128x128xf32, #tpu.memory_space<vmem>>[vector<16xi32>, vector<16xi32>, vector<16xi32>], vector<16xf32>,
    %mul3A_2020 = arith.mulf %gather3A_1846, %gather3A_2019 : vector<16xf32>
    %add3A_2021 = arith.addf %add3A_2016, %mul3A_2020 : vector<16xf32>
    %broadcast_in_dim3A_2022 = arith.constant 5 : i32
    %broadcast_in_dim3A_2023 = vector.broadcast %broadcast_in_dim3A_2022 : i32 to vector<16xi32>
    %gather3A_2024 = tpu.vector_load_idx %arg17[%broadcast_in_dim3A_1994, %add3A_1831, %broadcast_in_dim3A_2023] : memref<4x128x128xf32, #tpu.memory_space<vmem>>[vector<16xi32>, vector<16xi32>, vector<16xi32>], vector<16xf32>,
    %mul3A_2025 = arith.mulf %gather3A_1849, %gather3A_2024 : vector<16xf32>
    %add3A_2026 = arith.addf %add3A_2021, %mul3A_2025 : vector<16xf32>
    %broadcast_in_dim3A_2027 = arith.constant 6 : i32
    %broadcast_in_dim3A_2028 = vector.broadcast %broadcast_in_dim3A_2027 : i32 to vector<16xi32>
    %gather3A_2029 = tpu.vector_load_idx %arg17[%broadcast_in_dim3A_1994, %add3A_1831, %broadcast_in_dim3A_2028] : memref<4x128x128xf32, #tpu.memory_space<vmem>>[vector<16xi32>, vector<16xi32>, vector<16xi32>], vector<16xf32>,
    %mul3A_2030 = arith.mulf %gather3A_1852, %gather3A_2029 : vector<16xf32>
    %add3A_2031 = arith.addf %add3A_2026, %mul3A_2030 : vector<16xf32>
    %broadcast_in_dim3A_2032 = arith.constant 7 : i32
    %broadcast_in_dim3A_2033 = vector.broadcast %broadcast_in_dim3A_2032 : i32 to vector<16xi32>
    %gather3A_2034 = tpu.vector_load_idx %arg17[%broadcast_in_dim3A_1994, %add3A_1831, %broadcast_in_dim3A_2033] : memref<4x128x128xf32, #tpu.memory_space<vmem>>[vector<16xi32>, vector<16xi32>, vector<16xi32>], vector<16xf32>,
    %mul3A_2035 = arith.mulf %gather3A_1855, %gather3A_2034 : vector<16xf32>
    %add3A_2036 = arith.addf %add3A_2031, %mul3A_2035 : vector<16xf32>
    %broadcast_in_dim3A_2037 = arith.constant 8 : i32
    %broadcast_in_dim3A_2038 = vector.broadcast %broadcast_in_dim3A_2037 : i32 to vector<16xi32>
    %gather3A_2039 = tpu.vector_load_idx %arg17[%broadcast_in_dim3A_1994, %add3A_1831, %broadcast_in_dim3A_2038] : memref<4x128x128xf32, #tpu.memory_space<vmem>>[vector<16xi32>, vector<16xi32>, vector<16xi32>], vector<16xf32>,
    %mul3A_2040 = arith.mulf %gather3A_1858, %gather3A_2039 : vector<16xf32>
    %add3A_2041 = arith.addf %add3A_2036, %mul3A_2040 : vector<16xf32>
    %broadcast_in_dim3A_2042 = arith.constant 9 : i32
    %broadcast_in_dim3A_2043 = vector.broadcast %broadcast_in_dim3A_2042 : i32 to vector<16xi32>
    %gather3A_2044 = tpu.vector_load_idx %arg17[%broadcast_in_dim3A_1994, %add3A_1831, %broadcast_in_dim3A_2043] : memref<4x128x128xf32, #tpu.memory_space<vmem>>[vector<16xi32>, vector<16xi32>, vector<16xi32>], vector<16xf32>,
    %mul3A_2045 = arith.mulf %gather3A_1861, %gather3A_2044 : vector<16xf32>
    %add3A_2046 = arith.addf %add3A_2041, %mul3A_2045 : vector<16xf32>
    %broadcast_in_dim3A_2047 = arith.constant 10 : i32
    %broadcast_in_dim3A_2048 = vector.broadcast %broadcast_in_dim3A_2047 : i32 to vector<16xi32>
    %gather3A_2049 = tpu.vector_load_idx %arg17[%broadcast_in_dim3A_1994, %add3A_1831, %broadcast_in_dim3A_2048] : memref<4x128x128xf32, #tpu.memory_space<vmem>>[vector<16xi32>, vector<16xi32>, vector<16xi32>], vector<16xf32>,
    %get3A_2050 = arith.constant 2 : i32
    %get3A_2051 = arith.index_cast %get3A_2050 : i32 to index
    %get3A_2052 = arith.constant 48 : index
    %get3A_2053 = tpu.vector_load %arg15[%get3A_2051, %get3A_2052] {strides = array<i32>} : memref<4x128xf32, #tpu.memory_space<vmem>>, vector<16xf32>,
    %add3A_2054 = arith.addf %add3A_2046, %gather3A_2049 : vector<16xf32>
    %mul3A_2055 = arith.mulf %get3A_2053, %add3A_2054 : vector<16xf32>
    %add3A_2056 = arith.addf %add3A_1992, %mul3A_2055 : vector<16xf32>
    %broadcast_in_dim3A_2057 = arith.constant 3 : i32
    %broadcast_in_dim3A_2058 = vector.broadcast %broadcast_in_dim3A_2057 : i32 to vector<16xi32>
    %broadcast_in_dim3A_2059 = arith.constant 0.000000e+00 : f32
    %broadcast_in_dim3A_2060 = vector.broadcast %broadcast_in_dim3A_2059 : f32 to vector<16xf32>
    %broadcast_in_dim3A_2061 = arith.constant 0 : i32
    %broadcast_in_dim3A_2062 = vector.broadcast %broadcast_in_dim3A_2061 : i32 to vector<16xi32>
    %gather3A_2063 = tpu.vector_load_idx %arg17[%broadcast_in_dim3A_2058, %add3A_1831, %broadcast_in_dim3A_2062] : memref<4x128x128xf32, #tpu.memory_space<vmem>>[vector<16xi32>, vector<16xi32>, vector<16xi32>], vector<16xf32>,
    %mul3A_2064 = arith.mulf %gather3A_1834, %gather3A_2063 : vector<16xf32>
    %add3A_2065 = arith.addf %broadcast_in_dim3A_2060, %mul3A_2064 : vector<16xf32>
    %broadcast_in_dim3A_2066 = arith.constant 1 : i32
    %broadcast_in_dim3A_2067 = vector.broadcast %broadcast_in_dim3A_2066 : i32 to vector<16xi32>
    %gather3A_2068 = tpu.vector_load_idx %arg17[%broadcast_in_dim3A_2058, %add3A_1831, %broadcast_in_dim3A_2067] : memref<4x128x128xf32, #tpu.memory_space<vmem>>[vector<16xi32>, vector<16xi32>, vector<16xi32>], vector<16xf32>,
    %mul3A_2069 = arith.mulf %gather3A_1837, %gather3A_2068 : vector<16xf32>
    %add3A_2070 = arith.addf %add3A_2065, %mul3A_2069 : vector<16xf32>
    %broadcast_in_dim3A_2071 = arith.constant 2 : i32
    %broadcast_in_dim3A_2072 = vector.broadcast %broadcast_in_dim3A_2071 : i32 to vector<16xi32>
    %gather3A_2073 = tpu.vector_load_idx %arg17[%broadcast_in_dim3A_2058, %add3A_1831, %broadcast_in_dim3A_2072] : memref<4x128x128xf32, #tpu.memory_space<vmem>>[vector<16xi32>, vector<16xi32>, vector<16xi32>], vector<16xf32>,
    %mul3A_2074 = arith.mulf %gather3A_1840, %gather3A_2073 : vector<16xf32>
    %add3A_2075 = arith.addf %add3A_2070, %mul3A_2074 : vector<16xf32>
    %broadcast_in_dim3A_2076 = arith.constant 3 : i32
    %broadcast_in_dim3A_2077 = vector.broadcast %broadcast_in_dim3A_2076 : i32 to vector<16xi32>
    %gather3A_2078 = tpu.vector_load_idx %arg17[%broadcast_in_dim3A_2058, %add3A_1831, %broadcast_in_dim3A_2077] : memref<4x128x128xf32, #tpu.memory_space<vmem>>[vector<16xi32>, vector<16xi32>, vector<16xi32>], vector<16xf32>,
    %mul3A_2079 = arith.mulf %gather3A_1843, %gather3A_2078 : vector<16xf32>
    %add3A_2080 = arith.addf %add3A_2075, %mul3A_2079 : vector<16xf32>
    %broadcast_in_dim3A_2081 = arith.constant 4 : i32
    %broadcast_in_dim3A_2082 = vector.broadcast %broadcast_in_dim3A_2081 : i32 to vector<16xi32>
    %gather3A_2083 = tpu.vector_load_idx %arg17[%broadcast_in_dim3A_2058, %add3A_1831, %broadcast_in_dim3A_2082] : memref<4x128x128xf32, #tpu.memory_space<vmem>>[vector<16xi32>, vector<16xi32>, vector<16xi32>], vector<16xf32>,
    %mul3A_2084 = arith.mulf %gather3A_1846, %gather3A_2083 : vector<16xf32>
    %add3A_2085 = arith.addf %add3A_2080, %mul3A_2084 : vector<16xf32>
    %broadcast_in_dim3A_2086 = arith.constant 5 : i32
    %broadcast_in_dim3A_2087 = vector.broadcast %broadcast_in_dim3A_2086 : i32 to vector<16xi32>
    %gather3A_2088 = tpu.vector_load_idx %arg17[%broadcast_in_dim3A_2058, %add3A_1831, %broadcast_in_dim3A_2087] : memref<4x128x128xf32, #tpu.memory_space<vmem>>[vector<16xi32>, vector<16xi32>, vector<16xi32>], vector<16xf32>,
    %mul3A_2089 = arith.mulf %gather3A_1849, %gather3A_2088 : vector<16xf32>
    %add3A_2090 = arith.addf %add3A_2085, %mul3A_2089 : vector<16xf32>
    %broadcast_in_dim3A_2091 = arith.constant 6 : i32
    %broadcast_in_dim3A_2092 = vector.broadcast %broadcast_in_dim3A_2091 : i32 to vector<16xi32>
    %gather3A_2093 = tpu.vector_load_idx %arg17[%broadcast_in_dim3A_2058, %add3A_1831, %broadcast_in_dim3A_2092] : memref<4x128x128xf32, #tpu.memory_space<vmem>>[vector<16xi32>, vector<16xi32>, vector<16xi32>], vector<16xf32>,
    %mul3A_2094 = arith.mulf %gather3A_1852, %gather3A_2093 : vector<16xf32>
    %add3A_2095 = arith.addf %add3A_2090, %mul3A_2094 : vector<16xf32>
    %broadcast_in_dim3A_2096 = arith.constant 7 : i32
    %broadcast_in_dim3A_2097 = vector.broadcast %broadcast_in_dim3A_2096 : i32 to vector<16xi32>
    %gather3A_2098 = tpu.vector_load_idx %arg17[%broadcast_in_dim3A_2058, %add3A_1831, %broadcast_in_dim3A_2097] : memref<4x128x128xf32, #tpu.memory_space<vmem>>[vector<16xi32>, vector<16xi32>, vector<16xi32>], vector<16xf32>,
    %mul3A_2099 = arith.mulf %gather3A_1855, %gather3A_2098 : vector<16xf32>
    %add3A_2100 = arith.addf %add3A_2095, %mul3A_2099 : vector<16xf32>
    %broadcast_in_dim3A_2101 = arith.constant 8 : i32
    %broadcast_in_dim3A_2102 = vector.broadcast %broadcast_in_dim3A_2101 : i32 to vector<16xi32>
    %gather3A_2103 = tpu.vector_load_idx %arg17[%broadcast_in_dim3A_2058, %add3A_1831, %broadcast_in_dim3A_2102] : memref<4x128x128xf32, #tpu.memory_space<vmem>>[vector<16xi32>, vector<16xi32>, vector<16xi32>], vector<16xf32>,
    %mul3A_2104 = arith.mulf %gather3A_1858, %gather3A_2103 : vector<16xf32>
    %add3A_2105 = arith.addf %add3A_2100, %mul3A_2104 : vector<16xf32>
    %broadcast_in_dim3A_2106 = arith.constant 9 : i32
    %broadcast_in_dim3A_2107 = vector.broadcast %broadcast_in_dim3A_2106 : i32 to vector<16xi32>
    %gather3A_2108 = tpu.vector_load_idx %arg17[%broadcast_in_dim3A_2058, %add3A_1831, %broadcast_in_dim3A_2107] : memref<4x128x128xf32, #tpu.memory_space<vmem>>[vector<16xi32>, vector<16xi32>, vector<16xi32>], vector<16xf32>,
    %mul3A_2109 = arith.mulf %gather3A_1861, %gather3A_2108 : vector<16xf32>
    %add3A_2110 = arith.addf %add3A_2105, %mul3A_2109 : vector<16xf32>
    %broadcast_in_dim3A_2111 = arith.constant 10 : i32
    %broadcast_in_dim3A_2112 = vector.broadcast %broadcast_in_dim3A_2111 : i32 to vector<16xi32>
    %gather3A_2113 = tpu.vector_load_idx %arg17[%broadcast_in_dim3A_2058, %add3A_1831, %broadcast_in_dim3A_2112] : memref<4x128x128xf32, #tpu.memory_space<vmem>>[vector<16xi32>, vector<16xi32>, vector<16xi32>], vector<16xf32>,
    %get3A_2114 = arith.constant 3 : i32
    %get3A_2115 = arith.index_cast %get3A_2114 : i32 to index
    %get3A_2116 = arith.constant 48 : index
    %get3A_2117 = tpu.vector_load %arg15[%get3A_2115, %get3A_2116] {strides = array<i32>} : memref<4x128xf32, #tpu.memory_space<vmem>>, vector<16xf32>,
    %add3A_2118 = arith.addf %add3A_2110, %gather3A_2113 : vector<16xf32>
    %mul3A_2119 = arith.mulf %get3A_2117, %add3A_2118 : vector<16xf32>
    %add3A_2120 = arith.addf %add3A_2056, %mul3A_2119 : vector<16xf32>
    %swap3A_2121 = arith.constant 48 : index
    %swap3A_2122 = tpu.vector_load %arg19[%swap3A_2121] {strides = array<i32>} : memref<128xf32, #tpu.memory_space<vmem>>, vector<16xf32>,
    tpu.vector_store %arg19[%swap3A_2121], %add3A_2120 {strides = array<i32>} : memref<128xf32, #tpu.memory_space<vmem>>, vector<16xf32>,
    %add3A_2123 = arith.constant 64 : i32
    %add3A_2124 = vector.broadcast %add3A_2123 : i32 to vector<16xi32>
    %add3A_2125 = arith.addi %iota3A, %add3A_2124 : vector<16xi32>
    %broadcast_in_dim3A_2126 = arith.constant 0 : i32
    %broadcast_in_dim3A_2127 = vector.broadcast %broadcast_in_dim3A_2126 : i32 to vector<16xi32>
    %gather3A_2128 = tpu.vector_load_idx %arg16[%add3A_2125, %broadcast_in_dim3A_2127] : memref<128x128xf32, #tpu.memory_space<vmem>>[vector<16xi32>, vector<16xi32>], vector<16xf32>,
    %broadcast_in_dim3A_2129 = arith.constant 1 : i32
    %broadcast_in_dim3A_2130 = vector.broadcast %broadcast_in_dim3A_2129 : i32 to vector<16xi32>
    %gather3A_2131 = tpu.vector_load_idx %arg16[%add3A_2125, %broadcast_in_dim3A_2130] : memref<128x128xf32, #tpu.memory_space<vmem>>[vector<16xi32>, vector<16xi32>], vector<16xf32>,
    %broadcast_in_dim3A_2132 = arith.constant 2 : i32
    %broadcast_in_dim3A_2133 = vector.broadcast %broadcast_in_dim3A_2132 : i32 to vector<16xi32>
    %gather3A_2134 = tpu.vector_load_idx %arg16[%add3A_2125, %broadcast_in_dim3A_2133] : memref<128x128xf32, #tpu.memory_space<vmem>>[vector<16xi32>, vector<16xi32>], vector<16xf32>,
    %broadcast_in_dim3A_2135 = arith.constant 3 : i32
    %broadcast_in_dim3A_2136 = vector.broadcast %broadcast_in_dim3A_2135 : i32 to vector<16xi32>
    %gather3A_2137 = tpu.vector_load_idx %arg16[%add3A_2125, %broadcast_in_dim3A_2136] : memref<128x128xf32, #tpu.memory_space<vmem>>[vector<16xi32>, vector<16xi32>], vector<16xf32>,
    %broadcast_in_dim3A_2138 = arith.constant 4 : i32
    %broadcast_in_dim3A_2139 = vector.broadcast %broadcast_in_dim3A_2138 : i32 to vector<16xi32>
    %gather3A_2140 = tpu.vector_load_idx %arg16[%add3A_2125, %broadcast_in_dim3A_2139] : memref<128x128xf32, #tpu.memory_space<vmem>>[vector<16xi32>, vector<16xi32>], vector<16xf32>,
    %broadcast_in_dim3A_2141 = arith.constant 5 : i32
    %broadcast_in_dim3A_2142 = vector.broadcast %broadcast_in_dim3A_2141 : i32 to vector<16xi32>
    %gather3A_2143 = tpu.vector_load_idx %arg16[%add3A_2125, %broadcast_in_dim3A_2142] : memref<128x128xf32, #tpu.memory_space<vmem>>[vector<16xi32>, vector<16xi32>], vector<16xf32>,
    %broadcast_in_dim3A_2144 = arith.constant 6 : i32
    %broadcast_in_dim3A_2145 = vector.broadcast %broadcast_in_dim3A_2144 : i32 to vector<16xi32>
    %gather3A_2146 = tpu.vector_load_idx %arg16[%add3A_2125, %broadcast_in_dim3A_2145] : memref<128x128xf32, #tpu.memory_space<vmem>>[vector<16xi32>, vector<16xi32>], vector<16xf32>,
    %broadcast_in_dim3A_2147 = arith.constant 7 : i32
    %broadcast_in_dim3A_2148 = vector.broadcast %broadcast_in_dim3A_2147 : i32 to vector<16xi32>
    %gather3A_2149 = tpu.vector_load_idx %arg16[%add3A_2125, %broadcast_in_dim3A_2148] : memref<128x128xf32, #tpu.memory_space<vmem>>[vector<16xi32>, vector<16xi32>], vector<16xf32>,
    %broadcast_in_dim3A_2150 = arith.constant 8 : i32
    %broadcast_in_dim3A_2151 = vector.broadcast %broadcast_in_dim3A_2150 : i32 to vector<16xi32>
    %gather3A_2152 = tpu.vector_load_idx %arg16[%add3A_2125, %broadcast_in_dim3A_2151] : memref<128x128xf32, #tpu.memory_space<vmem>>[vector<16xi32>, vector<16xi32>], vector<16xf32>,
    %broadcast_in_dim3A_2153 = arith.constant 9 : i32
    %broadcast_in_dim3A_2154 = vector.broadcast %broadcast_in_dim3A_2153 : i32 to vector<16xi32>
    %gather3A_2155 = tpu.vector_load_idx %arg16[%add3A_2125, %broadcast_in_dim3A_2154] : memref<128x128xf32, #tpu.memory_space<vmem>>[vector<16xi32>, vector<16xi32>], vector<16xf32>,
    %get3A_2156 = arith.constant 64 : index
    %get3A_2157 = tpu.vector_load %arg11[%get3A_2156] {strides = array<i32>} : memref<128xi32, #tpu.memory_space<vmem>>, vector<16xi32>,
    %gather3A_2158 = tpu.vector_load_idx %arg18[%get3A_2157] : memref<1000xf32, #tpu.memory_space<vmem>>[vector<16xi32>], vector<16xf32>,
    %broadcast_in_dim3A_2159 = arith.constant 0 : i32
    %broadcast_in_dim3A_2160 = vector.broadcast %broadcast_in_dim3A_2159 : i32 to vector<16xi32>
    %broadcast_in_dim3A_2161 = arith.constant 0.000000e+00 : f32
    %broadcast_in_dim3A_2162 = vector.broadcast %broadcast_in_dim3A_2161 : f32 to vector<16xf32>
    %broadcast_in_dim3A_2163 = arith.constant 0 : i32
    %broadcast_in_dim3A_2164 = vector.broadcast %broadcast_in_dim3A_2163 : i32 to vector<16xi32>
    %gather3A_2165 = tpu.vector_load_idx %arg17[%broadcast_in_dim3A_2160, %add3A_2125, %broadcast_in_dim3A_2164] : memref<4x128x128xf32, #tpu.memory_space<vmem>>[vector<16xi32>, vector<16xi32>, vector<16xi32>], vector<16xf32>,
    %mul3A_2166 = arith.mulf %gather3A_2128, %gather3A_2165 : vector<16xf32>
    %add3A_2167 = arith.addf %broadcast_in_dim3A_2162, %mul3A_2166 : vector<16xf32>
    %broadcast_in_dim3A_2168 = arith.constant 1 : i32
    %broadcast_in_dim3A_2169 = vector.broadcast %broadcast_in_dim3A_2168 : i32 to vector<16xi32>
    %gather3A_2170 = tpu.vector_load_idx %arg17[%broadcast_in_dim3A_2160, %add3A_2125, %broadcast_in_dim3A_2169] : memref<4x128x128xf32, #tpu.memory_space<vmem>>[vector<16xi32>, vector<16xi32>, vector<16xi32>], vector<16xf32>,
    %mul3A_2171 = arith.mulf %gather3A_2131, %gather3A_2170 : vector<16xf32>
    %add3A_2172 = arith.addf %add3A_2167, %mul3A_2171 : vector<16xf32>
    %broadcast_in_dim3A_2173 = arith.constant 2 : i32
    %broadcast_in_dim3A_2174 = vector.broadcast %broadcast_in_dim3A_2173 : i32 to vector<16xi32>
    %gather3A_2175 = tpu.vector_load_idx %arg17[%broadcast_in_dim3A_2160, %add3A_2125, %broadcast_in_dim3A_2174] : memref<4x128x128xf32, #tpu.memory_space<vmem>>[vector<16xi32>, vector<16xi32>, vector<16xi32>], vector<16xf32>,
    %mul3A_2176 = arith.mulf %gather3A_2134, %gather3A_2175 : vector<16xf32>
    %add3A_2177 = arith.addf %add3A_2172, %mul3A_2176 : vector<16xf32>
    %broadcast_in_dim3A_2178 = arith.constant 3 : i32
    %broadcast_in_dim3A_2179 = vector.broadcast %broadcast_in_dim3A_2178 : i32 to vector<16xi32>
    %gather3A_2180 = tpu.vector_load_idx %arg17[%broadcast_in_dim3A_2160, %add3A_2125, %broadcast_in_dim3A_2179] : memref<4x128x128xf32, #tpu.memory_space<vmem>>[vector<16xi32>, vector<16xi32>, vector<16xi32>], vector<16xf32>,
    %mul3A_2181 = arith.mulf %gather3A_2137, %gather3A_2180 : vector<16xf32>
    %add3A_2182 = arith.addf %add3A_2177, %mul3A_2181 : vector<16xf32>
    %broadcast_in_dim3A_2183 = arith.constant 4 : i32
    %broadcast_in_dim3A_2184 = vector.broadcast %broadcast_in_dim3A_2183 : i32 to vector<16xi32>
    %gather3A_2185 = tpu.vector_load_idx %arg17[%broadcast_in_dim3A_2160, %add3A_2125, %broadcast_in_dim3A_2184] : memref<4x128x128xf32, #tpu.memory_space<vmem>>[vector<16xi32>, vector<16xi32>, vector<16xi32>], vector<16xf32>,
    %mul3A_2186 = arith.mulf %gather3A_2140, %gather3A_2185 : vector<16xf32>
    %add3A_2187 = arith.addf %add3A_2182, %mul3A_2186 : vector<16xf32>
    %broadcast_in_dim3A_2188 = arith.constant 5 : i32
    %broadcast_in_dim3A_2189 = vector.broadcast %broadcast_in_dim3A_2188 : i32 to vector<16xi32>
    %gather3A_2190 = tpu.vector_load_idx %arg17[%broadcast_in_dim3A_2160, %add3A_2125, %broadcast_in_dim3A_2189] : memref<4x128x128xf32, #tpu.memory_space<vmem>>[vector<16xi32>, vector<16xi32>, vector<16xi32>], vector<16xf32>,
    %mul3A_2191 = arith.mulf %gather3A_2143, %gather3A_2190 : vector<16xf32>
    %add3A_2192 = arith.addf %add3A_2187, %mul3A_2191 : vector<16xf32>
    %broadcast_in_dim3A_2193 = arith.constant 6 : i32
    %broadcast_in_dim3A_2194 = vector.broadcast %broadcast_in_dim3A_2193 : i32 to vector<16xi32>
    %gather3A_2195 = tpu.vector_load_idx %arg17[%broadcast_in_dim3A_2160, %add3A_2125, %broadcast_in_dim3A_2194] : memref<4x128x128xf32, #tpu.memory_space<vmem>>[vector<16xi32>, vector<16xi32>, vector<16xi32>], vector<16xf32>,
    %mul3A_2196 = arith.mulf %gather3A_2146, %gather3A_2195 : vector<16xf32>
    %add3A_2197 = arith.addf %add3A_2192, %mul3A_2196 : vector<16xf32>
    %broadcast_in_dim3A_2198 = arith.constant 7 : i32
    %broadcast_in_dim3A_2199 = vector.broadcast %broadcast_in_dim3A_2198 : i32 to vector<16xi32>
    %gather3A_2200 = tpu.vector_load_idx %arg17[%broadcast_in_dim3A_2160, %add3A_2125, %broadcast_in_dim3A_2199] : memref<4x128x128xf32, #tpu.memory_space<vmem>>[vector<16xi32>, vector<16xi32>, vector<16xi32>], vector<16xf32>,
    %mul3A_2201 = arith.mulf %gather3A_2149, %gather3A_2200 : vector<16xf32>
    %add3A_2202 = arith.addf %add3A_2197, %mul3A_2201 : vector<16xf32>
    %broadcast_in_dim3A_2203 = arith.constant 8 : i32
    %broadcast_in_dim3A_2204 = vector.broadcast %broadcast_in_dim3A_2203 : i32 to vector<16xi32>
    %gather3A_2205 = tpu.vector_load_idx %arg17[%broadcast_in_dim3A_2160, %add3A_2125, %broadcast_in_dim3A_2204] : memref<4x128x128xf32, #tpu.memory_space<vmem>>[vector<16xi32>, vector<16xi32>, vector<16xi32>], vector<16xf32>,
    %mul3A_2206 = arith.mulf %gather3A_2152, %gather3A_2205 : vector<16xf32>
    %add3A_2207 = arith.addf %add3A_2202, %mul3A_2206 : vector<16xf32>
    %broadcast_in_dim3A_2208 = arith.constant 9 : i32
    %broadcast_in_dim3A_2209 = vector.broadcast %broadcast_in_dim3A_2208 : i32 to vector<16xi32>
    %gather3A_2210 = tpu.vector_load_idx %arg17[%broadcast_in_dim3A_2160, %add3A_2125, %broadcast_in_dim3A_2209] : memref<4x128x128xf32, #tpu.memory_space<vmem>>[vector<16xi32>, vector<16xi32>, vector<16xi32>], vector<16xf32>,
    %mul3A_2211 = arith.mulf %gather3A_2155, %gather3A_2210 : vector<16xf32>
    %add3A_2212 = arith.addf %add3A_2207, %mul3A_2211 : vector<16xf32>
    %broadcast_in_dim3A_2213 = arith.constant 10 : i32
    %broadcast_in_dim3A_2214 = vector.broadcast %broadcast_in_dim3A_2213 : i32 to vector<16xi32>
    %gather3A_2215 = tpu.vector_load_idx %arg17[%broadcast_in_dim3A_2160, %add3A_2125, %broadcast_in_dim3A_2214] : memref<4x128x128xf32, #tpu.memory_space<vmem>>[vector<16xi32>, vector<16xi32>, vector<16xi32>], vector<16xf32>,
    %get3A_2216 = arith.constant 0 : i32
    %get3A_2217 = arith.index_cast %get3A_2216 : i32 to index
    %get3A_2218 = arith.constant 64 : index
    %get3A_2219 = tpu.vector_load %arg15[%get3A_2217, %get3A_2218] {strides = array<i32>} : memref<4x128xf32, #tpu.memory_space<vmem>>, vector<16xf32>,
    %add3A_2220 = arith.addf %add3A_2212, %gather3A_2215 : vector<16xf32>
    %mul3A_2221 = arith.mulf %get3A_2219, %add3A_2220 : vector<16xf32>
    %add3A_2222 = arith.addf %gather3A_2158, %mul3A_2221 : vector<16xf32>
    %broadcast_in_dim3A_2223 = arith.constant 1 : i32
    %broadcast_in_dim3A_2224 = vector.broadcast %broadcast_in_dim3A_2223 : i32 to vector<16xi32>
    %broadcast_in_dim3A_2225 = arith.constant 0.000000e+00 : f32
    %broadcast_in_dim3A_2226 = vector.broadcast %broadcast_in_dim3A_2225 : f32 to vector<16xf32>
    %broadcast_in_dim3A_2227 = arith.constant 0 : i32
    %broadcast_in_dim3A_2228 = vector.broadcast %broadcast_in_dim3A_2227 : i32 to vector<16xi32>
    %gather3A_2229 = tpu.vector_load_idx %arg17[%broadcast_in_dim3A_2224, %add3A_2125, %broadcast_in_dim3A_2228] : memref<4x128x128xf32, #tpu.memory_space<vmem>>[vector<16xi32>, vector<16xi32>, vector<16xi32>], vector<16xf32>,
    %mul3A_2230 = arith.mulf %gather3A_2128, %gather3A_2229 : vector<16xf32>
    %add3A_2231 = arith.addf %broadcast_in_dim3A_2226, %mul3A_2230 : vector<16xf32>
    %broadcast_in_dim3A_2232 = arith.constant 1 : i32
    %broadcast_in_dim3A_2233 = vector.broadcast %broadcast_in_dim3A_2232 : i32 to vector<16xi32>
    %gather3A_2234 = tpu.vector_load_idx %arg17[%broadcast_in_dim3A_2224, %add3A_2125, %broadcast_in_dim3A_2233] : memref<4x128x128xf32, #tpu.memory_space<vmem>>[vector<16xi32>, vector<16xi32>, vector<16xi32>], vector<16xf32>,
    %mul3A_2235 = arith.mulf %gather3A_2131, %gather3A_2234 : vector<16xf32>
    %add3A_2236 = arith.addf %add3A_2231, %mul3A_2235 : vector<16xf32>
    %broadcast_in_dim3A_2237 = arith.constant 2 : i32
    %broadcast_in_dim3A_2238 = vector.broadcast %broadcast_in_dim3A_2237 : i32 to vector<16xi32>
    %gather3A_2239 = tpu.vector_load_idx %arg17[%broadcast_in_dim3A_2224, %add3A_2125, %broadcast_in_dim3A_2238] : memref<4x128x128xf32, #tpu.memory_space<vmem>>[vector<16xi32>, vector<16xi32>, vector<16xi32>], vector<16xf32>,
    %mul3A_2240 = arith.mulf %gather3A_2134, %gather3A_2239 : vector<16xf32>
    %add3A_2241 = arith.addf %add3A_2236, %mul3A_2240 : vector<16xf32>
    %broadcast_in_dim3A_2242 = arith.constant 3 : i32
    %broadcast_in_dim3A_2243 = vector.broadcast %broadcast_in_dim3A_2242 : i32 to vector<16xi32>
    %gather3A_2244 = tpu.vector_load_idx %arg17[%broadcast_in_dim3A_2224, %add3A_2125, %broadcast_in_dim3A_2243] : memref<4x128x128xf32, #tpu.memory_space<vmem>>[vector<16xi32>, vector<16xi32>, vector<16xi32>], vector<16xf32>,
    %mul3A_2245 = arith.mulf %gather3A_2137, %gather3A_2244 : vector<16xf32>
    %add3A_2246 = arith.addf %add3A_2241, %mul3A_2245 : vector<16xf32>
    %broadcast_in_dim3A_2247 = arith.constant 4 : i32
    %broadcast_in_dim3A_2248 = vector.broadcast %broadcast_in_dim3A_2247 : i32 to vector<16xi32>
    %gather3A_2249 = tpu.vector_load_idx %arg17[%broadcast_in_dim3A_2224, %add3A_2125, %broadcast_in_dim3A_2248] : memref<4x128x128xf32, #tpu.memory_space<vmem>>[vector<16xi32>, vector<16xi32>, vector<16xi32>], vector<16xf32>,
    %mul3A_2250 = arith.mulf %gather3A_2140, %gather3A_2249 : vector<16xf32>
    %add3A_2251 = arith.addf %add3A_2246, %mul3A_2250 : vector<16xf32>
    %broadcast_in_dim3A_2252 = arith.constant 5 : i32
    %broadcast_in_dim3A_2253 = vector.broadcast %broadcast_in_dim3A_2252 : i32 to vector<16xi32>
    %gather3A_2254 = tpu.vector_load_idx %arg17[%broadcast_in_dim3A_2224, %add3A_2125, %broadcast_in_dim3A_2253] : memref<4x128x128xf32, #tpu.memory_space<vmem>>[vector<16xi32>, vector<16xi32>, vector<16xi32>], vector<16xf32>,
    %mul3A_2255 = arith.mulf %gather3A_2143, %gather3A_2254 : vector<16xf32>
    %add3A_2256 = arith.addf %add3A_2251, %mul3A_2255 : vector<16xf32>
    %broadcast_in_dim3A_2257 = arith.constant 6 : i32
    %broadcast_in_dim3A_2258 = vector.broadcast %broadcast_in_dim3A_2257 : i32 to vector<16xi32>
    %gather3A_2259 = tpu.vector_load_idx %arg17[%broadcast_in_dim3A_2224, %add3A_2125, %broadcast_in_dim3A_2258] : memref<4x128x128xf32, #tpu.memory_space<vmem>>[vector<16xi32>, vector<16xi32>, vector<16xi32>], vector<16xf32>,
    %mul3A_2260 = arith.mulf %gather3A_2146, %gather3A_2259 : vector<16xf32>
    %add3A_2261 = arith.addf %add3A_2256, %mul3A_2260 : vector<16xf32>
    %broadcast_in_dim3A_2262 = arith.constant 7 : i32
    %broadcast_in_dim3A_2263 = vector.broadcast %broadcast_in_dim3A_2262 : i32 to vector<16xi32>
    %gather3A_2264 = tpu.vector_load_idx %arg17[%broadcast_in_dim3A_2224, %add3A_2125, %broadcast_in_dim3A_2263] : memref<4x128x128xf32, #tpu.memory_space<vmem>>[vector<16xi32>, vector<16xi32>, vector<16xi32>], vector<16xf32>,
    %mul3A_2265 = arith.mulf %gather3A_2149, %gather3A_2264 : vector<16xf32>
    %add3A_2266 = arith.addf %add3A_2261, %mul3A_2265 : vector<16xf32>
    %broadcast_in_dim3A_2267 = arith.constant 8 : i32
    %broadcast_in_dim3A_2268 = vector.broadcast %broadcast_in_dim3A_2267 : i32 to vector<16xi32>
    %gather3A_2269 = tpu.vector_load_idx %arg17[%broadcast_in_dim3A_2224, %add3A_2125, %broadcast_in_dim3A_2268] : memref<4x128x128xf32, #tpu.memory_space<vmem>>[vector<16xi32>, vector<16xi32>, vector<16xi32>], vector<16xf32>,
    %mul3A_2270 = arith.mulf %gather3A_2152, %gather3A_2269 : vector<16xf32>
    %add3A_2271 = arith.addf %add3A_2266, %mul3A_2270 : vector<16xf32>
    %broadcast_in_dim3A_2272 = arith.constant 9 : i32
    %broadcast_in_dim3A_2273 = vector.broadcast %broadcast_in_dim3A_2272 : i32 to vector<16xi32>
    %gather3A_2274 = tpu.vector_load_idx %arg17[%broadcast_in_dim3A_2224, %add3A_2125, %broadcast_in_dim3A_2273] : memref<4x128x128xf32, #tpu.memory_space<vmem>>[vector<16xi32>, vector<16xi32>, vector<16xi32>], vector<16xf32>,
    %mul3A_2275 = arith.mulf %gather3A_2155, %gather3A_2274 : vector<16xf32>
    %add3A_2276 = arith.addf %add3A_2271, %mul3A_2275 : vector<16xf32>
    %broadcast_in_dim3A_2277 = arith.constant 10 : i32
    %broadcast_in_dim3A_2278 = vector.broadcast %broadcast_in_dim3A_2277 : i32 to vector<16xi32>
    %gather3A_2279 = tpu.vector_load_idx %arg17[%broadcast_in_dim3A_2224, %add3A_2125, %broadcast_in_dim3A_2278] : memref<4x128x128xf32, #tpu.memory_space<vmem>>[vector<16xi32>, vector<16xi32>, vector<16xi32>], vector<16xf32>,
    %get3A_2280 = arith.constant 1 : i32
    %get3A_2281 = arith.index_cast %get3A_2280 : i32 to index
    %get3A_2282 = arith.constant 64 : index
    %get3A_2283 = tpu.vector_load %arg15[%get3A_2281, %get3A_2282] {strides = array<i32>} : memref<4x128xf32, #tpu.memory_space<vmem>>, vector<16xf32>,
    %add3A_2284 = arith.addf %add3A_2276, %gather3A_2279 : vector<16xf32>
    %mul3A_2285 = arith.mulf %get3A_2283, %add3A_2284 : vector<16xf32>
    %add3A_2286 = arith.addf %add3A_2222, %mul3A_2285 : vector<16xf32>
    %broadcast_in_dim3A_2287 = arith.constant 2 : i32
    %broadcast_in_dim3A_2288 = vector.broadcast %broadcast_in_dim3A_2287 : i32 to vector<16xi32>
    %broadcast_in_dim3A_2289 = arith.constant 0.000000e+00 : f32
    %broadcast_in_dim3A_2290 = vector.broadcast %broadcast_in_dim3A_2289 : f32 to vector<16xf32>
    %broadcast_in_dim3A_2291 = arith.constant 0 : i32
    %broadcast_in_dim3A_2292 = vector.broadcast %broadcast_in_dim3A_2291 : i32 to vector<16xi32>
    %gather3A_2293 = tpu.vector_load_idx %arg17[%broadcast_in_dim3A_2288, %add3A_2125, %broadcast_in_dim3A_2292] : memref<4x128x128xf32, #tpu.memory_space<vmem>>[vector<16xi32>, vector<16xi32>, vector<16xi32>], vector<16xf32>,
    %mul3A_2294 = arith.mulf %gather3A_2128, %gather3A_2293 : vector<16xf32>
    %add3A_2295 = arith.addf %broadcast_in_dim3A_2290, %mul3A_2294 : vector<16xf32>
    %broadcast_in_dim3A_2296 = arith.constant 1 : i32
    %broadcast_in_dim3A_2297 = vector.broadcast %broadcast_in_dim3A_2296 : i32 to vector<16xi32>
    %gather3A_2298 = tpu.vector_load_idx %arg17[%broadcast_in_dim3A_2288, %add3A_2125, %broadcast_in_dim3A_2297] : memref<4x128x128xf32, #tpu.memory_space<vmem>>[vector<16xi32>, vector<16xi32>, vector<16xi32>], vector<16xf32>,
    %mul3A_2299 = arith.mulf %gather3A_2131, %gather3A_2298 : vector<16xf32>
    %add3A_2300 = arith.addf %add3A_2295, %mul3A_2299 : vector<16xf32>
    %broadcast_in_dim3A_2301 = arith.constant 2 : i32
    %broadcast_in_dim3A_2302 = vector.broadcast %broadcast_in_dim3A_2301 : i32 to vector<16xi32>
    %gather3A_2303 = tpu.vector_load_idx %arg17[%broadcast_in_dim3A_2288, %add3A_2125, %broadcast_in_dim3A_2302] : memref<4x128x128xf32, #tpu.memory_space<vmem>>[vector<16xi32>, vector<16xi32>, vector<16xi32>], vector<16xf32>,
    %mul3A_2304 = arith.mulf %gather3A_2134, %gather3A_2303 : vector<16xf32>
    %add3A_2305 = arith.addf %add3A_2300, %mul3A_2304 : vector<16xf32>
    %broadcast_in_dim3A_2306 = arith.constant 3 : i32
    %broadcast_in_dim3A_2307 = vector.broadcast %broadcast_in_dim3A_2306 : i32 to vector<16xi32>
    %gather3A_2308 = tpu.vector_load_idx %arg17[%broadcast_in_dim3A_2288, %add3A_2125, %broadcast_in_dim3A_2307] : memref<4x128x128xf32, #tpu.memory_space<vmem>>[vector<16xi32>, vector<16xi32>, vector<16xi32>], vector<16xf32>,
    %mul3A_2309 = arith.mulf %gather3A_2137, %gather3A_2308 : vector<16xf32>
    %add3A_2310 = arith.addf %add3A_2305, %mul3A_2309 : vector<16xf32>
    %broadcast_in_dim3A_2311 = arith.constant 4 : i32
    %broadcast_in_dim3A_2312 = vector.broadcast %broadcast_in_dim3A_2311 : i32 to vector<16xi32>
    %gather3A_2313 = tpu.vector_load_idx %arg17[%broadcast_in_dim3A_2288, %add3A_2125, %broadcast_in_dim3A_2312] : memref<4x128x128xf32, #tpu.memory_space<vmem>>[vector<16xi32>, vector<16xi32>, vector<16xi32>], vector<16xf32>,
    %mul3A_2314 = arith.mulf %gather3A_2140, %gather3A_2313 : vector<16xf32>
    %add3A_2315 = arith.addf %add3A_2310, %mul3A_2314 : vector<16xf32>
    %broadcast_in_dim3A_2316 = arith.constant 5 : i32
    %broadcast_in_dim3A_2317 = vector.broadcast %broadcast_in_dim3A_2316 : i32 to vector<16xi32>
    %gather3A_2318 = tpu.vector_load_idx %arg17[%broadcast_in_dim3A_2288, %add3A_2125, %broadcast_in_dim3A_2317] : memref<4x128x128xf32, #tpu.memory_space<vmem>>[vector<16xi32>, vector<16xi32>, vector<16xi32>], vector<16xf32>,
    %mul3A_2319 = arith.mulf %gather3A_2143, %gather3A_2318 : vector<16xf32>
    %add3A_2320 = arith.addf %add3A_2315, %mul3A_2319 : vector<16xf32>
    %broadcast_in_dim3A_2321 = arith.constant 6 : i32
    %broadcast_in_dim3A_2322 = vector.broadcast %broadcast_in_dim3A_2321 : i32 to vector<16xi32>
    %gather3A_2323 = tpu.vector_load_idx %arg17[%broadcast_in_dim3A_2288, %add3A_2125, %broadcast_in_dim3A_2322] : memref<4x128x128xf32, #tpu.memory_space<vmem>>[vector<16xi32>, vector<16xi32>, vector<16xi32>], vector<16xf32>,
    %mul3A_2324 = arith.mulf %gather3A_2146, %gather3A_2323 : vector<16xf32>
    %add3A_2325 = arith.addf %add3A_2320, %mul3A_2324 : vector<16xf32>
    %broadcast_in_dim3A_2326 = arith.constant 7 : i32
    %broadcast_in_dim3A_2327 = vector.broadcast %broadcast_in_dim3A_2326 : i32 to vector<16xi32>
    %gather3A_2328 = tpu.vector_load_idx %arg17[%broadcast_in_dim3A_2288, %add3A_2125, %broadcast_in_dim3A_2327] : memref<4x128x128xf32, #tpu.memory_space<vmem>>[vector<16xi32>, vector<16xi32>, vector<16xi32>], vector<16xf32>,
    %mul3A_2329 = arith.mulf %gather3A_2149, %gather3A_2328 : vector<16xf32>
    %add3A_2330 = arith.addf %add3A_2325, %mul3A_2329 : vector<16xf32>
    %broadcast_in_dim3A_2331 = arith.constant 8 : i32
    %broadcast_in_dim3A_2332 = vector.broadcast %broadcast_in_dim3A_2331 : i32 to vector<16xi32>
    %gather3A_2333 = tpu.vector_load_idx %arg17[%broadcast_in_dim3A_2288, %add3A_2125, %broadcast_in_dim3A_2332] : memref<4x128x128xf32, #tpu.memory_space<vmem>>[vector<16xi32>, vector<16xi32>, vector<16xi32>], vector<16xf32>,
    %mul3A_2334 = arith.mulf %gather3A_2152, %gather3A_2333 : vector<16xf32>
    %add3A_2335 = arith.addf %add3A_2330, %mul3A_2334 : vector<16xf32>
    %broadcast_in_dim3A_2336 = arith.constant 9 : i32
    %broadcast_in_dim3A_2337 = vector.broadcast %broadcast_in_dim3A_2336 : i32 to vector<16xi32>
    %gather3A_2338 = tpu.vector_load_idx %arg17[%broadcast_in_dim3A_2288, %add3A_2125, %broadcast_in_dim3A_2337] : memref<4x128x128xf32, #tpu.memory_space<vmem>>[vector<16xi32>, vector<16xi32>, vector<16xi32>], vector<16xf32>,
    %mul3A_2339 = arith.mulf %gather3A_2155, %gather3A_2338 : vector<16xf32>
    %add3A_2340 = arith.addf %add3A_2335, %mul3A_2339 : vector<16xf32>
    %broadcast_in_dim3A_2341 = arith.constant 10 : i32
    %broadcast_in_dim3A_2342 = vector.broadcast %broadcast_in_dim3A_2341 : i32 to vector<16xi32>
    %gather3A_2343 = tpu.vector_load_idx %arg17[%broadcast_in_dim3A_2288, %add3A_2125, %broadcast_in_dim3A_2342] : memref<4x128x128xf32, #tpu.memory_space<vmem>>[vector<16xi32>, vector<16xi32>, vector<16xi32>], vector<16xf32>,
    %get3A_2344 = arith.constant 2 : i32
    %get3A_2345 = arith.index_cast %get3A_2344 : i32 to index
    %get3A_2346 = arith.constant 64 : index
    %get3A_2347 = tpu.vector_load %arg15[%get3A_2345, %get3A_2346] {strides = array<i32>} : memref<4x128xf32, #tpu.memory_space<vmem>>, vector<16xf32>,
    %add3A_2348 = arith.addf %add3A_2340, %gather3A_2343 : vector<16xf32>
    %mul3A_2349 = arith.mulf %get3A_2347, %add3A_2348 : vector<16xf32>
    %add3A_2350 = arith.addf %add3A_2286, %mul3A_2349 : vector<16xf32>
    %broadcast_in_dim3A_2351 = arith.constant 3 : i32
    %broadcast_in_dim3A_2352 = vector.broadcast %broadcast_in_dim3A_2351 : i32 to vector<16xi32>
    %broadcast_in_dim3A_2353 = arith.constant 0.000000e+00 : f32
    %broadcast_in_dim3A_2354 = vector.broadcast %broadcast_in_dim3A_2353 : f32 to vector<16xf32>
    %broadcast_in_dim3A_2355 = arith.constant 0 : i32
    %broadcast_in_dim3A_2356 = vector.broadcast %broadcast_in_dim3A_2355 : i32 to vector<16xi32>
    %gather3A_2357 = tpu.vector_load_idx %arg17[%broadcast_in_dim3A_2352, %add3A_2125, %broadcast_in_dim3A_2356] : memref<4x128x128xf32, #tpu.memory_space<vmem>>[vector<16xi32>, vector<16xi32>, vector<16xi32>], vector<16xf32>,
    %mul3A_2358 = arith.mulf %gather3A_2128, %gather3A_2357 : vector<16xf32>
    %add3A_2359 = arith.addf %broadcast_in_dim3A_2354, %mul3A_2358 : vector<16xf32>
    %broadcast_in_dim3A_2360 = arith.constant 1 : i32
    %broadcast_in_dim3A_2361 = vector.broadcast %broadcast_in_dim3A_2360 : i32 to vector<16xi32>
    %gather3A_2362 = tpu.vector_load_idx %arg17[%broadcast_in_dim3A_2352, %add3A_2125, %broadcast_in_dim3A_2361] : memref<4x128x128xf32, #tpu.memory_space<vmem>>[vector<16xi32>, vector<16xi32>, vector<16xi32>], vector<16xf32>,
    %mul3A_2363 = arith.mulf %gather3A_2131, %gather3A_2362 : vector<16xf32>
    %add3A_2364 = arith.addf %add3A_2359, %mul3A_2363 : vector<16xf32>
    %broadcast_in_dim3A_2365 = arith.constant 2 : i32
    %broadcast_in_dim3A_2366 = vector.broadcast %broadcast_in_dim3A_2365 : i32 to vector<16xi32>
    %gather3A_2367 = tpu.vector_load_idx %arg17[%broadcast_in_dim3A_2352, %add3A_2125, %broadcast_in_dim3A_2366] : memref<4x128x128xf32, #tpu.memory_space<vmem>>[vector<16xi32>, vector<16xi32>, vector<16xi32>], vector<16xf32>,
    %mul3A_2368 = arith.mulf %gather3A_2134, %gather3A_2367 : vector<16xf32>
    %add3A_2369 = arith.addf %add3A_2364, %mul3A_2368 : vector<16xf32>
    %broadcast_in_dim3A_2370 = arith.constant 3 : i32
    %broadcast_in_dim3A_2371 = vector.broadcast %broadcast_in_dim3A_2370 : i32 to vector<16xi32>
    %gather3A_2372 = tpu.vector_load_idx %arg17[%broadcast_in_dim3A_2352, %add3A_2125, %broadcast_in_dim3A_2371] : memref<4x128x128xf32, #tpu.memory_space<vmem>>[vector<16xi32>, vector<16xi32>, vector<16xi32>], vector<16xf32>,
    %mul3A_2373 = arith.mulf %gather3A_2137, %gather3A_2372 : vector<16xf32>
    %add3A_2374 = arith.addf %add3A_2369, %mul3A_2373 : vector<16xf32>
    %broadcast_in_dim3A_2375 = arith.constant 4 : i32
    %broadcast_in_dim3A_2376 = vector.broadcast %broadcast_in_dim3A_2375 : i32 to vector<16xi32>
    %gather3A_2377 = tpu.vector_load_idx %arg17[%broadcast_in_dim3A_2352, %add3A_2125, %broadcast_in_dim3A_2376] : memref<4x128x128xf32, #tpu.memory_space<vmem>>[vector<16xi32>, vector<16xi32>, vector<16xi32>], vector<16xf32>,
    %mul3A_2378 = arith.mulf %gather3A_2140, %gather3A_2377 : vector<16xf32>
    %add3A_2379 = arith.addf %add3A_2374, %mul3A_2378 : vector<16xf32>
    %broadcast_in_dim3A_2380 = arith.constant 5 : i32
    %broadcast_in_dim3A_2381 = vector.broadcast %broadcast_in_dim3A_2380 : i32 to vector<16xi32>
    %gather3A_2382 = tpu.vector_load_idx %arg17[%broadcast_in_dim3A_2352, %add3A_2125, %broadcast_in_dim3A_2381] : memref<4x128x128xf32, #tpu.memory_space<vmem>>[vector<16xi32>, vector<16xi32>, vector<16xi32>], vector<16xf32>,
    %mul3A_2383 = arith.mulf %gather3A_2143, %gather3A_2382 : vector<16xf32>
    %add3A_2384 = arith.addf %add3A_2379, %mul3A_2383 : vector<16xf32>
    %broadcast_in_dim3A_2385 = arith.constant 6 : i32
    %broadcast_in_dim3A_2386 = vector.broadcast %broadcast_in_dim3A_2385 : i32 to vector<16xi32>
    %gather3A_2387 = tpu.vector_load_idx %arg17[%broadcast_in_dim3A_2352, %add3A_2125, %broadcast_in_dim3A_2386] : memref<4x128x128xf32, #tpu.memory_space<vmem>>[vector<16xi32>, vector<16xi32>, vector<16xi32>], vector<16xf32>,
    %mul3A_2388 = arith.mulf %gather3A_2146, %gather3A_2387 : vector<16xf32>
    %add3A_2389 = arith.addf %add3A_2384, %mul3A_2388 : vector<16xf32>
    %broadcast_in_dim3A_2390 = arith.constant 7 : i32
    %broadcast_in_dim3A_2391 = vector.broadcast %broadcast_in_dim3A_2390 : i32 to vector<16xi32>
    %gather3A_2392 = tpu.vector_load_idx %arg17[%broadcast_in_dim3A_2352, %add3A_2125, %broadcast_in_dim3A_2391] : memref<4x128x128xf32, #tpu.memory_space<vmem>>[vector<16xi32>, vector<16xi32>, vector<16xi32>], vector<16xf32>,
    %mul3A_2393 = arith.mulf %gather3A_2149, %gather3A_2392 : vector<16xf32>
    %add3A_2394 = arith.addf %add3A_2389, %mul3A_2393 : vector<16xf32>
    %broadcast_in_dim3A_2395 = arith.constant 8 : i32
    %broadcast_in_dim3A_2396 = vector.broadcast %broadcast_in_dim3A_2395 : i32 to vector<16xi32>
    %gather3A_2397 = tpu.vector_load_idx %arg17[%broadcast_in_dim3A_2352, %add3A_2125, %broadcast_in_dim3A_2396] : memref<4x128x128xf32, #tpu.memory_space<vmem>>[vector<16xi32>, vector<16xi32>, vector<16xi32>], vector<16xf32>,
    %mul3A_2398 = arith.mulf %gather3A_2152, %gather3A_2397 : vector<16xf32>
    %add3A_2399 = arith.addf %add3A_2394, %mul3A_2398 : vector<16xf32>
    %broadcast_in_dim3A_2400 = arith.constant 9 : i32
    %broadcast_in_dim3A_2401 = vector.broadcast %broadcast_in_dim3A_2400 : i32 to vector<16xi32>
    %gather3A_2402 = tpu.vector_load_idx %arg17[%broadcast_in_dim3A_2352, %add3A_2125, %broadcast_in_dim3A_2401] : memref<4x128x128xf32, #tpu.memory_space<vmem>>[vector<16xi32>, vector<16xi32>, vector<16xi32>], vector<16xf32>,
    %mul3A_2403 = arith.mulf %gather3A_2155, %gather3A_2402 : vector<16xf32>
    %add3A_2404 = arith.addf %add3A_2399, %mul3A_2403 : vector<16xf32>
    %broadcast_in_dim3A_2405 = arith.constant 10 : i32
    %broadcast_in_dim3A_2406 = vector.broadcast %broadcast_in_dim3A_2405 : i32 to vector<16xi32>
    %gather3A_2407 = tpu.vector_load_idx %arg17[%broadcast_in_dim3A_2352, %add3A_2125, %broadcast_in_dim3A_2406] : memref<4x128x128xf32, #tpu.memory_space<vmem>>[vector<16xi32>, vector<16xi32>, vector<16xi32>], vector<16xf32>,
    %get3A_2408 = arith.constant 3 : i32
    %get3A_2409 = arith.index_cast %get3A_2408 : i32 to index
    %get3A_2410 = arith.constant 64 : index
    %get3A_2411 = tpu.vector_load %arg15[%get3A_2409, %get3A_2410] {strides = array<i32>} : memref<4x128xf32, #tpu.memory_space<vmem>>, vector<16xf32>,
    %add3A_2412 = arith.addf %add3A_2404, %gather3A_2407 : vector<16xf32>
    %mul3A_2413 = arith.mulf %get3A_2411, %add3A_2412 : vector<16xf32>
    %add3A_2414 = arith.addf %add3A_2350, %mul3A_2413 : vector<16xf32>
    %swap3A_2415 = arith.constant 64 : index
    %swap3A_2416 = tpu.vector_load %arg19[%swap3A_2415] {strides = array<i32>} : memref<128xf32, #tpu.memory_space<vmem>>, vector<16xf32>,
    tpu.vector_store %arg19[%swap3A_2415], %add3A_2414 {strides = array<i32>} : memref<128xf32, #tpu.memory_space<vmem>>, vector<16xf32>,
    %add3A_2417 = arith.constant 80 : i32
    %add3A_2418 = vector.broadcast %add3A_2417 : i32 to vector<16xi32>
    %add3A_2419 = arith.addi %iota3A, %add3A_2418 : vector<16xi32>
    %broadcast_in_dim3A_2420 = arith.constant 0 : i32
    %broadcast_in_dim3A_2421 = vector.broadcast %broadcast_in_dim3A_2420 : i32 to vector<16xi32>
    %gather3A_2422 = tpu.vector_load_idx %arg16[%add3A_2419, %broadcast_in_dim3A_2421] : memref<128x128xf32, #tpu.memory_space<vmem>>[vector<16xi32>, vector<16xi32>], vector<16xf32>,
    %broadcast_in_dim3A_2423 = arith.constant 1 : i32
    %broadcast_in_dim3A_2424 = vector.broadcast %broadcast_in_dim3A_2423 : i32 to vector<16xi32>
    %gather3A_2425 = tpu.vector_load_idx %arg16[%add3A_2419, %broadcast_in_dim3A_2424] : memref<128x128xf32, #tpu.memory_space<vmem>>[vector<16xi32>, vector<16xi32>], vector<16xf32>,
    %broadcast_in_dim3A_2426 = arith.constant 2 : i32
    %broadcast_in_dim3A_2427 = vector.broadcast %broadcast_in_dim3A_2426 : i32 to vector<16xi32>
    %gather3A_2428 = tpu.vector_load_idx %arg16[%add3A_2419, %broadcast_in_dim3A_2427] : memref<128x128xf32, #tpu.memory_space<vmem>>[vector<16xi32>, vector<16xi32>], vector<16xf32>,
    %broadcast_in_dim3A_2429 = arith.constant 3 : i32
    %broadcast_in_dim3A_2430 = vector.broadcast %broadcast_in_dim3A_2429 : i32 to vector<16xi32>
    %gather3A_2431 = tpu.vector_load_idx %arg16[%add3A_2419, %broadcast_in_dim3A_2430] : memref<128x128xf32, #tpu.memory_space<vmem>>[vector<16xi32>, vector<16xi32>], vector<16xf32>,
    %broadcast_in_dim3A_2432 = arith.constant 4 : i32
    %broadcast_in_dim3A_2433 = vector.broadcast %broadcast_in_dim3A_2432 : i32 to vector<16xi32>
    %gather3A_2434 = tpu.vector_load_idx %arg16[%add3A_2419, %broadcast_in_dim3A_2433] : memref<128x128xf32, #tpu.memory_space<vmem>>[vector<16xi32>, vector<16xi32>], vector<16xf32>,
    %broadcast_in_dim3A_2435 = arith.constant 5 : i32
    %broadcast_in_dim3A_2436 = vector.broadcast %broadcast_in_dim3A_2435 : i32 to vector<16xi32>
    %gather3A_2437 = tpu.vector_load_idx %arg16[%add3A_2419, %broadcast_in_dim3A_2436] : memref<128x128xf32, #tpu.memory_space<vmem>>[vector<16xi32>, vector<16xi32>], vector<16xf32>,
    %broadcast_in_dim3A_2438 = arith.constant 6 : i32
    %broadcast_in_dim3A_2439 = vector.broadcast %broadcast_in_dim3A_2438 : i32 to vector<16xi32>
    %gather3A_2440 = tpu.vector_load_idx %arg16[%add3A_2419, %broadcast_in_dim3A_2439] : memref<128x128xf32, #tpu.memory_space<vmem>>[vector<16xi32>, vector<16xi32>], vector<16xf32>,
    %broadcast_in_dim3A_2441 = arith.constant 7 : i32
    %broadcast_in_dim3A_2442 = vector.broadcast %broadcast_in_dim3A_2441 : i32 to vector<16xi32>
    %gather3A_2443 = tpu.vector_load_idx %arg16[%add3A_2419, %broadcast_in_dim3A_2442] : memref<128x128xf32, #tpu.memory_space<vmem>>[vector<16xi32>, vector<16xi32>], vector<16xf32>,
    %broadcast_in_dim3A_2444 = arith.constant 8 : i32
    %broadcast_in_dim3A_2445 = vector.broadcast %broadcast_in_dim3A_2444 : i32 to vector<16xi32>
    %gather3A_2446 = tpu.vector_load_idx %arg16[%add3A_2419, %broadcast_in_dim3A_2445] : memref<128x128xf32, #tpu.memory_space<vmem>>[vector<16xi32>, vector<16xi32>], vector<16xf32>,
    %broadcast_in_dim3A_2447 = arith.constant 9 : i32
    %broadcast_in_dim3A_2448 = vector.broadcast %broadcast_in_dim3A_2447 : i32 to vector<16xi32>
    %gather3A_2449 = tpu.vector_load_idx %arg16[%add3A_2419, %broadcast_in_dim3A_2448] : memref<128x128xf32, #tpu.memory_space<vmem>>[vector<16xi32>, vector<16xi32>], vector<16xf32>,
    %get3A_2450 = arith.constant 80 : index
    %get3A_2451 = tpu.vector_load %arg11[%get3A_2450] {strides = array<i32>} : memref<128xi32, #tpu.memory_space<vmem>>, vector<16xi32>,
    %gather3A_2452 = tpu.vector_load_idx %arg18[%get3A_2451] : memref<1000xf32, #tpu.memory_space<vmem>>[vector<16xi32>], vector<16xf32>,
    %broadcast_in_dim3A_2453 = arith.constant 0 : i32
    %broadcast_in_dim3A_2454 = vector.broadcast %broadcast_in_dim3A_2453 : i32 to vector<16xi32>
    %broadcast_in_dim3A_2455 = arith.constant 0.000000e+00 : f32
    %broadcast_in_dim3A_2456 = vector.broadcast %broadcast_in_dim3A_2455 : f32 to vector<16xf32>
    %broadcast_in_dim3A_2457 = arith.constant 0 : i32
    %broadcast_in_dim3A_2458 = vector.broadcast %broadcast_in_dim3A_2457 : i32 to vector<16xi32>
    %gather3A_2459 = tpu.vector_load_idx %arg17[%broadcast_in_dim3A_2454, %add3A_2419, %broadcast_in_dim3A_2458] : memref<4x128x128xf32, #tpu.memory_space<vmem>>[vector<16xi32>, vector<16xi32>, vector<16xi32>], vector<16xf32>,
    %mul3A_2460 = arith.mulf %gather3A_2422, %gather3A_2459 : vector<16xf32>
    %add3A_2461 = arith.addf %broadcast_in_dim3A_2456, %mul3A_2460 : vector<16xf32>
    %broadcast_in_dim3A_2462 = arith.constant 1 : i32
    %broadcast_in_dim3A_2463 = vector.broadcast %broadcast_in_dim3A_2462 : i32 to vector<16xi32>
    %gather3A_2464 = tpu.vector_load_idx %arg17[%broadcast_in_dim3A_2454, %add3A_2419, %broadcast_in_dim3A_2463] : memref<4x128x128xf32, #tpu.memory_space<vmem>>[vector<16xi32>, vector<16xi32>, vector<16xi32>], vector<16xf32>,
    %mul3A_2465 = arith.mulf %gather3A_2425, %gather3A_2464 : vector<16xf32>
    %add3A_2466 = arith.addf %add3A_2461, %mul3A_2465 : vector<16xf32>
    %broadcast_in_dim3A_2467 = arith.constant 2 : i32
    %broadcast_in_dim3A_2468 = vector.broadcast %broadcast_in_dim3A_2467 : i32 to vector<16xi32>
    %gather3A_2469 = tpu.vector_load_idx %arg17[%broadcast_in_dim3A_2454, %add3A_2419, %broadcast_in_dim3A_2468] : memref<4x128x128xf32, #tpu.memory_space<vmem>>[vector<16xi32>, vector<16xi32>, vector<16xi32>], vector<16xf32>,
    %mul3A_2470 = arith.mulf %gather3A_2428, %gather3A_2469 : vector<16xf32>
    %add3A_2471 = arith.addf %add3A_2466, %mul3A_2470 : vector<16xf32>
    %broadcast_in_dim3A_2472 = arith.constant 3 : i32
    %broadcast_in_dim3A_2473 = vector.broadcast %broadcast_in_dim3A_2472 : i32 to vector<16xi32>
    %gather3A_2474 = tpu.vector_load_idx %arg17[%broadcast_in_dim3A_2454, %add3A_2419, %broadcast_in_dim3A_2473] : memref<4x128x128xf32, #tpu.memory_space<vmem>>[vector<16xi32>, vector<16xi32>, vector<16xi32>], vector<16xf32>,
    %mul3A_2475 = arith.mulf %gather3A_2431, %gather3A_2474 : vector<16xf32>
    %add3A_2476 = arith.addf %add3A_2471, %mul3A_2475 : vector<16xf32>
    %broadcast_in_dim3A_2477 = arith.constant 4 : i32
    %broadcast_in_dim3A_2478 = vector.broadcast %broadcast_in_dim3A_2477 : i32 to vector<16xi32>
    %gather3A_2479 = tpu.vector_load_idx %arg17[%broadcast_in_dim3A_2454, %add3A_2419, %broadcast_in_dim3A_2478] : memref<4x128x128xf32, #tpu.memory_space<vmem>>[vector<16xi32>, vector<16xi32>, vector<16xi32>], vector<16xf32>,
    %mul3A_2480 = arith.mulf %gather3A_2434, %gather3A_2479 : vector<16xf32>
    %add3A_2481 = arith.addf %add3A_2476, %mul3A_2480 : vector<16xf32>
    %broadcast_in_dim3A_2482 = arith.constant 5 : i32
    %broadcast_in_dim3A_2483 = vector.broadcast %broadcast_in_dim3A_2482 : i32 to vector<16xi32>
    %gather3A_2484 = tpu.vector_load_idx %arg17[%broadcast_in_dim3A_2454, %add3A_2419, %broadcast_in_dim3A_2483] : memref<4x128x128xf32, #tpu.memory_space<vmem>>[vector<16xi32>, vector<16xi32>, vector<16xi32>], vector<16xf32>,
    %mul3A_2485 = arith.mulf %gather3A_2437, %gather3A_2484 : vector<16xf32>
    %add3A_2486 = arith.addf %add3A_2481, %mul3A_2485 : vector<16xf32>
    %broadcast_in_dim3A_2487 = arith.constant 6 : i32
    %broadcast_in_dim3A_2488 = vector.broadcast %broadcast_in_dim3A_2487 : i32 to vector<16xi32>
    %gather3A_2489 = tpu.vector_load_idx %arg17[%broadcast_in_dim3A_2454, %add3A_2419, %broadcast_in_dim3A_2488] : memref<4x128x128xf32, #tpu.memory_space<vmem>>[vector<16xi32>, vector<16xi32>, vector<16xi32>], vector<16xf32>,
    %mul3A_2490 = arith.mulf %gather3A_2440, %gather3A_2489 : vector<16xf32>
    %add3A_2491 = arith.addf %add3A_2486, %mul3A_2490 : vector<16xf32>
    %broadcast_in_dim3A_2492 = arith.constant 7 : i32
    %broadcast_in_dim3A_2493 = vector.broadcast %broadcast_in_dim3A_2492 : i32 to vector<16xi32>
    %gather3A_2494 = tpu.vector_load_idx %arg17[%broadcast_in_dim3A_2454, %add3A_2419, %broadcast_in_dim3A_2493] : memref<4x128x128xf32, #tpu.memory_space<vmem>>[vector<16xi32>, vector<16xi32>, vector<16xi32>], vector<16xf32>,
    %mul3A_2495 = arith.mulf %gather3A_2443, %gather3A_2494 : vector<16xf32>
    %add3A_2496 = arith.addf %add3A_2491, %mul3A_2495 : vector<16xf32>
    %broadcast_in_dim3A_2497 = arith.constant 8 : i32
    %broadcast_in_dim3A_2498 = vector.broadcast %broadcast_in_dim3A_2497 : i32 to vector<16xi32>
    %gather3A_2499 = tpu.vector_load_idx %arg17[%broadcast_in_dim3A_2454, %add3A_2419, %broadcast_in_dim3A_2498] : memref<4x128x128xf32, #tpu.memory_space<vmem>>[vector<16xi32>, vector<16xi32>, vector<16xi32>], vector<16xf32>,
    %mul3A_2500 = arith.mulf %gather3A_2446, %gather3A_2499 : vector<16xf32>
    %add3A_2501 = arith.addf %add3A_2496, %mul3A_2500 : vector<16xf32>
    %broadcast_in_dim3A_2502 = arith.constant 9 : i32
    %broadcast_in_dim3A_2503 = vector.broadcast %broadcast_in_dim3A_2502 : i32 to vector<16xi32>
    %gather3A_2504 = tpu.vector_load_idx %arg17[%broadcast_in_dim3A_2454, %add3A_2419, %broadcast_in_dim3A_2503] : memref<4x128x128xf32, #tpu.memory_space<vmem>>[vector<16xi32>, vector<16xi32>, vector<16xi32>], vector<16xf32>,
    %mul3A_2505 = arith.mulf %gather3A_2449, %gather3A_2504 : vector<16xf32>
    %add3A_2506 = arith.addf %add3A_2501, %mul3A_2505 : vector<16xf32>
    %broadcast_in_dim3A_2507 = arith.constant 10 : i32
    %broadcast_in_dim3A_2508 = vector.broadcast %broadcast_in_dim3A_2507 : i32 to vector<16xi32>
    %gather3A_2509 = tpu.vector_load_idx %arg17[%broadcast_in_dim3A_2454, %add3A_2419, %broadcast_in_dim3A_2508] : memref<4x128x128xf32, #tpu.memory_space<vmem>>[vector<16xi32>, vector<16xi32>, vector<16xi32>], vector<16xf32>,
    %get3A_2510 = arith.constant 0 : i32
    %get3A_2511 = arith.index_cast %get3A_2510 : i32 to index
    %get3A_2512 = arith.constant 80 : index
    %get3A_2513 = tpu.vector_load %arg15[%get3A_2511, %get3A_2512] {strides = array<i32>} : memref<4x128xf32, #tpu.memory_space<vmem>>, vector<16xf32>,
    %add3A_2514 = arith.addf %add3A_2506, %gather3A_2509 : vector<16xf32>
    %mul3A_2515 = arith.mulf %get3A_2513, %add3A_2514 : vector<16xf32>
    %add3A_2516 = arith.addf %gather3A_2452, %mul3A_2515 : vector<16xf32>
    %broadcast_in_dim3A_2517 = arith.constant 1 : i32
    %broadcast_in_dim3A_2518 = vector.broadcast %broadcast_in_dim3A_2517 : i32 to vector<16xi32>
    %broadcast_in_dim3A_2519 = arith.constant 0.000000e+00 : f32
    %broadcast_in_dim3A_2520 = vector.broadcast %broadcast_in_dim3A_2519 : f32 to vector<16xf32>
    %broadcast_in_dim3A_2521 = arith.constant 0 : i32
    %broadcast_in_dim3A_2522 = vector.broadcast %broadcast_in_dim3A_2521 : i32 to vector<16xi32>
    %gather3A_2523 = tpu.vector_load_idx %arg17[%broadcast_in_dim3A_2518, %add3A_2419, %broadcast_in_dim3A_2522] : memref<4x128x128xf32, #tpu.memory_space<vmem>>[vector<16xi32>, vector<16xi32>, vector<16xi32>], vector<16xf32>,
    %mul3A_2524 = arith.mulf %gather3A_2422, %gather3A_2523 : vector<16xf32>
    %add3A_2525 = arith.addf %broadcast_in_dim3A_2520, %mul3A_2524 : vector<16xf32>
    %broadcast_in_dim3A_2526 = arith.constant 1 : i32
    %broadcast_in_dim3A_2527 = vector.broadcast %broadcast_in_dim3A_2526 : i32 to vector<16xi32>
    %gather3A_2528 = tpu.vector_load_idx %arg17[%broadcast_in_dim3A_2518, %add3A_2419, %broadcast_in_dim3A_2527] : memref<4x128x128xf32, #tpu.memory_space<vmem>>[vector<16xi32>, vector<16xi32>, vector<16xi32>], vector<16xf32>,
    %mul3A_2529 = arith.mulf %gather3A_2425, %gather3A_2528 : vector<16xf32>
    %add3A_2530 = arith.addf %add3A_2525, %mul3A_2529 : vector<16xf32>
    %broadcast_in_dim3A_2531 = arith.constant 2 : i32
    %broadcast_in_dim3A_2532 = vector.broadcast %broadcast_in_dim3A_2531 : i32 to vector<16xi32>
    %gather3A_2533 = tpu.vector_load_idx %arg17[%broadcast_in_dim3A_2518, %add3A_2419, %broadcast_in_dim3A_2532] : memref<4x128x128xf32, #tpu.memory_space<vmem>>[vector<16xi32>, vector<16xi32>, vector<16xi32>], vector<16xf32>,
    %mul3A_2534 = arith.mulf %gather3A_2428, %gather3A_2533 : vector<16xf32>
    %add3A_2535 = arith.addf %add3A_2530, %mul3A_2534 : vector<16xf32>
    %broadcast_in_dim3A_2536 = arith.constant 3 : i32
    %broadcast_in_dim3A_2537 = vector.broadcast %broadcast_in_dim3A_2536 : i32 to vector<16xi32>
    %gather3A_2538 = tpu.vector_load_idx %arg17[%broadcast_in_dim3A_2518, %add3A_2419, %broadcast_in_dim3A_2537] : memref<4x128x128xf32, #tpu.memory_space<vmem>>[vector<16xi32>, vector<16xi32>, vector<16xi32>], vector<16xf32>,
    %mul3A_2539 = arith.mulf %gather3A_2431, %gather3A_2538 : vector<16xf32>
    %add3A_2540 = arith.addf %add3A_2535, %mul3A_2539 : vector<16xf32>
    %broadcast_in_dim3A_2541 = arith.constant 4 : i32
    %broadcast_in_dim3A_2542 = vector.broadcast %broadcast_in_dim3A_2541 : i32 to vector<16xi32>
    %gather3A_2543 = tpu.vector_load_idx %arg17[%broadcast_in_dim3A_2518, %add3A_2419, %broadcast_in_dim3A_2542] : memref<4x128x128xf32, #tpu.memory_space<vmem>>[vector<16xi32>, vector<16xi32>, vector<16xi32>], vector<16xf32>,
    %mul3A_2544 = arith.mulf %gather3A_2434, %gather3A_2543 : vector<16xf32>
    %add3A_2545 = arith.addf %add3A_2540, %mul3A_2544 : vector<16xf32>
    %broadcast_in_dim3A_2546 = arith.constant 5 : i32
    %broadcast_in_dim3A_2547 = vector.broadcast %broadcast_in_dim3A_2546 : i32 to vector<16xi32>
    %gather3A_2548 = tpu.vector_load_idx %arg17[%broadcast_in_dim3A_2518, %add3A_2419, %broadcast_in_dim3A_2547] : memref<4x128x128xf32, #tpu.memory_space<vmem>>[vector<16xi32>, vector<16xi32>, vector<16xi32>], vector<16xf32>,
    %mul3A_2549 = arith.mulf %gather3A_2437, %gather3A_2548 : vector<16xf32>
    %add3A_2550 = arith.addf %add3A_2545, %mul3A_2549 : vector<16xf32>
    %broadcast_in_dim3A_2551 = arith.constant 6 : i32
    %broadcast_in_dim3A_2552 = vector.broadcast %broadcast_in_dim3A_2551 : i32 to vector<16xi32>
    %gather3A_2553 = tpu.vector_load_idx %arg17[%broadcast_in_dim3A_2518, %add3A_2419, %broadcast_in_dim3A_2552] : memref<4x128x128xf32, #tpu.memory_space<vmem>>[vector<16xi32>, vector<16xi32>, vector<16xi32>], vector<16xf32>,
    %mul3A_2554 = arith.mulf %gather3A_2440, %gather3A_2553 : vector<16xf32>
    %add3A_2555 = arith.addf %add3A_2550, %mul3A_2554 : vector<16xf32>
    %broadcast_in_dim3A_2556 = arith.constant 7 : i32
    %broadcast_in_dim3A_2557 = vector.broadcast %broadcast_in_dim3A_2556 : i32 to vector<16xi32>
    %gather3A_2558 = tpu.vector_load_idx %arg17[%broadcast_in_dim3A_2518, %add3A_2419, %broadcast_in_dim3A_2557] : memref<4x128x128xf32, #tpu.memory_space<vmem>>[vector<16xi32>, vector<16xi32>, vector<16xi32>], vector<16xf32>,
    %mul3A_2559 = arith.mulf %gather3A_2443, %gather3A_2558 : vector<16xf32>
    %add3A_2560 = arith.addf %add3A_2555, %mul3A_2559 : vector<16xf32>
    %broadcast_in_dim3A_2561 = arith.constant 8 : i32
    %broadcast_in_dim3A_2562 = vector.broadcast %broadcast_in_dim3A_2561 : i32 to vector<16xi32>
    %gather3A_2563 = tpu.vector_load_idx %arg17[%broadcast_in_dim3A_2518, %add3A_2419, %broadcast_in_dim3A_2562] : memref<4x128x128xf32, #tpu.memory_space<vmem>>[vector<16xi32>, vector<16xi32>, vector<16xi32>], vector<16xf32>,
    %mul3A_2564 = arith.mulf %gather3A_2446, %gather3A_2563 : vector<16xf32>
    %add3A_2565 = arith.addf %add3A_2560, %mul3A_2564 : vector<16xf32>
    %broadcast_in_dim3A_2566 = arith.constant 9 : i32
    %broadcast_in_dim3A_2567 = vector.broadcast %broadcast_in_dim3A_2566 : i32 to vector<16xi32>
    %gather3A_2568 = tpu.vector_load_idx %arg17[%broadcast_in_dim3A_2518, %add3A_2419, %broadcast_in_dim3A_2567] : memref<4x128x128xf32, #tpu.memory_space<vmem>>[vector<16xi32>, vector<16xi32>, vector<16xi32>], vector<16xf32>,
    %mul3A_2569 = arith.mulf %gather3A_2449, %gather3A_2568 : vector<16xf32>
    %add3A_2570 = arith.addf %add3A_2565, %mul3A_2569 : vector<16xf32>
    %broadcast_in_dim3A_2571 = arith.constant 10 : i32
    %broadcast_in_dim3A_2572 = vector.broadcast %broadcast_in_dim3A_2571 : i32 to vector<16xi32>
    %gather3A_2573 = tpu.vector_load_idx %arg17[%broadcast_in_dim3A_2518, %add3A_2419, %broadcast_in_dim3A_2572] : memref<4x128x128xf32, #tpu.memory_space<vmem>>[vector<16xi32>, vector<16xi32>, vector<16xi32>], vector<16xf32>,
    %get3A_2574 = arith.constant 1 : i32
    %get3A_2575 = arith.index_cast %get3A_2574 : i32 to index
    %get3A_2576 = arith.constant 80 : index
    %get3A_2577 = tpu.vector_load %arg15[%get3A_2575, %get3A_2576] {strides = array<i32>} : memref<4x128xf32, #tpu.memory_space<vmem>>, vector<16xf32>,
    %add3A_2578 = arith.addf %add3A_2570, %gather3A_2573 : vector<16xf32>
    %mul3A_2579 = arith.mulf %get3A_2577, %add3A_2578 : vector<16xf32>
    %add3A_2580 = arith.addf %add3A_2516, %mul3A_2579 : vector<16xf32>
    %broadcast_in_dim3A_2581 = arith.constant 2 : i32
    %broadcast_in_dim3A_2582 = vector.broadcast %broadcast_in_dim3A_2581 : i32 to vector<16xi32>
    %broadcast_in_dim3A_2583 = arith.constant 0.000000e+00 : f32
    %broadcast_in_dim3A_2584 = vector.broadcast %broadcast_in_dim3A_2583 : f32 to vector<16xf32>
    %broadcast_in_dim3A_2585 = arith.constant 0 : i32
    %broadcast_in_dim3A_2586 = vector.broadcast %broadcast_in_dim3A_2585 : i32 to vector<16xi32>
    %gather3A_2587 = tpu.vector_load_idx %arg17[%broadcast_in_dim3A_2582, %add3A_2419, %broadcast_in_dim3A_2586] : memref<4x128x128xf32, #tpu.memory_space<vmem>>[vector<16xi32>, vector<16xi32>, vector<16xi32>], vector<16xf32>,
    %mul3A_2588 = arith.mulf %gather3A_2422, %gather3A_2587 : vector<16xf32>
    %add3A_2589 = arith.addf %broadcast_in_dim3A_2584, %mul3A_2588 : vector<16xf32>
    %broadcast_in_dim3A_2590 = arith.constant 1 : i32
    %broadcast_in_dim3A_2591 = vector.broadcast %broadcast_in_dim3A_2590 : i32 to vector<16xi32>
    %gather3A_2592 = tpu.vector_load_idx %arg17[%broadcast_in_dim3A_2582, %add3A_2419, %broadcast_in_dim3A_2591] : memref<4x128x128xf32, #tpu.memory_space<vmem>>[vector<16xi32>, vector<16xi32>, vector<16xi32>], vector<16xf32>,
    %mul3A_2593 = arith.mulf %gather3A_2425, %gather3A_2592 : vector<16xf32>
    %add3A_2594 = arith.addf %add3A_2589, %mul3A_2593 : vector<16xf32>
    %broadcast_in_dim3A_2595 = arith.constant 2 : i32
    %broadcast_in_dim3A_2596 = vector.broadcast %broadcast_in_dim3A_2595 : i32 to vector<16xi32>
    %gather3A_2597 = tpu.vector_load_idx %arg17[%broadcast_in_dim3A_2582, %add3A_2419, %broadcast_in_dim3A_2596] : memref<4x128x128xf32, #tpu.memory_space<vmem>>[vector<16xi32>, vector<16xi32>, vector<16xi32>], vector<16xf32>,
    %mul3A_2598 = arith.mulf %gather3A_2428, %gather3A_2597 : vector<16xf32>
    %add3A_2599 = arith.addf %add3A_2594, %mul3A_2598 : vector<16xf32>
    %broadcast_in_dim3A_2600 = arith.constant 3 : i32
    %broadcast_in_dim3A_2601 = vector.broadcast %broadcast_in_dim3A_2600 : i32 to vector<16xi32>
    %gather3A_2602 = tpu.vector_load_idx %arg17[%broadcast_in_dim3A_2582, %add3A_2419, %broadcast_in_dim3A_2601] : memref<4x128x128xf32, #tpu.memory_space<vmem>>[vector<16xi32>, vector<16xi32>, vector<16xi32>], vector<16xf32>,
    %mul3A_2603 = arith.mulf %gather3A_2431, %gather3A_2602 : vector<16xf32>
    %add3A_2604 = arith.addf %add3A_2599, %mul3A_2603 : vector<16xf32>
    %broadcast_in_dim3A_2605 = arith.constant 4 : i32
    %broadcast_in_dim3A_2606 = vector.broadcast %broadcast_in_dim3A_2605 : i32 to vector<16xi32>
    %gather3A_2607 = tpu.vector_load_idx %arg17[%broadcast_in_dim3A_2582, %add3A_2419, %broadcast_in_dim3A_2606] : memref<4x128x128xf32, #tpu.memory_space<vmem>>[vector<16xi32>, vector<16xi32>, vector<16xi32>], vector<16xf32>,
    %mul3A_2608 = arith.mulf %gather3A_2434, %gather3A_2607 : vector<16xf32>
    %add3A_2609 = arith.addf %add3A_2604, %mul3A_2608 : vector<16xf32>
    %broadcast_in_dim3A_2610 = arith.constant 5 : i32
    %broadcast_in_dim3A_2611 = vector.broadcast %broadcast_in_dim3A_2610 : i32 to vector<16xi32>
    %gather3A_2612 = tpu.vector_load_idx %arg17[%broadcast_in_dim3A_2582, %add3A_2419, %broadcast_in_dim3A_2611] : memref<4x128x128xf32, #tpu.memory_space<vmem>>[vector<16xi32>, vector<16xi32>, vector<16xi32>], vector<16xf32>,
    %mul3A_2613 = arith.mulf %gather3A_2437, %gather3A_2612 : vector<16xf32>
    %add3A_2614 = arith.addf %add3A_2609, %mul3A_2613 : vector<16xf32>
    %broadcast_in_dim3A_2615 = arith.constant 6 : i32
    %broadcast_in_dim3A_2616 = vector.broadcast %broadcast_in_dim3A_2615 : i32 to vector<16xi32>
    %gather3A_2617 = tpu.vector_load_idx %arg17[%broadcast_in_dim3A_2582, %add3A_2419, %broadcast_in_dim3A_2616] : memref<4x128x128xf32, #tpu.memory_space<vmem>>[vector<16xi32>, vector<16xi32>, vector<16xi32>], vector<16xf32>,
    %mul3A_2618 = arith.mulf %gather3A_2440, %gather3A_2617 : vector<16xf32>
    %add3A_2619 = arith.addf %add3A_2614, %mul3A_2618 : vector<16xf32>
    %broadcast_in_dim3A_2620 = arith.constant 7 : i32
    %broadcast_in_dim3A_2621 = vector.broadcast %broadcast_in_dim3A_2620 : i32 to vector<16xi32>
    %gather3A_2622 = tpu.vector_load_idx %arg17[%broadcast_in_dim3A_2582, %add3A_2419, %broadcast_in_dim3A_2621] : memref<4x128x128xf32, #tpu.memory_space<vmem>>[vector<16xi32>, vector<16xi32>, vector<16xi32>], vector<16xf32>,
    %mul3A_2623 = arith.mulf %gather3A_2443, %gather3A_2622 : vector<16xf32>
    %add3A_2624 = arith.addf %add3A_2619, %mul3A_2623 : vector<16xf32>
    %broadcast_in_dim3A_2625 = arith.constant 8 : i32
    %broadcast_in_dim3A_2626 = vector.broadcast %broadcast_in_dim3A_2625 : i32 to vector<16xi32>
    %gather3A_2627 = tpu.vector_load_idx %arg17[%broadcast_in_dim3A_2582, %add3A_2419, %broadcast_in_dim3A_2626] : memref<4x128x128xf32, #tpu.memory_space<vmem>>[vector<16xi32>, vector<16xi32>, vector<16xi32>], vector<16xf32>,
    %mul3A_2628 = arith.mulf %gather3A_2446, %gather3A_2627 : vector<16xf32>
    %add3A_2629 = arith.addf %add3A_2624, %mul3A_2628 : vector<16xf32>
    %broadcast_in_dim3A_2630 = arith.constant 9 : i32
    %broadcast_in_dim3A_2631 = vector.broadcast %broadcast_in_dim3A_2630 : i32 to vector<16xi32>
    %gather3A_2632 = tpu.vector_load_idx %arg17[%broadcast_in_dim3A_2582, %add3A_2419, %broadcast_in_dim3A_2631] : memref<4x128x128xf32, #tpu.memory_space<vmem>>[vector<16xi32>, vector<16xi32>, vector<16xi32>], vector<16xf32>,
    %mul3A_2633 = arith.mulf %gather3A_2449, %gather3A_2632 : vector<16xf32>
    %add3A_2634 = arith.addf %add3A_2629, %mul3A_2633 : vector<16xf32>
    %broadcast_in_dim3A_2635 = arith.constant 10 : i32
    %broadcast_in_dim3A_2636 = vector.broadcast %broadcast_in_dim3A_2635 : i32 to vector<16xi32>
    %gather3A_2637 = tpu.vector_load_idx %arg17[%broadcast_in_dim3A_2582, %add3A_2419, %broadcast_in_dim3A_2636] : memref<4x128x128xf32, #tpu.memory_space<vmem>>[vector<16xi32>, vector<16xi32>, vector<16xi32>], vector<16xf32>,
    %get3A_2638 = arith.constant 2 : i32
    %get3A_2639 = arith.index_cast %get3A_2638 : i32 to index
    %get3A_2640 = arith.constant 80 : index
    %get3A_2641 = tpu.vector_load %arg15[%get3A_2639, %get3A_2640] {strides = array<i32>} : memref<4x128xf32, #tpu.memory_space<vmem>>, vector<16xf32>,
    %add3A_2642 = arith.addf %add3A_2634, %gather3A_2637 : vector<16xf32>
    %mul3A_2643 = arith.mulf %get3A_2641, %add3A_2642 : vector<16xf32>
    %add3A_2644 = arith.addf %add3A_2580, %mul3A_2643 : vector<16xf32>
    %broadcast_in_dim3A_2645 = arith.constant 3 : i32
    %broadcast_in_dim3A_2646 = vector.broadcast %broadcast_in_dim3A_2645 : i32 to vector<16xi32>
    %broadcast_in_dim3A_2647 = arith.constant 0.000000e+00 : f32
    %broadcast_in_dim3A_2648 = vector.broadcast %broadcast_in_dim3A_2647 : f32 to vector<16xf32>
    %broadcast_in_dim3A_2649 = arith.constant 0 : i32
    %broadcast_in_dim3A_2650 = vector.broadcast %broadcast_in_dim3A_2649 : i32 to vector<16xi32>
    %gather3A_2651 = tpu.vector_load_idx %arg17[%broadcast_in_dim3A_2646, %add3A_2419, %broadcast_in_dim3A_2650] : memref<4x128x128xf32, #tpu.memory_space<vmem>>[vector<16xi32>, vector<16xi32>, vector<16xi32>], vector<16xf32>,
    %mul3A_2652 = arith.mulf %gather3A_2422, %gather3A_2651 : vector<16xf32>
    %add3A_2653 = arith.addf %broadcast_in_dim3A_2648, %mul3A_2652 : vector<16xf32>
    %broadcast_in_dim3A_2654 = arith.constant 1 : i32
    %broadcast_in_dim3A_2655 = vector.broadcast %broadcast_in_dim3A_2654 : i32 to vector<16xi32>
    %gather3A_2656 = tpu.vector_load_idx %arg17[%broadcast_in_dim3A_2646, %add3A_2419, %broadcast_in_dim3A_2655] : memref<4x128x128xf32, #tpu.memory_space<vmem>>[vector<16xi32>, vector<16xi32>, vector<16xi32>], vector<16xf32>,
    %mul3A_2657 = arith.mulf %gather3A_2425, %gather3A_2656 : vector<16xf32>
    %add3A_2658 = arith.addf %add3A_2653, %mul3A_2657 : vector<16xf32>
    %broadcast_in_dim3A_2659 = arith.constant 2 : i32
    %broadcast_in_dim3A_2660 = vector.broadcast %broadcast_in_dim3A_2659 : i32 to vector<16xi32>
    %gather3A_2661 = tpu.vector_load_idx %arg17[%broadcast_in_dim3A_2646, %add3A_2419, %broadcast_in_dim3A_2660] : memref<4x128x128xf32, #tpu.memory_space<vmem>>[vector<16xi32>, vector<16xi32>, vector<16xi32>], vector<16xf32>,
    %mul3A_2662 = arith.mulf %gather3A_2428, %gather3A_2661 : vector<16xf32>
    %add3A_2663 = arith.addf %add3A_2658, %mul3A_2662 : vector<16xf32>
    %broadcast_in_dim3A_2664 = arith.constant 3 : i32
    %broadcast_in_dim3A_2665 = vector.broadcast %broadcast_in_dim3A_2664 : i32 to vector<16xi32>
    %gather3A_2666 = tpu.vector_load_idx %arg17[%broadcast_in_dim3A_2646, %add3A_2419, %broadcast_in_dim3A_2665] : memref<4x128x128xf32, #tpu.memory_space<vmem>>[vector<16xi32>, vector<16xi32>, vector<16xi32>], vector<16xf32>,
    %mul3A_2667 = arith.mulf %gather3A_2431, %gather3A_2666 : vector<16xf32>
    %add3A_2668 = arith.addf %add3A_2663, %mul3A_2667 : vector<16xf32>
    %broadcast_in_dim3A_2669 = arith.constant 4 : i32
    %broadcast_in_dim3A_2670 = vector.broadcast %broadcast_in_dim3A_2669 : i32 to vector<16xi32>
    %gather3A_2671 = tpu.vector_load_idx %arg17[%broadcast_in_dim3A_2646, %add3A_2419, %broadcast_in_dim3A_2670] : memref<4x128x128xf32, #tpu.memory_space<vmem>>[vector<16xi32>, vector<16xi32>, vector<16xi32>], vector<16xf32>,
    %mul3A_2672 = arith.mulf %gather3A_2434, %gather3A_2671 : vector<16xf32>
    %add3A_2673 = arith.addf %add3A_2668, %mul3A_2672 : vector<16xf32>
    %broadcast_in_dim3A_2674 = arith.constant 5 : i32
    %broadcast_in_dim3A_2675 = vector.broadcast %broadcast_in_dim3A_2674 : i32 to vector<16xi32>
    %gather3A_2676 = tpu.vector_load_idx %arg17[%broadcast_in_dim3A_2646, %add3A_2419, %broadcast_in_dim3A_2675] : memref<4x128x128xf32, #tpu.memory_space<vmem>>[vector<16xi32>, vector<16xi32>, vector<16xi32>], vector<16xf32>,
    %mul3A_2677 = arith.mulf %gather3A_2437, %gather3A_2676 : vector<16xf32>
    %add3A_2678 = arith.addf %add3A_2673, %mul3A_2677 : vector<16xf32>
    %broadcast_in_dim3A_2679 = arith.constant 6 : i32
    %broadcast_in_dim3A_2680 = vector.broadcast %broadcast_in_dim3A_2679 : i32 to vector<16xi32>
    %gather3A_2681 = tpu.vector_load_idx %arg17[%broadcast_in_dim3A_2646, %add3A_2419, %broadcast_in_dim3A_2680] : memref<4x128x128xf32, #tpu.memory_space<vmem>>[vector<16xi32>, vector<16xi32>, vector<16xi32>], vector<16xf32>,
    %mul3A_2682 = arith.mulf %gather3A_2440, %gather3A_2681 : vector<16xf32>
    %add3A_2683 = arith.addf %add3A_2678, %mul3A_2682 : vector<16xf32>
    %broadcast_in_dim3A_2684 = arith.constant 7 : i32
    %broadcast_in_dim3A_2685 = vector.broadcast %broadcast_in_dim3A_2684 : i32 to vector<16xi32>
    %gather3A_2686 = tpu.vector_load_idx %arg17[%broadcast_in_dim3A_2646, %add3A_2419, %broadcast_in_dim3A_2685] : memref<4x128x128xf32, #tpu.memory_space<vmem>>[vector<16xi32>, vector<16xi32>, vector<16xi32>], vector<16xf32>,
    %mul3A_2687 = arith.mulf %gather3A_2443, %gather3A_2686 : vector<16xf32>
    %add3A_2688 = arith.addf %add3A_2683, %mul3A_2687 : vector<16xf32>
    %broadcast_in_dim3A_2689 = arith.constant 8 : i32
    %broadcast_in_dim3A_2690 = vector.broadcast %broadcast_in_dim3A_2689 : i32 to vector<16xi32>
    %gather3A_2691 = tpu.vector_load_idx %arg17[%broadcast_in_dim3A_2646, %add3A_2419, %broadcast_in_dim3A_2690] : memref<4x128x128xf32, #tpu.memory_space<vmem>>[vector<16xi32>, vector<16xi32>, vector<16xi32>], vector<16xf32>,
    %mul3A_2692 = arith.mulf %gather3A_2446, %gather3A_2691 : vector<16xf32>
    %add3A_2693 = arith.addf %add3A_2688, %mul3A_2692 : vector<16xf32>
    %broadcast_in_dim3A_2694 = arith.constant 9 : i32
    %broadcast_in_dim3A_2695 = vector.broadcast %broadcast_in_dim3A_2694 : i32 to vector<16xi32>
    %gather3A_2696 = tpu.vector_load_idx %arg17[%broadcast_in_dim3A_2646, %add3A_2419, %broadcast_in_dim3A_2695] : memref<4x128x128xf32, #tpu.memory_space<vmem>>[vector<16xi32>, vector<16xi32>, vector<16xi32>], vector<16xf32>,
    %mul3A_2697 = arith.mulf %gather3A_2449, %gather3A_2696 : vector<16xf32>
    %add3A_2698 = arith.addf %add3A_2693, %mul3A_2697 : vector<16xf32>
    %broadcast_in_dim3A_2699 = arith.constant 10 : i32
    %broadcast_in_dim3A_2700 = vector.broadcast %broadcast_in_dim3A_2699 : i32 to vector<16xi32>
    %gather3A_2701 = tpu.vector_load_idx %arg17[%broadcast_in_dim3A_2646, %add3A_2419, %broadcast_in_dim3A_2700] : memref<4x128x128xf32, #tpu.memory_space<vmem>>[vector<16xi32>, vector<16xi32>, vector<16xi32>], vector<16xf32>,
    %get3A_2702 = arith.constant 3 : i32
    %get3A_2703 = arith.index_cast %get3A_2702 : i32 to index
    %get3A_2704 = arith.constant 80 : index
    %get3A_2705 = tpu.vector_load %arg15[%get3A_2703, %get3A_2704] {strides = array<i32>} : memref<4x128xf32, #tpu.memory_space<vmem>>, vector<16xf32>,
    %add3A_2706 = arith.addf %add3A_2698, %gather3A_2701 : vector<16xf32>
    %mul3A_2707 = arith.mulf %get3A_2705, %add3A_2706 : vector<16xf32>
    %add3A_2708 = arith.addf %add3A_2644, %mul3A_2707 : vector<16xf32>
    %swap3A_2709 = arith.constant 80 : index
    %swap3A_2710 = tpu.vector_load %arg19[%swap3A_2709] {strides = array<i32>} : memref<128xf32, #tpu.memory_space<vmem>>, vector<16xf32>,
    tpu.vector_store %arg19[%swap3A_2709], %add3A_2708 {strides = array<i32>} : memref<128xf32, #tpu.memory_space<vmem>>, vector<16xf32>,
    %add3A_2711 = arith.constant 96 : i32
    %add3A_2712 = vector.broadcast %add3A_2711 : i32 to vector<16xi32>
    %add3A_2713 = arith.addi %iota3A, %add3A_2712 : vector<16xi32>
    %broadcast_in_dim3A_2714 = arith.constant 0 : i32
    %broadcast_in_dim3A_2715 = vector.broadcast %broadcast_in_dim3A_2714 : i32 to vector<16xi32>
    %gather3A_2716 = tpu.vector_load_idx %arg16[%add3A_2713, %broadcast_in_dim3A_2715] : memref<128x128xf32, #tpu.memory_space<vmem>>[vector<16xi32>, vector<16xi32>], vector<16xf32>,
    %broadcast_in_dim3A_2717 = arith.constant 1 : i32
    %broadcast_in_dim3A_2718 = vector.broadcast %broadcast_in_dim3A_2717 : i32 to vector<16xi32>
    %gather3A_2719 = tpu.vector_load_idx %arg16[%add3A_2713, %broadcast_in_dim3A_2718] : memref<128x128xf32, #tpu.memory_space<vmem>>[vector<16xi32>, vector<16xi32>], vector<16xf32>,
    %broadcast_in_dim3A_2720 = arith.constant 2 : i32
    %broadcast_in_dim3A_2721 = vector.broadcast %broadcast_in_dim3A_2720 : i32 to vector<16xi32>
    %gather3A_2722 = tpu.vector_load_idx %arg16[%add3A_2713, %broadcast_in_dim3A_2721] : memref<128x128xf32, #tpu.memory_space<vmem>>[vector<16xi32>, vector<16xi32>], vector<16xf32>,
    %broadcast_in_dim3A_2723 = arith.constant 3 : i32
    %broadcast_in_dim3A_2724 = vector.broadcast %broadcast_in_dim3A_2723 : i32 to vector<16xi32>
    %gather3A_2725 = tpu.vector_load_idx %arg16[%add3A_2713, %broadcast_in_dim3A_2724] : memref<128x128xf32, #tpu.memory_space<vmem>>[vector<16xi32>, vector<16xi32>], vector<16xf32>,
    %broadcast_in_dim3A_2726 = arith.constant 4 : i32
    %broadcast_in_dim3A_2727 = vector.broadcast %broadcast_in_dim3A_2726 : i32 to vector<16xi32>
    %gather3A_2728 = tpu.vector_load_idx %arg16[%add3A_2713, %broadcast_in_dim3A_2727] : memref<128x128xf32, #tpu.memory_space<vmem>>[vector<16xi32>, vector<16xi32>], vector<16xf32>,
    %broadcast_in_dim3A_2729 = arith.constant 5 : i32
    %broadcast_in_dim3A_2730 = vector.broadcast %broadcast_in_dim3A_2729 : i32 to vector<16xi32>
    %gather3A_2731 = tpu.vector_load_idx %arg16[%add3A_2713, %broadcast_in_dim3A_2730] : memref<128x128xf32, #tpu.memory_space<vmem>>[vector<16xi32>, vector<16xi32>], vector<16xf32>,
    %broadcast_in_dim3A_2732 = arith.constant 6 : i32
    %broadcast_in_dim3A_2733 = vector.broadcast %broadcast_in_dim3A_2732 : i32 to vector<16xi32>
    %gather3A_2734 = tpu.vector_load_idx %arg16[%add3A_2713, %broadcast_in_dim3A_2733] : memref<128x128xf32, #tpu.memory_space<vmem>>[vector<16xi32>, vector<16xi32>], vector<16xf32>,
    %broadcast_in_dim3A_2735 = arith.constant 7 : i32
    %broadcast_in_dim3A_2736 = vector.broadcast %broadcast_in_dim3A_2735 : i32 to vector<16xi32>
    %gather3A_2737 = tpu.vector_load_idx %arg16[%add3A_2713, %broadcast_in_dim3A_2736] : memref<128x128xf32, #tpu.memory_space<vmem>>[vector<16xi32>, vector<16xi32>], vector<16xf32>,
    %broadcast_in_dim3A_2738 = arith.constant 8 : i32
    %broadcast_in_dim3A_2739 = vector.broadcast %broadcast_in_dim3A_2738 : i32 to vector<16xi32>
    %gather3A_2740 = tpu.vector_load_idx %arg16[%add3A_2713, %broadcast_in_dim3A_2739] : memref<128x128xf32, #tpu.memory_space<vmem>>[vector<16xi32>, vector<16xi32>], vector<16xf32>,
    %broadcast_in_dim3A_2741 = arith.constant 9 : i32
    %broadcast_in_dim3A_2742 = vector.broadcast %broadcast_in_dim3A_2741 : i32 to vector<16xi32>
    %gather3A_2743 = tpu.vector_load_idx %arg16[%add3A_2713, %broadcast_in_dim3A_2742] : memref<128x128xf32, #tpu.memory_space<vmem>>[vector<16xi32>, vector<16xi32>], vector<16xf32>,
    %get3A_2744 = arith.constant 96 : index
    %get3A_2745 = tpu.vector_load %arg11[%get3A_2744] {strides = array<i32>} : memref<128xi32, #tpu.memory_space<vmem>>, vector<16xi32>,
    %gather3A_2746 = tpu.vector_load_idx %arg18[%get3A_2745] : memref<1000xf32, #tpu.memory_space<vmem>>[vector<16xi32>], vector<16xf32>,
    %broadcast_in_dim3A_2747 = arith.constant 0 : i32
    %broadcast_in_dim3A_2748 = vector.broadcast %broadcast_in_dim3A_2747 : i32 to vector<16xi32>
    %broadcast_in_dim3A_2749 = arith.constant 0.000000e+00 : f32
    %broadcast_in_dim3A_2750 = vector.broadcast %broadcast_in_dim3A_2749 : f32 to vector<16xf32>
    %broadcast_in_dim3A_2751 = arith.constant 0 : i32
    %broadcast_in_dim3A_2752 = vector.broadcast %broadcast_in_dim3A_2751 : i32 to vector<16xi32>
    %gather3A_2753 = tpu.vector_load_idx %arg17[%broadcast_in_dim3A_2748, %add3A_2713, %broadcast_in_dim3A_2752] : memref<4x128x128xf32, #tpu.memory_space<vmem>>[vector<16xi32>, vector<16xi32>, vector<16xi32>], vector<16xf32>,
    %mul3A_2754 = arith.mulf %gather3A_2716, %gather3A_2753 : vector<16xf32>
    %add3A_2755 = arith.addf %broadcast_in_dim3A_2750, %mul3A_2754 : vector<16xf32>
    %broadcast_in_dim3A_2756 = arith.constant 1 : i32
    %broadcast_in_dim3A_2757 = vector.broadcast %broadcast_in_dim3A_2756 : i32 to vector<16xi32>
    %gather3A_2758 = tpu.vector_load_idx %arg17[%broadcast_in_dim3A_2748, %add3A_2713, %broadcast_in_dim3A_2757] : memref<4x128x128xf32, #tpu.memory_space<vmem>>[vector<16xi32>, vector<16xi32>, vector<16xi32>], vector<16xf32>,
    %mul3A_2759 = arith.mulf %gather3A_2719, %gather3A_2758 : vector<16xf32>
    %add3A_2760 = arith.addf %add3A_2755, %mul3A_2759 : vector<16xf32>
    %broadcast_in_dim3A_2761 = arith.constant 2 : i32
    %broadcast_in_dim3A_2762 = vector.broadcast %broadcast_in_dim3A_2761 : i32 to vector<16xi32>
    %gather3A_2763 = tpu.vector_load_idx %arg17[%broadcast_in_dim3A_2748, %add3A_2713, %broadcast_in_dim3A_2762] : memref<4x128x128xf32, #tpu.memory_space<vmem>>[vector<16xi32>, vector<16xi32>, vector<16xi32>], vector<16xf32>,
    %mul3A_2764 = arith.mulf %gather3A_2722, %gather3A_2763 : vector<16xf32>
    %add3A_2765 = arith.addf %add3A_2760, %mul3A_2764 : vector<16xf32>
    %broadcast_in_dim3A_2766 = arith.constant 3 : i32
    %broadcast_in_dim3A_2767 = vector.broadcast %broadcast_in_dim3A_2766 : i32 to vector<16xi32>
    %gather3A_2768 = tpu.vector_load_idx %arg17[%broadcast_in_dim3A_2748, %add3A_2713, %broadcast_in_dim3A_2767] : memref<4x128x128xf32, #tpu.memory_space<vmem>>[vector<16xi32>, vector<16xi32>, vector<16xi32>], vector<16xf32>,
    %mul3A_2769 = arith.mulf %gather3A_2725, %gather3A_2768 : vector<16xf32>
    %add3A_2770 = arith.addf %add3A_2765, %mul3A_2769 : vector<16xf32>
    %broadcast_in_dim3A_2771 = arith.constant 4 : i32
    %broadcast_in_dim3A_2772 = vector.broadcast %broadcast_in_dim3A_2771 : i32 to vector<16xi32>
    %gather3A_2773 = tpu.vector_load_idx %arg17[%broadcast_in_dim3A_2748, %add3A_2713, %broadcast_in_dim3A_2772] : memref<4x128x128xf32, #tpu.memory_space<vmem>>[vector<16xi32>, vector<16xi32>, vector<16xi32>], vector<16xf32>,
    %mul3A_2774 = arith.mulf %gather3A_2728, %gather3A_2773 : vector<16xf32>
    %add3A_2775 = arith.addf %add3A_2770, %mul3A_2774 : vector<16xf32>
    %broadcast_in_dim3A_2776 = arith.constant 5 : i32
    %broadcast_in_dim3A_2777 = vector.broadcast %broadcast_in_dim3A_2776 : i32 to vector<16xi32>
    %gather3A_2778 = tpu.vector_load_idx %arg17[%broadcast_in_dim3A_2748, %add3A_2713, %broadcast_in_dim3A_2777] : memref<4x128x128xf32, #tpu.memory_space<vmem>>[vector<16xi32>, vector<16xi32>, vector<16xi32>], vector<16xf32>,
    %mul3A_2779 = arith.mulf %gather3A_2731, %gather3A_2778 : vector<16xf32>
    %add3A_2780 = arith.addf %add3A_2775, %mul3A_2779 : vector<16xf32>
    %broadcast_in_dim3A_2781 = arith.constant 6 : i32
    %broadcast_in_dim3A_2782 = vector.broadcast %broadcast_in_dim3A_2781 : i32 to vector<16xi32>
    %gather3A_2783 = tpu.vector_load_idx %arg17[%broadcast_in_dim3A_2748, %add3A_2713, %broadcast_in_dim3A_2782] : memref<4x128x128xf32, #tpu.memory_space<vmem>>[vector<16xi32>, vector<16xi32>, vector<16xi32>], vector<16xf32>,
    %mul3A_2784 = arith.mulf %gather3A_2734, %gather3A_2783 : vector<16xf32>
    %add3A_2785 = arith.addf %add3A_2780, %mul3A_2784 : vector<16xf32>
    %broadcast_in_dim3A_2786 = arith.constant 7 : i32
    %broadcast_in_dim3A_2787 = vector.broadcast %broadcast_in_dim3A_2786 : i32 to vector<16xi32>
    %gather3A_2788 = tpu.vector_load_idx %arg17[%broadcast_in_dim3A_2748, %add3A_2713, %broadcast_in_dim3A_2787] : memref<4x128x128xf32, #tpu.memory_space<vmem>>[vector<16xi32>, vector<16xi32>, vector<16xi32>], vector<16xf32>,
    %mul3A_2789 = arith.mulf %gather3A_2737, %gather3A_2788 : vector<16xf32>
    %add3A_2790 = arith.addf %add3A_2785, %mul3A_2789 : vector<16xf32>
    %broadcast_in_dim3A_2791 = arith.constant 8 : i32
    %broadcast_in_dim3A_2792 = vector.broadcast %broadcast_in_dim3A_2791 : i32 to vector<16xi32>
    %gather3A_2793 = tpu.vector_load_idx %arg17[%broadcast_in_dim3A_2748, %add3A_2713, %broadcast_in_dim3A_2792] : memref<4x128x128xf32, #tpu.memory_space<vmem>>[vector<16xi32>, vector<16xi32>, vector<16xi32>], vector<16xf32>,
    %mul3A_2794 = arith.mulf %gather3A_2740, %gather3A_2793 : vector<16xf32>
    %add3A_2795 = arith.addf %add3A_2790, %mul3A_2794 : vector<16xf32>
    %broadcast_in_dim3A_2796 = arith.constant 9 : i32
    %broadcast_in_dim3A_2797 = vector.broadcast %broadcast_in_dim3A_2796 : i32 to vector<16xi32>
    %gather3A_2798 = tpu.vector_load_idx %arg17[%broadcast_in_dim3A_2748, %add3A_2713, %broadcast_in_dim3A_2797] : memref<4x128x128xf32, #tpu.memory_space<vmem>>[vector<16xi32>, vector<16xi32>, vector<16xi32>], vector<16xf32>,
    %mul3A_2799 = arith.mulf %gather3A_2743, %gather3A_2798 : vector<16xf32>
    %add3A_2800 = arith.addf %add3A_2795, %mul3A_2799 : vector<16xf32>
    %broadcast_in_dim3A_2801 = arith.constant 10 : i32
    %broadcast_in_dim3A_2802 = vector.broadcast %broadcast_in_dim3A_2801 : i32 to vector<16xi32>
    %gather3A_2803 = tpu.vector_load_idx %arg17[%broadcast_in_dim3A_2748, %add3A_2713, %broadcast_in_dim3A_2802] : memref<4x128x128xf32, #tpu.memory_space<vmem>>[vector<16xi32>, vector<16xi32>, vector<16xi32>], vector<16xf32>,
    %get3A_2804 = arith.constant 0 : i32
    %get3A_2805 = arith.index_cast %get3A_2804 : i32 to index
    %get3A_2806 = arith.constant 96 : index
    %get3A_2807 = tpu.vector_load %arg15[%get3A_2805, %get3A_2806] {strides = array<i32>} : memref<4x128xf32, #tpu.memory_space<vmem>>, vector<16xf32>,
    %add3A_2808 = arith.addf %add3A_2800, %gather3A_2803 : vector<16xf32>
    %mul3A_2809 = arith.mulf %get3A_2807, %add3A_2808 : vector<16xf32>
    %add3A_2810 = arith.addf %gather3A_2746, %mul3A_2809 : vector<16xf32>
    %broadcast_in_dim3A_2811 = arith.constant 1 : i32
    %broadcast_in_dim3A_2812 = vector.broadcast %broadcast_in_dim3A_2811 : i32 to vector<16xi32>
    %broadcast_in_dim3A_2813 = arith.constant 0.000000e+00 : f32
    %broadcast_in_dim3A_2814 = vector.broadcast %broadcast_in_dim3A_2813 : f32 to vector<16xf32>
    %broadcast_in_dim3A_2815 = arith.constant 0 : i32
    %broadcast_in_dim3A_2816 = vector.broadcast %broadcast_in_dim3A_2815 : i32 to vector<16xi32>
    %gather3A_2817 = tpu.vector_load_idx %arg17[%broadcast_in_dim3A_2812, %add3A_2713, %broadcast_in_dim3A_2816] : memref<4x128x128xf32, #tpu.memory_space<vmem>>[vector<16xi32>, vector<16xi32>, vector<16xi32>], vector<16xf32>,
    %mul3A_2818 = arith.mulf %gather3A_2716, %gather3A_2817 : vector<16xf32>
    %add3A_2819 = arith.addf %broadcast_in_dim3A_2814, %mul3A_2818 : vector<16xf32>
    %broadcast_in_dim3A_2820 = arith.constant 1 : i32
    %broadcast_in_dim3A_2821 = vector.broadcast %broadcast_in_dim3A_2820 : i32 to vector<16xi32>
    %gather3A_2822 = tpu.vector_load_idx %arg17[%broadcast_in_dim3A_2812, %add3A_2713, %broadcast_in_dim3A_2821] : memref<4x128x128xf32, #tpu.memory_space<vmem>>[vector<16xi32>, vector<16xi32>, vector<16xi32>], vector<16xf32>,
    %mul3A_2823 = arith.mulf %gather3A_2719, %gather3A_2822 : vector<16xf32>
    %add3A_2824 = arith.addf %add3A_2819, %mul3A_2823 : vector<16xf32>
    %broadcast_in_dim3A_2825 = arith.constant 2 : i32
    %broadcast_in_dim3A_2826 = vector.broadcast %broadcast_in_dim3A_2825 : i32 to vector<16xi32>
    %gather3A_2827 = tpu.vector_load_idx %arg17[%broadcast_in_dim3A_2812, %add3A_2713, %broadcast_in_dim3A_2826] : memref<4x128x128xf32, #tpu.memory_space<vmem>>[vector<16xi32>, vector<16xi32>, vector<16xi32>], vector<16xf32>,
    %mul3A_2828 = arith.mulf %gather3A_2722, %gather3A_2827 : vector<16xf32>
    %add3A_2829 = arith.addf %add3A_2824, %mul3A_2828 : vector<16xf32>
    %broadcast_in_dim3A_2830 = arith.constant 3 : i32
    %broadcast_in_dim3A_2831 = vector.broadcast %broadcast_in_dim3A_2830 : i32 to vector<16xi32>
    %gather3A_2832 = tpu.vector_load_idx %arg17[%broadcast_in_dim3A_2812, %add3A_2713, %broadcast_in_dim3A_2831] : memref<4x128x128xf32, #tpu.memory_space<vmem>>[vector<16xi32>, vector<16xi32>, vector<16xi32>], vector<16xf32>,
    %mul3A_2833 = arith.mulf %gather3A_2725, %gather3A_2832 : vector<16xf32>
    %add3A_2834 = arith.addf %add3A_2829, %mul3A_2833 : vector<16xf32>
    %broadcast_in_dim3A_2835 = arith.constant 4 : i32
    %broadcast_in_dim3A_2836 = vector.broadcast %broadcast_in_dim3A_2835 : i32 to vector<16xi32>
    %gather3A_2837 = tpu.vector_load_idx %arg17[%broadcast_in_dim3A_2812, %add3A_2713, %broadcast_in_dim3A_2836] : memref<4x128x128xf32, #tpu.memory_space<vmem>>[vector<16xi32>, vector<16xi32>, vector<16xi32>], vector<16xf32>,
    %mul3A_2838 = arith.mulf %gather3A_2728, %gather3A_2837 : vector<16xf32>
    %add3A_2839 = arith.addf %add3A_2834, %mul3A_2838 : vector<16xf32>
    %broadcast_in_dim3A_2840 = arith.constant 5 : i32
    %broadcast_in_dim3A_2841 = vector.broadcast %broadcast_in_dim3A_2840 : i32 to vector<16xi32>
    %gather3A_2842 = tpu.vector_load_idx %arg17[%broadcast_in_dim3A_2812, %add3A_2713, %broadcast_in_dim3A_2841] : memref<4x128x128xf32, #tpu.memory_space<vmem>>[vector<16xi32>, vector<16xi32>, vector<16xi32>], vector<16xf32>,
    %mul3A_2843 = arith.mulf %gather3A_2731, %gather3A_2842 : vector<16xf32>
    %add3A_2844 = arith.addf %add3A_2839, %mul3A_2843 : vector<16xf32>
    %broadcast_in_dim3A_2845 = arith.constant 6 : i32
    %broadcast_in_dim3A_2846 = vector.broadcast %broadcast_in_dim3A_2845 : i32 to vector<16xi32>
    %gather3A_2847 = tpu.vector_load_idx %arg17[%broadcast_in_dim3A_2812, %add3A_2713, %broadcast_in_dim3A_2846] : memref<4x128x128xf32, #tpu.memory_space<vmem>>[vector<16xi32>, vector<16xi32>, vector<16xi32>], vector<16xf32>,
    %mul3A_2848 = arith.mulf %gather3A_2734, %gather3A_2847 : vector<16xf32>
    %add3A_2849 = arith.addf %add3A_2844, %mul3A_2848 : vector<16xf32>
    %broadcast_in_dim3A_2850 = arith.constant 7 : i32
    %broadcast_in_dim3A_2851 = vector.broadcast %broadcast_in_dim3A_2850 : i32 to vector<16xi32>
    %gather3A_2852 = tpu.vector_load_idx %arg17[%broadcast_in_dim3A_2812, %add3A_2713, %broadcast_in_dim3A_2851] : memref<4x128x128xf32, #tpu.memory_space<vmem>>[vector<16xi32>, vector<16xi32>, vector<16xi32>], vector<16xf32>,
    %mul3A_2853 = arith.mulf %gather3A_2737, %gather3A_2852 : vector<16xf32>
    %add3A_2854 = arith.addf %add3A_2849, %mul3A_2853 : vector<16xf32>
    %broadcast_in_dim3A_2855 = arith.constant 8 : i32
    %broadcast_in_dim3A_2856 = vector.broadcast %broadcast_in_dim3A_2855 : i32 to vector<16xi32>
    %gather3A_2857 = tpu.vector_load_idx %arg17[%broadcast_in_dim3A_2812, %add3A_2713, %broadcast_in_dim3A_2856] : memref<4x128x128xf32, #tpu.memory_space<vmem>>[vector<16xi32>, vector<16xi32>, vector<16xi32>], vector<16xf32>,
    %mul3A_2858 = arith.mulf %gather3A_2740, %gather3A_2857 : vector<16xf32>
    %add3A_2859 = arith.addf %add3A_2854, %mul3A_2858 : vector<16xf32>
    %broadcast_in_dim3A_2860 = arith.constant 9 : i32
    %broadcast_in_dim3A_2861 = vector.broadcast %broadcast_in_dim3A_2860 : i32 to vector<16xi32>
    %gather3A_2862 = tpu.vector_load_idx %arg17[%broadcast_in_dim3A_2812, %add3A_2713, %broadcast_in_dim3A_2861] : memref<4x128x128xf32, #tpu.memory_space<vmem>>[vector<16xi32>, vector<16xi32>, vector<16xi32>], vector<16xf32>,
    %mul3A_2863 = arith.mulf %gather3A_2743, %gather3A_2862 : vector<16xf32>
    %add3A_2864 = arith.addf %add3A_2859, %mul3A_2863 : vector<16xf32>
    %broadcast_in_dim3A_2865 = arith.constant 10 : i32
    %broadcast_in_dim3A_2866 = vector.broadcast %broadcast_in_dim3A_2865 : i32 to vector<16xi32>
    %gather3A_2867 = tpu.vector_load_idx %arg17[%broadcast_in_dim3A_2812, %add3A_2713, %broadcast_in_dim3A_2866] : memref<4x128x128xf32, #tpu.memory_space<vmem>>[vector<16xi32>, vector<16xi32>, vector<16xi32>], vector<16xf32>,
    %get3A_2868 = arith.constant 1 : i32
    %get3A_2869 = arith.index_cast %get3A_2868 : i32 to index
    %get3A_2870 = arith.constant 96 : index
    %get3A_2871 = tpu.vector_load %arg15[%get3A_2869, %get3A_2870] {strides = array<i32>} : memref<4x128xf32, #tpu.memory_space<vmem>>, vector<16xf32>,
    %add3A_2872 = arith.addf %add3A_2864, %gather3A_2867 : vector<16xf32>
    %mul3A_2873 = arith.mulf %get3A_2871, %add3A_2872 : vector<16xf32>
    %add3A_2874 = arith.addf %add3A_2810, %mul3A_2873 : vector<16xf32>
    %broadcast_in_dim3A_2875 = arith.constant 2 : i32
    %broadcast_in_dim3A_2876 = vector.broadcast %broadcast_in_dim3A_2875 : i32 to vector<16xi32>
    %broadcast_in_dim3A_2877 = arith.constant 0.000000e+00 : f32
    %broadcast_in_dim3A_2878 = vector.broadcast %broadcast_in_dim3A_2877 : f32 to vector<16xf32>
    %broadcast_in_dim3A_2879 = arith.constant 0 : i32
    %broadcast_in_dim3A_2880 = vector.broadcast %broadcast_in_dim3A_2879 : i32 to vector<16xi32>
    %gather3A_2881 = tpu.vector_load_idx %arg17[%broadcast_in_dim3A_2876, %add3A_2713, %broadcast_in_dim3A_2880] : memref<4x128x128xf32, #tpu.memory_space<vmem>>[vector<16xi32>, vector<16xi32>, vector<16xi32>], vector<16xf32>,
    %mul3A_2882 = arith.mulf %gather3A_2716, %gather3A_2881 : vector<16xf32>
    %add3A_2883 = arith.addf %broadcast_in_dim3A_2878, %mul3A_2882 : vector<16xf32>
    %broadcast_in_dim3A_2884 = arith.constant 1 : i32
    %broadcast_in_dim3A_2885 = vector.broadcast %broadcast_in_dim3A_2884 : i32 to vector<16xi32>
    %gather3A_2886 = tpu.vector_load_idx %arg17[%broadcast_in_dim3A_2876, %add3A_2713, %broadcast_in_dim3A_2885] : memref<4x128x128xf32, #tpu.memory_space<vmem>>[vector<16xi32>, vector<16xi32>, vector<16xi32>], vector<16xf32>,
    %mul3A_2887 = arith.mulf %gather3A_2719, %gather3A_2886 : vector<16xf32>
    %add3A_2888 = arith.addf %add3A_2883, %mul3A_2887 : vector<16xf32>
    %broadcast_in_dim3A_2889 = arith.constant 2 : i32
    %broadcast_in_dim3A_2890 = vector.broadcast %broadcast_in_dim3A_2889 : i32 to vector<16xi32>
    %gather3A_2891 = tpu.vector_load_idx %arg17[%broadcast_in_dim3A_2876, %add3A_2713, %broadcast_in_dim3A_2890] : memref<4x128x128xf32, #tpu.memory_space<vmem>>[vector<16xi32>, vector<16xi32>, vector<16xi32>], vector<16xf32>,
    %mul3A_2892 = arith.mulf %gather3A_2722, %gather3A_2891 : vector<16xf32>
    %add3A_2893 = arith.addf %add3A_2888, %mul3A_2892 : vector<16xf32>
    %broadcast_in_dim3A_2894 = arith.constant 3 : i32
    %broadcast_in_dim3A_2895 = vector.broadcast %broadcast_in_dim3A_2894 : i32 to vector<16xi32>
    %gather3A_2896 = tpu.vector_load_idx %arg17[%broadcast_in_dim3A_2876, %add3A_2713, %broadcast_in_dim3A_2895] : memref<4x128x128xf32, #tpu.memory_space<vmem>>[vector<16xi32>, vector<16xi32>, vector<16xi32>], vector<16xf32>,
    %mul3A_2897 = arith.mulf %gather3A_2725, %gather3A_2896 : vector<16xf32>
    %add3A_2898 = arith.addf %add3A_2893, %mul3A_2897 : vector<16xf32>
    %broadcast_in_dim3A_2899 = arith.constant 4 : i32
    %broadcast_in_dim3A_2900 = vector.broadcast %broadcast_in_dim3A_2899 : i32 to vector<16xi32>
    %gather3A_2901 = tpu.vector_load_idx %arg17[%broadcast_in_dim3A_2876, %add3A_2713, %broadcast_in_dim3A_2900] : memref<4x128x128xf32, #tpu.memory_space<vmem>>[vector<16xi32>, vector<16xi32>, vector<16xi32>], vector<16xf32>,
    %mul3A_2902 = arith.mulf %gather3A_2728, %gather3A_2901 : vector<16xf32>
    %add3A_2903 = arith.addf %add3A_2898, %mul3A_2902 : vector<16xf32>
    %broadcast_in_dim3A_2904 = arith.constant 5 : i32
    %broadcast_in_dim3A_2905 = vector.broadcast %broadcast_in_dim3A_2904 : i32 to vector<16xi32>
    %gather3A_2906 = tpu.vector_load_idx %arg17[%broadcast_in_dim3A_2876, %add3A_2713, %broadcast_in_dim3A_2905] : memref<4x128x128xf32, #tpu.memory_space<vmem>>[vector<16xi32>, vector<16xi32>, vector<16xi32>], vector<16xf32>,
    %mul3A_2907 = arith.mulf %gather3A_2731, %gather3A_2906 : vector<16xf32>
    %add3A_2908 = arith.addf %add3A_2903, %mul3A_2907 : vector<16xf32>
    %broadcast_in_dim3A_2909 = arith.constant 6 : i32
    %broadcast_in_dim3A_2910 = vector.broadcast %broadcast_in_dim3A_2909 : i32 to vector<16xi32>
    %gather3A_2911 = tpu.vector_load_idx %arg17[%broadcast_in_dim3A_2876, %add3A_2713, %broadcast_in_dim3A_2910] : memref<4x128x128xf32, #tpu.memory_space<vmem>>[vector<16xi32>, vector<16xi32>, vector<16xi32>], vector<16xf32>,
    %mul3A_2912 = arith.mulf %gather3A_2734, %gather3A_2911 : vector<16xf32>
    %add3A_2913 = arith.addf %add3A_2908, %mul3A_2912 : vector<16xf32>
    %broadcast_in_dim3A_2914 = arith.constant 7 : i32
    %broadcast_in_dim3A_2915 = vector.broadcast %broadcast_in_dim3A_2914 : i32 to vector<16xi32>
    %gather3A_2916 = tpu.vector_load_idx %arg17[%broadcast_in_dim3A_2876, %add3A_2713, %broadcast_in_dim3A_2915] : memref<4x128x128xf32, #tpu.memory_space<vmem>>[vector<16xi32>, vector<16xi32>, vector<16xi32>], vector<16xf32>,
    %mul3A_2917 = arith.mulf %gather3A_2737, %gather3A_2916 : vector<16xf32>
    %add3A_2918 = arith.addf %add3A_2913, %mul3A_2917 : vector<16xf32>
    %broadcast_in_dim3A_2919 = arith.constant 8 : i32
    %broadcast_in_dim3A_2920 = vector.broadcast %broadcast_in_dim3A_2919 : i32 to vector<16xi32>
    %gather3A_2921 = tpu.vector_load_idx %arg17[%broadcast_in_dim3A_2876, %add3A_2713, %broadcast_in_dim3A_2920] : memref<4x128x128xf32, #tpu.memory_space<vmem>>[vector<16xi32>, vector<16xi32>, vector<16xi32>], vector<16xf32>,
    %mul3A_2922 = arith.mulf %gather3A_2740, %gather3A_2921 : vector<16xf32>
    %add3A_2923 = arith.addf %add3A_2918, %mul3A_2922 : vector<16xf32>
    %broadcast_in_dim3A_2924 = arith.constant 9 : i32
    %broadcast_in_dim3A_2925 = vector.broadcast %broadcast_in_dim3A_2924 : i32 to vector<16xi32>
    %gather3A_2926 = tpu.vector_load_idx %arg17[%broadcast_in_dim3A_2876, %add3A_2713, %broadcast_in_dim3A_2925] : memref<4x128x128xf32, #tpu.memory_space<vmem>>[vector<16xi32>, vector<16xi32>, vector<16xi32>], vector<16xf32>,
    %mul3A_2927 = arith.mulf %gather3A_2743, %gather3A_2926 : vector<16xf32>
    %add3A_2928 = arith.addf %add3A_2923, %mul3A_2927 : vector<16xf32>
    %broadcast_in_dim3A_2929 = arith.constant 10 : i32
    %broadcast_in_dim3A_2930 = vector.broadcast %broadcast_in_dim3A_2929 : i32 to vector<16xi32>
    %gather3A_2931 = tpu.vector_load_idx %arg17[%broadcast_in_dim3A_2876, %add3A_2713, %broadcast_in_dim3A_2930] : memref<4x128x128xf32, #tpu.memory_space<vmem>>[vector<16xi32>, vector<16xi32>, vector<16xi32>], vector<16xf32>,
    %get3A_2932 = arith.constant 2 : i32
    %get3A_2933 = arith.index_cast %get3A_2932 : i32 to index
    %get3A_2934 = arith.constant 96 : index
    %get3A_2935 = tpu.vector_load %arg15[%get3A_2933, %get3A_2934] {strides = array<i32>} : memref<4x128xf32, #tpu.memory_space<vmem>>, vector<16xf32>,
    %add3A_2936 = arith.addf %add3A_2928, %gather3A_2931 : vector<16xf32>
    %mul3A_2937 = arith.mulf %get3A_2935, %add3A_2936 : vector<16xf32>
    %add3A_2938 = arith.addf %add3A_2874, %mul3A_2937 : vector<16xf32>
    %broadcast_in_dim3A_2939 = arith.constant 3 : i32
    %broadcast_in_dim3A_2940 = vector.broadcast %broadcast_in_dim3A_2939 : i32 to vector<16xi32>
    %broadcast_in_dim3A_2941 = arith.constant 0.000000e+00 : f32
    %broadcast_in_dim3A_2942 = vector.broadcast %broadcast_in_dim3A_2941 : f32 to vector<16xf32>
    %broadcast_in_dim3A_2943 = arith.constant 0 : i32
    %broadcast_in_dim3A_2944 = vector.broadcast %broadcast_in_dim3A_2943 : i32 to vector<16xi32>
    %gather3A_2945 = tpu.vector_load_idx %arg17[%broadcast_in_dim3A_2940, %add3A_2713, %broadcast_in_dim3A_2944] : memref<4x128x128xf32, #tpu.memory_space<vmem>>[vector<16xi32>, vector<16xi32>, vector<16xi32>], vector<16xf32>,
    %mul3A_2946 = arith.mulf %gather3A_2716, %gather3A_2945 : vector<16xf32>
    %add3A_2947 = arith.addf %broadcast_in_dim3A_2942, %mul3A_2946 : vector<16xf32>
    %broadcast_in_dim3A_2948 = arith.constant 1 : i32
    %broadcast_in_dim3A_2949 = vector.broadcast %broadcast_in_dim3A_2948 : i32 to vector<16xi32>
    %gather3A_2950 = tpu.vector_load_idx %arg17[%broadcast_in_dim3A_2940, %add3A_2713, %broadcast_in_dim3A_2949] : memref<4x128x128xf32, #tpu.memory_space<vmem>>[vector<16xi32>, vector<16xi32>, vector<16xi32>], vector<16xf32>,
    %mul3A_2951 = arith.mulf %gather3A_2719, %gather3A_2950 : vector<16xf32>
    %add3A_2952 = arith.addf %add3A_2947, %mul3A_2951 : vector<16xf32>
    %broadcast_in_dim3A_2953 = arith.constant 2 : i32
    %broadcast_in_dim3A_2954 = vector.broadcast %broadcast_in_dim3A_2953 : i32 to vector<16xi32>
    %gather3A_2955 = tpu.vector_load_idx %arg17[%broadcast_in_dim3A_2940, %add3A_2713, %broadcast_in_dim3A_2954] : memref<4x128x128xf32, #tpu.memory_space<vmem>>[vector<16xi32>, vector<16xi32>, vector<16xi32>], vector<16xf32>,
    %mul3A_2956 = arith.mulf %gather3A_2722, %gather3A_2955 : vector<16xf32>
    %add3A_2957 = arith.addf %add3A_2952, %mul3A_2956 : vector<16xf32>
    %broadcast_in_dim3A_2958 = arith.constant 3 : i32
    %broadcast_in_dim3A_2959 = vector.broadcast %broadcast_in_dim3A_2958 : i32 to vector<16xi32>
    %gather3A_2960 = tpu.vector_load_idx %arg17[%broadcast_in_dim3A_2940, %add3A_2713, %broadcast_in_dim3A_2959] : memref<4x128x128xf32, #tpu.memory_space<vmem>>[vector<16xi32>, vector<16xi32>, vector<16xi32>], vector<16xf32>,
    %mul3A_2961 = arith.mulf %gather3A_2725, %gather3A_2960 : vector<16xf32>
    %add3A_2962 = arith.addf %add3A_2957, %mul3A_2961 : vector<16xf32>
    %broadcast_in_dim3A_2963 = arith.constant 4 : i32
    %broadcast_in_dim3A_2964 = vector.broadcast %broadcast_in_dim3A_2963 : i32 to vector<16xi32>
    %gather3A_2965 = tpu.vector_load_idx %arg17[%broadcast_in_dim3A_2940, %add3A_2713, %broadcast_in_dim3A_2964] : memref<4x128x128xf32, #tpu.memory_space<vmem>>[vector<16xi32>, vector<16xi32>, vector<16xi32>], vector<16xf32>,
    %mul3A_2966 = arith.mulf %gather3A_2728, %gather3A_2965 : vector<16xf32>
    %add3A_2967 = arith.addf %add3A_2962, %mul3A_2966 : vector<16xf32>
    %broadcast_in_dim3A_2968 = arith.constant 5 : i32
    %broadcast_in_dim3A_2969 = vector.broadcast %broadcast_in_dim3A_2968 : i32 to vector<16xi32>
    %gather3A_2970 = tpu.vector_load_idx %arg17[%broadcast_in_dim3A_2940, %add3A_2713, %broadcast_in_dim3A_2969] : memref<4x128x128xf32, #tpu.memory_space<vmem>>[vector<16xi32>, vector<16xi32>, vector<16xi32>], vector<16xf32>,
    %mul3A_2971 = arith.mulf %gather3A_2731, %gather3A_2970 : vector<16xf32>
    %add3A_2972 = arith.addf %add3A_2967, %mul3A_2971 : vector<16xf32>
    %broadcast_in_dim3A_2973 = arith.constant 6 : i32
    %broadcast_in_dim3A_2974 = vector.broadcast %broadcast_in_dim3A_2973 : i32 to vector<16xi32>
    %gather3A_2975 = tpu.vector_load_idx %arg17[%broadcast_in_dim3A_2940, %add3A_2713, %broadcast_in_dim3A_2974] : memref<4x128x128xf32, #tpu.memory_space<vmem>>[vector<16xi32>, vector<16xi32>, vector<16xi32>], vector<16xf32>,
    %mul3A_2976 = arith.mulf %gather3A_2734, %gather3A_2975 : vector<16xf32>
    %add3A_2977 = arith.addf %add3A_2972, %mul3A_2976 : vector<16xf32>
    %broadcast_in_dim3A_2978 = arith.constant 7 : i32
    %broadcast_in_dim3A_2979 = vector.broadcast %broadcast_in_dim3A_2978 : i32 to vector<16xi32>
    %gather3A_2980 = tpu.vector_load_idx %arg17[%broadcast_in_dim3A_2940, %add3A_2713, %broadcast_in_dim3A_2979] : memref<4x128x128xf32, #tpu.memory_space<vmem>>[vector<16xi32>, vector<16xi32>, vector<16xi32>], vector<16xf32>,
    %mul3A_2981 = arith.mulf %gather3A_2737, %gather3A_2980 : vector<16xf32>
    %add3A_2982 = arith.addf %add3A_2977, %mul3A_2981 : vector<16xf32>
    %broadcast_in_dim3A_2983 = arith.constant 8 : i32
    %broadcast_in_dim3A_2984 = vector.broadcast %broadcast_in_dim3A_2983 : i32 to vector<16xi32>
    %gather3A_2985 = tpu.vector_load_idx %arg17[%broadcast_in_dim3A_2940, %add3A_2713, %broadcast_in_dim3A_2984] : memref<4x128x128xf32, #tpu.memory_space<vmem>>[vector<16xi32>, vector<16xi32>, vector<16xi32>], vector<16xf32>,
    %mul3A_2986 = arith.mulf %gather3A_2740, %gather3A_2985 : vector<16xf32>
    %add3A_2987 = arith.addf %add3A_2982, %mul3A_2986 : vector<16xf32>
    %broadcast_in_dim3A_2988 = arith.constant 9 : i32
    %broadcast_in_dim3A_2989 = vector.broadcast %broadcast_in_dim3A_2988 : i32 to vector<16xi32>
    %gather3A_2990 = tpu.vector_load_idx %arg17[%broadcast_in_dim3A_2940, %add3A_2713, %broadcast_in_dim3A_2989] : memref<4x128x128xf32, #tpu.memory_space<vmem>>[vector<16xi32>, vector<16xi32>, vector<16xi32>], vector<16xf32>,
    %mul3A_2991 = arith.mulf %gather3A_2743, %gather3A_2990 : vector<16xf32>
    %add3A_2992 = arith.addf %add3A_2987, %mul3A_2991 : vector<16xf32>
    %broadcast_in_dim3A_2993 = arith.constant 10 : i32
    %broadcast_in_dim3A_2994 = vector.broadcast %broadcast_in_dim3A_2993 : i32 to vector<16xi32>
    %gather3A_2995 = tpu.vector_load_idx %arg17[%broadcast_in_dim3A_2940, %add3A_2713, %broadcast_in_dim3A_2994] : memref<4x128x128xf32, #tpu.memory_space<vmem>>[vector<16xi32>, vector<16xi32>, vector<16xi32>], vector<16xf32>,
    %get3A_2996 = arith.constant 3 : i32
    %get3A_2997 = arith.index_cast %get3A_2996 : i32 to index
    %get3A_2998 = arith.constant 96 : index
    %get3A_2999 = tpu.vector_load %arg15[%get3A_2997, %get3A_2998] {strides = array<i32>} : memref<4x128xf32, #tpu.memory_space<vmem>>, vector<16xf32>,
    %add3A_3000 = arith.addf %add3A_2992, %gather3A_2995 : vector<16xf32>
    %mul3A_3001 = arith.mulf %get3A_2999, %add3A_3000 : vector<16xf32>
    %add3A_3002 = arith.addf %add3A_2938, %mul3A_3001 : vector<16xf32>
    %swap3A_3003 = arith.constant 96 : index
    %swap3A_3004 = tpu.vector_load %arg19[%swap3A_3003] {strides = array<i32>} : memref<128xf32, #tpu.memory_space<vmem>>, vector<16xf32>,
    tpu.vector_store %arg19[%swap3A_3003], %add3A_3002 {strides = array<i32>} : memref<128xf32, #tpu.memory_space<vmem>>, vector<16xf32>,
    %add3A_3005 = arith.constant 112 : i32
    %add3A_3006 = vector.broadcast %add3A_3005 : i32 to vector<16xi32>
    %add3A_3007 = arith.addi %iota3A, %add3A_3006 : vector<16xi32>
    %broadcast_in_dim3A_3008 = arith.constant 0 : i32
    %broadcast_in_dim3A_3009 = vector.broadcast %broadcast_in_dim3A_3008 : i32 to vector<16xi32>
    %gather3A_3010 = tpu.vector_load_idx %arg16[%add3A_3007, %broadcast_in_dim3A_3009] : memref<128x128xf32, #tpu.memory_space<vmem>>[vector<16xi32>, vector<16xi32>], vector<16xf32>,
    %broadcast_in_dim3A_3011 = arith.constant 1 : i32
    %broadcast_in_dim3A_3012 = vector.broadcast %broadcast_in_dim3A_3011 : i32 to vector<16xi32>
    %gather3A_3013 = tpu.vector_load_idx %arg16[%add3A_3007, %broadcast_in_dim3A_3012] : memref<128x128xf32, #tpu.memory_space<vmem>>[vector<16xi32>, vector<16xi32>], vector<16xf32>,
    %broadcast_in_dim3A_3014 = arith.constant 2 : i32
    %broadcast_in_dim3A_3015 = vector.broadcast %broadcast_in_dim3A_3014 : i32 to vector<16xi32>
    %gather3A_3016 = tpu.vector_load_idx %arg16[%add3A_3007, %broadcast_in_dim3A_3015] : memref<128x128xf32, #tpu.memory_space<vmem>>[vector<16xi32>, vector<16xi32>], vector<16xf32>,
    %broadcast_in_dim3A_3017 = arith.constant 3 : i32
    %broadcast_in_dim3A_3018 = vector.broadcast %broadcast_in_dim3A_3017 : i32 to vector<16xi32>
    %gather3A_3019 = tpu.vector_load_idx %arg16[%add3A_3007, %broadcast_in_dim3A_3018] : memref<128x128xf32, #tpu.memory_space<vmem>>[vector<16xi32>, vector<16xi32>], vector<16xf32>,
    %broadcast_in_dim3A_3020 = arith.constant 4 : i32
    %broadcast_in_dim3A_3021 = vector.broadcast %broadcast_in_dim3A_3020 : i32 to vector<16xi32>
    %gather3A_3022 = tpu.vector_load_idx %arg16[%add3A_3007, %broadcast_in_dim3A_3021] : memref<128x128xf32, #tpu.memory_space<vmem>>[vector<16xi32>, vector<16xi32>], vector<16xf32>,
    %broadcast_in_dim3A_3023 = arith.constant 5 : i32
    %broadcast_in_dim3A_3024 = vector.broadcast %broadcast_in_dim3A_3023 : i32 to vector<16xi32>
    %gather3A_3025 = tpu.vector_load_idx %arg16[%add3A_3007, %broadcast_in_dim3A_3024] : memref<128x128xf32, #tpu.memory_space<vmem>>[vector<16xi32>, vector<16xi32>], vector<16xf32>,
    %broadcast_in_dim3A_3026 = arith.constant 6 : i32
    %broadcast_in_dim3A_3027 = vector.broadcast %broadcast_in_dim3A_3026 : i32 to vector<16xi32>
    %gather3A_3028 = tpu.vector_load_idx %arg16[%add3A_3007, %broadcast_in_dim3A_3027] : memref<128x128xf32, #tpu.memory_space<vmem>>[vector<16xi32>, vector<16xi32>], vector<16xf32>,
    %broadcast_in_dim3A_3029 = arith.constant 7 : i32
    %broadcast_in_dim3A_3030 = vector.broadcast %broadcast_in_dim3A_3029 : i32 to vector<16xi32>
    %gather3A_3031 = tpu.vector_load_idx %arg16[%add3A_3007, %broadcast_in_dim3A_3030] : memref<128x128xf32, #tpu.memory_space<vmem>>[vector<16xi32>, vector<16xi32>], vector<16xf32>,
    %broadcast_in_dim3A_3032 = arith.constant 8 : i32
    %broadcast_in_dim3A_3033 = vector.broadcast %broadcast_in_dim3A_3032 : i32 to vector<16xi32>
    %gather3A_3034 = tpu.vector_load_idx %arg16[%add3A_3007, %broadcast_in_dim3A_3033] : memref<128x128xf32, #tpu.memory_space<vmem>>[vector<16xi32>, vector<16xi32>], vector<16xf32>,
    %broadcast_in_dim3A_3035 = arith.constant 9 : i32
    %broadcast_in_dim3A_3036 = vector.broadcast %broadcast_in_dim3A_3035 : i32 to vector<16xi32>
    %gather3A_3037 = tpu.vector_load_idx %arg16[%add3A_3007, %broadcast_in_dim3A_3036] : memref<128x128xf32, #tpu.memory_space<vmem>>[vector<16xi32>, vector<16xi32>], vector<16xf32>,
    %get3A_3038 = arith.constant 112 : index
    %get3A_3039 = tpu.vector_load %arg11[%get3A_3038] {strides = array<i32>} : memref<128xi32, #tpu.memory_space<vmem>>, vector<16xi32>,
    %gather3A_3040 = tpu.vector_load_idx %arg18[%get3A_3039] : memref<1000xf32, #tpu.memory_space<vmem>>[vector<16xi32>], vector<16xf32>,
    %broadcast_in_dim3A_3041 = arith.constant 0 : i32
    %broadcast_in_dim3A_3042 = vector.broadcast %broadcast_in_dim3A_3041 : i32 to vector<16xi32>
    %broadcast_in_dim3A_3043 = arith.constant 0.000000e+00 : f32
    %broadcast_in_dim3A_3044 = vector.broadcast %broadcast_in_dim3A_3043 : f32 to vector<16xf32>
    %broadcast_in_dim3A_3045 = arith.constant 0 : i32
    %broadcast_in_dim3A_3046 = vector.broadcast %broadcast_in_dim3A_3045 : i32 to vector<16xi32>
    %gather3A_3047 = tpu.vector_load_idx %arg17[%broadcast_in_dim3A_3042, %add3A_3007, %broadcast_in_dim3A_3046] : memref<4x128x128xf32, #tpu.memory_space<vmem>>[vector<16xi32>, vector<16xi32>, vector<16xi32>], vector<16xf32>,
    %mul3A_3048 = arith.mulf %gather3A_3010, %gather3A_3047 : vector<16xf32>
    %add3A_3049 = arith.addf %broadcast_in_dim3A_3044, %mul3A_3048 : vector<16xf32>
    %broadcast_in_dim3A_3050 = arith.constant 1 : i32
    %broadcast_in_dim3A_3051 = vector.broadcast %broadcast_in_dim3A_3050 : i32 to vector<16xi32>
    %gather3A_3052 = tpu.vector_load_idx %arg17[%broadcast_in_dim3A_3042, %add3A_3007, %broadcast_in_dim3A_3051] : memref<4x128x128xf32, #tpu.memory_space<vmem>>[vector<16xi32>, vector<16xi32>, vector<16xi32>], vector<16xf32>,
    %mul3A_3053 = arith.mulf %gather3A_3013, %gather3A_3052 : vector<16xf32>
    %add3A_3054 = arith.addf %add3A_3049, %mul3A_3053 : vector<16xf32>
    %broadcast_in_dim3A_3055 = arith.constant 2 : i32
    %broadcast_in_dim3A_3056 = vector.broadcast %broadcast_in_dim3A_3055 : i32 to vector<16xi32>
    %gather3A_3057 = tpu.vector_load_idx %arg17[%broadcast_in_dim3A_3042, %add3A_3007, %broadcast_in_dim3A_3056] : memref<4x128x128xf32, #tpu.memory_space<vmem>>[vector<16xi32>, vector<16xi32>, vector<16xi32>], vector<16xf32>,
    %mul3A_3058 = arith.mulf %gather3A_3016, %gather3A_3057 : vector<16xf32>
    %add3A_3059 = arith.addf %add3A_3054, %mul3A_3058 : vector<16xf32>
    %broadcast_in_dim3A_3060 = arith.constant 3 : i32
    %broadcast_in_dim3A_3061 = vector.broadcast %broadcast_in_dim3A_3060 : i32 to vector<16xi32>
    %gather3A_3062 = tpu.vector_load_idx %arg17[%broadcast_in_dim3A_3042, %add3A_3007, %broadcast_in_dim3A_3061] : memref<4x128x128xf32, #tpu.memory_space<vmem>>[vector<16xi32>, vector<16xi32>, vector<16xi32>], vector<16xf32>,
    %mul3A_3063 = arith.mulf %gather3A_3019, %gather3A_3062 : vector<16xf32>
    %add3A_3064 = arith.addf %add3A_3059, %mul3A_3063 : vector<16xf32>
    %broadcast_in_dim3A_3065 = arith.constant 4 : i32
    %broadcast_in_dim3A_3066 = vector.broadcast %broadcast_in_dim3A_3065 : i32 to vector<16xi32>
    %gather3A_3067 = tpu.vector_load_idx %arg17[%broadcast_in_dim3A_3042, %add3A_3007, %broadcast_in_dim3A_3066] : memref<4x128x128xf32, #tpu.memory_space<vmem>>[vector<16xi32>, vector<16xi32>, vector<16xi32>], vector<16xf32>,
    %mul3A_3068 = arith.mulf %gather3A_3022, %gather3A_3067 : vector<16xf32>
    %add3A_3069 = arith.addf %add3A_3064, %mul3A_3068 : vector<16xf32>
    %broadcast_in_dim3A_3070 = arith.constant 5 : i32
    %broadcast_in_dim3A_3071 = vector.broadcast %broadcast_in_dim3A_3070 : i32 to vector<16xi32>
    %gather3A_3072 = tpu.vector_load_idx %arg17[%broadcast_in_dim3A_3042, %add3A_3007, %broadcast_in_dim3A_3071] : memref<4x128x128xf32, #tpu.memory_space<vmem>>[vector<16xi32>, vector<16xi32>, vector<16xi32>], vector<16xf32>,
    %mul3A_3073 = arith.mulf %gather3A_3025, %gather3A_3072 : vector<16xf32>
    %add3A_3074 = arith.addf %add3A_3069, %mul3A_3073 : vector<16xf32>
    %broadcast_in_dim3A_3075 = arith.constant 6 : i32
    %broadcast_in_dim3A_3076 = vector.broadcast %broadcast_in_dim3A_3075 : i32 to vector<16xi32>
    %gather3A_3077 = tpu.vector_load_idx %arg17[%broadcast_in_dim3A_3042, %add3A_3007, %broadcast_in_dim3A_3076] : memref<4x128x128xf32, #tpu.memory_space<vmem>>[vector<16xi32>, vector<16xi32>, vector<16xi32>], vector<16xf32>,
    %mul3A_3078 = arith.mulf %gather3A_3028, %gather3A_3077 : vector<16xf32>
    %add3A_3079 = arith.addf %add3A_3074, %mul3A_3078 : vector<16xf32>
    %broadcast_in_dim3A_3080 = arith.constant 7 : i32
    %broadcast_in_dim3A_3081 = vector.broadcast %broadcast_in_dim3A_3080 : i32 to vector<16xi32>
    %gather3A_3082 = tpu.vector_load_idx %arg17[%broadcast_in_dim3A_3042, %add3A_3007, %broadcast_in_dim3A_3081] : memref<4x128x128xf32, #tpu.memory_space<vmem>>[vector<16xi32>, vector<16xi32>, vector<16xi32>], vector<16xf32>,
    %mul3A_3083 = arith.mulf %gather3A_3031, %gather3A_3082 : vector<16xf32>
    %add3A_3084 = arith.addf %add3A_3079, %mul3A_3083 : vector<16xf32>
    %broadcast_in_dim3A_3085 = arith.constant 8 : i32
    %broadcast_in_dim3A_3086 = vector.broadcast %broadcast_in_dim3A_3085 : i32 to vector<16xi32>
    %gather3A_3087 = tpu.vector_load_idx %arg17[%broadcast_in_dim3A_3042, %add3A_3007, %broadcast_in_dim3A_3086] : memref<4x128x128xf32, #tpu.memory_space<vmem>>[vector<16xi32>, vector<16xi32>, vector<16xi32>], vector<16xf32>,
    %mul3A_3088 = arith.mulf %gather3A_3034, %gather3A_3087 : vector<16xf32>
    %add3A_3089 = arith.addf %add3A_3084, %mul3A_3088 : vector<16xf32>
    %broadcast_in_dim3A_3090 = arith.constant 9 : i32
    %broadcast_in_dim3A_3091 = vector.broadcast %broadcast_in_dim3A_3090 : i32 to vector<16xi32>
    %gather3A_3092 = tpu.vector_load_idx %arg17[%broadcast_in_dim3A_3042, %add3A_3007, %broadcast_in_dim3A_3091] : memref<4x128x128xf32, #tpu.memory_space<vmem>>[vector<16xi32>, vector<16xi32>, vector<16xi32>], vector<16xf32>,
    %mul3A_3093 = arith.mulf %gather3A_3037, %gather3A_3092 : vector<16xf32>
    %add3A_3094 = arith.addf %add3A_3089, %mul3A_3093 : vector<16xf32>
    %broadcast_in_dim3A_3095 = arith.constant 10 : i32
    %broadcast_in_dim3A_3096 = vector.broadcast %broadcast_in_dim3A_3095 : i32 to vector<16xi32>
    %gather3A_3097 = tpu.vector_load_idx %arg17[%broadcast_in_dim3A_3042, %add3A_3007, %broadcast_in_dim3A_3096] : memref<4x128x128xf32, #tpu.memory_space<vmem>>[vector<16xi32>, vector<16xi32>, vector<16xi32>], vector<16xf32>,
    %get3A_3098 = arith.constant 0 : i32
    %get3A_3099 = arith.index_cast %get3A_3098 : i32 to index
    %get3A_3100 = arith.constant 112 : index
    %get3A_3101 = tpu.vector_load %arg15[%get3A_3099, %get3A_3100] {strides = array<i32>} : memref<4x128xf32, #tpu.memory_space<vmem>>, vector<16xf32>,
    %add3A_3102 = arith.addf %add3A_3094, %gather3A_3097 : vector<16xf32>
    %mul3A_3103 = arith.mulf %get3A_3101, %add3A_3102 : vector<16xf32>
    %add3A_3104 = arith.addf %gather3A_3040, %mul3A_3103 : vector<16xf32>
    %broadcast_in_dim3A_3105 = arith.constant 1 : i32
    %broadcast_in_dim3A_3106 = vector.broadcast %broadcast_in_dim3A_3105 : i32 to vector<16xi32>
    %broadcast_in_dim3A_3107 = arith.constant 0.000000e+00 : f32
    %broadcast_in_dim3A_3108 = vector.broadcast %broadcast_in_dim3A_3107 : f32 to vector<16xf32>
    %broadcast_in_dim3A_3109 = arith.constant 0 : i32
    %broadcast_in_dim3A_3110 = vector.broadcast %broadcast_in_dim3A_3109 : i32 to vector<16xi32>
    %gather3A_3111 = tpu.vector_load_idx %arg17[%broadcast_in_dim3A_3106, %add3A_3007, %broadcast_in_dim3A_3110] : memref<4x128x128xf32, #tpu.memory_space<vmem>>[vector<16xi32>, vector<16xi32>, vector<16xi32>], vector<16xf32>,
    %mul3A_3112 = arith.mulf %gather3A_3010, %gather3A_3111 : vector<16xf32>
    %add3A_3113 = arith.addf %broadcast_in_dim3A_3108, %mul3A_3112 : vector<16xf32>
    %broadcast_in_dim3A_3114 = arith.constant 1 : i32
    %broadcast_in_dim3A_3115 = vector.broadcast %broadcast_in_dim3A_3114 : i32 to vector<16xi32>
    %gather3A_3116 = tpu.vector_load_idx %arg17[%broadcast_in_dim3A_3106, %add3A_3007, %broadcast_in_dim3A_3115] : memref<4x128x128xf32, #tpu.memory_space<vmem>>[vector<16xi32>, vector<16xi32>, vector<16xi32>], vector<16xf32>,
    %mul3A_3117 = arith.mulf %gather3A_3013, %gather3A_3116 : vector<16xf32>
    %add3A_3118 = arith.addf %add3A_3113, %mul3A_3117 : vector<16xf32>
    %broadcast_in_dim3A_3119 = arith.constant 2 : i32
    %broadcast_in_dim3A_3120 = vector.broadcast %broadcast_in_dim3A_3119 : i32 to vector<16xi32>
    %gather3A_3121 = tpu.vector_load_idx %arg17[%broadcast_in_dim3A_3106, %add3A_3007, %broadcast_in_dim3A_3120] : memref<4x128x128xf32, #tpu.memory_space<vmem>>[vector<16xi32>, vector<16xi32>, vector<16xi32>], vector<16xf32>,
    %mul3A_3122 = arith.mulf %gather3A_3016, %gather3A_3121 : vector<16xf32>
    %add3A_3123 = arith.addf %add3A_3118, %mul3A_3122 : vector<16xf32>
    %broadcast_in_dim3A_3124 = arith.constant 3 : i32
    %broadcast_in_dim3A_3125 = vector.broadcast %broadcast_in_dim3A_3124 : i32 to vector<16xi32>
    %gather3A_3126 = tpu.vector_load_idx %arg17[%broadcast_in_dim3A_3106, %add3A_3007, %broadcast_in_dim3A_3125] : memref<4x128x128xf32, #tpu.memory_space<vmem>>[vector<16xi32>, vector<16xi32>, vector<16xi32>], vector<16xf32>,
    %mul3A_3127 = arith.mulf %gather3A_3019, %gather3A_3126 : vector<16xf32>
    %add3A_3128 = arith.addf %add3A_3123, %mul3A_3127 : vector<16xf32>
    %broadcast_in_dim3A_3129 = arith.constant 4 : i32
    %broadcast_in_dim3A_3130 = vector.broadcast %broadcast_in_dim3A_3129 : i32 to vector<16xi32>
    %gather3A_3131 = tpu.vector_load_idx %arg17[%broadcast_in_dim3A_3106, %add3A_3007, %broadcast_in_dim3A_3130] : memref<4x128x128xf32, #tpu.memory_space<vmem>>[vector<16xi32>, vector<16xi32>, vector<16xi32>], vector<16xf32>,
    %mul3A_3132 = arith.mulf %gather3A_3022, %gather3A_3131 : vector<16xf32>
    %add3A_3133 = arith.addf %add3A_3128, %mul3A_3132 : vector<16xf32>
    %broadcast_in_dim3A_3134 = arith.constant 5 : i32
    %broadcast_in_dim3A_3135 = vector.broadcast %broadcast_in_dim3A_3134 : i32 to vector<16xi32>
    %gather3A_3136 = tpu.vector_load_idx %arg17[%broadcast_in_dim3A_3106, %add3A_3007, %broadcast_in_dim3A_3135] : memref<4x128x128xf32, #tpu.memory_space<vmem>>[vector<16xi32>, vector<16xi32>, vector<16xi32>], vector<16xf32>,
    %mul3A_3137 = arith.mulf %gather3A_3025, %gather3A_3136 : vector<16xf32>
    %add3A_3138 = arith.addf %add3A_3133, %mul3A_3137 : vector<16xf32>
    %broadcast_in_dim3A_3139 = arith.constant 6 : i32
    %broadcast_in_dim3A_3140 = vector.broadcast %broadcast_in_dim3A_3139 : i32 to vector<16xi32>
    %gather3A_3141 = tpu.vector_load_idx %arg17[%broadcast_in_dim3A_3106, %add3A_3007, %broadcast_in_dim3A_3140] : memref<4x128x128xf32, #tpu.memory_space<vmem>>[vector<16xi32>, vector<16xi32>, vector<16xi32>], vector<16xf32>,
    %mul3A_3142 = arith.mulf %gather3A_3028, %gather3A_3141 : vector<16xf32>
    %add3A_3143 = arith.addf %add3A_3138, %mul3A_3142 : vector<16xf32>
    %broadcast_in_dim3A_3144 = arith.constant 7 : i32
    %broadcast_in_dim3A_3145 = vector.broadcast %broadcast_in_dim3A_3144 : i32 to vector<16xi32>
    %gather3A_3146 = tpu.vector_load_idx %arg17[%broadcast_in_dim3A_3106, %add3A_3007, %broadcast_in_dim3A_3145] : memref<4x128x128xf32, #tpu.memory_space<vmem>>[vector<16xi32>, vector<16xi32>, vector<16xi32>], vector<16xf32>,
    %mul3A_3147 = arith.mulf %gather3A_3031, %gather3A_3146 : vector<16xf32>
    %add3A_3148 = arith.addf %add3A_3143, %mul3A_3147 : vector<16xf32>
    %broadcast_in_dim3A_3149 = arith.constant 8 : i32
    %broadcast_in_dim3A_3150 = vector.broadcast %broadcast_in_dim3A_3149 : i32 to vector<16xi32>
    %gather3A_3151 = tpu.vector_load_idx %arg17[%broadcast_in_dim3A_3106, %add3A_3007, %broadcast_in_dim3A_3150] : memref<4x128x128xf32, #tpu.memory_space<vmem>>[vector<16xi32>, vector<16xi32>, vector<16xi32>], vector<16xf32>,
    %mul3A_3152 = arith.mulf %gather3A_3034, %gather3A_3151 : vector<16xf32>
    %add3A_3153 = arith.addf %add3A_3148, %mul3A_3152 : vector<16xf32>
    %broadcast_in_dim3A_3154 = arith.constant 9 : i32
    %broadcast_in_dim3A_3155 = vector.broadcast %broadcast_in_dim3A_3154 : i32 to vector<16xi32>
    %gather3A_3156 = tpu.vector_load_idx %arg17[%broadcast_in_dim3A_3106, %add3A_3007, %broadcast_in_dim3A_3155] : memref<4x128x128xf32, #tpu.memory_space<vmem>>[vector<16xi32>, vector<16xi32>, vector<16xi32>], vector<16xf32>,
    %mul3A_3157 = arith.mulf %gather3A_3037, %gather3A_3156 : vector<16xf32>
    %add3A_3158 = arith.addf %add3A_3153, %mul3A_3157 : vector<16xf32>
    %broadcast_in_dim3A_3159 = arith.constant 10 : i32
    %broadcast_in_dim3A_3160 = vector.broadcast %broadcast_in_dim3A_3159 : i32 to vector<16xi32>
    %gather3A_3161 = tpu.vector_load_idx %arg17[%broadcast_in_dim3A_3106, %add3A_3007, %broadcast_in_dim3A_3160] : memref<4x128x128xf32, #tpu.memory_space<vmem>>[vector<16xi32>, vector<16xi32>, vector<16xi32>], vector<16xf32>,
    %get3A_3162 = arith.constant 1 : i32
    %get3A_3163 = arith.index_cast %get3A_3162 : i32 to index
    %get3A_3164 = arith.constant 112 : index
    %get3A_3165 = tpu.vector_load %arg15[%get3A_3163, %get3A_3164] {strides = array<i32>} : memref<4x128xf32, #tpu.memory_space<vmem>>, vector<16xf32>,
    %add3A_3166 = arith.addf %add3A_3158, %gather3A_3161 : vector<16xf32>
    %mul3A_3167 = arith.mulf %get3A_3165, %add3A_3166 : vector<16xf32>
    %add3A_3168 = arith.addf %add3A_3104, %mul3A_3167 : vector<16xf32>
    %broadcast_in_dim3A_3169 = arith.constant 2 : i32
    %broadcast_in_dim3A_3170 = vector.broadcast %broadcast_in_dim3A_3169 : i32 to vector<16xi32>
    %broadcast_in_dim3A_3171 = arith.constant 0.000000e+00 : f32
    %broadcast_in_dim3A_3172 = vector.broadcast %broadcast_in_dim3A_3171 : f32 to vector<16xf32>
    %broadcast_in_dim3A_3173 = arith.constant 0 : i32
    %broadcast_in_dim3A_3174 = vector.broadcast %broadcast_in_dim3A_3173 : i32 to vector<16xi32>
    %gather3A_3175 = tpu.vector_load_idx %arg17[%broadcast_in_dim3A_3170, %add3A_3007, %broadcast_in_dim3A_3174] : memref<4x128x128xf32, #tpu.memory_space<vmem>>[vector<16xi32>, vector<16xi32>, vector<16xi32>], vector<16xf32>,
    %mul3A_3176 = arith.mulf %gather3A_3010, %gather3A_3175 : vector<16xf32>
    %add3A_3177 = arith.addf %broadcast_in_dim3A_3172, %mul3A_3176 : vector<16xf32>
    %broadcast_in_dim3A_3178 = arith.constant 1 : i32
    %broadcast_in_dim3A_3179 = vector.broadcast %broadcast_in_dim3A_3178 : i32 to vector<16xi32>
    %gather3A_3180 = tpu.vector_load_idx %arg17[%broadcast_in_dim3A_3170, %add3A_3007, %broadcast_in_dim3A_3179] : memref<4x128x128xf32, #tpu.memory_space<vmem>>[vector<16xi32>, vector<16xi32>, vector<16xi32>], vector<16xf32>,
    %mul3A_3181 = arith.mulf %gather3A_3013, %gather3A_3180 : vector<16xf32>
    %add3A_3182 = arith.addf %add3A_3177, %mul3A_3181 : vector<16xf32>
    %broadcast_in_dim3A_3183 = arith.constant 2 : i32
    %broadcast_in_dim3A_3184 = vector.broadcast %broadcast_in_dim3A_3183 : i32 to vector<16xi32>
    %gather3A_3185 = tpu.vector_load_idx %arg17[%broadcast_in_dim3A_3170, %add3A_3007, %broadcast_in_dim3A_3184] : memref<4x128x128xf32, #tpu.memory_space<vmem>>[vector<16xi32>, vector<16xi32>, vector<16xi32>], vector<16xf32>,
    %mul3A_3186 = arith.mulf %gather3A_3016, %gather3A_3185 : vector<16xf32>
    %add3A_3187 = arith.addf %add3A_3182, %mul3A_3186 : vector<16xf32>
    %broadcast_in_dim3A_3188 = arith.constant 3 : i32
    %broadcast_in_dim3A_3189 = vector.broadcast %broadcast_in_dim3A_3188 : i32 to vector<16xi32>
    %gather3A_3190 = tpu.vector_load_idx %arg17[%broadcast_in_dim3A_3170, %add3A_3007, %broadcast_in_dim3A_3189] : memref<4x128x128xf32, #tpu.memory_space<vmem>>[vector<16xi32>, vector<16xi32>, vector<16xi32>], vector<16xf32>,
    %mul3A_3191 = arith.mulf %gather3A_3019, %gather3A_3190 : vector<16xf32>
    %add3A_3192 = arith.addf %add3A_3187, %mul3A_3191 : vector<16xf32>
    %broadcast_in_dim3A_3193 = arith.constant 4 : i32
    %broadcast_in_dim3A_3194 = vector.broadcast %broadcast_in_dim3A_3193 : i32 to vector<16xi32>
    %gather3A_3195 = tpu.vector_load_idx %arg17[%broadcast_in_dim3A_3170, %add3A_3007, %broadcast_in_dim3A_3194] : memref<4x128x128xf32, #tpu.memory_space<vmem>>[vector<16xi32>, vector<16xi32>, vector<16xi32>], vector<16xf32>,
    %mul3A_3196 = arith.mulf %gather3A_3022, %gather3A_3195 : vector<16xf32>
    %add3A_3197 = arith.addf %add3A_3192, %mul3A_3196 : vector<16xf32>
    %broadcast_in_dim3A_3198 = arith.constant 5 : i32
    %broadcast_in_dim3A_3199 = vector.broadcast %broadcast_in_dim3A_3198 : i32 to vector<16xi32>
    %gather3A_3200 = tpu.vector_load_idx %arg17[%broadcast_in_dim3A_3170, %add3A_3007, %broadcast_in_dim3A_3199] : memref<4x128x128xf32, #tpu.memory_space<vmem>>[vector<16xi32>, vector<16xi32>, vector<16xi32>], vector<16xf32>,
    %mul3A_3201 = arith.mulf %gather3A_3025, %gather3A_3200 : vector<16xf32>
    %add3A_3202 = arith.addf %add3A_3197, %mul3A_3201 : vector<16xf32>
    %broadcast_in_dim3A_3203 = arith.constant 6 : i32
    %broadcast_in_dim3A_3204 = vector.broadcast %broadcast_in_dim3A_3203 : i32 to vector<16xi32>
    %gather3A_3205 = tpu.vector_load_idx %arg17[%broadcast_in_dim3A_3170, %add3A_3007, %broadcast_in_dim3A_3204] : memref<4x128x128xf32, #tpu.memory_space<vmem>>[vector<16xi32>, vector<16xi32>, vector<16xi32>], vector<16xf32>,
    %mul3A_3206 = arith.mulf %gather3A_3028, %gather3A_3205 : vector<16xf32>
    %add3A_3207 = arith.addf %add3A_3202, %mul3A_3206 : vector<16xf32>
    %broadcast_in_dim3A_3208 = arith.constant 7 : i32
    %broadcast_in_dim3A_3209 = vector.broadcast %broadcast_in_dim3A_3208 : i32 to vector<16xi32>
    %gather3A_3210 = tpu.vector_load_idx %arg17[%broadcast_in_dim3A_3170, %add3A_3007, %broadcast_in_dim3A_3209] : memref<4x128x128xf32, #tpu.memory_space<vmem>>[vector<16xi32>, vector<16xi32>, vector<16xi32>], vector<16xf32>,
    %mul3A_3211 = arith.mulf %gather3A_3031, %gather3A_3210 : vector<16xf32>
    %add3A_3212 = arith.addf %add3A_3207, %mul3A_3211 : vector<16xf32>
    %broadcast_in_dim3A_3213 = arith.constant 8 : i32
    %broadcast_in_dim3A_3214 = vector.broadcast %broadcast_in_dim3A_3213 : i32 to vector<16xi32>
    %gather3A_3215 = tpu.vector_load_idx %arg17[%broadcast_in_dim3A_3170, %add3A_3007, %broadcast_in_dim3A_3214] : memref<4x128x128xf32, #tpu.memory_space<vmem>>[vector<16xi32>, vector<16xi32>, vector<16xi32>], vector<16xf32>,
    %mul3A_3216 = arith.mulf %gather3A_3034, %gather3A_3215 : vector<16xf32>
    %add3A_3217 = arith.addf %add3A_3212, %mul3A_3216 : vector<16xf32>
    %broadcast_in_dim3A_3218 = arith.constant 9 : i32
    %broadcast_in_dim3A_3219 = vector.broadcast %broadcast_in_dim3A_3218 : i32 to vector<16xi32>
    %gather3A_3220 = tpu.vector_load_idx %arg17[%broadcast_in_dim3A_3170, %add3A_3007, %broadcast_in_dim3A_3219] : memref<4x128x128xf32, #tpu.memory_space<vmem>>[vector<16xi32>, vector<16xi32>, vector<16xi32>], vector<16xf32>,
    %mul3A_3221 = arith.mulf %gather3A_3037, %gather3A_3220 : vector<16xf32>
    %add3A_3222 = arith.addf %add3A_3217, %mul3A_3221 : vector<16xf32>
    %broadcast_in_dim3A_3223 = arith.constant 10 : i32
    %broadcast_in_dim3A_3224 = vector.broadcast %broadcast_in_dim3A_3223 : i32 to vector<16xi32>
    %gather3A_3225 = tpu.vector_load_idx %arg17[%broadcast_in_dim3A_3170, %add3A_3007, %broadcast_in_dim3A_3224] : memref<4x128x128xf32, #tpu.memory_space<vmem>>[vector<16xi32>, vector<16xi32>, vector<16xi32>], vector<16xf32>,
    %get3A_3226 = arith.constant 2 : i32
    %get3A_3227 = arith.index_cast %get3A_3226 : i32 to index
    %get3A_3228 = arith.constant 112 : index
    %get3A_3229 = tpu.vector_load %arg15[%get3A_3227, %get3A_3228] {strides = array<i32>} : memref<4x128xf32, #tpu.memory_space<vmem>>, vector<16xf32>,
    %add3A_3230 = arith.addf %add3A_3222, %gather3A_3225 : vector<16xf32>
    %mul3A_3231 = arith.mulf %get3A_3229, %add3A_3230 : vector<16xf32>
    %add3A_3232 = arith.addf %add3A_3168, %mul3A_3231 : vector<16xf32>
    %broadcast_in_dim3A_3233 = arith.constant 3 : i32
    %broadcast_in_dim3A_3234 = vector.broadcast %broadcast_in_dim3A_3233 : i32 to vector<16xi32>
    %broadcast_in_dim3A_3235 = arith.constant 0.000000e+00 : f32
    %broadcast_in_dim3A_3236 = vector.broadcast %broadcast_in_dim3A_3235 : f32 to vector<16xf32>
    %broadcast_in_dim3A_3237 = arith.constant 0 : i32
    %broadcast_in_dim3A_3238 = vector.broadcast %broadcast_in_dim3A_3237 : i32 to vector<16xi32>
    %gather3A_3239 = tpu.vector_load_idx %arg17[%broadcast_in_dim3A_3234, %add3A_3007, %broadcast_in_dim3A_3238] : memref<4x128x128xf32, #tpu.memory_space<vmem>>[vector<16xi32>, vector<16xi32>, vector<16xi32>], vector<16xf32>,
    %mul3A_3240 = arith.mulf %gather3A_3010, %gather3A_3239 : vector<16xf32>
    %add3A_3241 = arith.addf %broadcast_in_dim3A_3236, %mul3A_3240 : vector<16xf32>
    %broadcast_in_dim3A_3242 = arith.constant 1 : i32
    %broadcast_in_dim3A_3243 = vector.broadcast %broadcast_in_dim3A_3242 : i32 to vector<16xi32>
    %gather3A_3244 = tpu.vector_load_idx %arg17[%broadcast_in_dim3A_3234, %add3A_3007, %broadcast_in_dim3A_3243] : memref<4x128x128xf32, #tpu.memory_space<vmem>>[vector<16xi32>, vector<16xi32>, vector<16xi32>], vector<16xf32>,
    %mul3A_3245 = arith.mulf %gather3A_3013, %gather3A_3244 : vector<16xf32>
    %add3A_3246 = arith.addf %add3A_3241, %mul3A_3245 : vector<16xf32>
    %broadcast_in_dim3A_3247 = arith.constant 2 : i32
    %broadcast_in_dim3A_3248 = vector.broadcast %broadcast_in_dim3A_3247 : i32 to vector<16xi32>
    %gather3A_3249 = tpu.vector_load_idx %arg17[%broadcast_in_dim3A_3234, %add3A_3007, %broadcast_in_dim3A_3248] : memref<4x128x128xf32, #tpu.memory_space<vmem>>[vector<16xi32>, vector<16xi32>, vector<16xi32>], vector<16xf32>,
    %mul3A_3250 = arith.mulf %gather3A_3016, %gather3A_3249 : vector<16xf32>
    %add3A_3251 = arith.addf %add3A_3246, %mul3A_3250 : vector<16xf32>
    %broadcast_in_dim3A_3252 = arith.constant 3 : i32
    %broadcast_in_dim3A_3253 = vector.broadcast %broadcast_in_dim3A_3252 : i32 to vector<16xi32>
    %gather3A_3254 = tpu.vector_load_idx %arg17[%broadcast_in_dim3A_3234, %add3A_3007, %broadcast_in_dim3A_3253] : memref<4x128x128xf32, #tpu.memory_space<vmem>>[vector<16xi32>, vector<16xi32>, vector<16xi32>], vector<16xf32>,
    %mul3A_3255 = arith.mulf %gather3A_3019, %gather3A_3254 : vector<16xf32>
    %add3A_3256 = arith.addf %add3A_3251, %mul3A_3255 : vector<16xf32>
    %broadcast_in_dim3A_3257 = arith.constant 4 : i32
    %broadcast_in_dim3A_3258 = vector.broadcast %broadcast_in_dim3A_3257 : i32 to vector<16xi32>
    %gather3A_3259 = tpu.vector_load_idx %arg17[%broadcast_in_dim3A_3234, %add3A_3007, %broadcast_in_dim3A_3258] : memref<4x128x128xf32, #tpu.memory_space<vmem>>[vector<16xi32>, vector<16xi32>, vector<16xi32>], vector<16xf32>,
    %mul3A_3260 = arith.mulf %gather3A_3022, %gather3A_3259 : vector<16xf32>
    %add3A_3261 = arith.addf %add3A_3256, %mul3A_3260 : vector<16xf32>
    %broadcast_in_dim3A_3262 = arith.constant 5 : i32
    %broadcast_in_dim3A_3263 = vector.broadcast %broadcast_in_dim3A_3262 : i32 to vector<16xi32>
    %gather3A_3264 = tpu.vector_load_idx %arg17[%broadcast_in_dim3A_3234, %add3A_3007, %broadcast_in_dim3A_3263] : memref<4x128x128xf32, #tpu.memory_space<vmem>>[vector<16xi32>, vector<16xi32>, vector<16xi32>], vector<16xf32>,
    %mul3A_3265 = arith.mulf %gather3A_3025, %gather3A_3264 : vector<16xf32>
    %add3A_3266 = arith.addf %add3A_3261, %mul3A_3265 : vector<16xf32>
    %broadcast_in_dim3A_3267 = arith.constant 6 : i32
    %broadcast_in_dim3A_3268 = vector.broadcast %broadcast_in_dim3A_3267 : i32 to vector<16xi32>
    %gather3A_3269 = tpu.vector_load_idx %arg17[%broadcast_in_dim3A_3234, %add3A_3007, %broadcast_in_dim3A_3268] : memref<4x128x128xf32, #tpu.memory_space<vmem>>[vector<16xi32>, vector<16xi32>, vector<16xi32>], vector<16xf32>,
    %mul3A_3270 = arith.mulf %gather3A_3028, %gather3A_3269 : vector<16xf32>
    %add3A_3271 = arith.addf %add3A_3266, %mul3A_3270 : vector<16xf32>
    %broadcast_in_dim3A_3272 = arith.constant 7 : i32
    %broadcast_in_dim3A_3273 = vector.broadcast %broadcast_in_dim3A_3272 : i32 to vector<16xi32>
    %gather3A_3274 = tpu.vector_load_idx %arg17[%broadcast_in_dim3A_3234, %add3A_3007, %broadcast_in_dim3A_3273] : memref<4x128x128xf32, #tpu.memory_space<vmem>>[vector<16xi32>, vector<16xi32>, vector<16xi32>], vector<16xf32>,
    %mul3A_3275 = arith.mulf %gather3A_3031, %gather3A_3274 : vector<16xf32>
    %add3A_3276 = arith.addf %add3A_3271, %mul3A_3275 : vector<16xf32>
    %broadcast_in_dim3A_3277 = arith.constant 8 : i32
    %broadcast_in_dim3A_3278 = vector.broadcast %broadcast_in_dim3A_3277 : i32 to vector<16xi32>
    %gather3A_3279 = tpu.vector_load_idx %arg17[%broadcast_in_dim3A_3234, %add3A_3007, %broadcast_in_dim3A_3278] : memref<4x128x128xf32, #tpu.memory_space<vmem>>[vector<16xi32>, vector<16xi32>, vector<16xi32>], vector<16xf32>,
    %mul3A_3280 = arith.mulf %gather3A_3034, %gather3A_3279 : vector<16xf32>
    %add3A_3281 = arith.addf %add3A_3276, %mul3A_3280 : vector<16xf32>
    %broadcast_in_dim3A_3282 = arith.constant 9 : i32
    %broadcast_in_dim3A_3283 = vector.broadcast %broadcast_in_dim3A_3282 : i32 to vector<16xi32>
    %gather3A_3284 = tpu.vector_load_idx %arg17[%broadcast_in_dim3A_3234, %add3A_3007, %broadcast_in_dim3A_3283] : memref<4x128x128xf32, #tpu.memory_space<vmem>>[vector<16xi32>, vector<16xi32>, vector<16xi32>], vector<16xf32>,
    %mul3A_3285 = arith.mulf %gather3A_3037, %gather3A_3284 : vector<16xf32>
    %add3A_3286 = arith.addf %add3A_3281, %mul3A_3285 : vector<16xf32>
    %broadcast_in_dim3A_3287 = arith.constant 10 : i32
    %broadcast_in_dim3A_3288 = vector.broadcast %broadcast_in_dim3A_3287 : i32 to vector<16xi32>
    %gather3A_3289 = tpu.vector_load_idx %arg17[%broadcast_in_dim3A_3234, %add3A_3007, %broadcast_in_dim3A_3288] : memref<4x128x128xf32, #tpu.memory_space<vmem>>[vector<16xi32>, vector<16xi32>, vector<16xi32>], vector<16xf32>,
    %get3A_3290 = arith.constant 3 : i32
    %get3A_3291 = arith.index_cast %get3A_3290 : i32 to index
    %get3A_3292 = arith.constant 112 : index
    %get3A_3293 = tpu.vector_load %arg15[%get3A_3291, %get3A_3292] {strides = array<i32>} : memref<4x128xf32, #tpu.memory_space<vmem>>, vector<16xf32>,
    %add3A_3294 = arith.addf %add3A_3286, %gather3A_3289 : vector<16xf32>
    %mul3A_3295 = arith.mulf %get3A_3293, %add3A_3294 : vector<16xf32>
    %add3A_3296 = arith.addf %add3A_3232, %mul3A_3295 : vector<16xf32>
    %swap3A_3297 = arith.constant 112 : index
    %swap3A_3298 = tpu.vector_load %arg19[%swap3A_3297] {strides = array<i32>} : memref<128xf32, #tpu.memory_space<vmem>>, vector<16xf32>,
    tpu.vector_store %arg19[%swap3A_3297], %add3A_3296 {strides = array<i32>} : memref<128xf32, #tpu.memory_space<vmem>>, vector<16xf32>,
    "tpu.region"() ({
      %run_scoped3A = tpu.sem_alloc : memref<!tpu.dma_semaphore, #tpu.memory_space<semaphore_mem>>
      %dma_start3A_3299 = tpu.memref_slice %arg9[%mul3A_2] : memref<4096xf32, #tpu.memory_space<hbm>> -> memref<128xf32, #tpu.memory_space<hbm>>
      %dma_start3A_3300 = tpu.memref_slice %arg9[%mul3A_2] : memref<4096xf32, #tpu.memory_space<hbm>> -> memref<128xf32, #tpu.memory_space<hbm>>
      tpu.enqueue_dma source(%arg19 : memref<128xf32, #tpu.memory_space<vmem>>) target(%dma_start3A_3300 : memref<128xf32, #tpu.memory_space<hbm>>) target_semaphore(%run_scoped3A : memref<!tpu.dma_semaphore, #tpu.memory_space<semaphore_mem>>)
      %dma_wait3A_3301 = tpu.memref_slice %arg9[%mul3A_2] : memref<4096xf32, #tpu.memory_space<hbm>> -> memref<128xf32, #tpu.memory_space<hbm>>
      %dma_wait3A_3302 = tpu.memref_slice %arg9[%mul3A_2] : memref<4096xf32, #tpu.memory_space<hbm>> -> memref<128xf32, #tpu.memory_space<hbm>>
      tpu.wait_dma2 semaphore(%run_scoped3A : memref<!tpu.dma_semaphore, #tpu.memory_space<semaphore_mem>>) src(%arg19 : memref<128xf32, #tpu.memory_space<vmem>>) dst(%dma_wait3A_3302 : memref<128xf32, #tpu.memory_space<hbm>>)
      tpu.yield
    }) : () -> ()
    return
  }
}

</mosaic_0001>

<sc_bundles>
// kernel: kernel.3.cloned.1.call-start
scs
__scs_entry_jumppad:
0x0: {  	(pc) =	sbr.rel $0x88, $3  }
0x1: {  	(tag) =	ssettag $0x0;
	lr =	simm.s32 $0x1  }
0x2: {  	[smem:$0x3F99] =	sst lr;
	_ =	strace $0xD0000000  }
0x3: {  	_ = 	snop  }
0x4: {  	_ = 	snop  }
0x5: {  	_ = 	snop  }
0x6: {  	_ = 	snop  }
0x7: {  	_ = 	snop  }
__scs_overlays_trampoline_lowered:
0x8: {  	[smem:$0x3FA8] =	sst s0  }
0x9: {  	[smem:$0x3FA9] =	sst s1  }
0xa: {  	[smem:$0x3FAA] =	sst s2  }
0xb: {  	[smem:$0x3FAB] =	sst s3  }
0xc: {  	[smem:$0x3FAC] =	sst s4  }
0xd: {  	[smem:$0x3FAD] =	sst s5  }
0xe: {  	[smem:$0x3FAE] =	sst s6  }
0xf: {  	[smem:$0x3FAF] =	sst s7  }
0x10: {  	[smem:$0x3FB0] =	sst s8  }
0x11: {  	[smem:$0x3FB1] =	sst s9;
	s0 =	simm.s32 @!p0 $0x0  }
0x12: {  	s1 =	sld [smem:$0x3F97];
	s0 =	simm.s32 @p0 $0x1  }
0x13: {  	[smem:$0x3FB2] =	sst s0;
	s0 =	simm.s32 @!p1 $0x0  }
0x14: {  	s2 =	sld [smem:$0x3F96];
	s0 =	simm.s32 @p1 $0x1  }
0x15: {  	[smem:$0x3FB3] =	sst s0;
	s0 =	simm.s32 @!p2 $0x0  }
0x16: {  	s3 =	sld [smem:$0x3FDB];
	s0 =	simm.s32 @p2 $0x1  }
0x17: {  	s4 =	simm.s32 $0x1BF5;
	[smem:$0x3FB5] =	sst s0  }
0x18: {  	s0 =	sld [smem:$0x3F98];
	_ =	swait.ge [sflag:s4], $0x0  }
0x19: {  	s7 =	sld [smem:$0x3F99]  }
0x1a: {  	s8 =	sadd.s32 $0xFFFFE003, lr  }
0x1b: {  	s9 =	sadd.s32 $0xFFFFFEF7, lr;
	s5 =	simm.s32 $0xFFFFFFFF;
	p2 =	slt.u32 s8, $0xFFFFF086  }
0x1c: {  	p1 =	slt.u32 s9, $0xF7A;
	s5 =	simm.s32 @!p2 $0x0  }
0x1d: {  	s5 =	simm.s32 @p1 $0x1;
	p0 =	seq.s32 s7, s2  }
0x1e: {  	s7 =	smul.u32 @!p0 $0xF7A, s2;
	p2 =	seq.s32 @!p0 s5, $0x0  }
0x1f: {  	s9 =	smul.u32 $0xF7A, s1;
	s8 =	simm.s32 @!p0 $0x1BF5;
	p2 =	por !p2, p0  }
0x20: {  	[sflag:s8] =	ssyncset.s32 @!p0 $0xFFFFF086;
	s6 =	sadd.s32 @!p0 s3, s7;
	s7 =	simm.s32 @!p0 $0x108  }
0x21: {  	s3 =	sadd.s32 s3, s9;
	s6 =	sadd.s32 @!p0 $0x88, s6;
	s7 =	simm.s32 @p2 $0x1082  }
0x22: {  	[simem:s7], [sflag:s8] =	dma.local @!p0 [hbm:s6], $0xF7A  }
0x23: {  	s9 =	sor.u32 $0xD0000000, s2;
	s6 =	simm.s32 $0x108;
	_ =	swait.ge @!p0 [sflag:s8], $0x0  }
0x24: {  	s3 =	sadd.s32 $0x88, s3;
	s6 =	simm.s32 @!p1 $0x1082;
	[sflag:s4] =	ssyncset.s32 $0xFFFFF086  }
0x25: {  	[simem:s6], [sflag:s4] =	dma.local [hbm:s3], $0xF7A  }
0x26: {  	[smem:$0x3F99] =	sst s1;
	(tag) =	ssettag s2;
	_ =	strace s9  }
0x27: {  	s1 =	sld [smem:$0x3FA9]  }
0x28: {  	s2 =	sld [smem:$0x3FAA]  }
0x29: {  	s4 =	sld [smem:$0x3FAC]  }
0x2a: {  	p0 =	seq.s32 s5, $0x0;
	s5 =	sld [smem:$0x3FAD]  }
0x2b: {  	s6 =	sld [smem:$0x3FAE]  }
0x2c: {  	s7 =	sld [smem:$0x3FAF]  }
0x2d: {  	s3 =	simm.s32 $0x108;
	s8 =	sld [smem:$0x3FB0]  }
0x2e: {  	s3 =	simm.s32 @!p0 $0x1082;
	s9 =	sld [smem:$0x3FB1]  }
0x2f: {  	lr =	sadd.s32 s0, s3;
	s0 =	sld [smem:$0x3FA8]  }
0x30: {  	s3 =	sld [smem:$0x3FAB]  }
0x31: {  	[smem:$0x3FB4] =	sst s10  }
0x32: {  	s10 =	sld [smem:$0x3FB2];
	_ =	sdelay $0x3  }
0x33: {  	p0 =	seq.s32 s10, $0x1;
	s10 =	sld [smem:$0x3FB4];
	_ =	sdelay $0x3  }
0x34: {  	[smem:$0x3FB4] =	sst s10  }
0x35: {  	s10 =	sld [smem:$0x3FB3];
	_ =	sdelay $0x3  }
0x36: {  	p1 =	seq.s32 s10, $0x1;
	s10 =	sld [smem:$0x3FB4];
	_ =	sdelay $0x3  }
0x37: {  	[smem:$0x3FB4] =	sst s10  }
0x38: {  	s10 =	sld [smem:$0x3FB5]  }
0x39: {  	_ = 	snop;
	(pc) =	sbr.ind lr, $3  }
0x3a: {  	_ = 	snop  }
0x3b: {  	_ = 	snop  }
0x3c: {  	p2 =	seq.s32 s10, $0x1;
	s10 =	sld [smem:$0x3FB4]  }
0x3d: {  	_ =	shalt  }
0x3e: {  	_ =	shalt  }
0x3f: {  	_ =	shalt  }
0x40: {  	_ =	shalt  }
0x41: {  	_ =	shalt  }
0x42: {  	_ =	shalt  }
0x43: {  	_ =	shalt  }
0x44: {  	_ =	shalt  }
0x45: {  	_ =	shalt  }
0x46: {  	_ =	shalt  }
0x47: {  	_ =	shalt  }
0x48: {  	_ =	shalt  }
0x49: {  	_ =	shalt  }
0x4a: {  	_ =	shalt  }
0x4b: {  	_ =	shalt  }
0x4c: {  	_ =	shalt  }
0x4d: {  	_ =	shalt  }
0x4e: {  	_ =	shalt  }
0x4f: {  	_ =	shalt  }
0x50: {  	_ =	shalt  }
0x51: {  	_ =	shalt  }
0x52: {  	_ =	shalt  }
0x53: {  	_ =	shalt  }
0x54: {  	_ =	shalt  }
0x55: {  	_ =	shalt  }
0x56: {  	_ =	shalt  }
0x57: {  	_ =	shalt  }
0x58: {  	_ =	shalt  }
0x59: {  	_ =	shalt  }
0x5a: {  	_ =	shalt  }
0x5b: {  	_ =	shalt  }
0x5c: {  	_ =	shalt  }
0x5d: {  	_ =	shalt  }
0x5e: {  	_ =	shalt  }
0x5f: {  	_ =	shalt  }
0x60: {  	_ =	shalt  }
0x61: {  	_ =	shalt  }
0x62: {  	_ =	shalt  }
0x63: {  	_ =	shalt  }
0x64: {  	_ =	shalt  }
0x65: {  	_ =	shalt  }
0x66: {  	_ =	shalt  }
0x67: {  	_ =	shalt  }
0x68: {  	_ =	shalt  }
0x69: {  	_ =	shalt  }
0x6a: {  	_ =	shalt  }
0x6b: {  	_ =	shalt  }
0x6c: {  	_ =	shalt  }
0x6d: {  	_ =	shalt  }
0x6e: {  	_ =	shalt  }
0x6f: {  	_ =	shalt  }
0x70: {  	_ =	shalt  }
0x71: {  	_ =	shalt  }
0x72: {  	_ =	shalt  }
0x73: {  	_ =	shalt  }
0x74: {  	_ =	shalt  }
0x75: {  	_ =	shalt  }
0x76: {  	_ =	shalt  }
0x77: {  	_ =	shalt  }
0x78: {  	_ =	shalt  }
0x79: {  	_ =	shalt  }
0x7a: {  	_ =	shalt  }
0x7b: {  	_ =	shalt  }
0x7c: {  	_ =	shalt  }
0x7d: {  	_ =	shalt  }
0x7e: {  	_ =	shalt  }
0x7f: {  	_ =	shalt  }
0x80: {  	_ =	shalt  }
0x81: {  	_ =	shalt  }
0x82: {  	_ =	shalt  }
0x83: {  	_ =	shalt  }
0x84: {  	_ =	shalt  }
0x85: {  	_ =	shalt  }
0x86: {  	_ =	shalt  }
0x87: {  	_ =	shalt  }
.Lfunc_end0:
.L_simem_size_0:
called_computation_lowered:
.L_overlay_start_0:
0x88: {  	s2 =	sld [smem:$0x3FD9]  }
0x89: {  	s3 =	sld [smem:$0x3FFE];
	_ =	sdelay $0x1  }
0x8a: {  	s1 =	srdreg.scid  }
0x8b: {  	s0 =	sand.u32 $0x1, s1  }
0x8c: {  	s17 =	sshll.u32 s0, $0xA;
	s2 =	sadd.s32 s3, s2  }
0x8d: {  	s2 =	sadd.s32 s2, s17  }
0x8e: {  	[smem:$0x3FC0] =	sst s2  }
0x8f: {  	_ = 	snop  }
0x90: {  	s2 =	sld [smem:$0x3FC9]  }
0x91: {  	s18 =	sld [smem:$0x3FC8]  }
0x92: {  	s4 =	sld [smem:$0x3FC3]  }
0x93: {  	s5 =	sld [smem:$0x3FD0];
	(tm) =	ssettm $0x1  }
0x94: {  	s6 =	sld [smem:$0x3FFB];
	_ =	sdelay $0x3  }
0x95: {  	_ =	strace s6  }
0x96: {  	s6 =	sld [smem:$0x3FFC];
	_ =	sdelay $0x3  }
0x97: {  	_ =	strace s6  }
0x98: {  	s6 =	sld [smem:$0x3FFD];
	_ =	sdelay $0x3  }
0x99: {  	_ =	strace s6  }
0x9a: {  	_ =	strace $0x8FFFFFFF  }
0x9b: {  	s19 =	sld [smem:$0x3FDB];
	_ =	sdelay $0x1  }
0x9c: {  	s7 =	simm.s32 $_scs_section_size  }
0x9d: {  	s8 =	simm.s32 $_size__tile_overlayer_lowered;
	s9 =	simm.s32 $_tile_overlayer_lowered  }
0x9e: {  	s22 =	simm.s32 $0x1BFF;
	s21 =	sshll.u32 s9, $0x1;
	s6 =	sadd.s32 s7, s19  }
0x9f: {  	s10 =	simm.s32 $0x0;
	s20 =	sshll.u32 s8, $0x1;
	s8 =	sadd.s32 s21, s6  }
0xa0: {  	[timem:s10], [sflag:s22] =	dma.local [hbm:s8], s20  }
0xa1: {  	_ =	swait.ge [sflag:s22], s20  }
0xa2: {  	s7 =	ssub.s32 $0x0, s20;
	[sflag:s22] =	ssyncset.done $0x0  }
0xa3: {  	[sflag:s22] =	ssyncadd.s32 s7;
	_ =	sdelay $0x1  }
0xa4: {  	s23 =	simm.s32 $0x1B8B  }
0xa5: {  	_ =	swait.ge [sflag:s23], $0x1  }
0xa6: {  	[sflag:s23] =	ssyncset.done $0x0  }
0xa7: {  	s25 =	simm.s32 $0x1B8E;
	s24 =	sld [smem:$0x3FFE];
	[sflag:s23] =	ssyncadd.s32 $0xFFFFFFFF  }
0xa8: {  	s26 =	simm.s32 $execute0_lowered;
	[smem:$0x3FD2] =	sst s25  }
0xa9: {  	s8 =	sshll.u32 s26, $0x1;
	_ =	strace $0x80000046;
	[dreg:$0x1] =	wrdreg $0xFFFFFFFF  }
0xaa: {  	s28 =	simm.s32 $_size_execute0_lowered;
	s6 =	sadd.s32 s6, s8;
	[dreg:$0x0] =	wrdreg $0x0  }
0xab: {  	s8 =	sshll.u32 s28, $0x1;
	[dreg:$0x2] =	wrdreg s6  }
0xac: {  	[dreg:$0x3] =	wrdreg s8  }
0xad: {  	[dreg:$0x4] =	wrdreg $0xC0  }
0xae: {  	_ =	task [dreg:s10], $0x5FFFF  }
0xaf: {  	[dreg:$0x1] =	wrdreg $0xFFFFFFFF  }
0xb0: {  	[dreg:$0x0] =	wrdreg $0x60  }
0xb1: {  	[dreg:$0x2] =	wrdreg s2  }
0xb2: {  	[dreg:$0x3] =	wrdreg s18  }
0xb3: {  	[dreg:$0x4] =	wrdreg s24  }
0xb4: {  	[dreg:$0x5] =	wrdreg s4  }
0xb5: {  	[dreg:$0x6] =	wrdreg s5  }
0xb6: {  	[dreg:$0x7] =	wrdreg $0x9  }
0xb7: {  	_ =	task.clear_ibuf [dreg:s10], $0x8FFFF;
	_ =	strace $0x90000046  }
0xb8: {  	s29 =	simm.s32 $0x9;
	_ =	strace $0x80000048  }
0xb9: {  	_ =	swait.ge [sflag:s29], $0x1  }
0xba: {  	[sflag:s29] =	ssyncadd.s32 $0xFFFFFFFF  }
0xbb: {  	_ =	strace $0x90000048  }
0xbc: {  	_ =	sfence  }
0xbd: {  	s30 =	sld [smem:$0x0];
	_ =	sdelay $0x2  }
0xbe: {  	s31 =	sshll.u32 s1, $0xD;
	s1 =	sshrl.u32 s1, $0x2  }
0xbf: {  	s3 =	sand.u32 $0x4000, s31;
	s1 =	sadd.s32 s1, s30  }
0xc0: {  	s0 =	sor.u32 s3, s0;
	s1 =	sshll.u32 s1, $0x11  }
0xc1: {  	s0 =	sor.u32 s1, s0  }
0xc2: {  	s0 =	sadd.s32 $0x8F2B, s0  }
0xc3: {  	[sflag:s0] =	ssyncadd.remote.s32 $0x1  }
0xc4: {  	_ =	sfence.sel $0xFFFF  }
0xc5: {  	[dreg:$0x0] =	wrdreg $0xFFFFFFFF;
	(pc) =	sbr.abs _section_cstart, $3  }
0xc6: {  	[dreg:$0x1] =	wrdreg $0xFFFFFFFF  }
0xc7: {  	_ =	task.clear_ibuf [dreg:s10], $0x2FFFF;
	_ =	strace $0x9FFFFFFF  }
0xc8: {  	(tm) =	ssettm $0x7FFFFFFF  }
0xc9: {  	_ =	shalt  }
tec
execute0_lowered:
.L_overlay_start_1:
0x0: {  	(tag) =	ssettag $0x1  }
0x1: {  	v0 =	vlaneseq.u32  }
0x2: {  	s0 =	rddreg [dreg:$0x0];
	v0 =	vmul.u32 $0x80, v0  }
0x3: {  	s5 =	rddreg [dreg:$0x1]  }
0x4: {  	s6 =	rddreg [dreg:$0x2];
	v10 =	vor.u32 $0xA, v0  }
0x5: {  	s1 =	rddreg [dreg:$0x3];
	[tilespmem:$0x1FE10] =	vst v10;
	v10 =	vor.u32 $0x4000, v0  }
0x6: {  	[dreg:$0x7] =	wrdreg s1;
	s1 =	simm.s32 $0x0;
	[tilespmem:$0x1FE20] =	vst v10;
	v10 =	vor.u32 $0x4001, v0  }
0x7: {  	[smem:$0x7FF] =	sst s1;
	[tilespmem:$0x1FE30] =	vst v10;
	v10 =	vor.u32 $0x4002, v0  }
0x8: {  	s7 =	rddreg [dreg:$0x4];
	_ =	strace $0x80000047;
	[tilespmem:$0x1FE40] =	vst v10;
	v10 =	vor.u32 $0x4003, v0  }
0x9: {  	[tilespmem:$0x1FE50] =	vst v10;
	v10 =	vor.u32 $0x4004, v0  }
0xa: {  	[tilespmem:$0x1FE60] =	vst v10;
	v10 =	vor.u32 $0x4005, v0  }
0xb: {  	[tilespmem:$0x1FE70] =	vst v10;
	v10 =	vor.u32 $0x4006, v0  }
0xc: {  	[tilespmem:$0x1FE80] =	vst v10;
	v10 =	vor.u32 $0x4007, v0  }
0xd: {  	[tilespmem:$0x1FE90] =	vst v10;
	v10 =	vor.u32 $0x4008, v0  }
0xe: {  	[tilespmem:$0x1FEA0] =	vst v10;
	v10 =	vor.u32 $0x4009, v0  }
0xf: {  	[tilespmem:$0x1FEB0] =	vst v10;
	v10 =	vor.u32 $0x400A, v0  }
0x10: {  	[tilespmem:$0x1FEC0] =	vst v10;
	v10 =	vor.u32 $0x8000, v0  }
0x11: {  	[tilespmem:$0x1FED0] =	vst v10;
	v10 =	vor.u32 $0x8001, v0  }
0x12: {  	[tilespmem:$0x1FEE0] =	vst v10;
	v10 =	vor.u32 $0x8002, v0  }
0x13: {  	s3 =	srdreg.scid;
	[tilespmem:$0x1FEF0] =	vst v10;
	v10 =	vor.u32 $0x8003, v0  }
0x14: {  	s2 =	stileid.u32;
	s25 =	simm.s32 $0x100;
	s26 =	simm.s32 $0x180;
	v1 =	vor.u32 $0x1, v0;
	[tilespmem:$0x1FF00] =	vst v10;
	v10 =	vor.u32 $0x8004, v0  }
0x15: {  	s11 =	simm.s32 $0x380;
	s13 =	simm.s32 $0x400;
	s14 =	simm.s32 $0x280;
	v2 =	vor.u32 $0x2, v0;
	v3 =	vor.u32 $0x3, v0;
	[tilespmem:$0x1FF10] =	vst v10;
	v10 =	vor.u32 $0x8005, v0  }
0x16: {  	s15 =	simm.s32 $0x480;
	s17 =	simm.s32 $0x900;
	s18 =	simm.s32 $0x4900;
	v4 =	vor.u32 $0x4, v0;
	v5 =	vor.u32 $0x5, v0;
	[tilespmem:$0x1FF20] =	vst v10;
	v10 =	vor.u32 $0x8006, v0  }
0x17: {  	s19 =	simm.s32 $0x500;
	s20 =	simm.s32 $0x700;
	s28 =	simm.s32 $0x10900;
	v6 =	vor.u32 $0x6, v0;
	v7 =	vor.u32 $0x7, v0;
	[tilespmem:$0x1FF30] =	vst v10;
	v10 =	vor.u32 $0x8007, v0  }
0x18: {  	s16 =	simm.s32 $0x1;
	s29 =	simm.s32 $0x680;
	s30 =	simm.s32 $0x880;
	v9 =	vor.u32 $0x9, v0;
	v41 =	vor.u32 $0xC008, v0;
	[tilespmem:$0x1FF40] =	vst v10;
	v10 =	vor.u32 $0x8008, v0  }
0x19: {  	s31 =	simm.s32 $0x2;
	s8 =	sand.u32 $0x1, s3;
	s21 =	sadd.s32 $0x28200, s6;
	v42 =	vor.u32 $0xC009, v0;
	v43 =	vor.u32 $0xC00A, v0;
	[tilespmem:$0x1FF50] =	vst v10;
	v10 =	vor.u32 $0x8009, v0  }
0x1a: {  	s4 =	sshll.u32 s2, $0x5;
	s3 =	sadd.s32 $0xE00, s6;
	s9 =	sshll.u32 s8, $0x4;
	v45 =	vor.u32 $0x801, v0;
	v46 =	vor.u32 $0x802, v0;
	[tilespmem:$0x1FF60] =	vst v10;
	v10 =	vor.u32 $0x800A, v0  }
0x1b: {  	s8 =	ssub.s32 $0x2, s8;
	s9 =	sor.u32 s9, s4;
	s4 =	sadd.s32 $0x514000, s6;
	v47 =	vor.u32 $0x803, v0;
	v48 =	vor.u32 $0x804, v0;
	[tilespmem:$0x1FF70] =	vst v10;
	v10 =	vor.u32 $0xC000, v0  }
0x1c: {  	s10 =	sshrl.u32 s8, $0x1;
	v49 =	vor.u32 $0x805, v0;
	v50 =	vor.u32 $0x806, v0;
	s0 =	sadd.s32 s0, s9;
	[dreg:$0x6] =	wrdreg s21;
	[tilespmem:$0x1FF80] =	vst v10;
	v10 =	vor.u32 $0xC001, v0  }
0x1d: {  	v51 =	vor.u32 $0x807, v0;
	v52 =	vor.u32 $0x808, v0;
	s22 =	sadd.s32 s5, s9;
	s23 =	sadd.s32 s7, s9;
	[dreg:$0x8] =	wrdreg s0;
	[tilespmem:$0x1FF90] =	vst v10;
	v10 =	vor.u32 $0xC002, v0  }
0x1e: {  	v53 =	vor.u32 $0x809, v0;
	v54 =	vor.u32 $0x80A, v0;
	s5 =	sadd.s32 $0x4F400, s6;
	s24 =	ssub.s32 s8, s10;
	[dreg:$0x9] =	wrdreg s22;
	[tilespmem:$0x1FFA0] =	vst v10;
	v10 =	vor.u32 $0xC003, v0  }
0x1f: {  	v55 =	vor.u32 $0x4800, v0;
	v56 =	vor.u32 $0x4801, v0;
	s7 =	simm.s32 $0x3;
	s8 =	simm.s32 $0x80;
	[dreg:$0xa] =	wrdreg s23;
	[tilespmem:$0x1FFB0] =	vst v10;
	v10 =	vor.u32 $0xC004, v0  }
0x20: {  	v57 =	vor.u32 $0x4802, v0;
	v58 =	vor.u32 $0x4803, v0;
	s9 =	simm.s32 $0x14900;
	s10 =	simm.s32 $0x300;
	[dreg:$0xb] =	wrdreg s25;
	[tilespmem:$0x1FFC0] =	vst v10;
	v10 =	vor.u32 $0xC005, v0  }
0x21: {  	v59 =	vor.u32 $0x4804, v0;
	v60 =	vor.u32 $0x4805, v0;
	s6 =	smax.u32 s24, $0x1;
	s24 =	simm.s32 $0xC900;
	[dreg:$0xc] =	wrdreg s26;
	[tilespmem:$0x1FFD0] =	vst v10;
	v10 =	vor.u32 $0xC006, v0  }
0x22: {  	v8 =	vor.u32 $0x8, v0;
	v61 =	vor.u32 $0x4806, v0;
	s21 =	simm.s32 $0x8900;
	s22 =	simm.s32 $0x580;
	s23 =	simm.s32 $0x780;
	[tilespmem:$0x1FFE0] =	vst v10;
	v10 =	vor.u32 $0xC007, v0  }
0x23: {  	v44 =	vor.u32 $0x800, v0;
	v62 =	vor.u32 $0x4807, v0;
	v63 =	vor.u32 $0x4808, v0;
	s25 =	simm.s32 $0x600;
	s26 =	simm.s32 $0x800;
	s0 =	simm.s32 $0x14CE8;
	[tilespmem:$0x1FFF0] =	vst v10  }
.LBB2_1:
0x24: {  	s2 =	rddreg [dreg:$0x8]  }
0x25: {  	[tilespmem:s1], [sflag:$0x3] =	stream.linear.gather [hbm4b:s2+s1], $0x80, $0x38;
	[tilespmem:$0x14D68] =	vst v63  }
0x26: {  	_ =	swait.ge [sflag:s7], $0x80  }
0x27: {  	[sflag:s7] =	ssyncset.done $0x0  }
0x28: {  	s12 =	rddreg [dreg:$0x9];
	[sflag:s7] =	ssyncadd.s32 $0xFFFFFF80  }
0x29: {  	[tilespmem:s8], [sflag:$0x3] =	stream.linear.gather [hbm4b:s12+s1], $0x80, $0x38;
	[tilespmem:$0x14D68] =	vst v63  }
0x2a: {  	_ =	swait.ge [sflag:s7], $0x80  }
0x2b: {  	[sflag:s7] =	ssyncset.done $0x0  }
0x2c: {  	s12 =	rddreg [dreg:$0x7];
	[sflag:s7] =	ssyncadd.s32 $0xFFFFFF80  }
0x2d: {  	[tilespmem:s9], [sflag:$0x2] =	stream.linear.gather [hbm4b:s12+s1], $0x3E8, $0x38;
	[tilespmem:$0x14D68] =	vst v63  }
0x2e: {  	v10 =	vld [tilespmem:$0x80];
	_ =	sdelay $0x1  }
0x2f: {  	v11 =	vld [tilespmem:$0x0];
	_ =	sdelay $0x1  }
0x30: {  	v12 =	vld [tilespmem:$0x90]  }
0x31: {  	v10 =	vmul.u32 $0x9C40, v10  }
0x32: {  	v13 =	vld [tilespmem:$0x10]  }
0x33: {  	v10 =	vadd.s32 v11, v10  }
0x34: {  	v14 =	vld [tilespmem:$0xA0];
	[tilespmem:$0x100] =	vst v10;
	v11 =	vadd.s32 $0x2710, v10  }
0x35: {  	v12 =	vmul.u32 $0x9C40, v12;
	[tilespmem:$0x180] =	vst v11;
	v11 =	vadd.s32 $0x4E20, v10  }
0x36: {  	v10 =	vadd.s32 $0x7530, v10;
	[tilespmem:$0x200] =	vst v11;
	v11 =	vld [tilespmem:$0x20]  }
0x37: {  	[tilespmem:$0x280] =	vst v10;
	v10 =	vadd.s32 v13, v12  }
0x38: {  	v20 =	vld [tilespmem:$0xB0];
	[tilespmem:$0x110] =	vst v10;
	v12 =	vadd.s32 $0x2710, v10  }
0x39: {  	v14 =	vmul.u32 $0x9C40, v14;
	v21 =	vadd.s32 $0x4E20, v10;
	[tilespmem:$0x190] =	vst v12  }
0x3a: {  	v22 =	vld [tilespmem:$0x30];
	v10 =	vadd.s32 $0x7530, v10;
	[tilespmem:$0x210] =	vst v21  }
0x3b: {  	[tilespmem:$0x290] =	vst v10;
	v10 =	vadd.s32 v11, v14  }
0x3c: {  	v23 =	vld [tilespmem:$0xC0];
	[tilespmem:$0x120] =	vst v10;
	v11 =	vadd.s32 $0x2710, v10  }
0x3d: {  	v13 =	vmul.u32 $0x9C40, v20;
	[tilespmem:$0x1A0] =	vst v11;
	v11 =	vadd.s32 $0x4E20, v10  }
0x3e: {  	v10 =	vadd.s32 $0x7530, v10;
	[tilespmem:$0x220] =	vst v11;
	v11 =	vld [tilespmem:$0x40]  }
0x3f: {  	[tilespmem:$0x2A0] =	vst v10;
	v10 =	vadd.s32 v22, v13  }
0x40: {  	v24 =	vld [tilespmem:$0xD0];
	[tilespmem:$0x130] =	vst v10;
	v12 =	vadd.s32 $0x2710, v10  }
0x41: {  	v14 =	vmul.u32 $0x9C40, v23;
	v25 =	vadd.s32 $0x4E20, v10;
	[tilespmem:$0x1B0] =	vst v12  }
0x42: {  	v26 =	vld [tilespmem:$0x50];
	v10 =	vadd.s32 $0x7530, v10;
	[tilespmem:$0x230] =	vst v25  }
0x43: {  	[tilespmem:$0x2B0] =	vst v10;
	v10 =	vadd.s32 v11, v14  }
0x44: {  	v27 =	vld [tilespmem:$0xE0];
	[tilespmem:$0x140] =	vst v10;
	v11 =	vadd.s32 $0x2710, v10  }
0x45: {  	v13 =	vmul.u32 $0x9C40, v24;
	[tilespmem:$0x1C0] =	vst v11;
	v11 =	vadd.s32 $0x4E20, v10  }
0x46: {  	v10 =	vadd.s32 $0x7530, v10;
	[tilespmem:$0x240] =	vst v11;
	v11 =	vld [tilespmem:$0x60]  }
0x47: {  	[tilespmem:$0x2C0] =	vst v10;
	v10 =	vadd.s32 v26, v13  }
0x48: {  	v28 =	vld [tilespmem:$0xF0];
	[tilespmem:$0x150] =	vst v10;
	v12 =	vadd.s32 $0x2710, v10  }
0x49: {  	v14 =	vmul.u32 $0x9C40, v27;
	v29 =	vadd.s32 $0x4E20, v10;
	[tilespmem:$0x1D0] =	vst v12  }
0x4a: {  	v30 =	vld [tilespmem:$0x70];
	v10 =	vadd.s32 $0x7530, v10;
	[tilespmem:$0x250] =	vst v29  }
0x4b: {  	[tilespmem:$0x2D0] =	vst v10;
	v10 =	vadd.s32 v11, v14  }
0x4c: {  	[tilespmem:$0x160] =	vst v10;
	v11 =	vadd.s32 $0x2710, v10  }
0x4d: {  	v13 =	vmul.u32 $0x9C40, v28;
	[tilespmem:$0x1E0] =	vst v11;
	v11 =	vadd.s32 $0x4E20, v10  }
0x4e: {  	v10 =	vadd.s32 $0x7530, v10;
	[tilespmem:$0x260] =	vst v11  }
0x4f: {  	[tilespmem:$0x2E0] =	vst v10;
	v10 =	vadd.s32 v30, v13  }
0x50: {  	[tilespmem:$0x170] =	vst v10;
	v11 =	vadd.s32 $0x2710, v10  }
0x51: {  	[tilespmem:$0x1F0] =	vst v11;
	v11 =	vadd.s32 $0x4E20, v10  }
0x52: {  	v10 =	vadd.s32 $0x7530, v10;
	[tilespmem:$0x270] =	vst v11  }
0x53: {  	s2 =	rddreg [dreg:$0xb];
	[tilespmem:$0x2F0] =	vst v10  }
0x54: {  	[tilespmem:s10], [sflag:$0x1] =	stream.indirect.gather [hbm4b:s5+s8], $0x1, s2, s8, $0xb8;
	[tilespmem:$0x14D68] =	vst v63  }
0x55: {  	s12 =	rddreg [dreg:$0xc]  }
0x56: {  	[tilespmem:s11], [sflag:$0x1] =	stream.indirect.gather [hbm4b:s5+s8], $0x1, s12, s8, $0xb8;
	[tilespmem:$0x14D68] =	vst v63  }
0x57: {  	s12 =	simm.s32 $0x200  }
0x58: {  	[tilespmem:s13], [sflag:$0x1] =	stream.indirect.gather [hbm4b:s5+s8], $0x1, s12, s8, $0xb8;
	[tilespmem:$0x14D68] =	vst v63  }
0x59: {  	_ = 	snop  }
0x5a: {  	[tilespmem:s15], [sflag:$0x1] =	stream.indirect.gather [hbm4b:s5+s8], $0x1, s14, s8, $0xb8;
	[tilespmem:$0x14D68] =	vst v63  }
0x5b: {  	_ =	swait.ge [sflag:s16], $0x80  }
0x5c: {  	[sflag:s16] =	ssyncset.done $0x0  }
0x5d: {  	[sflag:s16] =	ssyncadd.s32 $0xFFFFFF80  }
0x5e: {  	_ =	swait.ge [sflag:s16], $0x80  }
0x5f: {  	[sflag:s16] =	ssyncset.done $0x0  }
0x60: {  	[sflag:s16] =	ssyncadd.s32 $0xFFFFFF80  }
0x61: {  	_ =	swait.ge [sflag:s16], $0x80  }
0x62: {  	[sflag:s16] =	ssyncset.done $0x0  }
0x63: {  	[sflag:s16] =	ssyncadd.s32 $0xFFFFFF80  }
0x64: {  	_ =	swait.ge [sflag:s16], $0x80  }
0x65: {  	[sflag:s16] =	ssyncset.done $0x0  }
0x66: {  	[sflag:s16] =	ssyncadd.s32 $0xFFFFFF80  }
0x67: {  	v10 =	vld [tilespmem:$0x0]  }
0x68: {  	v11 =	vld [tilespmem:$0x300]  }
0x69: {  	v31 =	vld [tilespmem:$0x380]  }
0x6a: {  	v32 =	vld [tilespmem:$0x400]  }
0x6b: {  	v33 =	vld [tilespmem:$0x480]  }
0x6c: {  	v15 =	vld [tilespmem:$0x10]  }
0x6d: {  	v16 =	vld [tilespmem:$0x310]  }
0x6e: {  	v17 =	vld [tilespmem:$0x390]  }
0x6f: {  	v18 =	vld [tilespmem:$0x410]  }
0x70: {  	v19 =	vld [tilespmem:$0x490]  }
0x71: {  	v20 =	vld [tilespmem:$0x20]  }
0x72: {  	v21 =	vld [tilespmem:$0x320]  }
0x73: {  	v22 =	vld [tilespmem:$0x3A0]  }
0x74: {  	v23 =	vld [tilespmem:$0x420];
	v11 =	vmul.u32 $0x2710, v11  }
0x75: {  	v24 =	vld [tilespmem:$0x4A0];
	v12 =	vmul.u32 $0x2710, v31  }
0x76: {  	v25 =	vld [tilespmem:$0x30];
	v13 =	vmul.u32 $0x2710, v32;
	v11 =	vadd.s32 v10, v11  }
0x77: {  	v35 =	vld [tilespmem:$0x330];
	v34 =	vmul.u32 $0x2710, v33;
	[tilespmem:$0x500] =	vst v11;
	v11 =	vadd.s32 v10, v12  }
0x78: {  	v37 =	vld [tilespmem:$0x3B0];
	v36 =	vmul.u32 $0x2710, v16;
	[tilespmem:$0x580] =	vst v11;
	v11 =	vadd.s32 v10, v13  }
0x79: {  	v38 =	vld [tilespmem:$0x430];
	v10 =	vadd.s32 v10, v34;
	[tilespmem:$0x600] =	vst v11;
	v11 =	vmul.u32 $0x2710, v17  }
0x7a: {  	v40 =	vld [tilespmem:$0x4B0];
	v39 =	vmul.u32 $0x2710, v18;
	[tilespmem:$0x680] =	vst v10;
	v10 =	vadd.s32 v15, v36  }
0x7b: {  	v27 =	vld [tilespmem:$0x340];
	[tilespmem:$0x510] =	vst v10;
	v10 =	vadd.s32 v15, v11;
	v11 =	vmul.u32 $0x2710, v19  }
0x7c: {  	v28 =	vld [tilespmem:$0x3C0];
	v26 =	vmul.u32 $0x2710, v21;
	[tilespmem:$0x590] =	vst v10;
	v10 =	vadd.s32 v15, v39  }
0x7d: {  	v30 =	vld [tilespmem:$0x440];
	[tilespmem:$0x610] =	vst v10;
	v10 =	vadd.s32 v15, v11;
	v11 =	vmul.u32 $0x2710, v22  }
0x7e: {  	v14 =	vld [tilespmem:$0x50];
	v29 =	vmul.u32 $0x2710, v23;
	[tilespmem:$0x690] =	vst v10;
	v10 =	vadd.s32 v20, v26  }
0x7f: {  	v18 =	vld [tilespmem:$0x40];
	[tilespmem:$0x520] =	vst v10;
	v10 =	vadd.s32 v20, v11;
	v11 =	vmul.u32 $0x2710, v24  }
0x80: {  	v31 =	vld [tilespmem:$0x4C0];
	v32 =	vmul.u32 $0x2710, v35;
	[tilespmem:$0x5A0] =	vst v10;
	v10 =	vadd.s32 v20, v29  }
0x81: {  	v33 =	vld [tilespmem:$0x350];
	[tilespmem:$0x620] =	vst v10;
	v10 =	vadd.s32 v20, v11;
	v11 =	vmul.u32 $0x2710, v37  }
0x82: {  	v35 =	vld [tilespmem:$0x450];
	v12 =	vmul.u32 $0x2710, v38;
	[tilespmem:$0x6A0] =	vst v10;
	v10 =	vadd.s32 v25, v32  }
0x83: {  	v38 =	vld [tilespmem:$0x60];
	[tilespmem:$0x530] =	vst v10;
	v10 =	vadd.s32 v25, v11;
	v11 =	vmul.u32 $0x2710, v40  }
0x84: {  	v34 =	vld [tilespmem:$0x3D0];
	v36 =	vmul.u32 $0x2710, v27;
	[tilespmem:$0x5B0] =	vst v10;
	v10 =	vadd.s32 v25, v12  }
0x85: {  	v27 =	vld [tilespmem:$0x4E0];
	[tilespmem:$0x630] =	vst v10;
	v10 =	vadd.s32 v25, v11;
	v11 =	vmul.u32 $0x2710, v28  }
0x86: {  	v39 =	vmul.u32 $0x2710, v30;
	v37 =	vld [tilespmem:$0x4D0];
	[tilespmem:$0x6B0] =	vst v10;
	v10 =	vadd.s32 v18, v36  }
0x87: {  	v40 =	vld [tilespmem:$0x360];
	[tilespmem:$0x540] =	vst v10;
	v10 =	vadd.s32 v18, v11;
	v11 =	vmul.u32 $0x2710, v31  }
0x88: {  	v24 =	vld [tilespmem:$0x3E0];
	v25 =	vmul.u32 $0x2710, v33;
	[tilespmem:$0x5C0] =	vst v10;
	v10 =	vadd.s32 v18, v39  }
0x89: {  	v26 =	vld [tilespmem:$0x460];
	[tilespmem:$0x640] =	vst v10;
	v10 =	vadd.s32 v18, v11;
	v11 =	vmul.u32 $0x2710, v34  }
0x8a: {  	v30 =	vld [tilespmem:$0x370];
	v28 =	vmul.u32 $0x2710, v35;
	[tilespmem:$0x6C0] =	vst v10;
	v10 =	vadd.s32 v14, v25  }
0x8b: {  	v29 =	vld [tilespmem:$0x70];
	[tilespmem:$0x550] =	vst v10;
	v10 =	vadd.s32 v14, v11;
	v11 =	vmul.u32 $0x2710, v37  }
0x8c: {  	v32 =	vld [tilespmem:$0x3F0];
	v31 =	vmul.u32 $0x2710, v40;
	[tilespmem:$0x5D0] =	vst v10;
	v10 =	vadd.s32 v14, v28  }
0x8d: {  	v33 =	vld [tilespmem:$0x470];
	[tilespmem:$0x650] =	vst v10;
	v10 =	vadd.s32 v14, v11;
	v11 =	vmul.u32 $0x2710, v24  }
0x8e: {  	v35 =	vld [tilespmem:$0x4F0];
	v34 =	vmul.u32 $0x2710, v26;
	[tilespmem:$0x6D0] =	vst v10;
	v10 =	vadd.s32 v38, v31  }
0x8f: {  	[tilespmem:$0x560] =	vst v10;
	v10 =	vadd.s32 v38, v11;
	v11 =	vmul.u32 $0x2710, v27  }
0x90: {  	v36 =	vmul.u32 $0x2710, v30;
	[tilespmem:$0x5E0] =	vst v10;
	v10 =	vadd.s32 v38, v34  }
0x91: {  	[tilespmem:$0x660] =	vst v10;
	v10 =	vadd.s32 v38, v11;
	v11 =	vmul.u32 $0x2710, v32  }
0x92: {  	v37 =	vmul.u32 $0x2710, v33;
	[tilespmem:$0x6E0] =	vst v10;
	v10 =	vadd.s32 v29, v36  }
0x93: {  	[tilespmem:$0x570] =	vst v10;
	v10 =	vadd.s32 v29, v11;
	v11 =	vmul.u32 $0x2710, v35  }
0x94: {  	[tilespmem:$0x5F0] =	vst v10;
	v10 =	vadd.s32 v29, v37  }
0x95: {  	[tilespmem:$0x670] =	vst v10;
	v10 =	vadd.s32 v29, v11  }
0x96: {  	s12 =	rddreg [dreg:$0x6];
	[tilespmem:$0x6F0] =	vst v10  }
0x97: {  	[tilespmem:s17], [sflag:$0x1] =	stream.indirect.gather [hbm4b:s12+s8], $0x80, s1, s8, $0xb8;
	[tilespmem:$0x14D68] =	vst v63  }
0x98: {  	_ = 	snop  }
0x99: {  	[tilespmem:s18], [sflag:$0x1] =	stream.indirect.gather [hbm4b:s3+s8], $0x80, s10, s8, $0xb8;
	[tilespmem:$0x14D68] =	vst v63  }
0x9a: {  	_ = 	snop  }
0x9b: {  	[tilespmem:s20], [sflag:$0x1] =	stream.indirect.gather [hbm4b:s4+s8], $0x1, s19, s8, $0xb8;
	[tilespmem:$0x14D68] =	vst v63  }
0x9c: {  	_ = 	snop  }
0x9d: {  	[tilespmem:s21], [sflag:$0x1] =	stream.indirect.gather [hbm4b:s3+s8], $0x80, s11, s8, $0xb8;
	[tilespmem:$0x14D68] =	vst v63  }
0x9e: {  	_ = 	snop  }
0x9f: {  	[tilespmem:s23], [sflag:$0x1] =	stream.indirect.gather [hbm4b:s4+s8], $0x1, s22, s8, $0xb8;
	[tilespmem:$0x14D68] =	vst v63  }
0xa0: {  	_ = 	snop  }
0xa1: {  	[tilespmem:s24], [sflag:$0x1] =	stream.indirect.gather [hbm4b:s3+s8], $0x80, s13, s8, $0xb8;
	[tilespmem:$0x14D68] =	vst v63  }
0xa2: {  	_ = 	snop  }
0xa3: {  	[tilespmem:s26], [sflag:$0x1] =	stream.indirect.gather [hbm4b:s4+s8], $0x1, s25, s8, $0xb8;
	[tilespmem:$0x14D68] =	vst v63  }
0xa4: {  	_ = 	snop  }
0xa5: {  	[tilespmem:s28], [sflag:$0x1] =	stream.indirect.gather [hbm4b:s3+s8], $0x80, s15, s8, $0xb8;
	[tilespmem:$0x14D68] =	vst v63  }
0xa6: {  	_ = 	snop  }
0xa7: {  	[tilespmem:s30], [sflag:$0x1] =	stream.indirect.gather [hbm4b:s4+s8], $0x1, s29, s8, $0xb8;
	[tilespmem:$0x14D68] =	vst v63  }
0xa8: {  	_ =	swait.ge [sflag:s16], $0x4000  }
0xa9: {  	[sflag:s16] =	ssyncset.done $0x0  }
0xaa: {  	[sflag:s16] =	ssyncadd.s32 $0xFFFFC000  }
0xab: {  	_ =	swait.ge [sflag:s16], $0x4000  }
0xac: {  	[sflag:s16] =	ssyncset.done $0x0  }
0xad: {  	[sflag:s16] =	ssyncadd.s32 $0xFFFFC000  }
0xae: {  	_ =	swait.ge [sflag:s16], $0x80  }
0xaf: {  	[sflag:s16] =	ssyncset.done $0x0  }
0xb0: {  	[sflag:s16] =	ssyncadd.s32 $0xFFFFFF80  }
0xb1: {  	_ =	swait.ge [sflag:s16], $0x4000  }
0xb2: {  	[sflag:s16] =	ssyncset.done $0x0  }
0xb3: {  	[sflag:s16] =	ssyncadd.s32 $0xFFFFC000  }
0xb4: {  	_ =	swait.ge [sflag:s16], $0x80  }
0xb5: {  	[sflag:s16] =	ssyncset.done $0x0  }
0xb6: {  	[sflag:s16] =	ssyncadd.s32 $0xFFFFFF80  }
0xb7: {  	_ =	swait.ge [sflag:s16], $0x4000  }
0xb8: {  	[sflag:s16] =	ssyncset.done $0x0  }
0xb9: {  	[sflag:s16] =	ssyncadd.s32 $0xFFFFC000  }
0xba: {  	_ =	swait.ge [sflag:s16], $0x80  }
0xbb: {  	[sflag:s16] =	ssyncset.done $0x0  }
0xbc: {  	[sflag:s16] =	ssyncadd.s32 $0xFFFFFF80  }
0xbd: {  	_ =	swait.ge [sflag:s16], $0x4000  }
0xbe: {  	[sflag:s16] =	ssyncset.done $0x0  }
0xbf: {  	[sflag:s16] =	ssyncadd.s32 $0xFFFFC000  }
0xc0: {  	_ =	swait.ge [sflag:s16], $0x80  }
0xc1: {  	[sflag:s16] =	ssyncset.done $0x0  }
0xc2: {  	[sflag:s16] =	ssyncadd.s32 $0xFFFFFF80  }
0xc3: {  	_ =	swait.ge [sflag:s31], $0x3E8  }
0xc4: {  	[sflag:s31] =	ssyncset.done $0x0  }
0xc5: {  	v31 =	vld [tilespmem:$0x1FE10];
	[sflag:s31] =	ssyncadd.s32 $0xFFFFFC18  }
0xc6: {  	v12 =	vld.idx.msk [tilespmem:v0+s17+$0x0], $0xffff  }
0xc7: {  	v13 =	vld.idx.msk [tilespmem:v1+s17+$0x0], $0xffff  }
0xc8: {  	v14 =	vld.idx.msk [tilespmem:v2+s17+$0x0], $0xffff  }
0xc9: {  	v11 =	vld [tilespmem:$0x80]  }
0xca: {  	v15 =	vld.idx.msk [tilespmem:v3+s17+$0x0], $0xffff  }
0xcb: {  	v16 =	vld.idx.msk [tilespmem:v4+s17+$0x0], $0xffff  }
0xcc: {  	v17 =	vld.idx.msk [tilespmem:v5+s17+$0x0], $0xffff  }
0xcd: {  	v18 =	vld.idx.msk [tilespmem:v6+s17+$0x0], $0xffff  }
0xce: {  	v19 =	vld.idx.msk [tilespmem:v7+s17+$0x0], $0xffff  }
0xcf: {  	v20 =	vld.idx.msk [tilespmem:v8+s17+$0x0], $0xffff  }
0xd0: {  	v10 =	vld.idx.msk [tilespmem:v9+s17+$0x0], $0xffff  }
0xd1: {  	v38 =	vld.idx.msk [tilespmem:v0+s18+$0x0], $0xffff  }
0xd2: {  	v39 =	vld.idx.msk [tilespmem:v1+s18+$0x0], $0xffff  }
0xd3: {  	v40 =	vld.idx.msk [tilespmem:v2+s18+$0x0], $0xffff  }
0xd4: {  	v24 =	vld.idx.msk [tilespmem:v3+s18+$0x0], $0xffff  }
0xd5: {  	v25 =	vld.idx.msk [tilespmem:v4+s18+$0x0], $0xffff  }
0xd6: {  	v26 =	vld.idx.msk [tilespmem:v5+s18+$0x0], $0xffff;
	v21 =	vmul.f32 v38, v12  }
0xd7: {  	v27 =	vld.idx.msk [tilespmem:v6+s18+$0x0], $0xffff  }
0xd8: {  	v28 =	vld.idx.msk [tilespmem:v7+s18+$0x0], $0xffff;
	v22 =	vmul.f32 v39, v13;
	v21 =	vadd.f32 $0.0e+00, v21  }
0xd9: {  	v29 =	vld.idx.msk [tilespmem:v8+s18+$0x0], $0xffff  }
0xda: {  	v30 =	vld.idx.msk [tilespmem:v9+s18+$0x0], $0xffff;
	v40 =	vmul.f32 v40, v14;
	v21 =	vadd.f32 v22, v21  }
0xdb: {  	v11 =	vld.idx.msk [tilespmem:v11+s9+$0x0], $0xffff  }
0xdc: {  	v31 =	vld.idx.msk [tilespmem:v31+s18+$0x0], $0xffff;
	v21 =	vadd.f32 v40, v21;
	v40 =	vmul.f32 v24, v15  }
0xdd: {  	v33 =	vld [tilespmem:$0x1FE20]  }
0xde: {  	v21 =	vadd.f32 v40, v21;
	v40 =	vld [tilespmem:$0x1FEB0];
	_ =	sdelay $0x1  }
0xdf: {  	v34 =	vld [tilespmem:$0x1FE30];
	_ =	sdelay $0x1  }
0xe0: {  	v35 =	vld [tilespmem:$0x1FE40];
	_ =	sdelay $0x1  }
0xe1: {  	v22 =	vmul.f32 v25, v16  }
0xe2: {  	v33 =	vld.idx.msk [tilespmem:v33+s18+$0x0], $0xffff  }
0xe3: {  	v21 =	vadd.f32 v22, v21;
	v22 =	vmul.f32 v26, v17;
	v26 =	vld.idx.msk [tilespmem:v40+s18+$0x0], $0xffff  }
0xe4: {  	v40 =	vld [tilespmem:$0x1FEE0]  }
0xe5: {  	v34 =	vld.idx.msk [tilespmem:v34+s18+$0x0], $0xffff  }
0xe6: {  	v39 =	vld [tilespmem:$0x1FE60]  }
0xe7: {  	v35 =	vld.idx.msk [tilespmem:v35+s18+$0x0], $0xffff  }
0xe8: {  	v33 =	vmul.f32 v33, v12;
	_ =	sdelay $0x1  }
0xe9: {  	v34 =	vmul.f32 v34, v13;
	v33 =	vadd.f32 $0.0e+00, v33;
	_ =	sdelay $0x1  }
0xea: {  	v33 =	vadd.f32 v34, v33;
	v34 =	vmul.f32 v35, v14;
	v35 =	vld.idx.msk [tilespmem:v40+s18+$0x0], $0xffff  }
0xeb: {  	v40 =	vld [tilespmem:$0x1FF80]  }
0xec: {  	v36 =	vld [tilespmem:$0x1FE50]  }
0xed: {  	v23 =	vld.idx.msk [tilespmem:v39+s18+$0x0], $0xffff  }
0xee: {  	v39 =	vld [tilespmem:$0x1FEA0];
	_ =	sdelay $0x4  }
0xef: {  	v21 =	vadd.f32 v22, v21;
	v22 =	vmul.f32 v27, v18;
	v27 =	vld.idx.msk [tilespmem:v40+s18+$0x0], $0xffff  }
0xf0: {  	v40 =	vld [tilespmem:$0x1FEF0]  }
0xf1: {  	v36 =	vld.idx.msk [tilespmem:v36+s18+$0x0], $0xffff  }
0xf2: {  	v25 =	vld.idx.msk [tilespmem:v39+s18+$0x0], $0xffff  }
0xf3: {  	v39 =	vld [tilespmem:$0x1FED0];
	_ =	sdelay $0x2  }
0xf4: {  	v33 =	vadd.f32 v34, v33;
	v34 =	vmul.f32 v36, v15  }
0xf5: {  	v37 =	vld [tilespmem:$0x1FE70]  }
0xf6: {  	v23 =	vmul.f32 v23, v16;
	v33 =	vadd.f32 v34, v33;
	v36 =	vld.idx.msk [tilespmem:v40+s18+$0x0], $0xffff  }
0xf7: {  	v40 =	vld [tilespmem:$0x1FF00]  }
0xf8: {  	v23 =	vadd.f32 v23, v33;
	v33 =	vld [tilespmem:$0x1FF10]  }
0xf9: {  	v39 =	vld.idx.msk [tilespmem:v39+s18+$0x0], $0xffff;
	_ =	sdelay $0x2  }
0xfa: {  	v38 =	vld [tilespmem:$0x1FE80]  }
0xfb: {  	v37 =	vld.idx.msk [tilespmem:v37+s18+$0x0], $0xffff  }
0xfc: {  	v21 =	vadd.f32 v22, v21;
	v22 =	vmul.f32 v39, v12;
	v39 =	vld [tilespmem:$0x1FF90]  }
0xfd: {  	v28 =	vmul.f32 v28, v19;
	v34 =	vld.idx.msk [tilespmem:v40+s18+$0x0], $0xffff  }
0xfe: {  	v40 =	vld [tilespmem:$0x1FFA0]  }
0xff: {  	v21 =	vadd.f32 v28, v21;
	v28 =	vld.idx.msk [tilespmem:v33+s18+$0x0], $0xffff  }
0x100: {  	v33 =	vmul.f32 v36, v14;
	v36 =	vld [tilespmem:$0x1FFB0];
	_ =	sdelay $0x1  }
0x101: {  	v12 =	vmul.f32 v27, v12;
	v27 =	vmul.f32 v37, v17;
	v37 =	vld [tilespmem:$0x1FFC0];
	_ =	sdelay $0x1  }
0x102: {  	v24 =	vld.idx.msk [tilespmem:v38+s18+$0x0], $0xffff  }
0x103: {  	v38 =	vld [tilespmem:$0x1FE90]  }
0x104: {  	v35 =	vmul.f32 v35, v13;
	v22 =	vadd.f32 $0.0e+00, v22;
	v40 =	vld.idx.msk [tilespmem:v40+s18+$0x0], $0xffff  }
0x105: {  	v39 =	vld.idx.msk [tilespmem:v39+s18+$0x0], $0xffff  }
0x106: {  	v22 =	vadd.f32 v35, v22;
	v35 =	vld.idx.msk [tilespmem:v36+s18+$0x0], $0xffff  }
0x107: {  	v36 =	vld [tilespmem:$0x1FF20]  }
0x108: {  	v22 =	vadd.f32 v33, v22;
	v33 =	vld.idx.msk [tilespmem:v37+s18+$0x0], $0xffff  }
0x109: {  	v37 =	vmul.f32 v40, v14;
	v40 =	vld [tilespmem:$0x1FFD0];
	_ =	sdelay $0x1  }
0x10a: {  	v13 =	vmul.f32 v39, v13;
	v39 =	vld [tilespmem:$0x1FF30];
	_ =	sdelay $0x2  }
0x10b: {  	v29 =	vmul.f32 v29, v20;
	v38 =	vld.idx.msk [tilespmem:v38+s18+$0x0], $0xffff  }
0x10c: {  	v23 =	vadd.f32 v27, v23;
	v27 =	vmul.f32 v34, v15;
	v36 =	vld.idx.msk [tilespmem:v36+s18+$0x0], $0xffff  }
0x10d: {  	v12 =	vadd.f32 $0.0e+00, v12;
	v14 =	vadd.f32 v29, v21;
	v29 =	vld [tilespmem:$0x1FF40]  }
0x10e: {  	v21 =	vadd.f32 v27, v22;
	v27 =	vld.idx.msk [tilespmem:v40+s18+$0x0], $0xffff  }
0x10f: {  	v12 =	vadd.f32 v13, v12;
	v40 =	vld [tilespmem:$0x1FF50]  }
0x110: {  	v34 =	vld.idx.msk [tilespmem:v39+s18+$0x0], $0xffff;
	v39 =	vmul.f32 v28, v16  }
0x111: {  	v12 =	vadd.f32 v37, v12  }
0x112: {  	v37 =	vmul.f32 v38, v19;
	v21 =	vadd.f32 v39, v21;
	v38 =	vmul.f32 v36, v17;
	_ =	sdelay $0x1  }
0x113: {  	v24 =	vmul.f32 v24, v18;
	v36 =	vadd.f32 v38, v21;
	v38 =	vld [tilespmem:$0x1FFF0]  }
0x114: {  	v39 =	vld [tilespmem:$0x1FFE0]  }
0x115: {  	v23 =	vadd.f32 v24, v23;
	v24 =	vld.idx.msk [tilespmem:v29+s18+$0x0], $0xffff  }
0x116: {  	v29 =	vmul.f32 v30, v10;
	v30 =	vld.idx.msk [tilespmem:v40+s18+$0x0], $0xffff  }
0x117: {  	v40 =	vld [tilespmem:$0x1FF60];
	_ =	sdelay $0x3  }
0x118: {  	v22 =	vld.idx.msk [tilespmem:v38+s18+$0x0], $0xffff;
	_ =	sdelay $0x1  }
0x119: {  	v35 =	vmul.f32 v35, v15;
	v15 =	vadd.f32 v37, v23;
	v37 =	vmul.f32 v34, v18;
	v34 =	vld [tilespmem:$0x1FEC0]  }
0x11a: {  	v28 =	vld.idx.msk [tilespmem:v39+s18+$0x0], $0xffff  }
0x11b: {  	v39 =	vmul.f32 v25, v20;
	v25 =	vld.idx.msk [tilespmem:v40+s18+$0x0], $0xffff  }
0x11c: {  	v40 =	vmul.f32 v22, v19;
	v22 =	vld [tilespmem:$0x1FF70]  }
0x11d: {  	v12 =	vadd.f32 v35, v12;
	v35 =	vmul.f32 v33, v16;
	_ =	sdelay $0x1  }
0x11e: {  	v33 =	vld.idx.msk [tilespmem:v41+s18+$0x0], $0xffff;
	v12 =	vadd.f32 v35, v12;
	v27 =	vmul.f32 v27, v17  }
0x11f: {  	v32 =	vld [tilespmem:$0x700];
	v16 =	vadd.f32 v37, v36;
	v14 =	vadd.f32 v29, v14  }
0x120: {  	v23 =	vld.idx.msk [tilespmem:v34+s18+$0x0], $0xffff;
	v29 =	vmul.f32 v24, v19;
	v12 =	vadd.f32 v27, v12;
	v35 =	vmul.f32 v28, v18  }
0x121: {  	v36 =	vmul.f32 v26, v10;
	v15 =	vadd.f32 v39, v15;
	v38 =	vld.idx.msk [tilespmem:v42+s18+$0x0], $0xffff  }
0x122: {  	v39 =	vld [tilespmem:$0x780];
	v16 =	vadd.f32 v29, v16;
	v12 =	vadd.f32 v35, v12;
	v37 =	vmul.f32 v30, v20  }
0x123: {  	v14 =	vadd.f32 v14, v31;
	v15 =	vadd.f32 v36, v15;
	v28 =	vmul.f32 v33, v20;
	v17 =	vld.idx.msk [tilespmem:v22+s18+$0x0], $0xffff  }
0x124: {  	v27 =	vld [tilespmem:$0x800];
	v16 =	vadd.f32 v37, v16;
	v12 =	vadd.f32 v40, v12;
	v25 =	vmul.f32 v25, v10  }
0x125: {  	v14 =	vmul.f32 v14, v32;
	v29 =	vld.idx.msk [tilespmem:v43+s18+$0x0], $0xffff;
	v15 =	vadd.f32 v15, v23  }
0x126: {  	v12 =	vadd.f32 v28, v12;
	v10 =	vmul.f32 v38, v10;
	v16 =	vadd.f32 v25, v16  }
0x127: {  	v11 =	vadd.f32 v14, v11;
	v30 =	vld [tilespmem:$0x880]  }
0x128: {  	v31 =	vmul.f32 v15, v39;
	v10 =	vadd.f32 v10, v12;
	v32 =	vadd.f32 v16, v17;
	_ =	sdelay $0x1  }
0x129: {  	v11 =	vadd.f32 v31, v11;
	v10 =	vadd.f32 v10, v29;
	v33 =	vmul.f32 v32, v27;
	_ =	sdelay $0x1  }
0x12a: {  	v10 =	vmul.f32 v10, v30;
	v11 =	vadd.f32 v33, v11;
	_ =	sdelay $0x1  }
0x12b: {  	v10 =	vadd.f32 v10, v11  }
0x12c: {  	v33 =	vld [tilespmem:$0x710]  }
0x12d: {  	v11 =	vld [tilespmem:$0x90];
	[tilespmem:$0x14CE8] =	vst v10  }
0x12e: {  	v16 =	vld.idx.msk [tilespmem:v44+s17+$0x0], $0xffff  }
0x12f: {  	v17 =	vld.idx.msk [tilespmem:v45+s17+$0x0], $0xffff  }
0x130: {  	v18 =	vld.idx.msk [tilespmem:v46+s17+$0x0], $0xffff  }
0x131: {  	v19 =	vld.idx.msk [tilespmem:v47+s17+$0x0], $0xffff  }
0x132: {  	v20 =	vld.idx.msk [tilespmem:v48+s17+$0x0], $0xffff  }
0x133: {  	v15 =	vld.idx.msk [tilespmem:v49+s17+$0x0], $0xffff  }
0x134: {  	v14 =	vld.idx.msk [tilespmem:v50+s17+$0x0], $0xffff  }
0x135: {  	v13 =	vld.idx.msk [tilespmem:v51+s17+$0x0], $0xffff  }
0x136: {  	v12 =	vld.idx.msk [tilespmem:v52+s17+$0x0], $0xffff  }
0x137: {  	v10 =	vld.idx.msk [tilespmem:v53+s17+$0x0], $0xffff  }
0x138: {  	v34 =	vld.idx.msk [tilespmem:v44+s18+$0x0], $0xffff  }
0x139: {  	v35 =	vld.idx.msk [tilespmem:v45+s18+$0x0], $0xffff  }
0x13a: {  	v36 =	vld.idx.msk [tilespmem:v46+s18+$0x0], $0xffff  }
0x13b: {  	v37 =	vld.idx.msk [tilespmem:v47+s18+$0x0], $0xffff  }
0x13c: {  	v25 =	vld.idx.msk [tilespmem:v48+s18+$0x0], $0xffff  }
0x13d: {  	v26 =	vld.idx.msk [tilespmem:v49+s18+$0x0], $0xffff  }
0x13e: {  	v38 =	vld.idx.msk [tilespmem:v55+s18+$0x0], $0xffff;
	v21 =	vmul.f32 v34, v16  }
0x13f: {  	v27 =	vld.idx.msk [tilespmem:v50+s18+$0x0], $0xffff  }
0x140: {  	v40 =	vld.idx.msk [tilespmem:v56+s18+$0x0], $0xffff;
	v22 =	vmul.f32 v35, v17;
	v21 =	vadd.f32 $0.0e+00, v21  }
0x141: {  	v28 =	vld.idx.msk [tilespmem:v51+s18+$0x0], $0xffff  }
0x142: {  	v39 =	vmul.f32 v36, v18;
	v36 =	vmul.f32 v37, v19;
	v37 =	vld.idx.msk [tilespmem:v57+s18+$0x0], $0xffff;
	v21 =	vadd.f32 v22, v21  }
0x143: {  	v30 =	vld.idx.msk [tilespmem:v52+s18+$0x0], $0xffff;
	v29 =	vmul.f32 v38, v16  }
0x144: {  	v38 =	vmul.f32 v25, v20;
	v25 =	vld.idx.msk [tilespmem:v58+s18+$0x0], $0xffff;
	v21 =	vadd.f32 v39, v21  }
0x145: {  	v31 =	vld.idx.msk [tilespmem:v53+s18+$0x0], $0xffff;
	v23 =	vmul.f32 v40, v17;
	v29 =	vadd.f32 $0.0e+00, v29  }
0x146: {  	v34 =	vor.u32 $0x8800, v0;
	v39 =	vmul.f32 v26, v15;
	v26 =	vld.idx.msk [tilespmem:v59+s18+$0x0], $0xffff;
	v21 =	vadd.f32 v36, v21  }
0x147: {  	v32 =	vld.idx.msk [tilespmem:v54+s18+$0x0], $0xffff;
	v23 =	vadd.f32 v23, v29;
	v24 =	vmul.f32 v37, v18  }
0x148: {  	v11 =	vld.idx.msk [tilespmem:v11+s9+$0x0], $0xffff;
	v35 =	vor.u32 $0x4809, v0;
	v21 =	vadd.f32 v38, v21  }
0x149: {  	v37 =	vor.u32 $0xC800, v0;
	v23 =	vadd.f32 v24, v23;
	v24 =	vmul.f32 v25, v19;
	v25 =	vld.idx.msk [tilespmem:v62+s18+$0x0], $0xffff  }
0x14a: {  	v40 =	vmul.f32 v27, v14;
	v29 =	vld.idx.msk [tilespmem:v60+s18+$0x0], $0xffff;
	v36 =	vor.u32 $0x8801, v0;
	v21 =	vadd.f32 v39, v21  }
0x14b: {  	v39 =	vmul.f32 v26, v20;
	v26 =	vld.idx.msk [tilespmem:v34+s18+$0x0], $0xffff;
	v34 =	vor.u32 $0xC801, v0  }
0x14c: {  	v27 =	vld.idx.msk [tilespmem:v61+s18+$0x0], $0xffff;
	v38 =	vor.u32 $0x8802, v0;
	v21 =	vadd.f32 v40, v21;
	v40 =	vmul.f32 v28, v13  }
0x14d: {  	v22 =	vmul.f32 v30, v12;
	v30 =	vld.idx.msk [tilespmem:v35+s18+$0x0], $0xffff;
	v35 =	vor.u32 $0x8803, v0;
	v23 =	vadd.f32 v24, v23  }
0x14e: {  	v37 =	vld.idx.msk [tilespmem:v37+s18+$0x0], $0xffff;
	v24 =	vmul.f32 v25, v13;
	v21 =	vadd.f32 v40, v21  }
0x14f: {  	v23 =	vadd.f32 v39, v23;
	v40 =	vmul.f32 v29, v15;
	v29 =	vld.idx.msk [tilespmem:v36+s18+$0x0], $0xffff;
	v36 =	vor.u32 $0xC802, v0  }
0x150: {  	v34 =	vld.idx.msk [tilespmem:v34+s18+$0x0], $0xffff;
	v21 =	vadd.f32 v22, v21;
	v22 =	vmul.f32 v31, v10;
	v31 =	vor.u32 $0x8804, v0  }
0x151: {  	v23 =	vadd.f32 v40, v23;
	v40 =	vmul.f32 v27, v14;
	v27 =	vld.idx.msk [tilespmem:v38+s18+$0x0], $0xffff;
	v38 =	vor.u32 $0xC803, v0  }
0x152: {  	v25 =	vld.idx.msk [tilespmem:v35+s18+$0x0], $0xffff;
	v35 =	vor.u32 $0xC804, v0;
	v39 =	vmul.f32 v26, v16;
	v26 =	vor.u32 $0x8805, v0  }
0x153: {  	v28 =	vld.idx.msk [tilespmem:v63+s18+$0x0], $0xffff;
	v16 =	vmul.f32 v37, v16;
	v21 =	vadd.f32 v22, v21;
	v23 =	vadd.f32 v40, v23  }
0x154: {  	v22 =	vadd.f32 $0.0e+00, v39;
	v39 =	vor.u32 $0x8806, v0;
	v29 =	vmul.f32 v29, v17;
	v36 =	vld.idx.msk [tilespmem:v36+s18+$0x0], $0xffff  }
0x155: {  	v23 =	vadd.f32 v24, v23;
	v17 =	vmul.f32 v34, v17;
	v24 =	vld.idx.msk [tilespmem:v31+s18+$0x0], $0xffff;
	v31 =	vor.u32 $0xC805, v0  }
0x156: {  	v34 =	vor.u32 $0xC806, v0;
	v22 =	vadd.f32 v29, v22;
	v27 =	vmul.f32 v27, v18;
	v40 =	vld.idx.msk [tilespmem:v38+s18+$0x0], $0xffff  }
0x157: {  	v16 =	vadd.f32 $0.0e+00, v16;
	v26 =	vld.idx.msk [tilespmem:v26+s18+$0x0], $0xffff;
	v29 =	vor.u32 $0x8807, v0  }
0x158: {  	v25 =	vmul.f32 v25, v19;
	v35 =	vld.idx.msk [tilespmem:v35+s18+$0x0], $0xffff;
	v22 =	vadd.f32 v27, v22;
	v27 =	vor.u32 $0x8808, v0  }
0x159: {  	v16 =	vadd.f32 v17, v16;
	v38 =	vld.idx.msk [tilespmem:v39+s18+$0x0], $0xffff;
	v39 =	vmul.f32 v36, v18;
	v18 =	vor.u32 $0xC807, v0  }
0x15a: {  	v22 =	vadd.f32 v25, v22;
	v25 =	vor.u32 $0x8809, v0;
	v24 =	vmul.f32 v24, v20;
	v31 =	vld.idx.msk [tilespmem:v31+s18+$0x0], $0xffff  }
0x15b: {  	v37 =	vld.idx.msk [tilespmem:v34+s18+$0x0], $0xffff;
	v16 =	vadd.f32 v39, v16;
	v17 =	vmul.f32 v40, v19;
	v19 =	vor.u32 $0xC808, v0  }
0x15c: {  	v36 =	vor.u32 $0x480A, v0;
	v29 =	vld.idx.msk [tilespmem:v29+s18+$0x0], $0xffff;
	v40 =	vmul.f32 v26, v15;
	v22 =	vadd.f32 v24, v22  }
0x15d: {  	v39 =	vmul.f32 v35, v20;
	v20 =	vor.u32 $0xC809, v0;
	v27 =	vld.idx.msk [tilespmem:v27+s18+$0x0], $0xffff;
	v16 =	vadd.f32 v17, v16  }
0x15e: {  	v34 =	vor.u32 $0x880A, v0;
	v18 =	vld.idx.msk [tilespmem:v18+s18+$0x0], $0xffff;
	v22 =	vadd.f32 v40, v22  }
0x15f: {  	v40 =	vmul.f32 v38, v14;
	v25 =	vld.idx.msk [tilespmem:v25+s18+$0x0], $0xffff;
	v16 =	vadd.f32 v39, v16;
	v15 =	vmul.f32 v31, v15  }
0x160: {  	v28 =	vmul.f32 v28, v12;
	v14 =	vmul.f32 v37, v14;
	v37 =	vor.u32 $0xC80A, v0;
	v19 =	vld.idx.msk [tilespmem:v19+s18+$0x0], $0xffff  }
0x161: {  	v36 =	vld.idx.msk [tilespmem:v36+s18+$0x0], $0xffff;
	v35 =	vmul.f32 v29, v13;
	v22 =	vadd.f32 v40, v22;
	v15 =	vadd.f32 v15, v16  }
0x162: {  	v38 =	vmul.f32 v30, v10;
	v31 =	vadd.f32 v28, v23;
	v20 =	vld.idx.msk [tilespmem:v20+s18+$0x0], $0xffff;
	v39 =	vmul.f32 v27, v12  }
0x163: {  	v40 =	vld [tilespmem:$0x790];
	v22 =	vadd.f32 v35, v22;
	v13 =	vmul.f32 v18, v13;
	v14 =	vadd.f32 v14, v15  }
0x164: {  	v21 =	vadd.f32 v21, v32;
	v29 =	vadd.f32 v38, v31;
	v31 =	vld.idx.msk [tilespmem:v34+s18+$0x0], $0xffff;
	v32 =	vmul.f32 v25, v10  }
0x165: {  	v34 =	vld [tilespmem:$0x810];
	v30 =	vadd.f32 v39, v22;
	v12 =	vmul.f32 v19, v12;
	v13 =	vadd.f32 v13, v14  }
0x166: {  	v35 =	vmul.f32 v21, v33;
	v15 =	vadd.f32 v29, v36;
	v16 =	vld.idx.msk [tilespmem:v37+s18+$0x0], $0xffff  }
0x167: {  	v10 =	vmul.f32 v20, v10;
	v17 =	vadd.f32 v32, v30;
	v12 =	vadd.f32 v12, v13  }
0x168: {  	v36 =	vld [tilespmem:$0x890];
	v11 =	vadd.f32 v35, v11  }
0x169: {  	v37 =	vmul.f32 v15, v40;
	v38 =	vadd.f32 v17, v31;
	v10 =	vadd.f32 v10, v12;
	_ =	sdelay $0x1  }
0x16a: {  	v11 =	vadd.f32 v37, v11;
	v39 =	vmul.f32 v38, v34;
	v10 =	vadd.f32 v10, v16;
	_ =	sdelay $0x1  }
0x16b: {  	v17 =	vor.u32 $0x1000, v0;
	v11 =	vadd.f32 v39, v11;
	v10 =	vmul.f32 v10, v36  }
0x16c: {  	v40 =	vor.u32 $0x1001, v0  }
0x16d: {  	v33 =	vor.u32 $0x1002, v0;
	v10 =	vadd.f32 v10, v11  }
0x16e: {  	v34 =	vor.u32 $0x1003, v0  }
0x16f: {  	v35 =	vor.u32 $0x1004, v0;
	v11 =	vld [tilespmem:$0xA0];
	[tilespmem:$0x14CF8] =	vst v10  }
0x170: {  	v36 =	vor.u32 $0x1005, v0;
	v21 =	vld.idx.msk [tilespmem:v17+s17+$0x0], $0xffff  }
0x171: {  	v37 =	vor.u32 $0x1006, v0;
	v23 =	vld.idx.msk [tilespmem:v40+s17+$0x0], $0xffff  }
0x172: {  	v38 =	vor.u32 $0x1007, v0;
	v25 =	vld.idx.msk [tilespmem:v33+s17+$0x0], $0xffff  }
0x173: {  	v39 =	vor.u32 $0x1008, v0;
	v28 =	vld.idx.msk [tilespmem:v34+s17+$0x0], $0xffff  }
0x174: {  	v30 =	vor.u32 $0x1009, v0;
	v16 =	vld.idx.msk [tilespmem:v35+s17+$0x0], $0xffff  }
0x175: {  	v15 =	vld.idx.msk [tilespmem:v36+s17+$0x0], $0xffff  }
0x176: {  	v14 =	vld.idx.msk [tilespmem:v37+s17+$0x0], $0xffff  }
0x177: {  	v13 =	vld.idx.msk [tilespmem:v38+s17+$0x0], $0xffff  }
0x178: {  	v12 =	vld.idx.msk [tilespmem:v39+s17+$0x0], $0xffff  }
0x179: {  	v10 =	vld.idx.msk [tilespmem:v30+s17+$0x0], $0xffff  }
0x17a: {  	v17 =	vld.idx.msk [tilespmem:v17+s18+$0x0], $0xffff  }
0x17b: {  	v18 =	vld.idx.msk [tilespmem:v40+s18+$0x0], $0xffff  }
0x17c: {  	v19 =	vld.idx.msk [tilespmem:v33+s18+$0x0], $0xffff  }
0x17d: {  	v20 =	vld.idx.msk [tilespmem:v34+s18+$0x0], $0xffff  }
0x17e: {  	v40 =	vor.u32 $0x5000, v0;
	v22 =	vld.idx.msk [tilespmem:v35+s18+$0x0], $0xffff  }
0x17f: {  	v24 =	vld.idx.msk [tilespmem:v36+s18+$0x0], $0xffff  }
0x180: {  	v36 =	vor.u32 $0x5001, v0;
	v26 =	vld.idx.msk [tilespmem:v37+s18+$0x0], $0xffff  }
0x181: {  	v27 =	vld.idx.msk [tilespmem:v38+s18+$0x0], $0xffff;
	v17 =	vmul.f32 v17, v21  }
0x182: {  	v37 =	vor.u32 $0x5002, v0;
	v29 =	vld.idx.msk [tilespmem:v39+s18+$0x0], $0xffff  }
0x183: {  	v38 =	vor.u32 $0x100A, v0;
	v18 =	vmul.f32 v18, v23;
	v31 =	vld.idx.msk [tilespmem:v40+s18+$0x0], $0xffff;
	v17 =	vadd.f32 $0.0e+00, v17  }
0x184: {  	v35 =	vor.u32 $0x5003, v0;
	v30 =	vld.idx.msk [tilespmem:v30+s18+$0x0], $0xffff  }
0x185: {  	v39 =	vmul.f32 v19, v25;
	v19 =	vld.idx.msk [tilespmem:v36+s18+$0x0], $0xffff;
	v17 =	vadd.f32 v18, v17  }
0x186: {  	v32 =	vor.u32 $0x5004, v0;
	v11 =	vld.idx.msk [tilespmem:v11+s9+$0x0], $0xffff  }
0x187: {  	v33 =	vor.u32 $0x5005, v0;
	v40 =	vmul.f32 v20, v28;
	v20 =	vld.idx.msk [tilespmem:v37+s18+$0x0], $0xffff;
	v17 =	vadd.f32 v39, v17  }
0x188: {  	v34 =	vld.idx.msk [tilespmem:v38+s18+$0x0], $0xffff;
	v36 =	vor.u32 $0x5006, v0;
	v31 =	vmul.f32 v31, v21  }
0x189: {  	v17 =	vadd.f32 v40, v17;
	v40 =	vmul.f32 v22, v16;
	v22 =	vld.idx.msk [tilespmem:v35+s18+$0x0], $0xffff;
	v35 =	vor.u32 $0x5007, v0  }
0x18a: {  	v37 =	vld [tilespmem:$0x720];
	v38 =	vor.u32 $0x5008, v0;
	v19 =	vmul.f32 v19, v23;
	v31 =	vadd.f32 $0.0e+00, v31  }
0x18b: {  	v39 =	vmul.f32 v24, v15;
	v24 =	vld.idx.msk [tilespmem:v32+s18+$0x0], $0xffff;
	v32 =	vor.u32 $0x9000, v0;
	v17 =	vadd.f32 v40, v17  }
0x18c: {  	v20 =	vmul.f32 v20, v25;
	v19 =	vadd.f32 v19, v31;
	v31 =	vld.idx.msk [tilespmem:v33+s18+$0x0], $0xffff;
	v33 =	vor.u32 $0x5009, v0  }
0x18d: {  	v40 =	vmul.f32 v26, v14;
	v26 =	vld.idx.msk [tilespmem:v36+s18+$0x0], $0xffff;
	v36 =	vor.u32 $0x9001, v0;
	v17 =	vadd.f32 v39, v17  }
0x18e: {  	v19 =	vadd.f32 v20, v19;
	v20 =	vmul.f32 v22, v28;
	v22 =	vld.idx.msk [tilespmem:v35+s18+$0x0], $0xffff;
	v35 =	vor.u32 $0xD000, v0  }
0x18f: {  	v17 =	vadd.f32 v40, v17;
	v40 =	vmul.f32 v27, v13;
	v27 =	vld.idx.msk [tilespmem:v38+s18+$0x0], $0xffff;
	v38 =	vor.u32 $0x9002, v0  }
0x190: {  	v39 =	vmul.f32 v24, v16;
	v24 =	vld.idx.msk [tilespmem:v32+s18+$0x0], $0xffff;
	v32 =	vor.u32 $0xD001, v0;
	v19 =	vadd.f32 v20, v19  }
0x191: {  	v18 =	vmul.f32 v29, v12;
	v29 =	vld.idx.msk [tilespmem:v33+s18+$0x0], $0xffff;
	v33 =	vor.u32 $0x9003, v0;
	v17 =	vadd.f32 v40, v17  }
0x192: {  	v40 =	vmul.f32 v31, v15;
	v31 =	vld.idx.msk [tilespmem:v36+s18+$0x0], $0xffff;
	v36 =	vor.u32 $0xD002, v0;
	v19 =	vadd.f32 v39, v19  }
0x193: {  	v17 =	vadd.f32 v18, v17;
	v18 =	vmul.f32 v30, v10;
	v30 =	vor.u32 $0x9004, v0;
	v35 =	vld.idx.msk [tilespmem:v35+s18+$0x0], $0xffff  }
0x194: {  	v19 =	vadd.f32 v40, v19;
	v40 =	vmul.f32 v26, v14;
	v26 =	vld.idx.msk [tilespmem:v38+s18+$0x0], $0xffff;
	v38 =	vor.u32 $0xD003, v0  }
0x195: {  	v39 =	vmul.f32 v24, v21;
	v24 =	vor.u32 $0x9005, v0;
	v32 =	vld.idx.msk [tilespmem:v32+s18+$0x0], $0xffff;
	v20 =	vmul.f32 v22, v13  }
0x196: {  	v22 =	vld.idx.msk [tilespmem:v33+s18+$0x0], $0xffff;
	v33 =	vor.u32 $0xD004, v0;
	v17 =	vadd.f32 v18, v17;
	v19 =	vadd.f32 v40, v19  }
0x197: {  	v18 =	vadd.f32 $0.0e+00, v39;
	v39 =	vor.u32 $0x9006, v0;
	v31 =	vmul.f32 v31, v23;
	v36 =	vld.idx.msk [tilespmem:v36+s18+$0x0], $0xffff  }
0x198: {  	v19 =	vadd.f32 v20, v19;
	v20 =	vld.idx.msk [tilespmem:v30+s18+$0x0], $0xffff;
	v21 =	vmul.f32 v35, v21;
	v30 =	vor.u32 $0xD005, v0  }
0x199: {  	v18 =	vadd.f32 v31, v18;
	v31 =	vor.u32 $0x9007, v0;
	v26 =	vmul.f32 v26, v25;
	v40 =	vld.idx.msk [tilespmem:v38+s18+$0x0], $0xffff  }
0x19a: {  	v24 =	vld.idx.msk [tilespmem:v24+s18+$0x0], $0xffff;
	v23 =	vmul.f32 v32, v23;
	v32 =	vor.u32 $0xD006, v0;
	v21 =	vadd.f32 $0.0e+00, v21  }
0x19b: {  	v22 =	vmul.f32 v22, v28;
	v33 =	vld.idx.msk [tilespmem:v33+s18+$0x0], $0xffff;
	v18 =	vadd.f32 v26, v18;
	v26 =	vor.u32 $0x9008, v0  }
0x19c: {  	v38 =	vld.idx.msk [tilespmem:v39+s18+$0x0], $0xffff;
	v39 =	vmul.f32 v36, v25;
	v25 =	vor.u32 $0xD007, v0;
	v21 =	vadd.f32 v23, v21  }
0x19d: {  	v18 =	vadd.f32 v22, v18;
	v20 =	vmul.f32 v20, v16;
	v22 =	vor.u32 $0x9009, v0;
	v30 =	vld.idx.msk [tilespmem:v30+s18+$0x0], $0xffff  }
0x19e: {  	v31 =	vld.idx.msk [tilespmem:v31+s18+$0x0], $0xffff;
	v21 =	vadd.f32 v39, v21;
	v40 =	vmul.f32 v40, v28;
	v28 =	vor.u32 $0xD008, v0  }
0x19f: {  	v35 =	vor.u32 $0x500A, v0;
	v36 =	vmul.f32 v24, v15;
	v39 =	vld.idx.msk [tilespmem:v32+s18+$0x0], $0xffff;
	v18 =	vadd.f32 v20, v18  }
0x1a0: {  	v23 =	vor.u32 $0xD009, v0;
	v16 =	vmul.f32 v33, v16;
	v26 =	vld.idx.msk [tilespmem:v26+s18+$0x0], $0xffff;
	v21 =	vadd.f32 v40, v21  }
0x1a1: {  	v27 =	vmul.f32 v27, v12;
	v40 =	vmul.f32 v38, v14;
	v25 =	vld.idx.msk [tilespmem:v25+s18+$0x0], $0xffff;
	v18 =	vadd.f32 v36, v18  }
0x1a2: {  	v32 =	vor.u32 $0x900A, v0;
	v22 =	vld.idx.msk [tilespmem:v22+s18+$0x0], $0xffff;
	v16 =	vadd.f32 v16, v21;
	v15 =	vmul.f32 v30, v15  }
0x1a3: {  	v19 =	vadd.f32 v27, v19;
	v33 =	vmul.f32 v31, v13;
	v18 =	vadd.f32 v40, v18;
	v36 =	vld.idx.msk [tilespmem:v28+s18+$0x0], $0xffff  }
0x1a4: {  	v38 =	vld.idx.msk [tilespmem:v35+s18+$0x0], $0xffff;
	v14 =	vmul.f32 v39, v14;
	v39 =	vor.u32 $0xD00A, v0;
	v15 =	vadd.f32 v15, v16  }
0x1a5: {  	v23 =	vld.idx.msk [tilespmem:v23+s18+$0x0], $0xffff;
	v40 =	vmul.f32 v29, v10;
	v18 =	vadd.f32 v33, v18;
	v28 =	vmul.f32 v26, v12  }
0x1a6: {  	v17 =	vadd.f32 v17, v34;
	v29 =	vld [tilespmem:$0x7A0];
	v13 =	vmul.f32 v25, v13;
	v14 =	vadd.f32 v14, v15  }
0x1a7: {  	v31 =	vld.idx.msk [tilespmem:v32+s18+$0x0], $0xffff;
	v30 =	vadd.f32 v40, v19;
	v18 =	vadd.f32 v28, v18  }
0x1a8: {  	v33 =	vld [tilespmem:$0x820];
	v32 =	vmul.f32 v22, v10;
	v13 =	vadd.f32 v13, v14;
	v12 =	vmul.f32 v36, v12  }
0x1a9: {  	v34 =	vmul.f32 v17, v37;
	v15 =	vadd.f32 v30, v38;
	v16 =	vld.idx.msk [tilespmem:v39+s18+$0x0], $0xffff  }
0x1aa: {  	v10 =	vmul.f32 v23, v10;
	v35 =	vadd.f32 v32, v18;
	v12 =	vadd.f32 v12, v13  }
0x1ab: {  	v11 =	vadd.f32 v34, v11;
	v36 =	vld [tilespmem:$0x8A0]  }
0x1ac: {  	v37 =	vmul.f32 v15, v29;
	v38 =	vadd.f32 v35, v31;
	v10 =	vadd.f32 v10, v12;
	_ =	sdelay $0x1  }
0x1ad: {  	v11 =	vadd.f32 v37, v11;
	v39 =	vmul.f32 v38, v33;
	v10 =	vadd.f32 v10, v16;
	_ =	sdelay $0x1  }
0x1ae: {  	v17 =	vor.u32 $0x1800, v0;
	v11 =	vadd.f32 v39, v11;
	v10 =	vmul.f32 v10, v36  }
0x1af: {  	v40 =	vor.u32 $0x1801, v0  }
0x1b0: {  	v33 =	vor.u32 $0x1802, v0;
	v10 =	vadd.f32 v10, v11  }
0x1b1: {  	v34 =	vor.u32 $0x1803, v0  }
0x1b2: {  	v35 =	vor.u32 $0x1804, v0;
	v11 =	vld [tilespmem:$0xB0];
	[tilespmem:$0x14D08] =	vst v10  }
0x1b3: {  	v36 =	vor.u32 $0x1805, v0;
	v21 =	vld.idx.msk [tilespmem:v17+s17+$0x0], $0xffff  }
0x1b4: {  	v37 =	vor.u32 $0x1806, v0;
	v23 =	vld.idx.msk [tilespmem:v40+s17+$0x0], $0xffff  }
0x1b5: {  	v38 =	vor.u32 $0x1807, v0;
	v25 =	vld.idx.msk [tilespmem:v33+s17+$0x0], $0xffff  }
0x1b6: {  	v39 =	vor.u32 $0x1808, v0;
	v28 =	vld.idx.msk [tilespmem:v34+s17+$0x0], $0xffff  }
0x1b7: {  	v30 =	vor.u32 $0x1809, v0;
	v16 =	vld.idx.msk [tilespmem:v35+s17+$0x0], $0xffff  }
0x1b8: {  	v15 =	vld.idx.msk [tilespmem:v36+s17+$0x0], $0xffff  }
0x1b9: {  	v14 =	vld.idx.msk [tilespmem:v37+s17+$0x0], $0xffff  }
0x1ba: {  	v13 =	vld.idx.msk [tilespmem:v38+s17+$0x0], $0xffff  }
0x1bb: {  	v12 =	vld.idx.msk [tilespmem:v39+s17+$0x0], $0xffff  }
0x1bc: {  	v10 =	vld.idx.msk [tilespmem:v30+s17+$0x0], $0xffff  }
0x1bd: {  	v17 =	vld.idx.msk [tilespmem:v17+s18+$0x0], $0xffff  }
0x1be: {  	v18 =	vld.idx.msk [tilespmem:v40+s18+$0x0], $0xffff  }
0x1bf: {  	v19 =	vld.idx.msk [tilespmem:v33+s18+$0x0], $0xffff  }
0x1c0: {  	v20 =	vld.idx.msk [tilespmem:v34+s18+$0x0], $0xffff  }
0x1c1: {  	v40 =	vor.u32 $0x5800, v0;
	v22 =	vld.idx.msk [tilespmem:v35+s18+$0x0], $0xffff  }
0x1c2: {  	v24 =	vld.idx.msk [tilespmem:v36+s18+$0x0], $0xffff  }
0x1c3: {  	v36 =	vor.u32 $0x5801, v0;
	v26 =	vld.idx.msk [tilespmem:v37+s18+$0x0], $0xffff  }
0x1c4: {  	v27 =	vld.idx.msk [tilespmem:v38+s18+$0x0], $0xffff;
	v17 =	vmul.f32 v17, v21  }
0x1c5: {  	v37 =	vor.u32 $0x5802, v0;
	v29 =	vld.idx.msk [tilespmem:v39+s18+$0x0], $0xffff  }
0x1c6: {  	v38 =	vor.u32 $0x180A, v0;
	v18 =	vmul.f32 v18, v23;
	v31 =	vld.idx.msk [tilespmem:v40+s18+$0x0], $0xffff;
	v17 =	vadd.f32 $0.0e+00, v17  }
0x1c7: {  	v35 =	vor.u32 $0x5803, v0;
	v30 =	vld.idx.msk [tilespmem:v30+s18+$0x0], $0xffff  }
0x1c8: {  	v39 =	vmul.f32 v19, v25;
	v19 =	vld.idx.msk [tilespmem:v36+s18+$0x0], $0xffff;
	v17 =	vadd.f32 v18, v17  }
0x1c9: {  	v32 =	vor.u32 $0x5804, v0;
	v11 =	vld.idx.msk [tilespmem:v11+s9+$0x0], $0xffff  }
0x1ca: {  	v33 =	vor.u32 $0x5805, v0;
	v40 =	vmul.f32 v20, v28;
	v20 =	vld.idx.msk [tilespmem:v37+s18+$0x0], $0xffff;
	v17 =	vadd.f32 v39, v17  }
0x1cb: {  	v34 =	vld.idx.msk [tilespmem:v38+s18+$0x0], $0xffff;
	v36 =	vor.u32 $0x5806, v0;
	v31 =	vmul.f32 v31, v21  }
0x1cc: {  	v17 =	vadd.f32 v40, v17;
	v40 =	vmul.f32 v22, v16;
	v22 =	vld.idx.msk [tilespmem:v35+s18+$0x0], $0xffff;
	v35 =	vor.u32 $0x5807, v0  }
0x1cd: {  	v37 =	vld [tilespmem:$0x730];
	v38 =	vor.u32 $0x5808, v0;
	v19 =	vmul.f32 v19, v23;
	v31 =	vadd.f32 $0.0e+00, v31  }
0x1ce: {  	v39 =	vmul.f32 v24, v15;
	v24 =	vld.idx.msk [tilespmem:v32+s18+$0x0], $0xffff;
	v32 =	vor.u32 $0x9800, v0;
	v17 =	vadd.f32 v40, v17  }
0x1cf: {  	v20 =	vmul.f32 v20, v25;
	v19 =	vadd.f32 v19, v31;
	v31 =	vld.idx.msk [tilespmem:v33+s18+$0x0], $0xffff;
	v33 =	vor.u32 $0x5809, v0  }
0x1d0: {  	v40 =	vmul.f32 v26, v14;
	v26 =	vld.idx.msk [tilespmem:v36+s18+$0x0], $0xffff;
	v36 =	vor.u32 $0x9801, v0;
	v17 =	vadd.f32 v39, v17  }
0x1d1: {  	v19 =	vadd.f32 v20, v19;
	v20 =	vmul.f32 v22, v28;
	v22 =	vld.idx.msk [tilespmem:v35+s18+$0x0], $0xffff;
	v35 =	vor.u32 $0xD800, v0  }
0x1d2: {  	v17 =	vadd.f32 v40, v17;
	v40 =	vmul.f32 v27, v13;
	v27 =	vld.idx.msk [tilespmem:v38+s18+$0x0], $0xffff;
	v38 =	vor.u32 $0x9802, v0  }
0x1d3: {  	v39 =	vmul.f32 v24, v16;
	v24 =	vld.idx.msk [tilespmem:v32+s18+$0x0], $0xffff;
	v32 =	vor.u32 $0xD801, v0;
	v19 =	vadd.f32 v20, v19  }
0x1d4: {  	v18 =	vmul.f32 v29, v12;
	v29 =	vld.idx.msk [tilespmem:v33+s18+$0x0], $0xffff;
	v33 =	vor.u32 $0x9803, v0;
	v17 =	vadd.f32 v40, v17  }
0x1d5: {  	v40 =	vmul.f32 v31, v15;
	v31 =	vld.idx.msk [tilespmem:v36+s18+$0x0], $0xffff;
	v36 =	vor.u32 $0xD802, v0;
	v19 =	vadd.f32 v39, v19  }
0x1d6: {  	v17 =	vadd.f32 v18, v17;
	v18 =	vmul.f32 v30, v10;
	v30 =	vor.u32 $0x9804, v0;
	v35 =	vld.idx.msk [tilespmem:v35+s18+$0x0], $0xffff  }
0x1d7: {  	v19 =	vadd.f32 v40, v19;
	v40 =	vmul.f32 v26, v14;
	v26 =	vld.idx.msk [tilespmem:v38+s18+$0x0], $0xffff;
	v38 =	vor.u32 $0xD803, v0  }
0x1d8: {  	v39 =	vmul.f32 v24, v21;
	v24 =	vor.u32 $0x9805, v0;
	v32 =	vld.idx.msk [tilespmem:v32+s18+$0x0], $0xffff;
	v20 =	vmul.f32 v22, v13  }
0x1d9: {  	v22 =	vld.idx.msk [tilespmem:v33+s18+$0x0], $0xffff;
	v33 =	vor.u32 $0xD804, v0;
	v17 =	vadd.f32 v18, v17;
	v19 =	vadd.f32 v40, v19  }
0x1da: {  	v18 =	vadd.f32 $0.0e+00, v39;
	v39 =	vor.u32 $0x9806, v0;
	v31 =	vmul.f32 v31, v23;
	v36 =	vld.idx.msk [tilespmem:v36+s18+$0x0], $0xffff  }
0x1db: {  	v19 =	vadd.f32 v20, v19;
	v20 =	vld.idx.msk [tilespmem:v30+s18+$0x0], $0xffff;
	v21 =	vmul.f32 v35, v21;
	v30 =	vor.u32 $0xD805, v0  }
0x1dc: {  	v18 =	vadd.f32 v31, v18;
	v31 =	vor.u32 $0x9807, v0;
	v26 =	vmul.f32 v26, v25;
	v40 =	vld.idx.msk [tilespmem:v38+s18+$0x0], $0xffff  }
0x1dd: {  	v24 =	vld.idx.msk [tilespmem:v24+s18+$0x0], $0xffff;
	v23 =	vmul.f32 v32, v23;
	v32 =	vor.u32 $0xD806, v0;
	v21 =	vadd.f32 $0.0e+00, v21  }
0x1de: {  	v22 =	vmul.f32 v22, v28;
	v33 =	vld.idx.msk [tilespmem:v33+s18+$0x0], $0xffff;
	v18 =	vadd.f32 v26, v18;
	v26 =	vor.u32 $0x9808, v0  }
0x1df: {  	v38 =	vld.idx.msk [tilespmem:v39+s18+$0x0], $0xffff;
	v39 =	vmul.f32 v36, v25;
	v25 =	vor.u32 $0xD807, v0;
	v21 =	vadd.f32 v23, v21  }
0x1e0: {  	v18 =	vadd.f32 v22, v18;
	v20 =	vmul.f32 v20, v16;
	v22 =	vor.u32 $0x9809, v0;
	v30 =	vld.idx.msk [tilespmem:v30+s18+$0x0], $0xffff  }
0x1e1: {  	v31 =	vld.idx.msk [tilespmem:v31+s18+$0x0], $0xffff;
	v21 =	vadd.f32 v39, v21;
	v40 =	vmul.f32 v40, v28;
	v28 =	vor.u32 $0xD808, v0  }
0x1e2: {  	v35 =	vor.u32 $0x580A, v0;
	v36 =	vmul.f32 v24, v15;
	v39 =	vld.idx.msk [tilespmem:v32+s18+$0x0], $0xffff;
	v18 =	vadd.f32 v20, v18  }
0x1e3: {  	v23 =	vor.u32 $0xD809, v0;
	v16 =	vmul.f32 v33, v16;
	v26 =	vld.idx.msk [tilespmem:v26+s18+$0x0], $0xffff;
	v21 =	vadd.f32 v40, v21  }
0x1e4: {  	v27 =	vmul.f32 v27, v12;
	v40 =	vmul.f32 v38, v14;
	v25 =	vld.idx.msk [tilespmem:v25+s18+$0x0], $0xffff;
	v18 =	vadd.f32 v36, v18  }
0x1e5: {  	v32 =	vor.u32 $0x980A, v0;
	v22 =	vld.idx.msk [tilespmem:v22+s18+$0x0], $0xffff;
	v16 =	vadd.f32 v16, v21;
	v15 =	vmul.f32 v30, v15  }
0x1e6: {  	v19 =	vadd.f32 v27, v19;
	v33 =	vmul.f32 v31, v13;
	v18 =	vadd.f32 v40, v18;
	v36 =	vld.idx.msk [tilespmem:v28+s18+$0x0], $0xffff  }
0x1e7: {  	v38 =	vld.idx.msk [tilespmem:v35+s18+$0x0], $0xffff;
	v14 =	vmul.f32 v39, v14;
	v39 =	vor.u32 $0xD80A, v0;
	v15 =	vadd.f32 v15, v16  }
0x1e8: {  	v23 =	vld.idx.msk [tilespmem:v23+s18+$0x0], $0xffff;
	v40 =	vmul.f32 v29, v10;
	v18 =	vadd.f32 v33, v18;
	v28 =	vmul.f32 v26, v12  }
0x1e9: {  	v17 =	vadd.f32 v17, v34;
	v29 =	vld [tilespmem:$0x7B0];
	v13 =	vmul.f32 v25, v13;
	v14 =	vadd.f32 v14, v15  }
0x1ea: {  	v31 =	vld.idx.msk [tilespmem:v32+s18+$0x0], $0xffff;
	v30 =	vadd.f32 v40, v19;
	v18 =	vadd.f32 v28, v18  }
0x1eb: {  	v33 =	vld [tilespmem:$0x830];
	v32 =	vmul.f32 v22, v10;
	v13 =	vadd.f32 v13, v14;
	v12 =	vmul.f32 v36, v12  }
0x1ec: {  	v34 =	vmul.f32 v17, v37;
	v15 =	vadd.f32 v30, v38;
	v16 =	vld.idx.msk [tilespmem:v39+s18+$0x0], $0xffff  }
0x1ed: {  	v10 =	vmul.f32 v23, v10;
	v35 =	vadd.f32 v32, v18;
	v12 =	vadd.f32 v12, v13  }
0x1ee: {  	v11 =	vadd.f32 v34, v11;
	v36 =	vld [tilespmem:$0x8B0]  }
0x1ef: {  	v37 =	vmul.f32 v15, v29;
	v38 =	vadd.f32 v35, v31;
	v10 =	vadd.f32 v10, v12;
	_ =	sdelay $0x1  }
0x1f0: {  	v11 =	vadd.f32 v37, v11;
	v39 =	vmul.f32 v38, v33;
	v10 =	vadd.f32 v10, v16;
	_ =	sdelay $0x1  }
0x1f1: {  	v17 =	vor.u32 $0x2000, v0;
	v11 =	vadd.f32 v39, v11;
	v10 =	vmul.f32 v10, v36  }
0x1f2: {  	v40 =	vor.u32 $0x2001, v0  }
0x1f3: {  	v33 =	vor.u32 $0x2002, v0;
	v10 =	vadd.f32 v10, v11  }
0x1f4: {  	v34 =	vor.u32 $0x2003, v0  }
0x1f5: {  	v35 =	vor.u32 $0x2004, v0;
	v11 =	vld [tilespmem:$0xC0];
	[tilespmem:$0x14D18] =	vst v10  }
0x1f6: {  	v36 =	vor.u32 $0x2005, v0;
	v21 =	vld.idx.msk [tilespmem:v17+s17+$0x0], $0xffff  }
0x1f7: {  	v37 =	vor.u32 $0x2006, v0;
	v23 =	vld.idx.msk [tilespmem:v40+s17+$0x0], $0xffff  }
0x1f8: {  	v38 =	vor.u32 $0x2007, v0;
	v25 =	vld.idx.msk [tilespmem:v33+s17+$0x0], $0xffff  }
0x1f9: {  	v39 =	vor.u32 $0x2008, v0;
	v28 =	vld.idx.msk [tilespmem:v34+s17+$0x0], $0xffff  }
0x1fa: {  	v30 =	vor.u32 $0x2009, v0;
	v16 =	vld.idx.msk [tilespmem:v35+s17+$0x0], $0xffff  }
0x1fb: {  	v15 =	vld.idx.msk [tilespmem:v36+s17+$0x0], $0xffff  }
0x1fc: {  	v14 =	vld.idx.msk [tilespmem:v37+s17+$0x0], $0xffff  }
0x1fd: {  	v13 =	vld.idx.msk [tilespmem:v38+s17+$0x0], $0xffff  }
0x1fe: {  	v12 =	vld.idx.msk [tilespmem:v39+s17+$0x0], $0xffff  }
0x1ff: {  	v10 =	vld.idx.msk [tilespmem:v30+s17+$0x0], $0xffff  }
0x200: {  	v17 =	vld.idx.msk [tilespmem:v17+s18+$0x0], $0xffff  }
0x201: {  	v18 =	vld.idx.msk [tilespmem:v40+s18+$0x0], $0xffff  }
0x202: {  	v19 =	vld.idx.msk [tilespmem:v33+s18+$0x0], $0xffff  }
0x203: {  	v20 =	vld.idx.msk [tilespmem:v34+s18+$0x0], $0xffff  }
0x204: {  	v40 =	vor.u32 $0x6000, v0;
	v22 =	vld.idx.msk [tilespmem:v35+s18+$0x0], $0xffff  }
0x205: {  	v24 =	vld.idx.msk [tilespmem:v36+s18+$0x0], $0xffff  }
0x206: {  	v36 =	vor.u32 $0x6001, v0;
	v26 =	vld.idx.msk [tilespmem:v37+s18+$0x0], $0xffff  }
0x207: {  	v27 =	vld.idx.msk [tilespmem:v38+s18+$0x0], $0xffff;
	v17 =	vmul.f32 v17, v21  }
0x208: {  	v37 =	vor.u32 $0x6002, v0;
	v29 =	vld.idx.msk [tilespmem:v39+s18+$0x0], $0xffff  }
0x209: {  	v38 =	vor.u32 $0x200A, v0;
	v18 =	vmul.f32 v18, v23;
	v31 =	vld.idx.msk [tilespmem:v40+s18+$0x0], $0xffff;
	v17 =	vadd.f32 $0.0e+00, v17  }
0x20a: {  	v35 =	vor.u32 $0x6003, v0;
	v30 =	vld.idx.msk [tilespmem:v30+s18+$0x0], $0xffff  }
0x20b: {  	v39 =	vmul.f32 v19, v25;
	v19 =	vld.idx.msk [tilespmem:v36+s18+$0x0], $0xffff;
	v17 =	vadd.f32 v18, v17  }
0x20c: {  	v32 =	vor.u32 $0x6004, v0;
	v11 =	vld.idx.msk [tilespmem:v11+s9+$0x0], $0xffff  }
0x20d: {  	v33 =	vor.u32 $0x6005, v0;
	v40 =	vmul.f32 v20, v28;
	v20 =	vld.idx.msk [tilespmem:v37+s18+$0x0], $0xffff;
	v17 =	vadd.f32 v39, v17  }
0x20e: {  	v34 =	vld.idx.msk [tilespmem:v38+s18+$0x0], $0xffff;
	v36 =	vor.u32 $0x6006, v0;
	v31 =	vmul.f32 v31, v21  }
0x20f: {  	v17 =	vadd.f32 v40, v17;
	v40 =	vmul.f32 v22, v16;
	v22 =	vld.idx.msk [tilespmem:v35+s18+$0x0], $0xffff;
	v35 =	vor.u32 $0x6007, v0  }
0x210: {  	v37 =	vld [tilespmem:$0x740];
	v38 =	vor.u32 $0x6008, v0;
	v19 =	vmul.f32 v19, v23;
	v31 =	vadd.f32 $0.0e+00, v31  }
0x211: {  	v39 =	vmul.f32 v24, v15;
	v24 =	vld.idx.msk [tilespmem:v32+s18+$0x0], $0xffff;
	v32 =	vor.u32 $0xA000, v0;
	v17 =	vadd.f32 v40, v17  }
0x212: {  	v20 =	vmul.f32 v20, v25;
	v19 =	vadd.f32 v19, v31;
	v31 =	vld.idx.msk [tilespmem:v33+s18+$0x0], $0xffff;
	v33 =	vor.u32 $0x6009, v0  }
0x213: {  	v40 =	vmul.f32 v26, v14;
	v26 =	vld.idx.msk [tilespmem:v36+s18+$0x0], $0xffff;
	v36 =	vor.u32 $0xA001, v0;
	v17 =	vadd.f32 v39, v17  }
0x214: {  	v19 =	vadd.f32 v20, v19;
	v20 =	vmul.f32 v22, v28;
	v22 =	vld.idx.msk [tilespmem:v35+s18+$0x0], $0xffff;
	v35 =	vor.u32 $0xE000, v0  }
0x215: {  	v17 =	vadd.f32 v40, v17;
	v40 =	vmul.f32 v27, v13;
	v27 =	vld.idx.msk [tilespmem:v38+s18+$0x0], $0xffff;
	v38 =	vor.u32 $0xA002, v0  }
0x216: {  	v39 =	vmul.f32 v24, v16;
	v24 =	vld.idx.msk [tilespmem:v32+s18+$0x0], $0xffff;
	v32 =	vor.u32 $0xE001, v0;
	v19 =	vadd.f32 v20, v19  }
0x217: {  	v18 =	vmul.f32 v29, v12;
	v29 =	vld.idx.msk [tilespmem:v33+s18+$0x0], $0xffff;
	v33 =	vor.u32 $0xA003, v0;
	v17 =	vadd.f32 v40, v17  }
0x218: {  	v40 =	vmul.f32 v31, v15;
	v31 =	vld.idx.msk [tilespmem:v36+s18+$0x0], $0xffff;
	v36 =	vor.u32 $0xE002, v0;
	v19 =	vadd.f32 v39, v19  }
0x219: {  	v17 =	vadd.f32 v18, v17;
	v18 =	vmul.f32 v30, v10;
	v30 =	vor.u32 $0xA004, v0;
	v35 =	vld.idx.msk [tilespmem:v35+s18+$0x0], $0xffff  }
0x21a: {  	v19 =	vadd.f32 v40, v19;
	v40 =	vmul.f32 v26, v14;
	v26 =	vld.idx.msk [tilespmem:v38+s18+$0x0], $0xffff;
	v38 =	vor.u32 $0xE003, v0  }
0x21b: {  	v39 =	vmul.f32 v24, v21;
	v24 =	vor.u32 $0xA005, v0;
	v32 =	vld.idx.msk [tilespmem:v32+s18+$0x0], $0xffff;
	v20 =	vmul.f32 v22, v13  }
0x21c: {  	v22 =	vld.idx.msk [tilespmem:v33+s18+$0x0], $0xffff;
	v33 =	vor.u32 $0xE004, v0;
	v17 =	vadd.f32 v18, v17;
	v19 =	vadd.f32 v40, v19  }
0x21d: {  	v18 =	vadd.f32 $0.0e+00, v39;
	v39 =	vor.u32 $0xA006, v0;
	v31 =	vmul.f32 v31, v23;
	v36 =	vld.idx.msk [tilespmem:v36+s18+$0x0], $0xffff  }
0x21e: {  	v19 =	vadd.f32 v20, v19;
	v20 =	vld.idx.msk [tilespmem:v30+s18+$0x0], $0xffff;
	v21 =	vmul.f32 v35, v21;
	v30 =	vor.u32 $0xE005, v0  }
0x21f: {  	v18 =	vadd.f32 v31, v18;
	v31 =	vor.u32 $0xA007, v0;
	v26 =	vmul.f32 v26, v25;
	v40 =	vld.idx.msk [tilespmem:v38+s18+$0x0], $0xffff  }
0x220: {  	v24 =	vld.idx.msk [tilespmem:v24+s18+$0x0], $0xffff;
	v23 =	vmul.f32 v32, v23;
	v32 =	vor.u32 $0xE006, v0;
	v21 =	vadd.f32 $0.0e+00, v21  }
0x221: {  	v22 =	vmul.f32 v22, v28;
	v33 =	vld.idx.msk [tilespmem:v33+s18+$0x0], $0xffff;
	v18 =	vadd.f32 v26, v18;
	v26 =	vor.u32 $0xA008, v0  }
0x222: {  	v38 =	vld.idx.msk [tilespmem:v39+s18+$0x0], $0xffff;
	v39 =	vmul.f32 v36, v25;
	v25 =	vor.u32 $0xE007, v0;
	v21 =	vadd.f32 v23, v21  }
0x223: {  	v18 =	vadd.f32 v22, v18;
	v20 =	vmul.f32 v20, v16;
	v22 =	vor.u32 $0xA009, v0;
	v30 =	vld.idx.msk [tilespmem:v30+s18+$0x0], $0xffff  }
0x224: {  	v31 =	vld.idx.msk [tilespmem:v31+s18+$0x0], $0xffff;
	v21 =	vadd.f32 v39, v21;
	v40 =	vmul.f32 v40, v28;
	v28 =	vor.u32 $0xE008, v0  }
0x225: {  	v35 =	vor.u32 $0x600A, v0;
	v36 =	vmul.f32 v24, v15;
	v39 =	vld.idx.msk [tilespmem:v32+s18+$0x0], $0xffff;
	v18 =	vadd.f32 v20, v18  }
0x226: {  	v23 =	vor.u32 $0xE009, v0;
	v16 =	vmul.f32 v33, v16;
	v26 =	vld.idx.msk [tilespmem:v26+s18+$0x0], $0xffff;
	v21 =	vadd.f32 v40, v21  }
0x227: {  	v27 =	vmul.f32 v27, v12;
	v40 =	vmul.f32 v38, v14;
	v25 =	vld.idx.msk [tilespmem:v25+s18+$0x0], $0xffff;
	v18 =	vadd.f32 v36, v18  }
0x228: {  	v32 =	vor.u32 $0xA00A, v0;
	v22 =	vld.idx.msk [tilespmem:v22+s18+$0x0], $0xffff;
	v16 =	vadd.f32 v16, v21;
	v15 =	vmul.f32 v30, v15  }
0x229: {  	v19 =	vadd.f32 v27, v19;
	v33 =	vmul.f32 v31, v13;
	v18 =	vadd.f32 v40, v18;
	v36 =	vld.idx.msk [tilespmem:v28+s18+$0x0], $0xffff  }
0x22a: {  	v38 =	vld.idx.msk [tilespmem:v35+s18+$0x0], $0xffff;
	v14 =	vmul.f32 v39, v14;
	v39 =	vor.u32 $0xE00A, v0;
	v15 =	vadd.f32 v15, v16  }
0x22b: {  	v23 =	vld.idx.msk [tilespmem:v23+s18+$0x0], $0xffff;
	v40 =	vmul.f32 v29, v10;
	v18 =	vadd.f32 v33, v18;
	v28 =	vmul.f32 v26, v12  }
0x22c: {  	v17 =	vadd.f32 v17, v34;
	v29 =	vld [tilespmem:$0x7C0];
	v13 =	vmul.f32 v25, v13;
	v14 =	vadd.f32 v14, v15  }
0x22d: {  	v31 =	vld.idx.msk [tilespmem:v32+s18+$0x0], $0xffff;
	v30 =	vadd.f32 v40, v19;
	v18 =	vadd.f32 v28, v18  }
0x22e: {  	v33 =	vld [tilespmem:$0x840];
	v32 =	vmul.f32 v22, v10;
	v13 =	vadd.f32 v13, v14;
	v12 =	vmul.f32 v36, v12  }
0x22f: {  	v34 =	vmul.f32 v17, v37;
	v15 =	vadd.f32 v30, v38;
	v16 =	vld.idx.msk [tilespmem:v39+s18+$0x0], $0xffff  }
0x230: {  	v10 =	vmul.f32 v23, v10;
	v35 =	vadd.f32 v32, v18;
	v12 =	vadd.f32 v12, v13  }
0x231: {  	v11 =	vadd.f32 v34, v11;
	v36 =	vld [tilespmem:$0x8C0]  }
0x232: {  	v37 =	vmul.f32 v15, v29;
	v38 =	vadd.f32 v35, v31;
	v10 =	vadd.f32 v10, v12;
	_ =	sdelay $0x1  }
0x233: {  	v11 =	vadd.f32 v37, v11;
	v39 =	vmul.f32 v38, v33;
	v10 =	vadd.f32 v10, v16;
	_ =	sdelay $0x1  }
0x234: {  	v17 =	vor.u32 $0x2800, v0;
	v11 =	vadd.f32 v39, v11;
	v10 =	vmul.f32 v10, v36  }
0x235: {  	v40 =	vor.u32 $0x2801, v0  }
0x236: {  	v33 =	vor.u32 $0x2802, v0;
	v10 =	vadd.f32 v10, v11  }
0x237: {  	v34 =	vor.u32 $0x2803, v0  }
0x238: {  	v35 =	vor.u32 $0x2804, v0;
	v11 =	vld [tilespmem:$0xD0];
	[tilespmem:$0x14D28] =	vst v10  }
0x239: {  	v36 =	vor.u32 $0x2805, v0;
	v21 =	vld.idx.msk [tilespmem:v17+s17+$0x0], $0xffff  }
0x23a: {  	v37 =	vor.u32 $0x2806, v0;
	v23 =	vld.idx.msk [tilespmem:v40+s17+$0x0], $0xffff  }
0x23b: {  	v38 =	vor.u32 $0x2807, v0;
	v25 =	vld.idx.msk [tilespmem:v33+s17+$0x0], $0xffff  }
0x23c: {  	v39 =	vor.u32 $0x2808, v0;
	v28 =	vld.idx.msk [tilespmem:v34+s17+$0x0], $0xffff  }
0x23d: {  	v30 =	vor.u32 $0x2809, v0;
	v16 =	vld.idx.msk [tilespmem:v35+s17+$0x0], $0xffff  }
0x23e: {  	v15 =	vld.idx.msk [tilespmem:v36+s17+$0x0], $0xffff  }
0x23f: {  	v14 =	vld.idx.msk [tilespmem:v37+s17+$0x0], $0xffff  }
0x240: {  	v13 =	vld.idx.msk [tilespmem:v38+s17+$0x0], $0xffff  }
0x241: {  	v12 =	vld.idx.msk [tilespmem:v39+s17+$0x0], $0xffff  }
0x242: {  	v10 =	vld.idx.msk [tilespmem:v30+s17+$0x0], $0xffff  }
0x243: {  	v17 =	vld.idx.msk [tilespmem:v17+s18+$0x0], $0xffff  }
0x244: {  	v18 =	vld.idx.msk [tilespmem:v40+s18+$0x0], $0xffff  }
0x245: {  	v19 =	vld.idx.msk [tilespmem:v33+s18+$0x0], $0xffff  }
0x246: {  	v20 =	vld.idx.msk [tilespmem:v34+s18+$0x0], $0xffff  }
0x247: {  	v40 =	vor.u32 $0x6800, v0;
	v22 =	vld.idx.msk [tilespmem:v35+s18+$0x0], $0xffff  }
0x248: {  	v24 =	vld.idx.msk [tilespmem:v36+s18+$0x0], $0xffff  }
0x249: {  	v36 =	vor.u32 $0x6801, v0;
	v26 =	vld.idx.msk [tilespmem:v37+s18+$0x0], $0xffff  }
0x24a: {  	v27 =	vld.idx.msk [tilespmem:v38+s18+$0x0], $0xffff;
	v17 =	vmul.f32 v17, v21  }
0x24b: {  	v37 =	vor.u32 $0x6802, v0;
	v29 =	vld.idx.msk [tilespmem:v39+s18+$0x0], $0xffff  }
0x24c: {  	v38 =	vor.u32 $0x280A, v0;
	v18 =	vmul.f32 v18, v23;
	v31 =	vld.idx.msk [tilespmem:v40+s18+$0x0], $0xffff;
	v17 =	vadd.f32 $0.0e+00, v17  }
0x24d: {  	v35 =	vor.u32 $0x6803, v0;
	v30 =	vld.idx.msk [tilespmem:v30+s18+$0x0], $0xffff  }
0x24e: {  	v39 =	vmul.f32 v19, v25;
	v19 =	vld.idx.msk [tilespmem:v36+s18+$0x0], $0xffff;
	v17 =	vadd.f32 v18, v17  }
0x24f: {  	v32 =	vor.u32 $0x6804, v0;
	v11 =	vld.idx.msk [tilespmem:v11+s9+$0x0], $0xffff  }
0x250: {  	v33 =	vor.u32 $0x6805, v0;
	v40 =	vmul.f32 v20, v28;
	v20 =	vld.idx.msk [tilespmem:v37+s18+$0x0], $0xffff;
	v17 =	vadd.f32 v39, v17  }
0x251: {  	v34 =	vld.idx.msk [tilespmem:v38+s18+$0x0], $0xffff;
	v36 =	vor.u32 $0x6806, v0;
	v31 =	vmul.f32 v31, v21  }
0x252: {  	v17 =	vadd.f32 v40, v17;
	v40 =	vmul.f32 v22, v16;
	v22 =	vld.idx.msk [tilespmem:v35+s18+$0x0], $0xffff;
	v35 =	vor.u32 $0x6807, v0  }
0x253: {  	v37 =	vld [tilespmem:$0x750];
	v38 =	vor.u32 $0x6808, v0;
	v19 =	vmul.f32 v19, v23;
	v31 =	vadd.f32 $0.0e+00, v31  }
0x254: {  	v39 =	vmul.f32 v24, v15;
	v24 =	vld.idx.msk [tilespmem:v32+s18+$0x0], $0xffff;
	v32 =	vor.u32 $0xA800, v0;
	v17 =	vadd.f32 v40, v17  }
0x255: {  	v20 =	vmul.f32 v20, v25;
	v19 =	vadd.f32 v19, v31;
	v31 =	vld.idx.msk [tilespmem:v33+s18+$0x0], $0xffff;
	v33 =	vor.u32 $0x6809, v0  }
0x256: {  	v40 =	vmul.f32 v26, v14;
	v26 =	vld.idx.msk [tilespmem:v36+s18+$0x0], $0xffff;
	v36 =	vor.u32 $0xA801, v0;
	v17 =	vadd.f32 v39, v17  }
0x257: {  	v19 =	vadd.f32 v20, v19;
	v20 =	vmul.f32 v22, v28;
	v22 =	vld.idx.msk [tilespmem:v35+s18+$0x0], $0xffff;
	v35 =	vor.u32 $0xE800, v0  }
0x258: {  	v17 =	vadd.f32 v40, v17;
	v40 =	vmul.f32 v27, v13;
	v27 =	vld.idx.msk [tilespmem:v38+s18+$0x0], $0xffff;
	v38 =	vor.u32 $0xA802, v0  }
0x259: {  	v39 =	vmul.f32 v24, v16;
	v24 =	vld.idx.msk [tilespmem:v32+s18+$0x0], $0xffff;
	v32 =	vor.u32 $0xE801, v0;
	v19 =	vadd.f32 v20, v19  }
0x25a: {  	v18 =	vmul.f32 v29, v12;
	v29 =	vld.idx.msk [tilespmem:v33+s18+$0x0], $0xffff;
	v33 =	vor.u32 $0xA803, v0;
	v17 =	vadd.f32 v40, v17  }
0x25b: {  	v40 =	vmul.f32 v31, v15;
	v31 =	vld.idx.msk [tilespmem:v36+s18+$0x0], $0xffff;
	v36 =	vor.u32 $0xE802, v0;
	v19 =	vadd.f32 v39, v19  }
0x25c: {  	v17 =	vadd.f32 v18, v17;
	v18 =	vmul.f32 v30, v10;
	v30 =	vor.u32 $0xA804, v0;
	v35 =	vld.idx.msk [tilespmem:v35+s18+$0x0], $0xffff  }
0x25d: {  	v19 =	vadd.f32 v40, v19;
	v40 =	vmul.f32 v26, v14;
	v26 =	vld.idx.msk [tilespmem:v38+s18+$0x0], $0xffff;
	v38 =	vor.u32 $0xE803, v0  }
0x25e: {  	v39 =	vmul.f32 v24, v21;
	v24 =	vor.u32 $0xA805, v0;
	v32 =	vld.idx.msk [tilespmem:v32+s18+$0x0], $0xffff;
	v20 =	vmul.f32 v22, v13  }
0x25f: {  	v22 =	vld.idx.msk [tilespmem:v33+s18+$0x0], $0xffff;
	v33 =	vor.u32 $0xE804, v0;
	v17 =	vadd.f32 v18, v17;
	v19 =	vadd.f32 v40, v19  }
0x260: {  	v18 =	vadd.f32 $0.0e+00, v39;
	v39 =	vor.u32 $0xA806, v0;
	v31 =	vmul.f32 v31, v23;
	v36 =	vld.idx.msk [tilespmem:v36+s18+$0x0], $0xffff  }
0x261: {  	v19 =	vadd.f32 v20, v19;
	v20 =	vld.idx.msk [tilespmem:v30+s18+$0x0], $0xffff;
	v21 =	vmul.f32 v35, v21;
	v30 =	vor.u32 $0xE805, v0  }
0x262: {  	v18 =	vadd.f32 v31, v18;
	v31 =	vor.u32 $0xA807, v0;
	v26 =	vmul.f32 v26, v25;
	v40 =	vld.idx.msk [tilespmem:v38+s18+$0x0], $0xffff  }
0x263: {  	v24 =	vld.idx.msk [tilespmem:v24+s18+$0x0], $0xffff;
	v23 =	vmul.f32 v32, v23;
	v32 =	vor.u32 $0xE806, v0;
	v21 =	vadd.f32 $0.0e+00, v21  }
0x264: {  	v22 =	vmul.f32 v22, v28;
	v33 =	vld.idx.msk [tilespmem:v33+s18+$0x0], $0xffff;
	v18 =	vadd.f32 v26, v18;
	v26 =	vor.u32 $0xA808, v0  }
0x265: {  	v38 =	vld.idx.msk [tilespmem:v39+s18+$0x0], $0xffff;
	v39 =	vmul.f32 v36, v25;
	v25 =	vor.u32 $0xE807, v0;
	v21 =	vadd.f32 v23, v21  }
0x266: {  	v18 =	vadd.f32 v22, v18;
	v20 =	vmul.f32 v20, v16;
	v22 =	vor.u32 $0xA809, v0;
	v30 =	vld.idx.msk [tilespmem:v30+s18+$0x0], $0xffff  }
0x267: {  	v31 =	vld.idx.msk [tilespmem:v31+s18+$0x0], $0xffff;
	v21 =	vadd.f32 v39, v21;
	v40 =	vmul.f32 v40, v28;
	v28 =	vor.u32 $0xE808, v0  }
0x268: {  	v35 =	vor.u32 $0x680A, v0;
	v36 =	vmul.f32 v24, v15;
	v39 =	vld.idx.msk [tilespmem:v32+s18+$0x0], $0xffff;
	v18 =	vadd.f32 v20, v18  }
0x269: {  	v23 =	vor.u32 $0xE809, v0;
	v16 =	vmul.f32 v33, v16;
	v26 =	vld.idx.msk [tilespmem:v26+s18+$0x0], $0xffff;
	v21 =	vadd.f32 v40, v21  }
0x26a: {  	v27 =	vmul.f32 v27, v12;
	v40 =	vmul.f32 v38, v14;
	v25 =	vld.idx.msk [tilespmem:v25+s18+$0x0], $0xffff;
	v18 =	vadd.f32 v36, v18  }
0x26b: {  	v32 =	vor.u32 $0xA80A, v0;
	v22 =	vld.idx.msk [tilespmem:v22+s18+$0x0], $0xffff;
	v16 =	vadd.f32 v16, v21;
	v15 =	vmul.f32 v30, v15  }
0x26c: {  	v19 =	vadd.f32 v27, v19;
	v33 =	vmul.f32 v31, v13;
	v18 =	vadd.f32 v40, v18;
	v36 =	vld.idx.msk [tilespmem:v28+s18+$0x0], $0xffff  }
0x26d: {  	v38 =	vld.idx.msk [tilespmem:v35+s18+$0x0], $0xffff;
	v14 =	vmul.f32 v39, v14;
	v39 =	vor.u32 $0xE80A, v0;
	v15 =	vadd.f32 v15, v16  }
0x26e: {  	v23 =	vld.idx.msk [tilespmem:v23+s18+$0x0], $0xffff;
	v40 =	vmul.f32 v29, v10;
	v18 =	vadd.f32 v33, v18;
	v28 =	vmul.f32 v26, v12  }
0x26f: {  	v17 =	vadd.f32 v17, v34;
	v29 =	vld [tilespmem:$0x7D0];
	v13 =	vmul.f32 v25, v13;
	v14 =	vadd.f32 v14, v15  }
0x270: {  	v31 =	vld.idx.msk [tilespmem:v32+s18+$0x0], $0xffff;
	v30 =	vadd.f32 v40, v19;
	v18 =	vadd.f32 v28, v18  }
0x271: {  	v33 =	vld [tilespmem:$0x850];
	v32 =	vmul.f32 v22, v10;
	v13 =	vadd.f32 v13, v14;
	v12 =	vmul.f32 v36, v12  }
0x272: {  	v34 =	vmul.f32 v17, v37;
	v15 =	vadd.f32 v30, v38;
	v16 =	vld.idx.msk [tilespmem:v39+s18+$0x0], $0xffff  }
0x273: {  	v10 =	vmul.f32 v23, v10;
	v35 =	vadd.f32 v32, v18;
	v12 =	vadd.f32 v12, v13  }
0x274: {  	v11 =	vadd.f32 v34, v11;
	v36 =	vld [tilespmem:$0x8D0]  }
0x275: {  	v37 =	vmul.f32 v15, v29;
	v38 =	vadd.f32 v35, v31;
	v10 =	vadd.f32 v10, v12;
	_ =	sdelay $0x1  }
0x276: {  	v11 =	vadd.f32 v37, v11;
	v39 =	vmul.f32 v38, v33;
	v10 =	vadd.f32 v10, v16;
	_ =	sdelay $0x1  }
0x277: {  	v17 =	vor.u32 $0x3000, v0;
	v11 =	vadd.f32 v39, v11;
	v10 =	vmul.f32 v10, v36  }
0x278: {  	v40 =	vor.u32 $0x3001, v0  }
0x279: {  	v33 =	vor.u32 $0x3002, v0;
	v10 =	vadd.f32 v10, v11  }
0x27a: {  	v34 =	vor.u32 $0x3003, v0  }
0x27b: {  	v35 =	vor.u32 $0x3004, v0;
	v11 =	vld [tilespmem:$0xE0];
	[tilespmem:$0x14D38] =	vst v10  }
0x27c: {  	v36 =	vor.u32 $0x3005, v0;
	v21 =	vld.idx.msk [tilespmem:v17+s17+$0x0], $0xffff  }
0x27d: {  	v37 =	vor.u32 $0x3006, v0;
	v23 =	vld.idx.msk [tilespmem:v40+s17+$0x0], $0xffff  }
0x27e: {  	v38 =	vor.u32 $0x3007, v0;
	v25 =	vld.idx.msk [tilespmem:v33+s17+$0x0], $0xffff  }
0x27f: {  	v39 =	vor.u32 $0x3008, v0;
	v28 =	vld.idx.msk [tilespmem:v34+s17+$0x0], $0xffff  }
0x280: {  	v30 =	vor.u32 $0x3009, v0;
	v16 =	vld.idx.msk [tilespmem:v35+s17+$0x0], $0xffff  }
0x281: {  	v15 =	vld.idx.msk [tilespmem:v36+s17+$0x0], $0xffff  }
0x282: {  	v14 =	vld.idx.msk [tilespmem:v37+s17+$0x0], $0xffff  }
0x283: {  	v13 =	vld.idx.msk [tilespmem:v38+s17+$0x0], $0xffff  }
0x284: {  	v12 =	vld.idx.msk [tilespmem:v39+s17+$0x0], $0xffff  }
0x285: {  	v10 =	vld.idx.msk [tilespmem:v30+s17+$0x0], $0xffff  }
0x286: {  	v17 =	vld.idx.msk [tilespmem:v17+s18+$0x0], $0xffff  }
0x287: {  	v18 =	vld.idx.msk [tilespmem:v40+s18+$0x0], $0xffff  }
0x288: {  	v19 =	vld.idx.msk [tilespmem:v33+s18+$0x0], $0xffff  }
0x289: {  	v20 =	vld.idx.msk [tilespmem:v34+s18+$0x0], $0xffff  }
0x28a: {  	v40 =	vor.u32 $0x7000, v0;
	v22 =	vld.idx.msk [tilespmem:v35+s18+$0x0], $0xffff  }
0x28b: {  	v24 =	vld.idx.msk [tilespmem:v36+s18+$0x0], $0xffff  }
0x28c: {  	v36 =	vor.u32 $0x7001, v0;
	v26 =	vld.idx.msk [tilespmem:v37+s18+$0x0], $0xffff  }
0x28d: {  	v27 =	vld.idx.msk [tilespmem:v38+s18+$0x0], $0xffff;
	v17 =	vmul.f32 v17, v21  }
0x28e: {  	v37 =	vor.u32 $0x7002, v0;
	v29 =	vld.idx.msk [tilespmem:v39+s18+$0x0], $0xffff  }
0x28f: {  	v38 =	vor.u32 $0x300A, v0;
	v18 =	vmul.f32 v18, v23;
	v31 =	vld.idx.msk [tilespmem:v40+s18+$0x0], $0xffff;
	v17 =	vadd.f32 $0.0e+00, v17  }
0x290: {  	v35 =	vor.u32 $0x7003, v0;
	v30 =	vld.idx.msk [tilespmem:v30+s18+$0x0], $0xffff  }
0x291: {  	v39 =	vmul.f32 v19, v25;
	v19 =	vld.idx.msk [tilespmem:v36+s18+$0x0], $0xffff;
	v17 =	vadd.f32 v18, v17  }
0x292: {  	v32 =	vor.u32 $0x7004, v0;
	v11 =	vld.idx.msk [tilespmem:v11+s9+$0x0], $0xffff  }
0x293: {  	v33 =	vor.u32 $0x7005, v0;
	v40 =	vmul.f32 v20, v28;
	v20 =	vld.idx.msk [tilespmem:v37+s18+$0x0], $0xffff;
	v17 =	vadd.f32 v39, v17  }
0x294: {  	v34 =	vld.idx.msk [tilespmem:v38+s18+$0x0], $0xffff;
	v36 =	vor.u32 $0x7006, v0;
	v31 =	vmul.f32 v31, v21  }
0x295: {  	v17 =	vadd.f32 v40, v17;
	v40 =	vmul.f32 v22, v16;
	v22 =	vld.idx.msk [tilespmem:v35+s18+$0x0], $0xffff;
	v35 =	vor.u32 $0x7007, v0  }
0x296: {  	v37 =	vld [tilespmem:$0x760];
	v38 =	vor.u32 $0x7008, v0;
	v19 =	vmul.f32 v19, v23;
	v31 =	vadd.f32 $0.0e+00, v31  }
0x297: {  	v39 =	vmul.f32 v24, v15;
	v24 =	vld.idx.msk [tilespmem:v32+s18+$0x0], $0xffff;
	v32 =	vor.u32 $0xB000, v0;
	v17 =	vadd.f32 v40, v17  }
0x298: {  	v20 =	vmul.f32 v20, v25;
	v19 =	vadd.f32 v19, v31;
	v31 =	vld.idx.msk [tilespmem:v33+s18+$0x0], $0xffff;
	v33 =	vor.u32 $0x7009, v0  }
0x299: {  	v40 =	vmul.f32 v26, v14;
	v26 =	vld.idx.msk [tilespmem:v36+s18+$0x0], $0xffff;
	v36 =	vor.u32 $0xB001, v0;
	v17 =	vadd.f32 v39, v17  }
0x29a: {  	v19 =	vadd.f32 v20, v19;
	v20 =	vmul.f32 v22, v28;
	v22 =	vld.idx.msk [tilespmem:v35+s18+$0x0], $0xffff;
	v35 =	vor.u32 $0xF000, v0  }
0x29b: {  	v17 =	vadd.f32 v40, v17;
	v40 =	vmul.f32 v27, v13;
	v27 =	vld.idx.msk [tilespmem:v38+s18+$0x0], $0xffff;
	v38 =	vor.u32 $0xB002, v0  }
0x29c: {  	v39 =	vmul.f32 v24, v16;
	v24 =	vld.idx.msk [tilespmem:v32+s18+$0x0], $0xffff;
	v32 =	vor.u32 $0xF001, v0;
	v19 =	vadd.f32 v20, v19  }
0x29d: {  	v18 =	vmul.f32 v29, v12;
	v29 =	vld.idx.msk [tilespmem:v33+s18+$0x0], $0xffff;
	v33 =	vor.u32 $0xB003, v0;
	v17 =	vadd.f32 v40, v17  }
0x29e: {  	v40 =	vmul.f32 v31, v15;
	v31 =	vld.idx.msk [tilespmem:v36+s18+$0x0], $0xffff;
	v36 =	vor.u32 $0xF002, v0;
	v19 =	vadd.f32 v39, v19  }
0x29f: {  	v17 =	vadd.f32 v18, v17;
	v18 =	vmul.f32 v30, v10;
	v30 =	vor.u32 $0xB004, v0;
	v35 =	vld.idx.msk [tilespmem:v35+s18+$0x0], $0xffff  }
0x2a0: {  	v19 =	vadd.f32 v40, v19;
	v40 =	vmul.f32 v26, v14;
	v26 =	vld.idx.msk [tilespmem:v38+s18+$0x0], $0xffff;
	v38 =	vor.u32 $0xF003, v0  }
0x2a1: {  	v39 =	vmul.f32 v24, v21;
	v24 =	vor.u32 $0xB005, v0;
	v32 =	vld.idx.msk [tilespmem:v32+s18+$0x0], $0xffff;
	v20 =	vmul.f32 v22, v13  }
0x2a2: {  	v22 =	vld.idx.msk [tilespmem:v33+s18+$0x0], $0xffff;
	v33 =	vor.u32 $0xF004, v0;
	v17 =	vadd.f32 v18, v17;
	v19 =	vadd.f32 v40, v19  }
0x2a3: {  	v18 =	vadd.f32 $0.0e+00, v39;
	v39 =	vor.u32 $0xB006, v0;
	v31 =	vmul.f32 v31, v23;
	v36 =	vld.idx.msk [tilespmem:v36+s18+$0x0], $0xffff  }
0x2a4: {  	v19 =	vadd.f32 v20, v19;
	v20 =	vld.idx.msk [tilespmem:v30+s18+$0x0], $0xffff;
	v21 =	vmul.f32 v35, v21;
	v30 =	vor.u32 $0xF005, v0  }
0x2a5: {  	v18 =	vadd.f32 v31, v18;
	v31 =	vor.u32 $0xB007, v0;
	v26 =	vmul.f32 v26, v25;
	v40 =	vld.idx.msk [tilespmem:v38+s18+$0x0], $0xffff  }
0x2a6: {  	v24 =	vld.idx.msk [tilespmem:v24+s18+$0x0], $0xffff;
	v23 =	vmul.f32 v32, v23;
	v32 =	vor.u32 $0xF006, v0;
	v21 =	vadd.f32 $0.0e+00, v21  }
0x2a7: {  	v22 =	vmul.f32 v22, v28;
	v33 =	vld.idx.msk [tilespmem:v33+s18+$0x0], $0xffff;
	v18 =	vadd.f32 v26, v18;
	v26 =	vor.u32 $0xB008, v0  }
0x2a8: {  	v38 =	vld.idx.msk [tilespmem:v39+s18+$0x0], $0xffff;
	v39 =	vmul.f32 v36, v25;
	v25 =	vor.u32 $0xF007, v0;
	v21 =	vadd.f32 v23, v21  }
0x2a9: {  	v18 =	vadd.f32 v22, v18;
	v20 =	vmul.f32 v20, v16;
	v22 =	vor.u32 $0xB009, v0;
	v30 =	vld.idx.msk [tilespmem:v30+s18+$0x0], $0xffff  }
0x2aa: {  	v31 =	vld.idx.msk [tilespmem:v31+s18+$0x0], $0xffff;
	v21 =	vadd.f32 v39, v21;
	v40 =	vmul.f32 v40, v28;
	v28 =	vor.u32 $0xF008, v0  }
0x2ab: {  	v35 =	vor.u32 $0x700A, v0;
	v36 =	vmul.f32 v24, v15;
	v39 =	vld.idx.msk [tilespmem:v32+s18+$0x0], $0xffff;
	v18 =	vadd.f32 v20, v18  }
0x2ac: {  	v23 =	vor.u32 $0xF009, v0;
	v16 =	vmul.f32 v33, v16;
	v26 =	vld.idx.msk [tilespmem:v26+s18+$0x0], $0xffff;
	v21 =	vadd.f32 v40, v21  }
0x2ad: {  	v27 =	vmul.f32 v27, v12;
	v40 =	vmul.f32 v38, v14;
	v25 =	vld.idx.msk [tilespmem:v25+s18+$0x0], $0xffff;
	v18 =	vadd.f32 v36, v18  }
0x2ae: {  	v32 =	vor.u32 $0xB00A, v0;
	v22 =	vld.idx.msk [tilespmem:v22+s18+$0x0], $0xffff;
	v16 =	vadd.f32 v16, v21;
	v15 =	vmul.f32 v30, v15  }
0x2af: {  	v19 =	vadd.f32 v27, v19;
	v33 =	vmul.f32 v31, v13;
	v18 =	vadd.f32 v40, v18;
	v36 =	vld.idx.msk [tilespmem:v28+s18+$0x0], $0xffff  }
0x2b0: {  	v38 =	vld.idx.msk [tilespmem:v35+s18+$0x0], $0xffff;
	v14 =	vmul.f32 v39, v14;
	v39 =	vor.u32 $0xF00A, v0;
	v15 =	vadd.f32 v15, v16  }
0x2b1: {  	v23 =	vld.idx.msk [tilespmem:v23+s18+$0x0], $0xffff;
	v40 =	vmul.f32 v29, v10;
	v18 =	vadd.f32 v33, v18;
	v28 =	vmul.f32 v26, v12  }
0x2b2: {  	v17 =	vadd.f32 v17, v34;
	v29 =	vld [tilespmem:$0x7E0];
	v13 =	vmul.f32 v25, v13;
	v14 =	vadd.f32 v14, v15  }
0x2b3: {  	v31 =	vld.idx.msk [tilespmem:v32+s18+$0x0], $0xffff;
	v30 =	vadd.f32 v40, v19;
	v18 =	vadd.f32 v28, v18  }
0x2b4: {  	v33 =	vld [tilespmem:$0x860];
	v32 =	vmul.f32 v22, v10;
	v13 =	vadd.f32 v13, v14;
	v12 =	vmul.f32 v36, v12  }
0x2b5: {  	v34 =	vmul.f32 v17, v37;
	v15 =	vadd.f32 v30, v38;
	v16 =	vld.idx.msk [tilespmem:v39+s18+$0x0], $0xffff  }
0x2b6: {  	v10 =	vmul.f32 v23, v10;
	v35 =	vadd.f32 v32, v18;
	v12 =	vadd.f32 v12, v13  }
0x2b7: {  	v11 =	vadd.f32 v34, v11;
	v36 =	vld [tilespmem:$0x8E0]  }
0x2b8: {  	v37 =	vmul.f32 v15, v29;
	v38 =	vadd.f32 v35, v31;
	v10 =	vadd.f32 v10, v12;
	_ =	sdelay $0x1  }
0x2b9: {  	v11 =	vadd.f32 v37, v11;
	v39 =	vmul.f32 v38, v33;
	v10 =	vadd.f32 v10, v16;
	_ =	sdelay $0x1  }
0x2ba: {  	v17 =	vor.u32 $0x3800, v0;
	v11 =	vadd.f32 v39, v11;
	v10 =	vmul.f32 v10, v36  }
0x2bb: {  	v40 =	vor.u32 $0x3801, v0  }
0x2bc: {  	v33 =	vor.u32 $0x3802, v0;
	v10 =	vadd.f32 v10, v11  }
0x2bd: {  	v34 =	vor.u32 $0x3803, v0  }
0x2be: {  	v35 =	vor.u32 $0x3804, v0;
	v11 =	vld [tilespmem:$0xF0];
	[tilespmem:$0x14D48] =	vst v10  }
0x2bf: {  	v36 =	vor.u32 $0x3805, v0;
	v21 =	vld.idx.msk [tilespmem:v17+s17+$0x0], $0xffff  }
0x2c0: {  	v37 =	vor.u32 $0x3806, v0;
	v23 =	vld.idx.msk [tilespmem:v40+s17+$0x0], $0xffff  }
0x2c1: {  	v38 =	vor.u32 $0x3807, v0;
	v25 =	vld.idx.msk [tilespmem:v33+s17+$0x0], $0xffff  }
0x2c2: {  	v39 =	vor.u32 $0x3808, v0;
	v28 =	vld.idx.msk [tilespmem:v34+s17+$0x0], $0xffff  }
0x2c3: {  	v30 =	vor.u32 $0x3809, v0;
	v16 =	vld.idx.msk [tilespmem:v35+s17+$0x0], $0xffff  }
0x2c4: {  	v15 =	vld.idx.msk [tilespmem:v36+s17+$0x0], $0xffff  }
0x2c5: {  	v14 =	vld.idx.msk [tilespmem:v37+s17+$0x0], $0xffff  }
0x2c6: {  	v13 =	vld.idx.msk [tilespmem:v38+s17+$0x0], $0xffff  }
0x2c7: {  	v12 =	vld.idx.msk [tilespmem:v39+s17+$0x0], $0xffff  }
0x2c8: {  	v10 =	vld.idx.msk [tilespmem:v30+s17+$0x0], $0xffff  }
0x2c9: {  	v17 =	vld.idx.msk [tilespmem:v17+s18+$0x0], $0xffff  }
0x2ca: {  	v18 =	vld.idx.msk [tilespmem:v40+s18+$0x0], $0xffff  }
0x2cb: {  	v19 =	vld.idx.msk [tilespmem:v33+s18+$0x0], $0xffff  }
0x2cc: {  	v20 =	vld.idx.msk [tilespmem:v34+s18+$0x0], $0xffff  }
0x2cd: {  	v40 =	vor.u32 $0x7800, v0;
	v22 =	vld.idx.msk [tilespmem:v35+s18+$0x0], $0xffff  }
0x2ce: {  	v24 =	vld.idx.msk [tilespmem:v36+s18+$0x0], $0xffff  }
0x2cf: {  	v36 =	vor.u32 $0x7801, v0;
	v26 =	vld.idx.msk [tilespmem:v37+s18+$0x0], $0xffff  }
0x2d0: {  	v27 =	vld.idx.msk [tilespmem:v38+s18+$0x0], $0xffff;
	v17 =	vmul.f32 v17, v21  }
0x2d1: {  	v37 =	vor.u32 $0x7802, v0;
	v29 =	vld.idx.msk [tilespmem:v39+s18+$0x0], $0xffff  }
0x2d2: {  	v38 =	vor.u32 $0x380A, v0;
	v18 =	vmul.f32 v18, v23;
	v31 =	vld.idx.msk [tilespmem:v40+s18+$0x0], $0xffff;
	v17 =	vadd.f32 $0.0e+00, v17  }
0x2d3: {  	v35 =	vor.u32 $0x7803, v0;
	v30 =	vld.idx.msk [tilespmem:v30+s18+$0x0], $0xffff  }
0x2d4: {  	v39 =	vmul.f32 v19, v25;
	v19 =	vld.idx.msk [tilespmem:v36+s18+$0x0], $0xffff;
	v17 =	vadd.f32 v18, v17  }
0x2d5: {  	v32 =	vor.u32 $0x7804, v0;
	v11 =	vld.idx.msk [tilespmem:v11+s9+$0x0], $0xffff  }
0x2d6: {  	v33 =	vor.u32 $0x7805, v0;
	v40 =	vmul.f32 v20, v28;
	v20 =	vld.idx.msk [tilespmem:v37+s18+$0x0], $0xffff;
	v17 =	vadd.f32 v39, v17  }
0x2d7: {  	v34 =	vld.idx.msk [tilespmem:v38+s18+$0x0], $0xffff;
	v36 =	vor.u32 $0x7806, v0;
	v31 =	vmul.f32 v31, v21  }
0x2d8: {  	v17 =	vadd.f32 v40, v17;
	v40 =	vmul.f32 v22, v16;
	v22 =	vld.idx.msk [tilespmem:v35+s18+$0x0], $0xffff;
	v35 =	vor.u32 $0x7807, v0  }
0x2d9: {  	v37 =	vld [tilespmem:$0x770];
	v38 =	vor.u32 $0x7808, v0;
	v19 =	vmul.f32 v19, v23;
	v31 =	vadd.f32 $0.0e+00, v31  }
0x2da: {  	v39 =	vmul.f32 v24, v15;
	v24 =	vld.idx.msk [tilespmem:v32+s18+$0x0], $0xffff;
	v32 =	vor.u32 $0xB800, v0;
	v17 =	vadd.f32 v40, v17  }
0x2db: {  	v20 =	vmul.f32 v20, v25;
	v19 =	vadd.f32 v19, v31;
	v31 =	vld.idx.msk [tilespmem:v33+s18+$0x0], $0xffff;
	v33 =	vor.u32 $0x7809, v0  }
0x2dc: {  	v40 =	vmul.f32 v26, v14;
	v26 =	vld.idx.msk [tilespmem:v36+s18+$0x0], $0xffff;
	v36 =	vor.u32 $0xB801, v0;
	v17 =	vadd.f32 v39, v17  }
0x2dd: {  	v19 =	vadd.f32 v20, v19;
	v20 =	vmul.f32 v22, v28;
	v22 =	vld.idx.msk [tilespmem:v35+s18+$0x0], $0xffff;
	v35 =	vor.u32 $0xF800, v0  }
0x2de: {  	v17 =	vadd.f32 v40, v17;
	v40 =	vmul.f32 v27, v13;
	v27 =	vld.idx.msk [tilespmem:v38+s18+$0x0], $0xffff;
	v38 =	vor.u32 $0xB802, v0  }
0x2df: {  	v39 =	vmul.f32 v24, v16;
	v24 =	vld.idx.msk [tilespmem:v32+s18+$0x0], $0xffff;
	v32 =	vor.u32 $0xF801, v0;
	v19 =	vadd.f32 v20, v19  }
0x2e0: {  	v18 =	vmul.f32 v29, v12;
	v29 =	vld.idx.msk [tilespmem:v33+s18+$0x0], $0xffff;
	v33 =	vor.u32 $0xB803, v0;
	v17 =	vadd.f32 v40, v17  }
0x2e1: {  	v40 =	vmul.f32 v31, v15;
	v31 =	vld.idx.msk [tilespmem:v36+s18+$0x0], $0xffff;
	v36 =	vor.u32 $0xF802, v0;
	v19 =	vadd.f32 v39, v19  }
0x2e2: {  	v17 =	vadd.f32 v18, v17;
	v18 =	vmul.f32 v30, v10;
	v30 =	vor.u32 $0xB804, v0;
	v35 =	vld.idx.msk [tilespmem:v35+s18+$0x0], $0xffff  }
0x2e3: {  	v19 =	vadd.f32 v40, v19;
	v40 =	vmul.f32 v26, v14;
	v26 =	vld.idx.msk [tilespmem:v38+s18+$0x0], $0xffff;
	v38 =	vor.u32 $0xF803, v0  }
0x2e4: {  	v39 =	vmul.f32 v24, v21;
	v24 =	vor.u32 $0xB805, v0;
	v32 =	vld.idx.msk [tilespmem:v32+s18+$0x0], $0xffff;
	v20 =	vmul.f32 v22, v13  }
0x2e5: {  	v22 =	vld.idx.msk [tilespmem:v33+s18+$0x0], $0xffff;
	v33 =	vor.u32 $0xF804, v0;
	v17 =	vadd.f32 v18, v17;
	v19 =	vadd.f32 v40, v19  }
0x2e6: {  	v18 =	vadd.f32 $0.0e+00, v39;
	v39 =	vor.u32 $0xB806, v0;
	v31 =	vmul.f32 v31, v23;
	v36 =	vld.idx.msk [tilespmem:v36+s18+$0x0], $0xffff  }
0x2e7: {  	v19 =	vadd.f32 v20, v19;
	v20 =	vld.idx.msk [tilespmem:v30+s18+$0x0], $0xffff;
	v21 =	vmul.f32 v35, v21;
	v30 =	vor.u32 $0xF805, v0  }
0x2e8: {  	v18 =	vadd.f32 v31, v18;
	v31 =	vor.u32 $0xB807, v0;
	v26 =	vmul.f32 v26, v25;
	v40 =	vld.idx.msk [tilespmem:v38+s18+$0x0], $0xffff  }
0x2e9: {  	v24 =	vld.idx.msk [tilespmem:v24+s18+$0x0], $0xffff;
	v23 =	vmul.f32 v32, v23;
	v32 =	vor.u32 $0xF806, v0;
	v21 =	vadd.f32 $0.0e+00, v21  }
0x2ea: {  	v22 =	vmul.f32 v22, v28;
	v33 =	vld.idx.msk [tilespmem:v33+s18+$0x0], $0xffff;
	v18 =	vadd.f32 v26, v18;
	v26 =	vor.u32 $0xB808, v0  }
0x2eb: {  	v25 =	vmul.f32 v36, v25;
	v36 =	vor.u32 $0xF807, v0;
	v21 =	vadd.f32 v23, v21;
	v23 =	vld.idx.msk [tilespmem:v39+s18+$0x0], $0xffff  }
0x2ec: {  	v39 =	vor.u32 $0xF808, v0;
	v18 =	vadd.f32 v22, v18;
	v20 =	vmul.f32 v20, v16;
	v30 =	vld.idx.msk [tilespmem:v30+s18+$0x0], $0xffff  }
0x2ed: {  	v22 =	vor.u32 $0xB809, v0;
	v38 =	vld.idx.msk [tilespmem:v31+s18+$0x0], $0xffff;
	v21 =	vadd.f32 v25, v21;
	v28 =	vmul.f32 v40, v28  }
0x2ee: {  	v24 =	vmul.f32 v24, v15;
	v32 =	vld.idx.msk [tilespmem:v32+s18+$0x0], $0xffff;
	v40 =	vor.u32 $0x780A, v0;
	v18 =	vadd.f32 v20, v18  }
0x2ef: {  	v16 =	vmul.f32 v33, v16;
	v21 =	vadd.f32 v28, v21;
	v26 =	vld.idx.msk [tilespmem:v26+s18+$0x0], $0xffff;
	v28 =	vor.u32 $0xF809, v0  }
0x2f0: {  	v33 =	vmul.f32 v27, v12;
	v27 =	vld.idx.msk [tilespmem:v36+s18+$0x0], $0xffff;
	v18 =	vadd.f32 v24, v18;
	v23 =	vmul.f32 v23, v14  }
0x2f1: {  	v36 =	vor.u32 $0xB80A, v0;
	v39 =	vld.idx.msk [tilespmem:v39+s18+$0x0], $0xffff;
	v16 =	vadd.f32 v16, v21;
	v15 =	vmul.f32 v30, v15  }
0x2f2: {  	v17 =	vadd.f32 v17, v34;
	v35 =	vld.idx.msk [tilespmem:v22+s18+$0x0], $0xffff;
	v38 =	vmul.f32 v38, v13;
	v18 =	vadd.f32 v23, v18  }
0x2f3: {  	v14 =	vmul.f32 v32, v14;
	v30 =	vor.u32 $0xF80A, v0;
	v40 =	vld.idx.msk [tilespmem:v40+s18+$0x0], $0xffff;
	v15 =	vadd.f32 v15, v16  }
0x2f4: {  	v31 =	vmul.f32 v29, v10;
	v19 =	vadd.f32 v33, v19;
	v18 =	vadd.f32 v38, v18;
	v33 =	vld.idx.msk [tilespmem:v28+s18+$0x0], $0xffff  }
0x2f5: {  	v34 =	vld [tilespmem:$0x7F0];
	v32 =	vmul.f32 v26, v12;
	v13 =	vmul.f32 v27, v13;
	v14 =	vadd.f32 v14, v15  }
0x2f6: {  	v19 =	vadd.f32 v31, v19;
	v22 =	vld.idx.msk [tilespmem:v36+s18+$0x0], $0xffff;
	v12 =	vmul.f32 v39, v12  }
0x2f7: {  	v36 =	vld [tilespmem:$0x870];
	v18 =	vadd.f32 v32, v18;
	v35 =	vmul.f32 v35, v10;
	v13 =	vadd.f32 v13, v14  }
0x2f8: {  	v17 =	vmul.f32 v17, v37;
	v38 =	vld.idx.msk [tilespmem:v30+s18+$0x0], $0xffff;
	v16 =	vadd.f32 v19, v40  }
0x2f9: {  	v14 =	vadd.f32 v35, v18;
	v12 =	vadd.f32 v12, v13;
	v10 =	vmul.f32 v33, v10  }
0x2fa: {  	v11 =	vadd.f32 v17, v11;
	v39 =	vld [tilespmem:$0x8F0]  }
0x2fb: {  	v15 =	vmul.f32 v16, v34;
	v14 =	vadd.f32 v14, v22;
	v10 =	vadd.f32 v10, v12;
	_ =	sdelay $0x1  }
0x2fc: {  	v11 =	vadd.f32 v15, v11;
	v40 =	vmul.f32 v14, v36;
	v10 =	vadd.f32 v10, v38;
	_ =	sdelay $0x1  }
0x2fd: {  	v11 =	vadd.f32 v40, v11;
	v10 =	vmul.f32 v10, v39;
	_ =	sdelay $0x1  }
0x2fe: {  	v10 =	vadd.f32 v10, v11  }
0x2ff: {  	p0 =	sne.s32 s6, $0x1  }
.Ltmp0:
0x300: {  	s12 =	rddreg [dreg:$0xa];
	[tilespmem:$0x14D58] =	vst v10;
	(pc) =	sbr.rel @p0 .LBB2_1-.Ltmp0, $4  }
0x301: {  	[hbm4b:s12+s1] =	stream.linear.scatter [tilespmem:s0], [sflag:$0x3], $0x80, $0x38;
	[tilespmem:$0x14D68] =	vst v63  }
0x302: {  	_ =	swait.ge [sflag:s7], $0x80  }
0x303: {  	[sflag:s7] =	ssyncset.done $0x0  }
0x304: {  	s6 =	sadd.s32 $0xFFFFFFFF, s6;
	[sflag:s7] =	ssyncadd.s32 $0xFFFFFF80  }
0x305: {  	_ =	sfence.sel $0x180000  }
0x306: {  	[bflag:$0x0] =	sbarrier.arrive $0xFFFF  }
0x307: {  	_ =	strace $0x90000047  }
0x308: {  	s0 =	stileid.u32;
	[bflag:$0x2] =	sbarrier.arrive $0xFFFF  }
0x309: {  	p0 =	sne.s32 s0, $0x0;
	s0 =	rddreg [dreg:$0x5]  }
0x30a: {  	s0 =	sadd.s32 @!p0 $0x100000, s0  }
0x30b: {  	[sflag:s0] =	ssyncadd.tile.s32 @!p0 $0x1;
	_ =	shalt  }
.Lfunc_end2:
_tile_overlayer_lowered:
.L_overlay_start_2:
0x30c: {  	(tag) =	ssettag $0x2  }
0x30d: {  	s0 =	rddreg [dreg:$0x0];
	s2 =	stileid.u32  }
0x30e: {  	s1 =	rddreg [dreg:$0x1];
	p0 =	sne.s32 s2, $0x0  }
0x30f: {  	s3 =	rddreg [dreg:$0x2];
	[bflag:$0x3] =	sbarrier.arrive $0xFFFF;
	s2 =	simm.s32 @!p0 $0x1C03  }
0x310: {  	[timem:s3], [sflag:s2] =	dma.local @!p0 [hbm:s0], s1  }
0x311: {  	s0 =	simm.s32 @!p0 $0x3  }
0x312: {  	_ =	swait.ge @!p0 [sflag:s0], s1  }
0x313: {  	s1 =	ssub.s32 @!p0 $0x0, s1;
	[sflag:s0] =	ssyncset.done @!p0 $0x0  }
0x314: {  	[sflag:s0] =	ssyncadd.s32 @!p0 s1  }
0x315: {  	[bflag:$0x3] =	sbarrier.arrive $0xFFFF  }
0x316: {  	_ =	shalt  }

</sc_bundles>
